<compile_context>
chip_gen: v7x
topology: tpu7x:2x2x1
jax: 0.10.2.dev20260603
libtpu: 0.0.44.dev20260713+nightly
codegen_flags: <defaults>
</compile_context>

<pallas_src>
import functools

import jax
import jax.numpy as jnp
from jax import lax
from jax.experimental import pallas as pl
from jax.experimental.pallas import tpu as pltpu
from jax.experimental.pallas import tpu_sc as plsc

N = 10000
D = 128
E = 320000

NC = 2
NS = 16
NW = NC * NS

CH = 128
EPW = 10240
E2 = NW * EPW
KCH = EPW // CH

NPAD = 10112
RPT = NPAD // NS
HPAD = 10240
BPT = HPAD // NS
BLK = 40

_mesh = plsc.VectorSubcoreMesh(
    core_axis_name="c", subcore_axis_name="s", num_cores=NC, num_subcores=NS)


@functools.partial(
    pl.kernel,
    out_type=(jax.ShapeDtypeStruct((NC, 1, HPAD), jnp.float32),
              jax.ShapeDtypeStruct((NC, 1, HPAD), jnp.float32)),
    mesh=_mesh,
    compiler_params=pltpu.CompilerParams(needs_layout_passes=False),
    scratch_types=[
        pltpu.VMEM_SHARED((NS, HPAD), jnp.float32),
        pltpu.VMEM((HPAD,), jnp.float32),
        pltpu.VMEM((HPAD,), jnp.float32),
        pltpu.VMEM((EPW,), jnp.int32),
        pltpu.VMEM((EPW,), jnp.int32),
        pltpu.VMEM((BPT,), jnp.float32),
        pltpu.VMEM((BPT,), jnp.float32),
    ],
)
def _hist_k(src_hbm, dst_hbm, osrc_hbm, odst_hbm, stag, hist_s, hist_d,
            sidx_all, didx_all, rbuf, acc):
    c = lax.axis_index("c")
    s = lax.axis_index("s")
    w = c * NS + s

    pltpu.sync_copy(src_hbm.at[pl.ds(w * EPW, EPW)], sidx_all)
    pltpu.sync_copy(dst_hbm.at[pl.ds(w * EPW, EPW)], didx_all)

    def zfill(i, _):
        hist_s[pl.ds(i * 16, 16)] = jnp.zeros((16,), jnp.float32)
        hist_d[pl.ds(i * 16, 16)] = jnp.zeros((16,), jnp.float32)
        return 0
    lax.fori_loop(0, HPAD // 16, zfill, 0)

    def body(i, _):
        iv = sidx_all[pl.ds(i * 16, 16)]
        cnt, last = plsc.scan_count(iv)
        plsc.addupdate_scatter(hist_s, [iv], cnt.astype(jnp.float32),
                               mask=last)
        iv2 = didx_all[pl.ds(i * 16, 16)]
        cnt2, last2 = plsc.scan_count(iv2)
        plsc.addupdate_scatter(hist_d, [iv2], cnt2.astype(jnp.float32),
                               mask=last2)
        return 0
    lax.fori_loop(0, EPW // 16, body, 0)

    for hist_ref, out_ref in ((hist_s, osrc_hbm), (hist_d, odst_hbm)):
        pltpu.sync_copy(hist_ref, stag.at[s])
        plsc.subcore_barrier()
        pltpu.sync_copy(stag.at[0, pl.ds(s * BPT, BPT)], acc)

        def rsum(r, _):
            pltpu.sync_copy(stag.at[r, pl.ds(s * BPT, BPT)], rbuf)

            def vadd(v, _):
                acc[pl.ds(v * 16, 16)] = (acc[pl.ds(v * 16, 16)]
                                          + rbuf[pl.ds(v * 16, 16)])
                return 0
            lax.fori_loop(0, BPT // 16, vadd, 0)
            return 0
        lax.fori_loop(1, NS, rsum, 0)
        pltpu.sync_copy(acc, out_ref.at[c, 0, pl.ds(s * BPT, BPT)])
        plsc.subcore_barrier()


@functools.partial(
    pl.kernel,
    out_type=jax.ShapeDtypeStruct((NC, NPAD, D), jnp.float32),
    mesh=_mesh,
    scratch_types=[
        pltpu.VMEM_SHARED((NPAD, D), jnp.float32),
        pltpu.VMEM((BLK, CH), jnp.int32),
        pltpu.VMEM((BLK, CH), jnp.int32),
        pltpu.VMEM((2, CH, D), jnp.float32),
        pltpu.SemaphoreType.DMA,
        pltpu.SemaphoreType.DMA,
    ],
)
def _agg_k(h_hbm, src2_hbm, dst2_hbm, out_hbm, agg_sh, sblk, dblk, rows2,
           sem0, sem1):
    c = lax.axis_index("c")
    s = lax.axis_index("s")
    w = c * NS + s

    def zrow(i, _):
        for j in range(D // 16):
            rows2[0, i, pl.ds(j * 16, 16)] = jnp.zeros((16,), jnp.float32)
        return 0
    lax.fori_loop(0, CH, zrow, 0)

    for q in range(4):
        pltpu.sync_copy(rows2.at[0], agg_sh.at[pl.ds(s * RPT + q * CH, CH)])
    pltpu.sync_copy(rows2.at[0, pl.ds(0, RPT - 4 * CH)],
                    agg_sh.at[pl.ds(s * RPT + 4 * CH, RPT - 4 * CH)])
    plsc.subcore_barrier()

    sems = (sem0, sem1)

    def gather(j, slot):
        pltpu.async_copy(h_hbm.at[sblk.at[j]], rows2.at[slot], sems[slot])

    def drain_scatter(j, slot):
        pltpu.make_async_copy(h_hbm.at[sblk.at[j]], rows2.at[slot],
                              sems[slot]).wait()
        pltpu.sync_copy(rows2.at[slot], agg_sh.at[dblk.at[j]], add=True)

    def blk_body(b, _):
        row0 = w * KCH + b * BLK
        pltpu.sync_copy(src2_hbm.at[pl.ds(row0, BLK), :], sblk)
        pltpu.sync_copy(dst2_hbm.at[pl.ds(row0, BLK), :], dblk)
        gather(0, 0)
        for j in range(0, BLK, 2):
            gather(j + 1, 1)
            drain_scatter(j, 0)
            if j + 2 < BLK:
                gather(j + 2, 0)
            drain_scatter(j + 1, 1)
        return 0
    lax.fori_loop(0, KCH // BLK, blk_body, 0)

    plsc.subcore_barrier()
    pltpu.sync_copy(agg_sh.at[pl.ds(s * RPT, RPT)],
                    out_hbm.at[c, pl.ds(s * RPT, RPT), :])


def _prep_body(hsrc_ref, feat_ref, w_ref, h_ref):
    p = jnp.dot(feat_ref[...], w_ref[...], preferred_element_type=jnp.float32)
    hs = hsrc_ref[0, 0, :] + hsrc_ref[1, 0, :]
    outd = jnp.maximum(hs[0:N], 1.0)
    nrm = lax.rsqrt(outd)
    h_ref[0:N, :] = p * nrm[:, None]
    h_ref[N:NPAD, :] = jnp.zeros((NPAD - N, D), jnp.float32)


def _final_body(agg_ref, hdst_ref, b_ref, out_ref):
    acc = agg_ref[0, 0:N, :] + agg_ref[1, 0:N, :]
    hd = hdst_ref[0, 0, :] + hdst_ref[1, 0, :]
    ind = jnp.maximum(hd[0:N], 1.0)
    out_ref[...] = acc * lax.rsqrt(ind)[:, None] + b_ref[0, :][None, :]


def kernel(feat, edge_index, W, b):
    pad = (jnp.arange(E2 - E, dtype=jnp.int32) % (NPAD - N)) + N
    srcp = jnp.concatenate([edge_index[0], pad])
    dstp = jnp.concatenate([edge_index[1], pad])

    hsrc, hdst = _hist_k(srcp, dstp)

    h = pl.pallas_call(
        _prep_body,
        out_shape=jax.ShapeDtypeStruct((NPAD, D), jnp.float32),
    )(hsrc, feat, W)

    agg = _agg_k(h, srcp.reshape(E2 // CH, CH),
                 dstp.reshape(E2 // CH, CH))

    out = pl.pallas_call(
        _final_body,
        out_shape=jax.ShapeDtypeStruct((N, D), jnp.float32),
    )(agg, hdst, b.reshape(1, D))
    return out

# --- scband reference (transcript-rebuilt; emitter-appended) ---
"""Pipeline reference for scband-graph-conv-72086731096858 (READ-ONLY COPY).

The authoritative reference and input builder live on the scoring server;
editing this copy changes nothing except your own understanding.
"""

import jax, jax.numpy as jnp
import numpy as np

N = 10000
E = 320000
D_IN = 128
D_OUT = 128


def setup_inputs(seed: int = 0) -> dict:
    key = jax.random.key(seed)
    k1, k2, k3 = jax.random.split(key, 3)
    feat = jax.random.normal(k1, (N, D_IN), dtype=jnp.float32)
    edge_index = jax.random.randint(k2, (2, E), 0, N, dtype=jnp.int32)
    # Glorot uniform init for weight, zeros for bias (as in original module)
    limit = float(np.sqrt(6.0 / (D_IN + D_OUT)))
    W = jax.random.uniform(k3, (D_IN, D_OUT), dtype=jnp.float32, minval=-limit, maxval=limit)
    b = jnp.zeros((D_OUT,), dtype=jnp.float32)
    return {"feat": feat, "edge_index": edge_index, "W": W, "b": b}


def reference(feat, edge_index, W, b):
    src = edge_index[0]
    dst = edge_index[1]
    ones = jnp.ones((E,), dtype=jnp.float32)
    # norm == 'both': pre-scale source features by out_degree^{-1/2}
    out_deg = jax.ops.segment_sum(ones, src, num_segments=N)
    out_deg = jnp.maximum(out_deg, 1.0)
    norm_src = jnp.power(out_deg, -0.5)
    h = feat * norm_src[:, None]
    # in_feats (128) is NOT > out_feats (128): aggregate first, then matmul
    msgs = jnp.take(h, src, axis=0)                      # gather over edges
    agg = jax.ops.segment_sum(msgs, dst, num_segments=N)  # scatter-add to dst nodes
    rst = jnp.matmul(agg, W)
    # post-scale by in_degree^{-1/2}
    in_deg = jax.ops.segment_sum(ones, dst, num_segments=N)
    in_deg = jnp.maximum(in_deg, 1.0)
    norm_dst = jnp.power(in_deg, -0.5)
    rst = rst * norm_dst[:, None]
    rst = rst + b
    return rst

if __name__ == "__main__":
    import jax
    _d = setup_inputs()
    print(jax.jit(kernel)(*tuple(_d.values())))

</pallas_src>

<mosaic_0001>
#map = affine_map<(d0, d1) -> (0)>
#map1 = affine_map<(d0, d1) -> (0, 0, 0)>
module attributes {stable_mosaic.version = 14 : i64} {
  func.func @_hist_k(%arg0: i32, %arg1: i32, %arg2: memref<327680xi32, #tpu.memory_space<hbm>>, %arg3: memref<327680xi32, #tpu.memory_space<hbm>>, %arg4: memref<2x1x10240xf32, #tpu.memory_space<hbm>>, %arg5: memref<2x1x10240xf32, #tpu.memory_space<hbm>>, %arg6: memref<16x10240xf32, #tpu.memory_space<vmem_shared>>, %arg7: memref<10240xf32, #tpu.memory_space<vmem>>, %arg8: memref<10240xf32, #tpu.memory_space<vmem>>, %arg9: memref<10240xi32, #tpu.memory_space<vmem>>, %arg10: memref<10240xi32, #tpu.memory_space<vmem>>, %arg11: memref<640xf32, #tpu.memory_space<vmem>>, %arg12: memref<640xf32, #tpu.memory_space<vmem>>) attributes {dimension_semantics = [#tpu.dimension_semantics<core_parallel>, #tpu.dimension_semantics<subcore_parallel>], iteration_bounds = array<i64: 2, 16>, scalar_prefetch = 0 : i64, scratch_operands = 7 : i64, tpu.core_type = #tpu.core_type<sc_vector_subcore>, window_params = [{transform_indices = #map}, {transform_indices = #map}, {transform_indices = #map1}, {transform_indices = #map1}]} {
    %mul3A = arith.constant 16 : i32
    %mul3A_0 = arith.muli %arg0, %mul3A : i32
    %add3A = arith.addi %mul3A_0, %arg1 : i32
    %mul3A_1 = arith.constant 10240 : i32
    %mul3A_2 = arith.muli %add3A, %mul3A_1 : i32
    "tpu.region"() ({
      %run_scoped3A_46 = tpu.sem_alloc : memref<!tpu.dma_semaphore, #tpu.memory_space<semaphore_mem>>
      %dma_start3A = tpu.memref_slice %arg2[%mul3A_2] : memref<327680xi32, #tpu.memory_space<hbm>> -> memref<10240xi32, #tpu.memory_space<hbm>>
      %dma_start3A_47 = tpu.memref_slice %arg2[%mul3A_2] : memref<327680xi32, #tpu.memory_space<hbm>> -> memref<10240xi32, #tpu.memory_space<hbm>>
      tpu.enqueue_dma source(%dma_start3A_47 : memref<10240xi32, #tpu.memory_space<hbm>>) target(%arg9 : memref<10240xi32, #tpu.memory_space<vmem>>) target_semaphore(%run_scoped3A_46 : memref<!tpu.dma_semaphore, #tpu.memory_space<semaphore_mem>>)
      %dma_wait3A = tpu.memref_slice %arg2[%mul3A_2] : memref<327680xi32, #tpu.memory_space<hbm>> -> memref<10240xi32, #tpu.memory_space<hbm>>
      %dma_wait3A_48 = tpu.memref_slice %arg2[%mul3A_2] : memref<327680xi32, #tpu.memory_space<hbm>> -> memref<10240xi32, #tpu.memory_space<hbm>>
      tpu.wait_dma2 semaphore(%run_scoped3A_46 : memref<!tpu.dma_semaphore, #tpu.memory_space<semaphore_mem>>) src(%dma_wait3A_48 : memref<10240xi32, #tpu.memory_space<hbm>>) dst(%arg9 : memref<10240xi32, #tpu.memory_space<vmem>>)
      tpu.yield
    }) : () -> ()
    %mul3A_3 = arith.constant 10240 : i32
    %mul3A_4 = arith.muli %add3A, %mul3A_3 : i32
    "tpu.region"() ({
      %run_scoped3A_46 = tpu.sem_alloc : memref<!tpu.dma_semaphore, #tpu.memory_space<semaphore_mem>>
      %dma_start3A = tpu.memref_slice %arg3[%mul3A_4] : memref<327680xi32, #tpu.memory_space<hbm>> -> memref<10240xi32, #tpu.memory_space<hbm>>
      %dma_start3A_47 = tpu.memref_slice %arg3[%mul3A_4] : memref<327680xi32, #tpu.memory_space<hbm>> -> memref<10240xi32, #tpu.memory_space<hbm>>
      tpu.enqueue_dma source(%dma_start3A_47 : memref<10240xi32, #tpu.memory_space<hbm>>) target(%arg10 : memref<10240xi32, #tpu.memory_space<vmem>>) target_semaphore(%run_scoped3A_46 : memref<!tpu.dma_semaphore, #tpu.memory_space<semaphore_mem>>)
      %dma_wait3A = tpu.memref_slice %arg3[%mul3A_4] : memref<327680xi32, #tpu.memory_space<hbm>> -> memref<10240xi32, #tpu.memory_space<hbm>>
      %dma_wait3A_48 = tpu.memref_slice %arg3[%mul3A_4] : memref<327680xi32, #tpu.memory_space<hbm>> -> memref<10240xi32, #tpu.memory_space<hbm>>
      tpu.wait_dma2 semaphore(%run_scoped3A_46 : memref<!tpu.dma_semaphore, #tpu.memory_space<semaphore_mem>>) src(%dma_wait3A_48 : memref<10240xi32, #tpu.memory_space<hbm>>) dst(%arg10 : memref<10240xi32, #tpu.memory_space<vmem>>)
      tpu.yield
    }) : () -> ()
    %scan3A = arith.constant 0 : i32
    %scan3A_5 = arith.constant 0 : i32
    %scan3A_6 = arith.constant 640 : i32
    %scan3A_7 = arith.addi %scan3A_5, %scan3A_6 : i32
    %scan3A_8 = arith.constant 1 : i32
    %scan3A_9 = scf.for %scan3A_46 = %scan3A_5 to %scan3A_7 step %scan3A_8 iter_args(%scan3A_47 = %scan3A) -> (i32)  : i32 {
      %broadcast_in_dim3A = arith.constant 0.000000e+00 : f32
      %broadcast_in_dim3A_48 = vector.broadcast %broadcast_in_dim3A : f32 to vector<16xf32>
      %mul3A_49 = arith.constant 16 : i32
      %mul3A_50 = arith.muli %scan3A_46, %mul3A_49 : i32
      %swap3A = arith.index_cast %mul3A_50 : i32 to index
      %swap3A_51 = tpu.vector_load %arg7[%swap3A] {strides = array<i32>} : memref<10240xf32, #tpu.memory_space<vmem>>, vector<16xf32>,
      tpu.vector_store %arg7[%swap3A], %broadcast_in_dim3A_48 {strides = array<i32>} : memref<10240xf32, #tpu.memory_space<vmem>>, vector<16xf32>,
      %broadcast_in_dim3A_52 = arith.constant 0.000000e+00 : f32
      %broadcast_in_dim3A_53 = vector.broadcast %broadcast_in_dim3A_52 : f32 to vector<16xf32>
      %mul3A_54 = arith.constant 16 : i32
      %mul3A_55 = arith.muli %scan3A_46, %mul3A_54 : i32
      %swap3A_56 = arith.index_cast %mul3A_55 : i32 to index
      %swap3A_57 = tpu.vector_load %arg8[%swap3A_56] {strides = array<i32>} : memref<10240xf32, #tpu.memory_space<vmem>>, vector<16xf32>,
      tpu.vector_store %arg8[%swap3A_56], %broadcast_in_dim3A_53 {strides = array<i32>} : memref<10240xf32, #tpu.memory_space<vmem>>, vector<16xf32>,
      %scan3A_58 = arith.constant 0 : i32
      scf.yield %scan3A_58 : i32
    }
    %scan3A_10 = arith.constant 640 : i32
    %scan3A_11 = arith.constant 0 : i32
    %scan3A_12 = arith.constant 0 : i32
    %scan3A_13 = arith.constant 640 : i32
    %scan3A_14 = arith.addi %scan3A_12, %scan3A_13 : i32
    %scan3A_15 = arith.constant 1 : i32
    %scan3A_16 = scf.for %scan3A_46 = %scan3A_12 to %scan3A_14 step %scan3A_15 iter_args(%scan3A_47 = %scan3A_11) -> (i32)  : i32 {
      %mul3A_48 = arith.constant 16 : i32
      %mul3A_49 = arith.muli %scan3A_46, %mul3A_48 : i32
      %get3A = arith.index_cast %mul3A_49 : i32 to index
      %get3A_50 = tpu.vector_load %arg9[%get3A] {strides = array<i32>} : memref<10240xi32, #tpu.memory_space<vmem>>, vector<16xi32>,
      %broadcast_in_dim3A = arith.constant true
      %broadcast_in_dim3A_51 = vector.broadcast %broadcast_in_dim3A : i1 to vector<16xi1>
      %unique3A, %unique3A_52 = tpu.scan_count mask(%broadcast_in_dim3A_51 : vector<16xi1>) value(%get3A_50 : vector<16xi32>) : vector<16xi1>, vector<16xi32>
      %convert_element_type3A = arith.sitofp %unique3A_52 : vector<16xi32> to vector<16xf32>
      tpu.vector_store_idx %arg7[%get3A_50], %convert_element_type3A masked %unique3A {add = true} : memref<10240xf32, #tpu.memory_space<vmem>>[vector<16xi32>], vector<16xf32>, vector<16xi1>
      %mul3A_53 = arith.constant 16 : i32
      %mul3A_54 = arith.muli %scan3A_46, %mul3A_53 : i32
      %get3A_55 = arith.index_cast %mul3A_54 : i32 to index
      %get3A_56 = tpu.vector_load %arg10[%get3A_55] {strides = array<i32>} : memref<10240xi32, #tpu.memory_space<vmem>>, vector<16xi32>,
      %broadcast_in_dim3A_57 = arith.constant true
      %broadcast_in_dim3A_58 = vector.broadcast %broadcast_in_dim3A_57 : i1 to vector<16xi1>
      %unique3A_59, %unique3A_60 = tpu.scan_count mask(%broadcast_in_dim3A_58 : vector<16xi1>) value(%get3A_56 : vector<16xi32>) : vector<16xi1>, vector<16xi32>
      %convert_element_type3A_61 = arith.sitofp %unique3A_60 : vector<16xi32> to vector<16xf32>
      tpu.vector_store_idx %arg8[%get3A_56], %convert_element_type3A_61 masked %unique3A_59 {add = true} : memref<10240xf32, #tpu.memory_space<vmem>>[vector<16xi32>], vector<16xf32>, vector<16xi1>
      %scan3A_62 = arith.constant 0 : i32
      scf.yield %scan3A_62 : i32
    }
    %scan3A_17 = arith.constant 640 : i32
    "tpu.region"() ({
      %run_scoped3A_46 = tpu.sem_alloc : memref<!tpu.dma_semaphore, #tpu.memory_space<semaphore_mem>>
      %dma_start3A = arith.constant 0 : i32
      %dma_start3A_47 = tpu.memref_slice %arg6[%arg1, %dma_start3A] : memref<16x10240xf32, #tpu.memory_space<vmem_shared>> -> memref<1x10240xf32, #tpu.memory_space<vmem_shared>>
      %dma_start3A_48 = tpu.memref_squeeze %dma_start3A_47 : memref<1x10240xf32, #tpu.memory_space<vmem_shared>> -> memref<10240xf32, #tpu.memory_space<vmem_shared>>
      %dma_start3A_49 = arith.constant 0 : i32
      %dma_start3A_50 = tpu.memref_slice %arg6[%arg1, %dma_start3A_49] : memref<16x10240xf32, #tpu.memory_space<vmem_shared>> -> memref<1x10240xf32, #tpu.memory_space<vmem_shared>>
      %dma_start3A_51 = tpu.memref_squeeze %dma_start3A_50 : memref<1x10240xf32, #tpu.memory_space<vmem_shared>> -> memref<10240xf32, #tpu.memory_space<vmem_shared>>
      tpu.enqueue_dma source(%arg7 : memref<10240xf32, #tpu.memory_space<vmem>>) target(%dma_start3A_51 : memref<10240xf32, #tpu.memory_space<vmem_shared>>) target_semaphore(%run_scoped3A_46 : memref<!tpu.dma_semaphore, #tpu.memory_space<semaphore_mem>>)
      %dma_wait3A = arith.constant 0 : i32
      %dma_wait3A_52 = tpu.memref_slice %arg6[%arg1, %dma_wait3A] : memref<16x10240xf32, #tpu.memory_space<vmem_shared>> -> memref<1x10240xf32, #tpu.memory_space<vmem_shared>>
      %dma_wait3A_53 = tpu.memref_squeeze %dma_wait3A_52 : memref<1x10240xf32, #tpu.memory_space<vmem_shared>> -> memref<10240xf32, #tpu.memory_space<vmem_shared>>
      %dma_wait3A_54 = arith.constant 0 : i32
      %dma_wait3A_55 = tpu.memref_slice %arg6[%arg1, %dma_wait3A_54] : memref<16x10240xf32, #tpu.memory_space<vmem_shared>> -> memref<1x10240xf32, #tpu.memory_space<vmem_shared>>
      %dma_wait3A_56 = tpu.memref_squeeze %dma_wait3A_55 : memref<1x10240xf32, #tpu.memory_space<vmem_shared>> -> memref<10240xf32, #tpu.memory_space<vmem_shared>>
      tpu.wait_dma2 semaphore(%run_scoped3A_46 : memref<!tpu.dma_semaphore, #tpu.memory_space<semaphore_mem>>) src(%arg7 : memref<10240xf32, #tpu.memory_space<vmem>>) dst(%dma_wait3A_56 : memref<10240xf32, #tpu.memory_space<vmem_shared>>)
      tpu.yield
    }) : () -> ()
    %barrier3A = arith.constant 0 : index
    tpu.barrier barrier_id(%barrier3A)
    %mul3A_18 = arith.constant 640 : i32
    %mul3A_19 = arith.muli %arg1, %mul3A_18 : i32
    %run_scoped3A = arith.constant 0 : i32
    "tpu.region"() ({
      %run_scoped3A_46 = tpu.sem_alloc : memref<!tpu.dma_semaphore, #tpu.memory_space<semaphore_mem>>
      %dma_start3A = tpu.memref_slice %arg6[%run_scoped3A, %mul3A_19] : memref<16x10240xf32, #tpu.memory_space<vmem_shared>> -> memref<1x640xf32, #tpu.memory_space<vmem_shared>>
      %dma_start3A_47 = tpu.memref_squeeze %dma_start3A : memref<1x640xf32, #tpu.memory_space<vmem_shared>> -> memref<640xf32, #tpu.memory_space<vmem_shared>>
      %dma_start3A_48 = tpu.memref_slice %arg6[%run_scoped3A, %mul3A_19] : memref<16x10240xf32, #tpu.memory_space<vmem_shared>> -> memref<1x640xf32, #tpu.memory_space<vmem_shared>>
      %dma_start3A_49 = tpu.memref_squeeze %dma_start3A_48 : memref<1x640xf32, #tpu.memory_space<vmem_shared>> -> memref<640xf32, #tpu.memory_space<vmem_shared>>
      tpu.enqueue_dma source(%dma_start3A_49 : memref<640xf32, #tpu.memory_space<vmem_shared>>) target(%arg12 : memref<640xf32, #tpu.memory_space<vmem>>) target_semaphore(%run_scoped3A_46 : memref<!tpu.dma_semaphore, #tpu.memory_space<semaphore_mem>>)
      %dma_wait3A = tpu.memref_slice %arg6[%run_scoped3A, %mul3A_19] : memref<16x10240xf32, #tpu.memory_space<vmem_shared>> -> memref<1x640xf32, #tpu.memory_space<vmem_shared>>
      %dma_wait3A_50 = tpu.memref_squeeze %dma_wait3A : memref<1x640xf32, #tpu.memory_space<vmem_shared>> -> memref<640xf32, #tpu.memory_space<vmem_shared>>
      %dma_wait3A_51 = tpu.memref_slice %arg6[%run_scoped3A, %mul3A_19] : memref<16x10240xf32, #tpu.memory_space<vmem_shared>> -> memref<1x640xf32, #tpu.memory_space<vmem_shared>>
      %dma_wait3A_52 = tpu.memref_squeeze %dma_wait3A_51 : memref<1x640xf32, #tpu.memory_space<vmem_shared>> -> memref<640xf32, #tpu.memory_space<vmem_shared>>
      tpu.wait_dma2 semaphore(%run_scoped3A_46 : memref<!tpu.dma_semaphore, #tpu.memory_space<semaphore_mem>>) src(%dma_wait3A_52 : memref<640xf32, #tpu.memory_space<vmem_shared>>) dst(%arg12 : memref<640xf32, #tpu.memory_space<vmem>>)
      tpu.yield
    }) : () -> ()
    %scan3A_20 = arith.constant 0 : i32
    %scan3A_21 = arith.constant 1 : i32
    %scan3A_22 = arith.constant 15 : i32
    %scan3A_23 = arith.addi %scan3A_21, %scan3A_22 : i32
    %scan3A_24 = arith.constant 1 : i32
    %scan3A_25 = scf.for %scan3A_46 = %scan3A_21 to %scan3A_23 step %scan3A_24 iter_args(%scan3A_47 = %scan3A_20) -> (i32)  : i32 {
      %mul3A_48 = arith.constant 640 : i32
      %mul3A_49 = arith.muli %arg1, %mul3A_48 : i32
      "tpu.region"() ({
        %run_scoped3A_58 = tpu.sem_alloc : memref<!tpu.dma_semaphore, #tpu.memory_space<semaphore_mem>>
        %dma_start3A = tpu.memref_slice %arg6[%scan3A_46, %mul3A_49] : memref<16x10240xf32, #tpu.memory_space<vmem_shared>> -> memref<1x640xf32, #tpu.memory_space<vmem_shared>>
        %dma_start3A_59 = tpu.memref_squeeze %dma_start3A : memref<1x640xf32, #tpu.memory_space<vmem_shared>> -> memref<640xf32, #tpu.memory_space<vmem_shared>>
        %dma_start3A_60 = tpu.memref_slice %arg6[%scan3A_46, %mul3A_49] : memref<16x10240xf32, #tpu.memory_space<vmem_shared>> -> memref<1x640xf32, #tpu.memory_space<vmem_shared>>
        %dma_start3A_61 = tpu.memref_squeeze %dma_start3A_60 : memref<1x640xf32, #tpu.memory_space<vmem_shared>> -> memref<640xf32, #tpu.memory_space<vmem_shared>>
        tpu.enqueue_dma source(%dma_start3A_61 : memref<640xf32, #tpu.memory_space<vmem_shared>>) target(%arg11 : memref<640xf32, #tpu.memory_space<vmem>>) target_semaphore(%run_scoped3A_58 : memref<!tpu.dma_semaphore, #tpu.memory_space<semaphore_mem>>)
        %dma_wait3A = tpu.memref_slice %arg6[%scan3A_46, %mul3A_49] : memref<16x10240xf32, #tpu.memory_space<vmem_shared>> -> memref<1x640xf32, #tpu.memory_space<vmem_shared>>
        %dma_wait3A_62 = tpu.memref_squeeze %dma_wait3A : memref<1x640xf32, #tpu.memory_space<vmem_shared>> -> memref<640xf32, #tpu.memory_space<vmem_shared>>
        %dma_wait3A_63 = tpu.memref_slice %arg6[%scan3A_46, %mul3A_49] : memref<16x10240xf32, #tpu.memory_space<vmem_shared>> -> memref<1x640xf32, #tpu.memory_space<vmem_shared>>
        %dma_wait3A_64 = tpu.memref_squeeze %dma_wait3A_63 : memref<1x640xf32, #tpu.memory_space<vmem_shared>> -> memref<640xf32, #tpu.memory_space<vmem_shared>>
        tpu.wait_dma2 semaphore(%run_scoped3A_58 : memref<!tpu.dma_semaphore, #tpu.memory_space<semaphore_mem>>) src(%dma_wait3A_64 : memref<640xf32, #tpu.memory_space<vmem_shared>>) dst(%arg11 : memref<640xf32, #tpu.memory_space<vmem>>)
        tpu.yield
      }) : () -> ()
      %scan3A_50 = arith.constant 0 : i32
      %scan3A_51 = arith.constant 0 : i32
      %scan3A_52 = arith.constant 40 : i32
      %scan3A_53 = arith.addi %scan3A_51, %scan3A_52 : i32
      %scan3A_54 = arith.constant 1 : i32
      %scan3A_55 = scf.for %scan3A_58 = %scan3A_51 to %scan3A_53 step %scan3A_54 iter_args(%scan3A_59 = %scan3A_50) -> (i32)  : i32 {
        %mul3A_60 = arith.constant 16 : i32
        %mul3A_61 = arith.muli %scan3A_58, %mul3A_60 : i32
        %get3A = arith.index_cast %mul3A_61 : i32 to index
        %get3A_62 = tpu.vector_load %arg12[%get3A] {strides = array<i32>} : memref<640xf32, #tpu.memory_space<vmem>>, vector<16xf32>,
        %mul3A_63 = arith.constant 16 : i32
        %mul3A_64 = arith.muli %scan3A_58, %mul3A_63 : i32
        %get3A_65 = arith.index_cast %mul3A_64 : i32 to index
        %get3A_66 = tpu.vector_load %arg11[%get3A_65] {strides = array<i32>} : memref<640xf32, #tpu.memory_space<vmem>>, vector<16xf32>,
        %add3A_67 = arith.addf %get3A_62, %get3A_66 : vector<16xf32>
        %mul3A_68 = arith.constant 16 : i32
        %mul3A_69 = arith.muli %scan3A_58, %mul3A_68 : i32
        %swap3A = arith.index_cast %mul3A_69 : i32 to index
        %swap3A_70 = tpu.vector_load %arg12[%swap3A] {strides = array<i32>} : memref<640xf32, #tpu.memory_space<vmem>>, vector<16xf32>,
        tpu.vector_store %arg12[%swap3A], %add3A_67 {strides = array<i32>} : memref<640xf32, #tpu.memory_space<vmem>>, vector<16xf32>,
        %scan3A_71 = arith.constant 0 : i32
        scf.yield %scan3A_71 : i32
      }
      %scan3A_56 = arith.constant 40 : i32
      %scan3A_57 = arith.constant 0 : i32
      scf.yield %scan3A_57 : i32
    }
    %scan3A_26 = arith.constant 15 : i32
    %mul3A_27 = arith.constant 640 : i32
    %mul3A_28 = arith.muli %arg1, %mul3A_27 : i32
    %run_scoped3A_29 = arith.constant 0 : i32
    "tpu.region"() ({
      %run_scoped3A_46 = tpu.sem_alloc : memref<!tpu.dma_semaphore, #tpu.memory_space<semaphore_mem>>
      %dma_start3A = tpu.memref_slice %arg4[%arg0, %run_scoped3A_29, %mul3A_28] : memref<2x1x10240xf32, #tpu.memory_space<hbm>> -> memref<1x1x640xf32, #tpu.memory_space<hbm>>
      %dma_start3A_47 = tpu.memref_squeeze %dma_start3A : memref<1x1x640xf32, #tpu.memory_space<hbm>> -> memref<640xf32, #tpu.memory_space<hbm>>
      %dma_start3A_48 = tpu.memref_slice %arg4[%arg0, %run_scoped3A_29, %mul3A_28] : memref<2x1x10240xf32, #tpu.memory_space<hbm>> -> memref<1x1x640xf32, #tpu.memory_space<hbm>>
      %dma_start3A_49 = tpu.memref_squeeze %dma_start3A_48 : memref<1x1x640xf32, #tpu.memory_space<hbm>> -> memref<640xf32, #tpu.memory_space<hbm>>
      tpu.enqueue_dma source(%arg12 : memref<640xf32, #tpu.memory_space<vmem>>) target(%dma_start3A_49 : memref<640xf32, #tpu.memory_space<hbm>>) target_semaphore(%run_scoped3A_46 : memref<!tpu.dma_semaphore, #tpu.memory_space<semaphore_mem>>)
      %dma_wait3A = tpu.memref_slice %arg4[%arg0, %run_scoped3A_29, %mul3A_28] : memref<2x1x10240xf32, #tpu.memory_space<hbm>> -> memref<1x1x640xf32, #tpu.memory_space<hbm>>
      %dma_wait3A_50 = tpu.memref_squeeze %dma_wait3A : memref<1x1x640xf32, #tpu.memory_space<hbm>> -> memref<640xf32, #tpu.memory_space<hbm>>
      %dma_wait3A_51 = tpu.memref_slice %arg4[%arg0, %run_scoped3A_29, %mul3A_28] : memref<2x1x10240xf32, #tpu.memory_space<hbm>> -> memref<1x1x640xf32, #tpu.memory_space<hbm>>
      %dma_wait3A_52 = tpu.memref_squeeze %dma_wait3A_51 : memref<1x1x640xf32, #tpu.memory_space<hbm>> -> memref<640xf32, #tpu.memory_space<hbm>>
      tpu.wait_dma2 semaphore(%run_scoped3A_46 : memref<!tpu.dma_semaphore, #tpu.memory_space<semaphore_mem>>) src(%arg12 : memref<640xf32, #tpu.memory_space<vmem>>) dst(%dma_wait3A_52 : memref<640xf32, #tpu.memory_space<hbm>>)
      tpu.yield
    }) : () -> ()
    %barrier3A_30 = arith.constant 0 : index
    tpu.barrier barrier_id(%barrier3A_30)
    "tpu.region"() ({
      %run_scoped3A_46 = tpu.sem_alloc : memref<!tpu.dma_semaphore, #tpu.memory_space<semaphore_mem>>
      %dma_start3A = arith.constant 0 : i32
      %dma_start3A_47 = tpu.memref_slice %arg6[%arg1, %dma_start3A] : memref<16x10240xf32, #tpu.memory_space<vmem_shared>> -> memref<1x10240xf32, #tpu.memory_space<vmem_shared>>
      %dma_start3A_48 = tpu.memref_squeeze %dma_start3A_47 : memref<1x10240xf32, #tpu.memory_space<vmem_shared>> -> memref<10240xf32, #tpu.memory_space<vmem_shared>>
      %dma_start3A_49 = arith.constant 0 : i32
      %dma_start3A_50 = tpu.memref_slice %arg6[%arg1, %dma_start3A_49] : memref<16x10240xf32, #tpu.memory_space<vmem_shared>> -> memref<1x10240xf32, #tpu.memory_space<vmem_shared>>
      %dma_start3A_51 = tpu.memref_squeeze %dma_start3A_50 : memref<1x10240xf32, #tpu.memory_space<vmem_shared>> -> memref<10240xf32, #tpu.memory_space<vmem_shared>>
      tpu.enqueue_dma source(%arg8 : memref<10240xf32, #tpu.memory_space<vmem>>) target(%dma_start3A_51 : memref<10240xf32, #tpu.memory_space<vmem_shared>>) target_semaphore(%run_scoped3A_46 : memref<!tpu.dma_semaphore, #tpu.memory_space<semaphore_mem>>)
      %dma_wait3A = arith.constant 0 : i32
      %dma_wait3A_52 = tpu.memref_slice %arg6[%arg1, %dma_wait3A] : memref<16x10240xf32, #tpu.memory_space<vmem_shared>> -> memref<1x10240xf32, #tpu.memory_space<vmem_shared>>
      %dma_wait3A_53 = tpu.memref_squeeze %dma_wait3A_52 : memref<1x10240xf32, #tpu.memory_space<vmem_shared>> -> memref<10240xf32, #tpu.memory_space<vmem_shared>>
      %dma_wait3A_54 = arith.constant 0 : i32
      %dma_wait3A_55 = tpu.memref_slice %arg6[%arg1, %dma_wait3A_54] : memref<16x10240xf32, #tpu.memory_space<vmem_shared>> -> memref<1x10240xf32, #tpu.memory_space<vmem_shared>>
      %dma_wait3A_56 = tpu.memref_squeeze %dma_wait3A_55 : memref<1x10240xf32, #tpu.memory_space<vmem_shared>> -> memref<10240xf32, #tpu.memory_space<vmem_shared>>
      tpu.wait_dma2 semaphore(%run_scoped3A_46 : memref<!tpu.dma_semaphore, #tpu.memory_space<semaphore_mem>>) src(%arg8 : memref<10240xf32, #tpu.memory_space<vmem>>) dst(%dma_wait3A_56 : memref<10240xf32, #tpu.memory_space<vmem_shared>>)
      tpu.yield
    }) : () -> ()
    %barrier3A_31 = arith.constant 0 : index
    tpu.barrier barrier_id(%barrier3A_31)
    %mul3A_32 = arith.constant 640 : i32
    %mul3A_33 = arith.muli %arg1, %mul3A_32 : i32
    %run_scoped3A_34 = arith.constant 0 : i32
    "tpu.region"() ({
      %run_scoped3A_46 = tpu.sem_alloc : memref<!tpu.dma_semaphore, #tpu.memory_space<semaphore_mem>>
      %dma_start3A = tpu.memref_slice %arg6[%run_scoped3A_34, %mul3A_33] : memref<16x10240xf32, #tpu.memory_space<vmem_shared>> -> memref<1x640xf32, #tpu.memory_space<vmem_shared>>
      %dma_start3A_47 = tpu.memref_squeeze %dma_start3A : memref<1x640xf32, #tpu.memory_space<vmem_shared>> -> memref<640xf32, #tpu.memory_space<vmem_shared>>
      %dma_start3A_48 = tpu.memref_slice %arg6[%run_scoped3A_34, %mul3A_33] : memref<16x10240xf32, #tpu.memory_space<vmem_shared>> -> memref<1x640xf32, #tpu.memory_space<vmem_shared>>
      %dma_start3A_49 = tpu.memref_squeeze %dma_start3A_48 : memref<1x640xf32, #tpu.memory_space<vmem_shared>> -> memref<640xf32, #tpu.memory_space<vmem_shared>>
      tpu.enqueue_dma source(%dma_start3A_49 : memref<640xf32, #tpu.memory_space<vmem_shared>>) target(%arg12 : memref<640xf32, #tpu.memory_space<vmem>>) target_semaphore(%run_scoped3A_46 : memref<!tpu.dma_semaphore, #tpu.memory_space<semaphore_mem>>)
      %dma_wait3A = tpu.memref_slice %arg6[%run_scoped3A_34, %mul3A_33] : memref<16x10240xf32, #tpu.memory_space<vmem_shared>> -> memref<1x640xf32, #tpu.memory_space<vmem_shared>>
      %dma_wait3A_50 = tpu.memref_squeeze %dma_wait3A : memref<1x640xf32, #tpu.memory_space<vmem_shared>> -> memref<640xf32, #tpu.memory_space<vmem_shared>>
      %dma_wait3A_51 = tpu.memref_slice %arg6[%run_scoped3A_34, %mul3A_33] : memref<16x10240xf32, #tpu.memory_space<vmem_shared>> -> memref<1x640xf32, #tpu.memory_space<vmem_shared>>
      %dma_wait3A_52 = tpu.memref_squeeze %dma_wait3A_51 : memref<1x640xf32, #tpu.memory_space<vmem_shared>> -> memref<640xf32, #tpu.memory_space<vmem_shared>>
      tpu.wait_dma2 semaphore(%run_scoped3A_46 : memref<!tpu.dma_semaphore, #tpu.memory_space<semaphore_mem>>) src(%dma_wait3A_52 : memref<640xf32, #tpu.memory_space<vmem_shared>>) dst(%arg12 : memref<640xf32, #tpu.memory_space<vmem>>)
      tpu.yield
    }) : () -> ()
    %scan3A_35 = arith.constant 0 : i32
    %scan3A_36 = arith.constant 1 : i32
    %scan3A_37 = arith.constant 15 : i32
    %scan3A_38 = arith.addi %scan3A_36, %scan3A_37 : i32
    %scan3A_39 = arith.constant 1 : i32
    %scan3A_40 = scf.for %scan3A_46 = %scan3A_36 to %scan3A_38 step %scan3A_39 iter_args(%scan3A_47 = %scan3A_35) -> (i32)  : i32 {
      %mul3A_48 = arith.constant 640 : i32
      %mul3A_49 = arith.muli %arg1, %mul3A_48 : i32
      "tpu.region"() ({
        %run_scoped3A_58 = tpu.sem_alloc : memref<!tpu.dma_semaphore, #tpu.memory_space<semaphore_mem>>
        %dma_start3A = tpu.memref_slice %arg6[%scan3A_46, %mul3A_49] : memref<16x10240xf32, #tpu.memory_space<vmem_shared>> -> memref<1x640xf32, #tpu.memory_space<vmem_shared>>
        %dma_start3A_59 = tpu.memref_squeeze %dma_start3A : memref<1x640xf32, #tpu.memory_space<vmem_shared>> -> memref<640xf32, #tpu.memory_space<vmem_shared>>
        %dma_start3A_60 = tpu.memref_slice %arg6[%scan3A_46, %mul3A_49] : memref<16x10240xf32, #tpu.memory_space<vmem_shared>> -> memref<1x640xf32, #tpu.memory_space<vmem_shared>>
        %dma_start3A_61 = tpu.memref_squeeze %dma_start3A_60 : memref<1x640xf32, #tpu.memory_space<vmem_shared>> -> memref<640xf32, #tpu.memory_space<vmem_shared>>
        tpu.enqueue_dma source(%dma_start3A_61 : memref<640xf32, #tpu.memory_space<vmem_shared>>) target(%arg11 : memref<640xf32, #tpu.memory_space<vmem>>) target_semaphore(%run_scoped3A_58 : memref<!tpu.dma_semaphore, #tpu.memory_space<semaphore_mem>>)
        %dma_wait3A = tpu.memref_slice %arg6[%scan3A_46, %mul3A_49] : memref<16x10240xf32, #tpu.memory_space<vmem_shared>> -> memref<1x640xf32, #tpu.memory_space<vmem_shared>>
        %dma_wait3A_62 = tpu.memref_squeeze %dma_wait3A : memref<1x640xf32, #tpu.memory_space<vmem_shared>> -> memref<640xf32, #tpu.memory_space<vmem_shared>>
        %dma_wait3A_63 = tpu.memref_slice %arg6[%scan3A_46, %mul3A_49] : memref<16x10240xf32, #tpu.memory_space<vmem_shared>> -> memref<1x640xf32, #tpu.memory_space<vmem_shared>>
        %dma_wait3A_64 = tpu.memref_squeeze %dma_wait3A_63 : memref<1x640xf32, #tpu.memory_space<vmem_shared>> -> memref<640xf32, #tpu.memory_space<vmem_shared>>
        tpu.wait_dma2 semaphore(%run_scoped3A_58 : memref<!tpu.dma_semaphore, #tpu.memory_space<semaphore_mem>>) src(%dma_wait3A_64 : memref<640xf32, #tpu.memory_space<vmem_shared>>) dst(%arg11 : memref<640xf32, #tpu.memory_space<vmem>>)
        tpu.yield
      }) : () -> ()
      %scan3A_50 = arith.constant 0 : i32
      %scan3A_51 = arith.constant 0 : i32
      %scan3A_52 = arith.constant 40 : i32
      %scan3A_53 = arith.addi %scan3A_51, %scan3A_52 : i32
      %scan3A_54 = arith.constant 1 : i32
      %scan3A_55 = scf.for %scan3A_58 = %scan3A_51 to %scan3A_53 step %scan3A_54 iter_args(%scan3A_59 = %scan3A_50) -> (i32)  : i32 {
        %mul3A_60 = arith.constant 16 : i32
        %mul3A_61 = arith.muli %scan3A_58, %mul3A_60 : i32
        %get3A = arith.index_cast %mul3A_61 : i32 to index
        %get3A_62 = tpu.vector_load %arg12[%get3A] {strides = array<i32>} : memref<640xf32, #tpu.memory_space<vmem>>, vector<16xf32>,
        %mul3A_63 = arith.constant 16 : i32
        %mul3A_64 = arith.muli %scan3A_58, %mul3A_63 : i32
        %get3A_65 = arith.index_cast %mul3A_64 : i32 to index
        %get3A_66 = tpu.vector_load %arg11[%get3A_65] {strides = array<i32>} : memref<640xf32, #tpu.memory_space<vmem>>, vector<16xf32>,
        %add3A_67 = arith.addf %get3A_62, %get3A_66 : vector<16xf32>
        %mul3A_68 = arith.constant 16 : i32
        %mul3A_69 = arith.muli %scan3A_58, %mul3A_68 : i32
        %swap3A = arith.index_cast %mul3A_69 : i32 to index
        %swap3A_70 = tpu.vector_load %arg12[%swap3A] {strides = array<i32>} : memref<640xf32, #tpu.memory_space<vmem>>, vector<16xf32>,
        tpu.vector_store %arg12[%swap3A], %add3A_67 {strides = array<i32>} : memref<640xf32, #tpu.memory_space<vmem>>, vector<16xf32>,
        %scan3A_71 = arith.constant 0 : i32
        scf.yield %scan3A_71 : i32
      }
      %scan3A_56 = arith.constant 40 : i32
      %scan3A_57 = arith.constant 0 : i32
      scf.yield %scan3A_57 : i32
    }
    %scan3A_41 = arith.constant 15 : i32
    %mul3A_42 = arith.constant 640 : i32
    %mul3A_43 = arith.muli %arg1, %mul3A_42 : i32
    %run_scoped3A_44 = arith.constant 0 : i32
    "tpu.region"() ({
      %run_scoped3A_46 = tpu.sem_alloc : memref<!tpu.dma_semaphore, #tpu.memory_space<semaphore_mem>>
      %dma_start3A = tpu.memref_slice %arg5[%arg0, %run_scoped3A_44, %mul3A_43] : memref<2x1x10240xf32, #tpu.memory_space<hbm>> -> memref<1x1x640xf32, #tpu.memory_space<hbm>>
      %dma_start3A_47 = tpu.memref_squeeze %dma_start3A : memref<1x1x640xf32, #tpu.memory_space<hbm>> -> memref<640xf32, #tpu.memory_space<hbm>>
      %dma_start3A_48 = tpu.memref_slice %arg5[%arg0, %run_scoped3A_44, %mul3A_43] : memref<2x1x10240xf32, #tpu.memory_space<hbm>> -> memref<1x1x640xf32, #tpu.memory_space<hbm>>
      %dma_start3A_49 = tpu.memref_squeeze %dma_start3A_48 : memref<1x1x640xf32, #tpu.memory_space<hbm>> -> memref<640xf32, #tpu.memory_space<hbm>>
      tpu.enqueue_dma source(%arg12 : memref<640xf32, #tpu.memory_space<vmem>>) target(%dma_start3A_49 : memref<640xf32, #tpu.memory_space<hbm>>) target_semaphore(%run_scoped3A_46 : memref<!tpu.dma_semaphore, #tpu.memory_space<semaphore_mem>>)
      %dma_wait3A = tpu.memref_slice %arg5[%arg0, %run_scoped3A_44, %mul3A_43] : memref<2x1x10240xf32, #tpu.memory_space<hbm>> -> memref<1x1x640xf32, #tpu.memory_space<hbm>>
      %dma_wait3A_50 = tpu.memref_squeeze %dma_wait3A : memref<1x1x640xf32, #tpu.memory_space<hbm>> -> memref<640xf32, #tpu.memory_space<hbm>>
      %dma_wait3A_51 = tpu.memref_slice %arg5[%arg0, %run_scoped3A_44, %mul3A_43] : memref<2x1x10240xf32, #tpu.memory_space<hbm>> -> memref<1x1x640xf32, #tpu.memory_space<hbm>>
      %dma_wait3A_52 = tpu.memref_squeeze %dma_wait3A_51 : memref<1x1x640xf32, #tpu.memory_space<hbm>> -> memref<640xf32, #tpu.memory_space<hbm>>
      tpu.wait_dma2 semaphore(%run_scoped3A_46 : memref<!tpu.dma_semaphore, #tpu.memory_space<semaphore_mem>>) src(%arg12 : memref<640xf32, #tpu.memory_space<vmem>>) dst(%dma_wait3A_52 : memref<640xf32, #tpu.memory_space<hbm>>)
      tpu.yield
    }) : () -> ()
    %barrier3A_45 = arith.constant 0 : index
    tpu.barrier barrier_id(%barrier3A_45)
    return
  }
}

#map = affine_map<(d0, d1) -> (0, 0)>
#map1 = affine_map<(d0, d1) -> (0, 0, 0)>
module attributes {stable_mosaic.version = 14 : i64} {
  func.func @_agg_k(%arg0: i32, %arg1: i32, %arg2: memref<10112x128xf32, #tpu.memory_space<hbm>>, %arg3: memref<2560x128xi32, #tpu.memory_space<hbm>>, %arg4: memref<2560x128xi32, #tpu.memory_space<hbm>>, %arg5: memref<2x10112x128xf32, #tpu.memory_space<hbm>>, %arg6: memref<10112x128xf32, #tpu.memory_space<vmem_shared>>, %arg7: memref<40x128xi32, #tpu.memory_space<vmem>>, %arg8: memref<40x128xi32, #tpu.memory_space<vmem>>, %arg9: memref<2x128x128xf32, #tpu.memory_space<vmem>>, %arg10: memref<!tpu.dma_semaphore, #tpu.memory_space<semaphore_mem>>, %arg11: memref<!tpu.dma_semaphore, #tpu.memory_space<semaphore_mem>>) attributes {dimension_semantics = [#tpu.dimension_semantics<core_parallel>, #tpu.dimension_semantics<subcore_parallel>], iteration_bounds = array<i64: 2, 16>, scalar_prefetch = 0 : i64, scratch_operands = 6 : i64, tpu.core_type = #tpu.core_type<sc_vector_subcore>, window_params = [{transform_indices = #map}, {transform_indices = #map}, {transform_indices = #map}, {transform_indices = #map1}]} {
    %mul3A = arith.constant 16 : i32
    %mul3A_0 = arith.muli %arg0, %mul3A : i32
    %add3A = arith.addi %mul3A_0, %arg1 : i32
    %scan3A = arith.constant 0 : i32
    %scan3A_1 = arith.constant 0 : i32
    %scan3A_2 = arith.constant 128 : i32
    %scan3A_3 = arith.addi %scan3A_1, %scan3A_2 : i32
    %scan3A_4 = arith.constant 1 : i32
    %scan3A_5 = scf.for %scan3A_43 = %scan3A_1 to %scan3A_3 step %scan3A_4 iter_args(%scan3A_44 = %scan3A) -> (i32)  : i32 {
      %broadcast_in_dim3A = arith.constant 0.000000e+00 : f32
      %broadcast_in_dim3A_45 = vector.broadcast %broadcast_in_dim3A : f32 to vector<16xf32>
      %swap3A = arith.constant 0 : i32
      %swap3A_46 = arith.index_cast %swap3A : i32 to index
      %swap3A_47 = arith.index_cast %scan3A_43 : i32 to index
      %swap3A_48 = arith.constant 0 : index
      %swap3A_49 = tpu.vector_load %arg9[%swap3A_46, %swap3A_47, %swap3A_48] {strides = array<i32>} : memref<2x128x128xf32, #tpu.memory_space<vmem>>, vector<1x1x16xf32>,
      %swap3A_50 = vector.shape_cast %swap3A_49 : vector<1x1x16xf32> to vector<16xf32>
      %swap3A_51 = vector.shape_cast %broadcast_in_dim3A_45 : vector<16xf32> to vector<1x1x16xf32>
      tpu.vector_store %arg9[%swap3A_46, %swap3A_47, %swap3A_48], %swap3A_51 {strides = array<i32>} : memref<2x128x128xf32, #tpu.memory_space<vmem>>, vector<1x1x16xf32>,
      %broadcast_in_dim3A_52 = arith.constant 0.000000e+00 : f32
      %broadcast_in_dim3A_53 = vector.broadcast %broadcast_in_dim3A_52 : f32 to vector<16xf32>
      %swap3A_54 = arith.constant 0 : i32
      %swap3A_55 = arith.index_cast %swap3A_54 : i32 to index
      %swap3A_56 = arith.index_cast %scan3A_43 : i32 to index
      %swap3A_57 = arith.constant 16 : index
      %swap3A_58 = tpu.vector_load %arg9[%swap3A_55, %swap3A_56, %swap3A_57] {strides = array<i32>} : memref<2x128x128xf32, #tpu.memory_space<vmem>>, vector<1x1x16xf32>,
      %swap3A_59 = vector.shape_cast %swap3A_58 : vector<1x1x16xf32> to vector<16xf32>
      %swap3A_60 = vector.shape_cast %broadcast_in_dim3A_53 : vector<16xf32> to vector<1x1x16xf32>
      tpu.vector_store %arg9[%swap3A_55, %swap3A_56, %swap3A_57], %swap3A_60 {strides = array<i32>} : memref<2x128x128xf32, #tpu.memory_space<vmem>>, vector<1x1x16xf32>,
      %broadcast_in_dim3A_61 = arith.constant 0.000000e+00 : f32
      %broadcast_in_dim3A_62 = vector.broadcast %broadcast_in_dim3A_61 : f32 to vector<16xf32>
      %swap3A_63 = arith.constant 0 : i32
      %swap3A_64 = arith.index_cast %swap3A_63 : i32 to index
      %swap3A_65 = arith.index_cast %scan3A_43 : i32 to index
      %swap3A_66 = arith.constant 32 : index
      %swap3A_67 = tpu.vector_load %arg9[%swap3A_64, %swap3A_65, %swap3A_66] {strides = array<i32>} : memref<2x128x128xf32, #tpu.memory_space<vmem>>, vector<1x1x16xf32>,
      %swap3A_68 = vector.shape_cast %swap3A_67 : vector<1x1x16xf32> to vector<16xf32>
      %swap3A_69 = vector.shape_cast %broadcast_in_dim3A_62 : vector<16xf32> to vector<1x1x16xf32>
      tpu.vector_store %arg9[%swap3A_64, %swap3A_65, %swap3A_66], %swap3A_69 {strides = array<i32>} : memref<2x128x128xf32, #tpu.memory_space<vmem>>, vector<1x1x16xf32>,
      %broadcast_in_dim3A_70 = arith.constant 0.000000e+00 : f32
      %broadcast_in_dim3A_71 = vector.broadcast %broadcast_in_dim3A_70 : f32 to vector<16xf32>
      %swap3A_72 = arith.constant 0 : i32
      %swap3A_73 = arith.index_cast %swap3A_72 : i32 to index
      %swap3A_74 = arith.index_cast %scan3A_43 : i32 to index
      %swap3A_75 = arith.constant 48 : index
      %swap3A_76 = tpu.vector_load %arg9[%swap3A_73, %swap3A_74, %swap3A_75] {strides = array<i32>} : memref<2x128x128xf32, #tpu.memory_space<vmem>>, vector<1x1x16xf32>,
      %swap3A_77 = vector.shape_cast %swap3A_76 : vector<1x1x16xf32> to vector<16xf32>
      %swap3A_78 = vector.shape_cast %broadcast_in_dim3A_71 : vector<16xf32> to vector<1x1x16xf32>
      tpu.vector_store %arg9[%swap3A_73, %swap3A_74, %swap3A_75], %swap3A_78 {strides = array<i32>} : memref<2x128x128xf32, #tpu.memory_space<vmem>>, vector<1x1x16xf32>,
      %broadcast_in_dim3A_79 = arith.constant 0.000000e+00 : f32
      %broadcast_in_dim3A_80 = vector.broadcast %broadcast_in_dim3A_79 : f32 to vector<16xf32>
      %swap3A_81 = arith.constant 0 : i32
      %swap3A_82 = arith.index_cast %swap3A_81 : i32 to index
      %swap3A_83 = arith.index_cast %scan3A_43 : i32 to index
      %swap3A_84 = arith.constant 64 : index
      %swap3A_85 = tpu.vector_load %arg9[%swap3A_82, %swap3A_83, %swap3A_84] {strides = array<i32>} : memref<2x128x128xf32, #tpu.memory_space<vmem>>, vector<1x1x16xf32>,
      %swap3A_86 = vector.shape_cast %swap3A_85 : vector<1x1x16xf32> to vector<16xf32>
      %swap3A_87 = vector.shape_cast %broadcast_in_dim3A_80 : vector<16xf32> to vector<1x1x16xf32>
      tpu.vector_store %arg9[%swap3A_82, %swap3A_83, %swap3A_84], %swap3A_87 {strides = array<i32>} : memref<2x128x128xf32, #tpu.memory_space<vmem>>, vector<1x1x16xf32>,
      %broadcast_in_dim3A_88 = arith.constant 0.000000e+00 : f32
      %broadcast_in_dim3A_89 = vector.broadcast %broadcast_in_dim3A_88 : f32 to vector<16xf32>
      %swap3A_90 = arith.constant 0 : i32
      %swap3A_91 = arith.index_cast %swap3A_90 : i32 to index
      %swap3A_92 = arith.index_cast %scan3A_43 : i32 to index
      %swap3A_93 = arith.constant 80 : index
      %swap3A_94 = tpu.vector_load %arg9[%swap3A_91, %swap3A_92, %swap3A_93] {strides = array<i32>} : memref<2x128x128xf32, #tpu.memory_space<vmem>>, vector<1x1x16xf32>,
      %swap3A_95 = vector.shape_cast %swap3A_94 : vector<1x1x16xf32> to vector<16xf32>
      %swap3A_96 = vector.shape_cast %broadcast_in_dim3A_89 : vector<16xf32> to vector<1x1x16xf32>
      tpu.vector_store %arg9[%swap3A_91, %swap3A_92, %swap3A_93], %swap3A_96 {strides = array<i32>} : memref<2x128x128xf32, #tpu.memory_space<vmem>>, vector<1x1x16xf32>,
      %broadcast_in_dim3A_97 = arith.constant 0.000000e+00 : f32
      %broadcast_in_dim3A_98 = vector.broadcast %broadcast_in_dim3A_97 : f32 to vector<16xf32>
      %swap3A_99 = arith.constant 0 : i32
      %swap3A_100 = arith.index_cast %swap3A_99 : i32 to index
      %swap3A_101 = arith.index_cast %scan3A_43 : i32 to index
      %swap3A_102 = arith.constant 96 : index
      %swap3A_103 = tpu.vector_load %arg9[%swap3A_100, %swap3A_101, %swap3A_102] {strides = array<i32>} : memref<2x128x128xf32, #tpu.memory_space<vmem>>, vector<1x1x16xf32>,
      %swap3A_104 = vector.shape_cast %swap3A_103 : vector<1x1x16xf32> to vector<16xf32>
      %swap3A_105 = vector.shape_cast %broadcast_in_dim3A_98 : vector<16xf32> to vector<1x1x16xf32>
      tpu.vector_store %arg9[%swap3A_100, %swap3A_101, %swap3A_102], %swap3A_105 {strides = array<i32>} : memref<2x128x128xf32, #tpu.memory_space<vmem>>, vector<1x1x16xf32>,
      %broadcast_in_dim3A_106 = arith.constant 0.000000e+00 : f32
      %broadcast_in_dim3A_107 = vector.broadcast %broadcast_in_dim3A_106 : f32 to vector<16xf32>
      %swap3A_108 = arith.constant 0 : i32
      %swap3A_109 = arith.index_cast %swap3A_108 : i32 to index
      %swap3A_110 = arith.index_cast %scan3A_43 : i32 to index
      %swap3A_111 = arith.constant 112 : index
      %swap3A_112 = tpu.vector_load %arg9[%swap3A_109, %swap3A_110, %swap3A_111] {strides = array<i32>} : memref<2x128x128xf32, #tpu.memory_space<vmem>>, vector<1x1x16xf32>,
      %swap3A_113 = vector.shape_cast %swap3A_112 : vector<1x1x16xf32> to vector<16xf32>
      %swap3A_114 = vector.shape_cast %broadcast_in_dim3A_107 : vector<16xf32> to vector<1x1x16xf32>
      tpu.vector_store %arg9[%swap3A_109, %swap3A_110, %swap3A_111], %swap3A_114 {strides = array<i32>} : memref<2x128x128xf32, #tpu.memory_space<vmem>>, vector<1x1x16xf32>,
      %scan3A_115 = arith.constant 0 : i32
      scf.yield %scan3A_115 : i32
    }
    %scan3A_6 = arith.constant 128 : i32
    %mul3A_7 = arith.constant 632 : i32
    %mul3A_8 = arith.muli %arg1, %mul3A_7 : i32
    %add3A_9 = arith.constant 0 : i32
    %add3A_10 = arith.addi %mul3A_8, %add3A_9 : i32
    %run_scoped3A = arith.constant 0 : i32
    "tpu.region"() ({
      %run_scoped3A_43 = tpu.sem_alloc : memref<!tpu.dma_semaphore, #tpu.memory_space<semaphore_mem>>
      %dma_start3A = arith.constant 0 : i32
      %dma_start3A_44 = arith.constant 0 : i32
      %dma_start3A_45 = tpu.memref_slice %arg9[%run_scoped3A, %dma_start3A, %dma_start3A_44] : memref<2x128x128xf32, #tpu.memory_space<vmem>> -> memref<1x128x128xf32, #tpu.memory_space<vmem>>
      %dma_start3A_46 = tpu.memref_squeeze %dma_start3A_45 : memref<1x128x128xf32, #tpu.memory_space<vmem>> -> memref<128x128xf32, #tpu.memory_space<vmem>>
      %dma_start3A_47 = arith.constant 0 : i32
      %dma_start3A_48 = tpu.memref_slice %arg6[%add3A_10, %dma_start3A_47] : memref<10112x128xf32, #tpu.memory_space<vmem_shared>> -> memref<128x128xf32, #tpu.memory_space<vmem_shared>>
      %dma_start3A_49 = arith.constant 0 : i32
      %dma_start3A_50 = tpu.memref_slice %arg6[%add3A_10, %dma_start3A_49] : memref<10112x128xf32, #tpu.memory_space<vmem_shared>> -> memref<128x128xf32, #tpu.memory_space<vmem_shared>>
      %dma_start3A_51 = arith.constant 0 : i32
      %dma_start3A_52 = arith.constant 0 : i32
      %dma_start3A_53 = tpu.memref_slice %arg9[%run_scoped3A, %dma_start3A_51, %dma_start3A_52] : memref<2x128x128xf32, #tpu.memory_space<vmem>> -> memref<1x128x128xf32, #tpu.memory_space<vmem>>
      %dma_start3A_54 = tpu.memref_squeeze %dma_start3A_53 : memref<1x128x128xf32, #tpu.memory_space<vmem>> -> memref<128x128xf32, #tpu.memory_space<vmem>>
      tpu.enqueue_dma source(%dma_start3A_54 : memref<128x128xf32, #tpu.memory_space<vmem>>) target(%dma_start3A_50 : memref<128x128xf32, #tpu.memory_space<vmem_shared>>) target_semaphore(%run_scoped3A_43 : memref<!tpu.dma_semaphore, #tpu.memory_space<semaphore_mem>>)
      %dma_wait3A = arith.constant 0 : i32
      %dma_wait3A_55 = arith.constant 0 : i32
      %dma_wait3A_56 = tpu.memref_slice %arg9[%run_scoped3A, %dma_wait3A, %dma_wait3A_55] : memref<2x128x128xf32, #tpu.memory_space<vmem>> -> memref<1x128x128xf32, #tpu.memory_space<vmem>>
      %dma_wait3A_57 = tpu.memref_squeeze %dma_wait3A_56 : memref<1x128x128xf32, #tpu.memory_space<vmem>> -> memref<128x128xf32, #tpu.memory_space<vmem>>
      %dma_wait3A_58 = arith.constant 0 : i32
      %dma_wait3A_59 = tpu.memref_slice %arg6[%add3A_10, %dma_wait3A_58] : memref<10112x128xf32, #tpu.memory_space<vmem_shared>> -> memref<128x128xf32, #tpu.memory_space<vmem_shared>>
      %dma_wait3A_60 = arith.constant 0 : i32
      %dma_wait3A_61 = tpu.memref_slice %arg6[%add3A_10, %dma_wait3A_60] : memref<10112x128xf32, #tpu.memory_space<vmem_shared>> -> memref<128x128xf32, #tpu.memory_space<vmem_shared>>
      %dma_wait3A_62 = arith.constant 0 : i32
      %dma_wait3A_63 = arith.constant 0 : i32
      %dma_wait3A_64 = tpu.memref_slice %arg9[%run_scoped3A, %dma_wait3A_62, %dma_wait3A_63] : memref<2x128x128xf32, #tpu.memory_space<vmem>> -> memref<1x128x128xf32, #tpu.memory_space<vmem>>
      %dma_wait3A_65 = tpu.memref_squeeze %dma_wait3A_64 : memref<1x128x128xf32, #tpu.memory_space<vmem>> -> memref<128x128xf32, #tpu.memory_space<vmem>>
      tpu.wait_dma2 semaphore(%run_scoped3A_43 : memref<!tpu.dma_semaphore, #tpu.memory_space<semaphore_mem>>) src(%dma_wait3A_65 : memref<128x128xf32, #tpu.memory_space<vmem>>) dst(%dma_wait3A_61 : memref<128x128xf32, #tpu.memory_space<vmem_shared>>)
      tpu.yield
    }) : () -> ()
    %mul3A_11 = arith.constant 632 : i32
    %mul3A_12 = arith.muli %arg1, %mul3A_11 : i32
    %add3A_13 = arith.constant 128 : i32
    %add3A_14 = arith.addi %mul3A_12, %add3A_13 : i32
    %run_scoped3A_15 = arith.constant 0 : i32
    "tpu.region"() ({
      %run_scoped3A_43 = tpu.sem_alloc : memref<!tpu.dma_semaphore, #tpu.memory_space<semaphore_mem>>
      %dma_start3A = arith.constant 0 : i32
      %dma_start3A_44 = arith.constant 0 : i32
      %dma_start3A_45 = tpu.memref_slice %arg9[%run_scoped3A_15, %dma_start3A, %dma_start3A_44] : memref<2x128x128xf32, #tpu.memory_space<vmem>> -> memref<1x128x128xf32, #tpu.memory_space<vmem>>
      %dma_start3A_46 = tpu.memref_squeeze %dma_start3A_45 : memref<1x128x128xf32, #tpu.memory_space<vmem>> -> memref<128x128xf32, #tpu.memory_space<vmem>>
      %dma_start3A_47 = arith.constant 0 : i32
      %dma_start3A_48 = tpu.memref_slice %arg6[%add3A_14, %dma_start3A_47] : memref<10112x128xf32, #tpu.memory_space<vmem_shared>> -> memref<128x128xf32, #tpu.memory_space<vmem_shared>>
      %dma_start3A_49 = arith.constant 0 : i32
      %dma_start3A_50 = tpu.memref_slice %arg6[%add3A_14, %dma_start3A_49] : memref<10112x128xf32, #tpu.memory_space<vmem_shared>> -> memref<128x128xf32, #tpu.memory_space<vmem_shared>>
      %dma_start3A_51 = arith.constant 0 : i32
      %dma_start3A_52 = arith.constant 0 : i32
      %dma_start3A_53 = tpu.memref_slice %arg9[%run_scoped3A_15, %dma_start3A_51, %dma_start3A_52] : memref<2x128x128xf32, #tpu.memory_space<vmem>> -> memref<1x128x128xf32, #tpu.memory_space<vmem>>
      %dma_start3A_54 = tpu.memref_squeeze %dma_start3A_53 : memref<1x128x128xf32, #tpu.memory_space<vmem>> -> memref<128x128xf32, #tpu.memory_space<vmem>>
      tpu.enqueue_dma source(%dma_start3A_54 : memref<128x128xf32, #tpu.memory_space<vmem>>) target(%dma_start3A_50 : memref<128x128xf32, #tpu.memory_space<vmem_shared>>) target_semaphore(%run_scoped3A_43 : memref<!tpu.dma_semaphore, #tpu.memory_space<semaphore_mem>>)
      %dma_wait3A = arith.constant 0 : i32
      %dma_wait3A_55 = arith.constant 0 : i32
      %dma_wait3A_56 = tpu.memref_slice %arg9[%run_scoped3A_15, %dma_wait3A, %dma_wait3A_55] : memref<2x128x128xf32, #tpu.memory_space<vmem>> -> memref<1x128x128xf32, #tpu.memory_space<vmem>>
      %dma_wait3A_57 = tpu.memref_squeeze %dma_wait3A_56 : memref<1x128x128xf32, #tpu.memory_space<vmem>> -> memref<128x128xf32, #tpu.memory_space<vmem>>
      %dma_wait3A_58 = arith.constant 0 : i32
      %dma_wait3A_59 = tpu.memref_slice %arg6[%add3A_14, %dma_wait3A_58] : memref<10112x128xf32, #tpu.memory_space<vmem_shared>> -> memref<128x128xf32, #tpu.memory_space<vmem_shared>>
      %dma_wait3A_60 = arith.constant 0 : i32
      %dma_wait3A_61 = tpu.memref_slice %arg6[%add3A_14, %dma_wait3A_60] : memref<10112x128xf32, #tpu.memory_space<vmem_shared>> -> memref<128x128xf32, #tpu.memory_space<vmem_shared>>
      %dma_wait3A_62 = arith.constant 0 : i32
      %dma_wait3A_63 = arith.constant 0 : i32
      %dma_wait3A_64 = tpu.memref_slice %arg9[%run_scoped3A_15, %dma_wait3A_62, %dma_wait3A_63] : memref<2x128x128xf32, #tpu.memory_space<vmem>> -> memref<1x128x128xf32, #tpu.memory_space<vmem>>
      %dma_wait3A_65 = tpu.memref_squeeze %dma_wait3A_64 : memref<1x128x128xf32, #tpu.memory_space<vmem>> -> memref<128x128xf32, #tpu.memory_space<vmem>>
      tpu.wait_dma2 semaphore(%run_scoped3A_43 : memref<!tpu.dma_semaphore, #tpu.memory_space<semaphore_mem>>) src(%dma_wait3A_65 : memref<128x128xf32, #tpu.memory_space<vmem>>) dst(%dma_wait3A_61 : memref<128x128xf32, #tpu.memory_space<vmem_shared>>)
      tpu.yield
    }) : () -> ()
    %mul3A_16 = arith.constant 632 : i32
    %mul3A_17 = arith.muli %arg1, %mul3A_16 : i32
    %add3A_18 = arith.constant 256 : i32
    %add3A_19 = arith.addi %mul3A_17, %add3A_18 : i32
    %run_scoped3A_20 = arith.constant 0 : i32
    "tpu.region"() ({
      %run_scoped3A_43 = tpu.sem_alloc : memref<!tpu.dma_semaphore, #tpu.memory_space<semaphore_mem>>
      %dma_start3A = arith.constant 0 : i32
      %dma_start3A_44 = arith.constant 0 : i32
      %dma_start3A_45 = tpu.memref_slice %arg9[%run_scoped3A_20, %dma_start3A, %dma_start3A_44] : memref<2x128x128xf32, #tpu.memory_space<vmem>> -> memref<1x128x128xf32, #tpu.memory_space<vmem>>
      %dma_start3A_46 = tpu.memref_squeeze %dma_start3A_45 : memref<1x128x128xf32, #tpu.memory_space<vmem>> -> memref<128x128xf32, #tpu.memory_space<vmem>>
      %dma_start3A_47 = arith.constant 0 : i32
      %dma_start3A_48 = tpu.memref_slice %arg6[%add3A_19, %dma_start3A_47] : memref<10112x128xf32, #tpu.memory_space<vmem_shared>> -> memref<128x128xf32, #tpu.memory_space<vmem_shared>>
      %dma_start3A_49 = arith.constant 0 : i32
      %dma_start3A_50 = tpu.memref_slice %arg6[%add3A_19, %dma_start3A_49] : memref<10112x128xf32, #tpu.memory_space<vmem_shared>> -> memref<128x128xf32, #tpu.memory_space<vmem_shared>>
      %dma_start3A_51 = arith.constant 0 : i32
      %dma_start3A_52 = arith.constant 0 : i32
      %dma_start3A_53 = tpu.memref_slice %arg9[%run_scoped3A_20, %dma_start3A_51, %dma_start3A_52] : memref<2x128x128xf32, #tpu.memory_space<vmem>> -> memref<1x128x128xf32, #tpu.memory_space<vmem>>
      %dma_start3A_54 = tpu.memref_squeeze %dma_start3A_53 : memref<1x128x128xf32, #tpu.memory_space<vmem>> -> memref<128x128xf32, #tpu.memory_space<vmem>>
      tpu.enqueue_dma source(%dma_start3A_54 : memref<128x128xf32, #tpu.memory_space<vmem>>) target(%dma_start3A_50 : memref<128x128xf32, #tpu.memory_space<vmem_shared>>) target_semaphore(%run_scoped3A_43 : memref<!tpu.dma_semaphore, #tpu.memory_space<semaphore_mem>>)
      %dma_wait3A = arith.constant 0 : i32
      %dma_wait3A_55 = arith.constant 0 : i32
      %dma_wait3A_56 = tpu.memref_slice %arg9[%run_scoped3A_20, %dma_wait3A, %dma_wait3A_55] : memref<2x128x128xf32, #tpu.memory_space<vmem>> -> memref<1x128x128xf32, #tpu.memory_space<vmem>>
      %dma_wait3A_57 = tpu.memref_squeeze %dma_wait3A_56 : memref<1x128x128xf32, #tpu.memory_space<vmem>> -> memref<128x128xf32, #tpu.memory_space<vmem>>
      %dma_wait3A_58 = arith.constant 0 : i32
      %dma_wait3A_59 = tpu.memref_slice %arg6[%add3A_19, %dma_wait3A_58] : memref<10112x128xf32, #tpu.memory_space<vmem_shared>> -> memref<128x128xf32, #tpu.memory_space<vmem_shared>>
      %dma_wait3A_60 = arith.constant 0 : i32
      %dma_wait3A_61 = tpu.memref_slice %arg6[%add3A_19, %dma_wait3A_60] : memref<10112x128xf32, #tpu.memory_space<vmem_shared>> -> memref<128x128xf32, #tpu.memory_space<vmem_shared>>
      %dma_wait3A_62 = arith.constant 0 : i32
      %dma_wait3A_63 = arith.constant 0 : i32
      %dma_wait3A_64 = tpu.memref_slice %arg9[%run_scoped3A_20, %dma_wait3A_62, %dma_wait3A_63] : memref<2x128x128xf32, #tpu.memory_space<vmem>> -> memref<1x128x128xf32, #tpu.memory_space<vmem>>
      %dma_wait3A_65 = tpu.memref_squeeze %dma_wait3A_64 : memref<1x128x128xf32, #tpu.memory_space<vmem>> -> memref<128x128xf32, #tpu.memory_space<vmem>>
      tpu.wait_dma2 semaphore(%run_scoped3A_43 : memref<!tpu.dma_semaphore, #tpu.memory_space<semaphore_mem>>) src(%dma_wait3A_65 : memref<128x128xf32, #tpu.memory_space<vmem>>) dst(%dma_wait3A_61 : memref<128x128xf32, #tpu.memory_space<vmem_shared>>)
      tpu.yield
    }) : () -> ()
    %mul3A_21 = arith.constant 632 : i32
    %mul3A_22 = arith.muli %arg1, %mul3A_21 : i32
    %add3A_23 = arith.constant 384 : i32
    %add3A_24 = arith.addi %mul3A_22, %add3A_23 : i32
    %run_scoped3A_25 = arith.constant 0 : i32
    "tpu.region"() ({
      %run_scoped3A_43 = tpu.sem_alloc : memref<!tpu.dma_semaphore, #tpu.memory_space<semaphore_mem>>
      %dma_start3A = arith.constant 0 : i32
      %dma_start3A_44 = arith.constant 0 : i32
      %dma_start3A_45 = tpu.memref_slice %arg9[%run_scoped3A_25, %dma_start3A, %dma_start3A_44] : memref<2x128x128xf32, #tpu.memory_space<vmem>> -> memref<1x128x128xf32, #tpu.memory_space<vmem>>
      %dma_start3A_46 = tpu.memref_squeeze %dma_start3A_45 : memref<1x128x128xf32, #tpu.memory_space<vmem>> -> memref<128x128xf32, #tpu.memory_space<vmem>>
      %dma_start3A_47 = arith.constant 0 : i32
      %dma_start3A_48 = tpu.memref_slice %arg6[%add3A_24, %dma_start3A_47] : memref<10112x128xf32, #tpu.memory_space<vmem_shared>> -> memref<128x128xf32, #tpu.memory_space<vmem_shared>>
      %dma_start3A_49 = arith.constant 0 : i32
      %dma_start3A_50 = tpu.memref_slice %arg6[%add3A_24, %dma_start3A_49] : memref<10112x128xf32, #tpu.memory_space<vmem_shared>> -> memref<128x128xf32, #tpu.memory_space<vmem_shared>>
      %dma_start3A_51 = arith.constant 0 : i32
      %dma_start3A_52 = arith.constant 0 : i32
      %dma_start3A_53 = tpu.memref_slice %arg9[%run_scoped3A_25, %dma_start3A_51, %dma_start3A_52] : memref<2x128x128xf32, #tpu.memory_space<vmem>> -> memref<1x128x128xf32, #tpu.memory_space<vmem>>
      %dma_start3A_54 = tpu.memref_squeeze %dma_start3A_53 : memref<1x128x128xf32, #tpu.memory_space<vmem>> -> memref<128x128xf32, #tpu.memory_space<vmem>>
      tpu.enqueue_dma source(%dma_start3A_54 : memref<128x128xf32, #tpu.memory_space<vmem>>) target(%dma_start3A_50 : memref<128x128xf32, #tpu.memory_space<vmem_shared>>) target_semaphore(%run_scoped3A_43 : memref<!tpu.dma_semaphore, #tpu.memory_space<semaphore_mem>>)
      %dma_wait3A = arith.constant 0 : i32
      %dma_wait3A_55 = arith.constant 0 : i32
      %dma_wait3A_56 = tpu.memref_slice %arg9[%run_scoped3A_25, %dma_wait3A, %dma_wait3A_55] : memref<2x128x128xf32, #tpu.memory_space<vmem>> -> memref<1x128x128xf32, #tpu.memory_space<vmem>>
      %dma_wait3A_57 = tpu.memref_squeeze %dma_wait3A_56 : memref<1x128x128xf32, #tpu.memory_space<vmem>> -> memref<128x128xf32, #tpu.memory_space<vmem>>
      %dma_wait3A_58 = arith.constant 0 : i32
      %dma_wait3A_59 = tpu.memref_slice %arg6[%add3A_24, %dma_wait3A_58] : memref<10112x128xf32, #tpu.memory_space<vmem_shared>> -> memref<128x128xf32, #tpu.memory_space<vmem_shared>>
      %dma_wait3A_60 = arith.constant 0 : i32
      %dma_wait3A_61 = tpu.memref_slice %arg6[%add3A_24, %dma_wait3A_60] : memref<10112x128xf32, #tpu.memory_space<vmem_shared>> -> memref<128x128xf32, #tpu.memory_space<vmem_shared>>
      %dma_wait3A_62 = arith.constant 0 : i32
      %dma_wait3A_63 = arith.constant 0 : i32
      %dma_wait3A_64 = tpu.memref_slice %arg9[%run_scoped3A_25, %dma_wait3A_62, %dma_wait3A_63] : memref<2x128x128xf32, #tpu.memory_space<vmem>> -> memref<1x128x128xf32, #tpu.memory_space<vmem>>
      %dma_wait3A_65 = tpu.memref_squeeze %dma_wait3A_64 : memref<1x128x128xf32, #tpu.memory_space<vmem>> -> memref<128x128xf32, #tpu.memory_space<vmem>>
      tpu.wait_dma2 semaphore(%run_scoped3A_43 : memref<!tpu.dma_semaphore, #tpu.memory_space<semaphore_mem>>) src(%dma_wait3A_65 : memref<128x128xf32, #tpu.memory_space<vmem>>) dst(%dma_wait3A_61 : memref<128x128xf32, #tpu.memory_space<vmem_shared>>)
      tpu.yield
    }) : () -> ()
    %mul3A_26 = arith.constant 632 : i32
    %mul3A_27 = arith.muli %arg1, %mul3A_26 : i32
    %add3A_28 = arith.constant 512 : i32
    %add3A_29 = arith.addi %mul3A_27, %add3A_28 : i32
    %run_scoped3A_30 = arith.constant 0 : i32
    "tpu.region"() ({
      %run_scoped3A_43 = tpu.sem_alloc : memref<!tpu.dma_semaphore, #tpu.memory_space<semaphore_mem>>
      %dma_start3A = arith.constant 0 : i32
      %dma_start3A_44 = arith.constant 0 : i32
      %dma_start3A_45 = tpu.memref_slice %arg9[%run_scoped3A_30, %dma_start3A, %dma_start3A_44] : memref<2x128x128xf32, #tpu.memory_space<vmem>> -> memref<1x120x128xf32, #tpu.memory_space<vmem>>
      %dma_start3A_46 = tpu.memref_squeeze %dma_start3A_45 : memref<1x120x128xf32, #tpu.memory_space<vmem>> -> memref<120x128xf32, #tpu.memory_space<vmem>>
      %dma_start3A_47 = arith.constant 0 : i32
      %dma_start3A_48 = tpu.memref_slice %arg6[%add3A_29, %dma_start3A_47] : memref<10112x128xf32, #tpu.memory_space<vmem_shared>> -> memref<120x128xf32, #tpu.memory_space<vmem_shared>>
      %dma_start3A_49 = arith.constant 0 : i32
      %dma_start3A_50 = tpu.memref_slice %arg6[%add3A_29, %dma_start3A_49] : memref<10112x128xf32, #tpu.memory_space<vmem_shared>> -> memref<120x128xf32, #tpu.memory_space<vmem_shared>>
      %dma_start3A_51 = arith.constant 0 : i32
      %dma_start3A_52 = arith.constant 0 : i32
      %dma_start3A_53 = tpu.memref_slice %arg9[%run_scoped3A_30, %dma_start3A_51, %dma_start3A_52] : memref<2x128x128xf32, #tpu.memory_space<vmem>> -> memref<1x120x128xf32, #tpu.memory_space<vmem>>
      %dma_start3A_54 = tpu.memref_squeeze %dma_start3A_53 : memref<1x120x128xf32, #tpu.memory_space<vmem>> -> memref<120x128xf32, #tpu.memory_space<vmem>>
      tpu.enqueue_dma source(%dma_start3A_54 : memref<120x128xf32, #tpu.memory_space<vmem>>) target(%dma_start3A_50 : memref<120x128xf32, #tpu.memory_space<vmem_shared>>) target_semaphore(%run_scoped3A_43 : memref<!tpu.dma_semaphore, #tpu.memory_space<semaphore_mem>>)
      %dma_wait3A = arith.constant 0 : i32
      %dma_wait3A_55 = arith.constant 0 : i32
      %dma_wait3A_56 = tpu.memref_slice %arg9[%run_scoped3A_30, %dma_wait3A, %dma_wait3A_55] : memref<2x128x128xf32, #tpu.memory_space<vmem>> -> memref<1x120x128xf32, #tpu.memory_space<vmem>>
      %dma_wait3A_57 = tpu.memref_squeeze %dma_wait3A_56 : memref<1x120x128xf32, #tpu.memory_space<vmem>> -> memref<120x128xf32, #tpu.memory_space<vmem>>
      %dma_wait3A_58 = arith.constant 0 : i32
      %dma_wait3A_59 = tpu.memref_slice %arg6[%add3A_29, %dma_wait3A_58] : memref<10112x128xf32, #tpu.memory_space<vmem_shared>> -> memref<120x128xf32, #tpu.memory_space<vmem_shared>>
      %dma_wait3A_60 = arith.constant 0 : i32
      %dma_wait3A_61 = tpu.memref_slice %arg6[%add3A_29, %dma_wait3A_60] : memref<10112x128xf32, #tpu.memory_space<vmem_shared>> -> memref<120x128xf32, #tpu.memory_space<vmem_shared>>
      %dma_wait3A_62 = arith.constant 0 : i32
      %dma_wait3A_63 = arith.constant 0 : i32
      %dma_wait3A_64 = tpu.memref_slice %arg9[%run_scoped3A_30, %dma_wait3A_62, %dma_wait3A_63] : memref<2x128x128xf32, #tpu.memory_space<vmem>> -> memref<1x120x128xf32, #tpu.memory_space<vmem>>
      %dma_wait3A_65 = tpu.memref_squeeze %dma_wait3A_64 : memref<1x120x128xf32, #tpu.memory_space<vmem>> -> memref<120x128xf32, #tpu.memory_space<vmem>>
      tpu.wait_dma2 semaphore(%run_scoped3A_43 : memref<!tpu.dma_semaphore, #tpu.memory_space<semaphore_mem>>) src(%dma_wait3A_65 : memref<120x128xf32, #tpu.memory_space<vmem>>) dst(%dma_wait3A_61 : memref<120x128xf32, #tpu.memory_space<vmem_shared>>)
      tpu.yield
    }) : () -> ()
    %barrier3A = arith.constant 0 : index
    tpu.barrier barrier_id(%barrier3A)
    %scan3A_31 = arith.constant 0 : i32
    %scan3A_32 = arith.constant 0 : i32
    %scan3A_33 = arith.constant 2 : i32
    %scan3A_34 = arith.addi %scan3A_32, %scan3A_33 : i32
    %scan3A_35 = arith.constant 1 : i32
    %scan3A_36 = scf.for %scan3A_43 = %scan3A_32 to %scan3A_34 step %scan3A_35 iter_args(%scan3A_44 = %scan3A_31) -> (i32)  : i32 {
      %mul3A_45 = arith.constant 80 : i32
      %mul3A_46 = arith.muli %add3A, %mul3A_45 : i32
      %mul3A_47 = arith.constant 40 : i32
      %mul3A_48 = arith.muli %scan3A_43, %mul3A_47 : i32
      %add3A_49 = arith.addi %mul3A_46, %mul3A_48 : i32
      "tpu.region"() ({
        %run_scoped3A_1089 = tpu.sem_alloc : memref<!tpu.dma_semaphore, #tpu.memory_space<semaphore_mem>>
        %dma_start3A_1090 = arith.constant 0 : i32
        %dma_start3A_1091 = tpu.memref_slice %arg3[%add3A_49, %dma_start3A_1090] : memref<2560x128xi32, #tpu.memory_space<hbm>> -> memref<40x128xi32, #tpu.memory_space<hbm>>
        %dma_start3A_1092 = arith.constant 0 : i32
        %dma_start3A_1093 = tpu.memref_slice %arg3[%add3A_49, %dma_start3A_1092] : memref<2560x128xi32, #tpu.memory_space<hbm>> -> memref<40x128xi32, #tpu.memory_space<hbm>>
        tpu.enqueue_dma source(%dma_start3A_1093 : memref<40x128xi32, #tpu.memory_space<hbm>>) target(%arg7 : memref<40x128xi32, #tpu.memory_space<vmem>>) target_semaphore(%run_scoped3A_1089 : memref<!tpu.dma_semaphore, #tpu.memory_space<semaphore_mem>>)
        %dma_wait3A_1094 = arith.constant 0 : i32
        %dma_wait3A_1095 = tpu.memref_slice %arg3[%add3A_49, %dma_wait3A_1094] : memref<2560x128xi32, #tpu.memory_space<hbm>> -> memref<40x128xi32, #tpu.memory_space<hbm>>
        %dma_wait3A_1096 = arith.constant 0 : i32
        %dma_wait3A_1097 = tpu.memref_slice %arg3[%add3A_49, %dma_wait3A_1096] : memref<2560x128xi32, #tpu.memory_space<hbm>> -> memref<40x128xi32, #tpu.memory_space<hbm>>
        tpu.wait_dma2 semaphore(%run_scoped3A_1089 : memref<!tpu.dma_semaphore, #tpu.memory_space<semaphore_mem>>) src(%dma_wait3A_1097 : memref<40x128xi32, #tpu.memory_space<hbm>>) dst(%arg7 : memref<40x128xi32, #tpu.memory_space<vmem>>)
        tpu.yield
      }) : () -> ()
      "tpu.region"() ({
        %run_scoped3A_1089 = tpu.sem_alloc : memref<!tpu.dma_semaphore, #tpu.memory_space<semaphore_mem>>
        %dma_start3A_1090 = arith.constant 0 : i32
        %dma_start3A_1091 = tpu.memref_slice %arg4[%add3A_49, %dma_start3A_1090] : memref<2560x128xi32, #tpu.memory_space<hbm>> -> memref<40x128xi32, #tpu.memory_space<hbm>>
        %dma_start3A_1092 = arith.constant 0 : i32
        %dma_start3A_1093 = tpu.memref_slice %arg4[%add3A_49, %dma_start3A_1092] : memref<2560x128xi32, #tpu.memory_space<hbm>> -> memref<40x128xi32, #tpu.memory_space<hbm>>
        tpu.enqueue_dma source(%dma_start3A_1093 : memref<40x128xi32, #tpu.memory_space<hbm>>) target(%arg8 : memref<40x128xi32, #tpu.memory_space<vmem>>) target_semaphore(%run_scoped3A_1089 : memref<!tpu.dma_semaphore, #tpu.memory_space<semaphore_mem>>)
        %dma_wait3A_1094 = arith.constant 0 : i32
        %dma_wait3A_1095 = tpu.memref_slice %arg4[%add3A_49, %dma_wait3A_1094] : memref<2560x128xi32, #tpu.memory_space<hbm>> -> memref<40x128xi32, #tpu.memory_space<hbm>>
        %dma_wait3A_1096 = arith.constant 0 : i32
        %dma_wait3A_1097 = tpu.memref_slice %arg4[%add3A_49, %dma_wait3A_1096] : memref<2560x128xi32, #tpu.memory_space<hbm>> -> memref<40x128xi32, #tpu.memory_space<hbm>>
        tpu.wait_dma2 semaphore(%run_scoped3A_1089 : memref<!tpu.dma_semaphore, #tpu.memory_space<semaphore_mem>>) src(%dma_wait3A_1097 : memref<40x128xi32, #tpu.memory_space<hbm>>) dst(%arg8 : memref<40x128xi32, #tpu.memory_space<vmem>>)
        tpu.yield
      }) : () -> ()
      %dma_start3A = arith.constant 0 : i32
      %dma_start3A_50 = arith.constant 0 : i32
      %dma_start3A_51 = arith.constant 0 : i32
      %dma_start3A_52 = arith.constant 0 : i32
      %dma_start3A_53 = tpu.memref_slice %arg9[%dma_start3A_50, %dma_start3A_51, %dma_start3A_52] : memref<2x128x128xf32, #tpu.memory_space<vmem>> -> memref<1x128x128xf32, #tpu.memory_space<vmem>>
      %dma_start3A_54 = tpu.memref_squeeze %dma_start3A_53 : memref<1x128x128xf32, #tpu.memory_space<vmem>> -> memref<128x128xf32, #tpu.memory_space<vmem>>
      %dma_start3A_55 = arith.constant 0 : i32
      %dma_start3A_56 = tpu.memref_slice %arg7[%dma_start3A, %dma_start3A_55] : memref<40x128xi32, #tpu.memory_space<vmem>> -> memref<1x128xi32, #tpu.memory_space<vmem>>
      %dma_start3A_57 = tpu.memref_squeeze %dma_start3A_56 : memref<1x128xi32, #tpu.memory_space<vmem>> -> memref<128xi32, #tpu.memory_space<vmem>>
      %dma_start3A_58 = arith.constant 0 : i32
      %dma_start3A_59 = arith.constant 0 : i32
      %dma_start3A_60 = tpu.memref_slice %arg2[%dma_start3A_58, %dma_start3A_59] : memref<10112x128xf32, #tpu.memory_space<hbm>> -> memref<10112x128xf32, #tpu.memory_space<hbm>>
      tpu.enqueue_indirect_dma source(%dma_start3A_60 : memref<10112x128xf32, #tpu.memory_space<hbm>>) target(%dma_start3A_54 : memref<128x128xf32, #tpu.memory_space<vmem>>) offsets(%dma_start3A_57 : memref<128xi32, #tpu.memory_space<vmem>>) semaphore(%arg10 : memref<!tpu.dma_semaphore, #tpu.memory_space<semaphore_mem>>)
      %dma_start3A_61 = arith.constant 1 : i32
      %dma_start3A_62 = arith.constant 1 : i32
      %dma_start3A_63 = arith.constant 0 : i32
      %dma_start3A_64 = arith.constant 0 : i32
      %dma_start3A_65 = tpu.memref_slice %arg9[%dma_start3A_62, %dma_start3A_63, %dma_start3A_64] : memref<2x128x128xf32, #tpu.memory_space<vmem>> -> memref<1x128x128xf32, #tpu.memory_space<vmem>>
      %dma_start3A_66 = tpu.memref_squeeze %dma_start3A_65 : memref<1x128x128xf32, #tpu.memory_space<vmem>> -> memref<128x128xf32, #tpu.memory_space<vmem>>
      %dma_start3A_67 = arith.constant 0 : i32
      %dma_start3A_68 = tpu.memref_slice %arg7[%dma_start3A_61, %dma_start3A_67] : memref<40x128xi32, #tpu.memory_space<vmem>> -> memref<1x128xi32, #tpu.memory_space<vmem>>
      %dma_start3A_69 = tpu.memref_squeeze %dma_start3A_68 : memref<1x128xi32, #tpu.memory_space<vmem>> -> memref<128xi32, #tpu.memory_space<vmem>>
      %dma_start3A_70 = arith.constant 0 : i32
      %dma_start3A_71 = arith.constant 0 : i32
      %dma_start3A_72 = tpu.memref_slice %arg2[%dma_start3A_70, %dma_start3A_71] : memref<10112x128xf32, #tpu.memory_space<hbm>> -> memref<10112x128xf32, #tpu.memory_space<hbm>>
      tpu.enqueue_indirect_dma source(%dma_start3A_72 : memref<10112x128xf32, #tpu.memory_space<hbm>>) target(%dma_start3A_66 : memref<128x128xf32, #tpu.memory_space<vmem>>) offsets(%dma_start3A_69 : memref<128xi32, #tpu.memory_space<vmem>>) semaphore(%arg11 : memref<!tpu.dma_semaphore, #tpu.memory_space<semaphore_mem>>)
      %dma_wait3A = arith.constant 0 : i32
      %dma_wait3A_73 = arith.constant 0 : i32
      %dma_wait3A_74 = arith.constant 0 : i32
      %dma_wait3A_75 = arith.constant 0 : i32
      %dma_wait3A_76 = tpu.memref_slice %arg9[%dma_wait3A_73, %dma_wait3A_74, %dma_wait3A_75] : memref<2x128x128xf32, #tpu.memory_space<vmem>> -> memref<1x128x128xf32, #tpu.memory_space<vmem>>
      %dma_wait3A_77 = tpu.memref_squeeze %dma_wait3A_76 : memref<1x128x128xf32, #tpu.memory_space<vmem>> -> memref<128x128xf32, #tpu.memory_space<vmem>>
      %dma_wait3A_78 = arith.constant 0 : i32
      %dma_wait3A_79 = tpu.memref_slice %arg7[%dma_wait3A, %dma_wait3A_78] : memref<40x128xi32, #tpu.memory_space<vmem>> -> memref<1x128xi32, #tpu.memory_space<vmem>>
      %dma_wait3A_80 = tpu.memref_squeeze %dma_wait3A_79 : memref<1x128xi32, #tpu.memory_space<vmem>> -> memref<128xi32, #tpu.memory_space<vmem>>
      %dma_wait3A_81 = arith.constant 0 : i32
      %dma_wait3A_82 = arith.constant 0 : i32
      %dma_wait3A_83 = tpu.memref_slice %arg2[%dma_wait3A_81, %dma_wait3A_82] : memref<10112x128xf32, #tpu.memory_space<hbm>> -> memref<10112x128xf32, #tpu.memory_space<hbm>>
      tpu.wait_indirect_dma semaphore(%arg10 : memref<!tpu.dma_semaphore, #tpu.memory_space<semaphore_mem>>) src(%dma_wait3A_83 : memref<10112x128xf32, #tpu.memory_space<hbm>>) dst(%dma_wait3A_77 : memref<128x128xf32, #tpu.memory_space<vmem>>)
      %run_scoped3A_84 = arith.constant 0 : i32
      %run_scoped3A_85 = arith.constant 0 : i32
      "tpu.region"() ({
        %run_scoped3A_1089 = tpu.sem_alloc : memref<!tpu.dma_semaphore, #tpu.memory_space<semaphore_mem>>
        %dma_start3A_1090 = arith.constant 0 : i32
        %dma_start3A_1091 = arith.constant 0 : i32
        %dma_start3A_1092 = tpu.memref_slice %arg9[%run_scoped3A_84, %dma_start3A_1090, %dma_start3A_1091] : memref<2x128x128xf32, #tpu.memory_space<vmem>> -> memref<1x128x128xf32, #tpu.memory_space<vmem>>
        %dma_start3A_1093 = tpu.memref_squeeze %dma_start3A_1092 : memref<1x128x128xf32, #tpu.memory_space<vmem>> -> memref<128x128xf32, #tpu.memory_space<vmem>>
        %dma_start3A_1094 = arith.constant 0 : i32
        %dma_start3A_1095 = tpu.memref_slice %arg8[%run_scoped3A_85, %dma_start3A_1094] : memref<40x128xi32, #tpu.memory_space<vmem>> -> memref<1x128xi32, #tpu.memory_space<vmem>>
        %dma_start3A_1096 = tpu.memref_squeeze %dma_start3A_1095 : memref<1x128xi32, #tpu.memory_space<vmem>> -> memref<128xi32, #tpu.memory_space<vmem>>
        %dma_start3A_1097 = arith.constant 0 : i32
        %dma_start3A_1098 = arith.constant 0 : i32
        %dma_start3A_1099 = tpu.memref_slice %arg6[%dma_start3A_1097, %dma_start3A_1098] : memref<10112x128xf32, #tpu.memory_space<vmem_shared>> -> memref<10112x128xf32, #tpu.memory_space<vmem_shared>>
        tpu.enqueue_indirect_dma source(%dma_start3A_1093 : memref<128x128xf32, #tpu.memory_space<vmem>>) target(%dma_start3A_1099 : memref<10112x128xf32, #tpu.memory_space<vmem_shared>>) offsets(%dma_start3A_1096 : memref<128xi32, #tpu.memory_space<vmem>>) semaphore(%run_scoped3A_1089 : memref<!tpu.dma_semaphore, #tpu.memory_space<semaphore_mem>>) {add = true}
        %dma_wait3A_1100 = arith.constant 0 : i32
        %dma_wait3A_1101 = arith.constant 0 : i32
        %dma_wait3A_1102 = tpu.memref_slice %arg9[%run_scoped3A_84, %dma_wait3A_1100, %dma_wait3A_1101] : memref<2x128x128xf32, #tpu.memory_space<vmem>> -> memref<1x128x128xf32, #tpu.memory_space<vmem>>
        %dma_wait3A_1103 = tpu.memref_squeeze %dma_wait3A_1102 : memref<1x128x128xf32, #tpu.memory_space<vmem>> -> memref<128x128xf32, #tpu.memory_space<vmem>>
        %dma_wait3A_1104 = arith.constant 0 : i32
        %dma_wait3A_1105 = tpu.memref_slice %arg8[%run_scoped3A_85, %dma_wait3A_1104] : memref<40x128xi32, #tpu.memory_space<vmem>> -> memref<1x128xi32, #tpu.memory_space<vmem>>
        %dma_wait3A_1106 = tpu.memref_squeeze %dma_wait3A_1105 : memref<1x128xi32, #tpu.memory_space<vmem>> -> memref<128xi32, #tpu.memory_space<vmem>>
        %dma_wait3A_1107 = arith.constant 0 : i32
        %dma_wait3A_1108 = arith.constant 0 : i32
        %dma_wait3A_1109 = tpu.memref_slice %arg6[%dma_wait3A_1107, %dma_wait3A_1108] : memref<10112x128xf32, #tpu.memory_space<vmem_shared>> -> memref<10112x128xf32, #tpu.memory_space<vmem_shared>>
        tpu.wait_indirect_dma semaphore(%run_scoped3A_1089 : memref<!tpu.dma_semaphore, #tpu.memory_space<semaphore_mem>>) src(%dma_wait3A_1103 : memref<128x128xf32, #tpu.memory_space<vmem>>) dst(%dma_wait3A_1109 : memref<10112x128xf32, #tpu.memory_space<vmem_shared>>)
        tpu.yield
      }) : () -> ()
      %dma_start3A_86 = arith.constant 2 : i32
      %dma_start3A_87 = arith.constant 0 : i32
      %dma_start3A_88 = arith.constant 0 : i32
      %dma_start3A_89 = arith.constant 0 : i32
      %dma_start3A_90 = tpu.memref_slice %arg9[%dma_start3A_87, %dma_start3A_88, %dma_start3A_89] : memref<2x128x128xf32, #tpu.memory_space<vmem>> -> memref<1x128x128xf32, #tpu.memory_space<vmem>>
      %dma_start3A_91 = tpu.memref_squeeze %dma_start3A_90 : memref<1x128x128xf32, #tpu.memory_space<vmem>> -> memref<128x128xf32, #tpu.memory_space<vmem>>
      %dma_start3A_92 = arith.constant 0 : i32
      %dma_start3A_93 = tpu.memref_slice %arg7[%dma_start3A_86, %dma_start3A_92] : memref<40x128xi32, #tpu.memory_space<vmem>> -> memref<1x128xi32, #tpu.memory_space<vmem>>
      %dma_start3A_94 = tpu.memref_squeeze %dma_start3A_93 : memref<1x128xi32, #tpu.memory_space<vmem>> -> memref<128xi32, #tpu.memory_space<vmem>>
      %dma_start3A_95 = arith.constant 0 : i32
      %dma_start3A_96 = arith.constant 0 : i32
      %dma_start3A_97 = tpu.memref_slice %arg2[%dma_start3A_95, %dma_start3A_96] : memref<10112x128xf32, #tpu.memory_space<hbm>> -> memref<10112x128xf32, #tpu.memory_space<hbm>>
      tpu.enqueue_indirect_dma source(%dma_start3A_97 : memref<10112x128xf32, #tpu.memory_space<hbm>>) target(%dma_start3A_91 : memref<128x128xf32, #tpu.memory_space<vmem>>) offsets(%dma_start3A_94 : memref<128xi32, #tpu.memory_space<vmem>>) semaphore(%arg10 : memref<!tpu.dma_semaphore, #tpu.memory_space<semaphore_mem>>)
      %dma_wait3A_98 = arith.constant 1 : i32
      %dma_wait3A_99 = arith.constant 1 : i32
      %dma_wait3A_100 = arith.constant 0 : i32
      %dma_wait3A_101 = arith.constant 0 : i32
      %dma_wait3A_102 = tpu.memref_slice %arg9[%dma_wait3A_99, %dma_wait3A_100, %dma_wait3A_101] : memref<2x128x128xf32, #tpu.memory_space<vmem>> -> memref<1x128x128xf32, #tpu.memory_space<vmem>>
      %dma_wait3A_103 = tpu.memref_squeeze %dma_wait3A_102 : memref<1x128x128xf32, #tpu.memory_space<vmem>> -> memref<128x128xf32, #tpu.memory_space<vmem>>
      %dma_wait3A_104 = arith.constant 0 : i32
      %dma_wait3A_105 = tpu.memref_slice %arg7[%dma_wait3A_98, %dma_wait3A_104] : memref<40x128xi32, #tpu.memory_space<vmem>> -> memref<1x128xi32, #tpu.memory_space<vmem>>
      %dma_wait3A_106 = tpu.memref_squeeze %dma_wait3A_105 : memref<1x128xi32, #tpu.memory_space<vmem>> -> memref<128xi32, #tpu.memory_space<vmem>>
      %dma_wait3A_107 = arith.constant 0 : i32
      %dma_wait3A_108 = arith.constant 0 : i32
      %dma_wait3A_109 = tpu.memref_slice %arg2[%dma_wait3A_107, %dma_wait3A_108] : memref<10112x128xf32, #tpu.memory_space<hbm>> -> memref<10112x128xf32, #tpu.memory_space<hbm>>
      tpu.wait_indirect_dma semaphore(%arg11 : memref<!tpu.dma_semaphore, #tpu.memory_space<semaphore_mem>>) src(%dma_wait3A_109 : memref<10112x128xf32, #tpu.memory_space<hbm>>) dst(%dma_wait3A_103 : memref<128x128xf32, #tpu.memory_space<vmem>>)
      %run_scoped3A_110 = arith.constant 1 : i32
      %run_scoped3A_111 = arith.constant 1 : i32
      "tpu.region"() ({
        %run_scoped3A_1089 = tpu.sem_alloc : memref<!tpu.dma_semaphore, #tpu.memory_space<semaphore_mem>>
        %dma_start3A_1090 = arith.constant 0 : i32
        %dma_start3A_1091 = arith.constant 0 : i32
        %dma_start3A_1092 = tpu.memref_slice %arg9[%run_scoped3A_110, %dma_start3A_1090, %dma_start3A_1091] : memref<2x128x128xf32, #tpu.memory_space<vmem>> -> memref<1x128x128xf32, #tpu.memory_space<vmem>>
        %dma_start3A_1093 = tpu.memref_squeeze %dma_start3A_1092 : memref<1x128x128xf32, #tpu.memory_space<vmem>> -> memref<128x128xf32, #tpu.memory_space<vmem>>
        %dma_start3A_1094 = arith.constant 0 : i32
        %dma_start3A_1095 = tpu.memref_slice %arg8[%run_scoped3A_111, %dma_start3A_1094] : memref<40x128xi32, #tpu.memory_space<vmem>> -> memref<1x128xi32, #tpu.memory_space<vmem>>
        %dma_start3A_1096 = tpu.memref_squeeze %dma_start3A_1095 : memref<1x128xi32, #tpu.memory_space<vmem>> -> memref<128xi32, #tpu.memory_space<vmem>>
        %dma_start3A_1097 = arith.constant 0 : i32
        %dma_start3A_1098 = arith.constant 0 : i32
        %dma_start3A_1099 = tpu.memref_slice %arg6[%dma_start3A_1097, %dma_start3A_1098] : memref<10112x128xf32, #tpu.memory_space<vmem_shared>> -> memref<10112x128xf32, #tpu.memory_space<vmem_shared>>
        tpu.enqueue_indirect_dma source(%dma_start3A_1093 : memref<128x128xf32, #tpu.memory_space<vmem>>) target(%dma_start3A_1099 : memref<10112x128xf32, #tpu.memory_space<vmem_shared>>) offsets(%dma_start3A_1096 : memref<128xi32, #tpu.memory_space<vmem>>) semaphore(%run_scoped3A_1089 : memref<!tpu.dma_semaphore, #tpu.memory_space<semaphore_mem>>) {add = true}
        %dma_wait3A_1100 = arith.constant 0 : i32
        %dma_wait3A_1101 = arith.constant 0 : i32
        %dma_wait3A_1102 = tpu.memref_slice %arg9[%run_scoped3A_110, %dma_wait3A_1100, %dma_wait3A_1101] : memref<2x128x128xf32, #tpu.memory_space<vmem>> -> memref<1x128x128xf32, #tpu.memory_space<vmem>>
        %dma_wait3A_1103 = tpu.memref_squeeze %dma_wait3A_1102 : memref<1x128x128xf32, #tpu.memory_space<vmem>> -> memref<128x128xf32, #tpu.memory_space<vmem>>
        %dma_wait3A_1104 = arith.constant 0 : i32
        %dma_wait3A_1105 = tpu.memref_slice %arg8[%run_scoped3A_111, %dma_wait3A_1104] : memref<40x128xi32, #tpu.memory_space<vmem>> -> memref<1x128xi32, #tpu.memory_space<vmem>>
        %dma_wait3A_1106 = tpu.memref_squeeze %dma_wait3A_1105 : memref<1x128xi32, #tpu.memory_space<vmem>> -> memref<128xi32, #tpu.memory_space<vmem>>
        %dma_wait3A_1107 = arith.constant 0 : i32
        %dma_wait3A_1108 = arith.constant 0 : i32
        %dma_wait3A_1109 = tpu.memref_slice %arg6[%dma_wait3A_1107, %dma_wait3A_1108] : memref<10112x128xf32, #tpu.memory_space<vmem_shared>> -> memref<10112x128xf32, #tpu.memory_space<vmem_shared>>
        tpu.wait_indirect_dma semaphore(%run_scoped3A_1089 : memref<!tpu.dma_semaphore, #tpu.memory_space<semaphore_mem>>) src(%dma_wait3A_1103 : memref<128x128xf32, #tpu.memory_space<vmem>>) dst(%dma_wait3A_1109 : memref<10112x128xf32, #tpu.memory_space<vmem_shared>>)
        tpu.yield
      }) : () -> ()
      %dma_start3A_112 = arith.constant 3 : i32
      %dma_start3A_113 = arith.constant 1 : i32
      %dma_start3A_114 = arith.constant 0 : i32
      %dma_start3A_115 = arith.constant 0 : i32
      %dma_start3A_116 = tpu.memref_slice %arg9[%dma_start3A_113, %dma_start3A_114, %dma_start3A_115] : memref<2x128x128xf32, #tpu.memory_space<vmem>> -> memref<1x128x128xf32, #tpu.memory_space<vmem>>
      %dma_start3A_117 = tpu.memref_squeeze %dma_start3A_116 : memref<1x128x128xf32, #tpu.memory_space<vmem>> -> memref<128x128xf32, #tpu.memory_space<vmem>>
      %dma_start3A_118 = arith.constant 0 : i32
      %dma_start3A_119 = tpu.memref_slice %arg7[%dma_start3A_112, %dma_start3A_118] : memref<40x128xi32, #tpu.memory_space<vmem>> -> memref<1x128xi32, #tpu.memory_space<vmem>>
      %dma_start3A_120 = tpu.memref_squeeze %dma_start3A_119 : memref<1x128xi32, #tpu.memory_space<vmem>> -> memref<128xi32, #tpu.memory_space<vmem>>
      %dma_start3A_121 = arith.constant 0 : i32
      %dma_start3A_122 = arith.constant 0 : i32
      %dma_start3A_123 = tpu.memref_slice %arg2[%dma_start3A_121, %dma_start3A_122] : memref<10112x128xf32, #tpu.memory_space<hbm>> -> memref<10112x128xf32, #tpu.memory_space<hbm>>
      tpu.enqueue_indirect_dma source(%dma_start3A_123 : memref<10112x128xf32, #tpu.memory_space<hbm>>) target(%dma_start3A_117 : memref<128x128xf32, #tpu.memory_space<vmem>>) offsets(%dma_start3A_120 : memref<128xi32, #tpu.memory_space<vmem>>) semaphore(%arg11 : memref<!tpu.dma_semaphore, #tpu.memory_space<semaphore_mem>>)
      %dma_wait3A_124 = arith.constant 2 : i32
      %dma_wait3A_125 = arith.constant 0 : i32
      %dma_wait3A_126 = arith.constant 0 : i32
      %dma_wait3A_127 = arith.constant 0 : i32
      %dma_wait3A_128 = tpu.memref_slice %arg9[%dma_wait3A_125, %dma_wait3A_126, %dma_wait3A_127] : memref<2x128x128xf32, #tpu.memory_space<vmem>> -> memref<1x128x128xf32, #tpu.memory_space<vmem>>
      %dma_wait3A_129 = tpu.memref_squeeze %dma_wait3A_128 : memref<1x128x128xf32, #tpu.memory_space<vmem>> -> memref<128x128xf32, #tpu.memory_space<vmem>>
      %dma_wait3A_130 = arith.constant 0 : i32
      %dma_wait3A_131 = tpu.memref_slice %arg7[%dma_wait3A_124, %dma_wait3A_130] : memref<40x128xi32, #tpu.memory_space<vmem>> -> memref<1x128xi32, #tpu.memory_space<vmem>>
      %dma_wait3A_132 = tpu.memref_squeeze %dma_wait3A_131 : memref<1x128xi32, #tpu.memory_space<vmem>> -> memref<128xi32, #tpu.memory_space<vmem>>
      %dma_wait3A_133 = arith.constant 0 : i32
      %dma_wait3A_134 = arith.constant 0 : i32
      %dma_wait3A_135 = tpu.memref_slice %arg2[%dma_wait3A_133, %dma_wait3A_134] : memref<10112x128xf32, #tpu.memory_space<hbm>> -> memref<10112x128xf32, #tpu.memory_space<hbm>>
      tpu.wait_indirect_dma semaphore(%arg10 : memref<!tpu.dma_semaphore, #tpu.memory_space<semaphore_mem>>) src(%dma_wait3A_135 : memref<10112x128xf32, #tpu.memory_space<hbm>>) dst(%dma_wait3A_129 : memref<128x128xf32, #tpu.memory_space<vmem>>)
      %run_scoped3A_136 = arith.constant 0 : i32
      %run_scoped3A_137 = arith.constant 2 : i32
      "tpu.region"() ({
        %run_scoped3A_1089 = tpu.sem_alloc : memref<!tpu.dma_semaphore, #tpu.memory_space<semaphore_mem>>
        %dma_start3A_1090 = arith.constant 0 : i32
        %dma_start3A_1091 = arith.constant 0 : i32
        %dma_start3A_1092 = tpu.memref_slice %arg9[%run_scoped3A_136, %dma_start3A_1090, %dma_start3A_1091] : memref<2x128x128xf32, #tpu.memory_space<vmem>> -> memref<1x128x128xf32, #tpu.memory_space<vmem>>
        %dma_start3A_1093 = tpu.memref_squeeze %dma_start3A_1092 : memref<1x128x128xf32, #tpu.memory_space<vmem>> -> memref<128x128xf32, #tpu.memory_space<vmem>>
        %dma_start3A_1094 = arith.constant 0 : i32
        %dma_start3A_1095 = tpu.memref_slice %arg8[%run_scoped3A_137, %dma_start3A_1094] : memref<40x128xi32, #tpu.memory_space<vmem>> -> memref<1x128xi32, #tpu.memory_space<vmem>>
        %dma_start3A_1096 = tpu.memref_squeeze %dma_start3A_1095 : memref<1x128xi32, #tpu.memory_space<vmem>> -> memref<128xi32, #tpu.memory_space<vmem>>
        %dma_start3A_1097 = arith.constant 0 : i32
        %dma_start3A_1098 = arith.constant 0 : i32
        %dma_start3A_1099 = tpu.memref_slice %arg6[%dma_start3A_1097, %dma_start3A_1098] : memref<10112x128xf32, #tpu.memory_space<vmem_shared>> -> memref<10112x128xf32, #tpu.memory_space<vmem_shared>>
        tpu.enqueue_indirect_dma source(%dma_start3A_1093 : memref<128x128xf32, #tpu.memory_space<vmem>>) target(%dma_start3A_1099 : memref<10112x128xf32, #tpu.memory_space<vmem_shared>>) offsets(%dma_start3A_1096 : memref<128xi32, #tpu.memory_space<vmem>>) semaphore(%run_scoped3A_1089 : memref<!tpu.dma_semaphore, #tpu.memory_space<semaphore_mem>>) {add = true}
        %dma_wait3A_1100 = arith.constant 0 : i32
        %dma_wait3A_1101 = arith.constant 0 : i32
        %dma_wait3A_1102 = tpu.memref_slice %arg9[%run_scoped3A_136, %dma_wait3A_1100, %dma_wait3A_1101] : memref<2x128x128xf32, #tpu.memory_space<vmem>> -> memref<1x128x128xf32, #tpu.memory_space<vmem>>
        %dma_wait3A_1103 = tpu.memref_squeeze %dma_wait3A_1102 : memref<1x128x128xf32, #tpu.memory_space<vmem>> -> memref<128x128xf32, #tpu.memory_space<vmem>>
        %dma_wait3A_1104 = arith.constant 0 : i32
        %dma_wait3A_1105 = tpu.memref_slice %arg8[%run_scoped3A_137, %dma_wait3A_1104] : memref<40x128xi32, #tpu.memory_space<vmem>> -> memref<1x128xi32, #tpu.memory_space<vmem>>
        %dma_wait3A_1106 = tpu.memref_squeeze %dma_wait3A_1105 : memref<1x128xi32, #tpu.memory_space<vmem>> -> memref<128xi32, #tpu.memory_space<vmem>>
        %dma_wait3A_1107 = arith.constant 0 : i32
        %dma_wait3A_1108 = arith.constant 0 : i32
        %dma_wait3A_1109 = tpu.memref_slice %arg6[%dma_wait3A_1107, %dma_wait3A_1108] : memref<10112x128xf32, #tpu.memory_space<vmem_shared>> -> memref<10112x128xf32, #tpu.memory_space<vmem_shared>>
        tpu.wait_indirect_dma semaphore(%run_scoped3A_1089 : memref<!tpu.dma_semaphore, #tpu.memory_space<semaphore_mem>>) src(%dma_wait3A_1103 : memref<128x128xf32, #tpu.memory_space<vmem>>) dst(%dma_wait3A_1109 : memref<10112x128xf32, #tpu.memory_space<vmem_shared>>)
        tpu.yield
      }) : () -> ()
      %dma_start3A_138 = arith.constant 4 : i32
      %dma_start3A_139 = arith.constant 0 : i32
      %dma_start3A_140 = arith.constant 0 : i32
      %dma_start3A_141 = arith.constant 0 : i32
      %dma_start3A_142 = tpu.memref_slice %arg9[%dma_start3A_139, %dma_start3A_140, %dma_start3A_141] : memref<2x128x128xf32, #tpu.memory_space<vmem>> -> memref<1x128x128xf32, #tpu.memory_space<vmem>>
      %dma_start3A_143 = tpu.memref_squeeze %dma_start3A_142 : memref<1x128x128xf32, #tpu.memory_space<vmem>> -> memref<128x128xf32, #tpu.memory_space<vmem>>
      %dma_start3A_144 = arith.constant 0 : i32
      %dma_start3A_145 = tpu.memref_slice %arg7[%dma_start3A_138, %dma_start3A_144] : memref<40x128xi32, #tpu.memory_space<vmem>> -> memref<1x128xi32, #tpu.memory_space<vmem>>
      %dma_start3A_146 = tpu.memref_squeeze %dma_start3A_145 : memref<1x128xi32, #tpu.memory_space<vmem>> -> memref<128xi32, #tpu.memory_space<vmem>>
      %dma_start3A_147 = arith.constant 0 : i32
      %dma_start3A_148 = arith.constant 0 : i32
      %dma_start3A_149 = tpu.memref_slice %arg2[%dma_start3A_147, %dma_start3A_148] : memref<10112x128xf32, #tpu.memory_space<hbm>> -> memref<10112x128xf32, #tpu.memory_space<hbm>>
      tpu.enqueue_indirect_dma source(%dma_start3A_149 : memref<10112x128xf32, #tpu.memory_space<hbm>>) target(%dma_start3A_143 : memref<128x128xf32, #tpu.memory_space<vmem>>) offsets(%dma_start3A_146 : memref<128xi32, #tpu.memory_space<vmem>>) semaphore(%arg10 : memref<!tpu.dma_semaphore, #tpu.memory_space<semaphore_mem>>)
      %dma_wait3A_150 = arith.constant 3 : i32
      %dma_wait3A_151 = arith.constant 1 : i32
      %dma_wait3A_152 = arith.constant 0 : i32
      %dma_wait3A_153 = arith.constant 0 : i32
      %dma_wait3A_154 = tpu.memref_slice %arg9[%dma_wait3A_151, %dma_wait3A_152, %dma_wait3A_153] : memref<2x128x128xf32, #tpu.memory_space<vmem>> -> memref<1x128x128xf32, #tpu.memory_space<vmem>>
      %dma_wait3A_155 = tpu.memref_squeeze %dma_wait3A_154 : memref<1x128x128xf32, #tpu.memory_space<vmem>> -> memref<128x128xf32, #tpu.memory_space<vmem>>
      %dma_wait3A_156 = arith.constant 0 : i32
      %dma_wait3A_157 = tpu.memref_slice %arg7[%dma_wait3A_150, %dma_wait3A_156] : memref<40x128xi32, #tpu.memory_space<vmem>> -> memref<1x128xi32, #tpu.memory_space<vmem>>
      %dma_wait3A_158 = tpu.memref_squeeze %dma_wait3A_157 : memref<1x128xi32, #tpu.memory_space<vmem>> -> memref<128xi32, #tpu.memory_space<vmem>>
      %dma_wait3A_159 = arith.constant 0 : i32
      %dma_wait3A_160 = arith.constant 0 : i32
      %dma_wait3A_161 = tpu.memref_slice %arg2[%dma_wait3A_159, %dma_wait3A_160] : memref<10112x128xf32, #tpu.memory_space<hbm>> -> memref<10112x128xf32, #tpu.memory_space<hbm>>
      tpu.wait_indirect_dma semaphore(%arg11 : memref<!tpu.dma_semaphore, #tpu.memory_space<semaphore_mem>>) src(%dma_wait3A_161 : memref<10112x128xf32, #tpu.memory_space<hbm>>) dst(%dma_wait3A_155 : memref<128x128xf32, #tpu.memory_space<vmem>>)
      %run_scoped3A_162 = arith.constant 1 : i32
      %run_scoped3A_163 = arith.constant 3 : i32
      "tpu.region"() ({
        %run_scoped3A_1089 = tpu.sem_alloc : memref<!tpu.dma_semaphore, #tpu.memory_space<semaphore_mem>>
        %dma_start3A_1090 = arith.constant 0 : i32
        %dma_start3A_1091 = arith.constant 0 : i32
        %dma_start3A_1092 = tpu.memref_slice %arg9[%run_scoped3A_162, %dma_start3A_1090, %dma_start3A_1091] : memref<2x128x128xf32, #tpu.memory_space<vmem>> -> memref<1x128x128xf32, #tpu.memory_space<vmem>>
        %dma_start3A_1093 = tpu.memref_squeeze %dma_start3A_1092 : memref<1x128x128xf32, #tpu.memory_space<vmem>> -> memref<128x128xf32, #tpu.memory_space<vmem>>
        %dma_start3A_1094 = arith.constant 0 : i32
        %dma_start3A_1095 = tpu.memref_slice %arg8[%run_scoped3A_163, %dma_start3A_1094] : memref<40x128xi32, #tpu.memory_space<vmem>> -> memref<1x128xi32, #tpu.memory_space<vmem>>
        %dma_start3A_1096 = tpu.memref_squeeze %dma_start3A_1095 : memref<1x128xi32, #tpu.memory_space<vmem>> -> memref<128xi32, #tpu.memory_space<vmem>>
        %dma_start3A_1097 = arith.constant 0 : i32
        %dma_start3A_1098 = arith.constant 0 : i32
        %dma_start3A_1099 = tpu.memref_slice %arg6[%dma_start3A_1097, %dma_start3A_1098] : memref<10112x128xf32, #tpu.memory_space<vmem_shared>> -> memref<10112x128xf32, #tpu.memory_space<vmem_shared>>
        tpu.enqueue_indirect_dma source(%dma_start3A_1093 : memref<128x128xf32, #tpu.memory_space<vmem>>) target(%dma_start3A_1099 : memref<10112x128xf32, #tpu.memory_space<vmem_shared>>) offsets(%dma_start3A_1096 : memref<128xi32, #tpu.memory_space<vmem>>) semaphore(%run_scoped3A_1089 : memref<!tpu.dma_semaphore, #tpu.memory_space<semaphore_mem>>) {add = true}
        %dma_wait3A_1100 = arith.constant 0 : i32
        %dma_wait3A_1101 = arith.constant 0 : i32
        %dma_wait3A_1102 = tpu.memref_slice %arg9[%run_scoped3A_162, %dma_wait3A_1100, %dma_wait3A_1101] : memref<2x128x128xf32, #tpu.memory_space<vmem>> -> memref<1x128x128xf32, #tpu.memory_space<vmem>>
        %dma_wait3A_1103 = tpu.memref_squeeze %dma_wait3A_1102 : memref<1x128x128xf32, #tpu.memory_space<vmem>> -> memref<128x128xf32, #tpu.memory_space<vmem>>
        %dma_wait3A_1104 = arith.constant 0 : i32
        %dma_wait3A_1105 = tpu.memref_slice %arg8[%run_scoped3A_163, %dma_wait3A_1104] : memref<40x128xi32, #tpu.memory_space<vmem>> -> memref<1x128xi32, #tpu.memory_space<vmem>>
        %dma_wait3A_1106 = tpu.memref_squeeze %dma_wait3A_1105 : memref<1x128xi32, #tpu.memory_space<vmem>> -> memref<128xi32, #tpu.memory_space<vmem>>
        %dma_wait3A_1107 = arith.constant 0 : i32
        %dma_wait3A_1108 = arith.constant 0 : i32
        %dma_wait3A_1109 = tpu.memref_slice %arg6[%dma_wait3A_1107, %dma_wait3A_1108] : memref<10112x128xf32, #tpu.memory_space<vmem_shared>> -> memref<10112x128xf32, #tpu.memory_space<vmem_shared>>
        tpu.wait_indirect_dma semaphore(%run_scoped3A_1089 : memref<!tpu.dma_semaphore, #tpu.memory_space<semaphore_mem>>) src(%dma_wait3A_1103 : memref<128x128xf32, #tpu.memory_space<vmem>>) dst(%dma_wait3A_1109 : memref<10112x128xf32, #tpu.memory_space<vmem_shared>>)
        tpu.yield
      }) : () -> ()
      %dma_start3A_164 = arith.constant 5 : i32
      %dma_start3A_165 = arith.constant 1 : i32
      %dma_start3A_166 = arith.constant 0 : i32
      %dma_start3A_167 = arith.constant 0 : i32
      %dma_start3A_168 = tpu.memref_slice %arg9[%dma_start3A_165, %dma_start3A_166, %dma_start3A_167] : memref<2x128x128xf32, #tpu.memory_space<vmem>> -> memref<1x128x128xf32, #tpu.memory_space<vmem>>
      %dma_start3A_169 = tpu.memref_squeeze %dma_start3A_168 : memref<1x128x128xf32, #tpu.memory_space<vmem>> -> memref<128x128xf32, #tpu.memory_space<vmem>>
      %dma_start3A_170 = arith.constant 0 : i32
      %dma_start3A_171 = tpu.memref_slice %arg7[%dma_start3A_164, %dma_start3A_170] : memref<40x128xi32, #tpu.memory_space<vmem>> -> memref<1x128xi32, #tpu.memory_space<vmem>>
      %dma_start3A_172 = tpu.memref_squeeze %dma_start3A_171 : memref<1x128xi32, #tpu.memory_space<vmem>> -> memref<128xi32, #tpu.memory_space<vmem>>
      %dma_start3A_173 = arith.constant 0 : i32
      %dma_start3A_174 = arith.constant 0 : i32
      %dma_start3A_175 = tpu.memref_slice %arg2[%dma_start3A_173, %dma_start3A_174] : memref<10112x128xf32, #tpu.memory_space<hbm>> -> memref<10112x128xf32, #tpu.memory_space<hbm>>
      tpu.enqueue_indirect_dma source(%dma_start3A_175 : memref<10112x128xf32, #tpu.memory_space<hbm>>) target(%dma_start3A_169 : memref<128x128xf32, #tpu.memory_space<vmem>>) offsets(%dma_start3A_172 : memref<128xi32, #tpu.memory_space<vmem>>) semaphore(%arg11 : memref<!tpu.dma_semaphore, #tpu.memory_space<semaphore_mem>>)
      %dma_wait3A_176 = arith.constant 4 : i32
      %dma_wait3A_177 = arith.constant 0 : i32
      %dma_wait3A_178 = arith.constant 0 : i32
      %dma_wait3A_179 = arith.constant 0 : i32
      %dma_wait3A_180 = tpu.memref_slice %arg9[%dma_wait3A_177, %dma_wait3A_178, %dma_wait3A_179] : memref<2x128x128xf32, #tpu.memory_space<vmem>> -> memref<1x128x128xf32, #tpu.memory_space<vmem>>
      %dma_wait3A_181 = tpu.memref_squeeze %dma_wait3A_180 : memref<1x128x128xf32, #tpu.memory_space<vmem>> -> memref<128x128xf32, #tpu.memory_space<vmem>>
      %dma_wait3A_182 = arith.constant 0 : i32
      %dma_wait3A_183 = tpu.memref_slice %arg7[%dma_wait3A_176, %dma_wait3A_182] : memref<40x128xi32, #tpu.memory_space<vmem>> -> memref<1x128xi32, #tpu.memory_space<vmem>>
      %dma_wait3A_184 = tpu.memref_squeeze %dma_wait3A_183 : memref<1x128xi32, #tpu.memory_space<vmem>> -> memref<128xi32, #tpu.memory_space<vmem>>
      %dma_wait3A_185 = arith.constant 0 : i32
      %dma_wait3A_186 = arith.constant 0 : i32
      %dma_wait3A_187 = tpu.memref_slice %arg2[%dma_wait3A_185, %dma_wait3A_186] : memref<10112x128xf32, #tpu.memory_space<hbm>> -> memref<10112x128xf32, #tpu.memory_space<hbm>>
      tpu.wait_indirect_dma semaphore(%arg10 : memref<!tpu.dma_semaphore, #tpu.memory_space<semaphore_mem>>) src(%dma_wait3A_187 : memref<10112x128xf32, #tpu.memory_space<hbm>>) dst(%dma_wait3A_181 : memref<128x128xf32, #tpu.memory_space<vmem>>)
      %run_scoped3A_188 = arith.constant 0 : i32
      %run_scoped3A_189 = arith.constant 4 : i32
      "tpu.region"() ({
        %run_scoped3A_1089 = tpu.sem_alloc : memref<!tpu.dma_semaphore, #tpu.memory_space<semaphore_mem>>
        %dma_start3A_1090 = arith.constant 0 : i32
        %dma_start3A_1091 = arith.constant 0 : i32
        %dma_start3A_1092 = tpu.memref_slice %arg9[%run_scoped3A_188, %dma_start3A_1090, %dma_start3A_1091] : memref<2x128x128xf32, #tpu.memory_space<vmem>> -> memref<1x128x128xf32, #tpu.memory_space<vmem>>
        %dma_start3A_1093 = tpu.memref_squeeze %dma_start3A_1092 : memref<1x128x128xf32, #tpu.memory_space<vmem>> -> memref<128x128xf32, #tpu.memory_space<vmem>>
        %dma_start3A_1094 = arith.constant 0 : i32
        %dma_start3A_1095 = tpu.memref_slice %arg8[%run_scoped3A_189, %dma_start3A_1094] : memref<40x128xi32, #tpu.memory_space<vmem>> -> memref<1x128xi32, #tpu.memory_space<vmem>>
        %dma_start3A_1096 = tpu.memref_squeeze %dma_start3A_1095 : memref<1x128xi32, #tpu.memory_space<vmem>> -> memref<128xi32, #tpu.memory_space<vmem>>
        %dma_start3A_1097 = arith.constant 0 : i32
        %dma_start3A_1098 = arith.constant 0 : i32
        %dma_start3A_1099 = tpu.memref_slice %arg6[%dma_start3A_1097, %dma_start3A_1098] : memref<10112x128xf32, #tpu.memory_space<vmem_shared>> -> memref<10112x128xf32, #tpu.memory_space<vmem_shared>>
        tpu.enqueue_indirect_dma source(%dma_start3A_1093 : memref<128x128xf32, #tpu.memory_space<vmem>>) target(%dma_start3A_1099 : memref<10112x128xf32, #tpu.memory_space<vmem_shared>>) offsets(%dma_start3A_1096 : memref<128xi32, #tpu.memory_space<vmem>>) semaphore(%run_scoped3A_1089 : memref<!tpu.dma_semaphore, #tpu.memory_space<semaphore_mem>>) {add = true}
        %dma_wait3A_1100 = arith.constant 0 : i32
        %dma_wait3A_1101 = arith.constant 0 : i32
        %dma_wait3A_1102 = tpu.memref_slice %arg9[%run_scoped3A_188, %dma_wait3A_1100, %dma_wait3A_1101] : memref<2x128x128xf32, #tpu.memory_space<vmem>> -> memref<1x128x128xf32, #tpu.memory_space<vmem>>
        %dma_wait3A_1103 = tpu.memref_squeeze %dma_wait3A_1102 : memref<1x128x128xf32, #tpu.memory_space<vmem>> -> memref<128x128xf32, #tpu.memory_space<vmem>>
        %dma_wait3A_1104 = arith.constant 0 : i32
        %dma_wait3A_1105 = tpu.memref_slice %arg8[%run_scoped3A_189, %dma_wait3A_1104] : memref<40x128xi32, #tpu.memory_space<vmem>> -> memref<1x128xi32, #tpu.memory_space<vmem>>
        %dma_wait3A_1106 = tpu.memref_squeeze %dma_wait3A_1105 : memref<1x128xi32, #tpu.memory_space<vmem>> -> memref<128xi32, #tpu.memory_space<vmem>>
        %dma_wait3A_1107 = arith.constant 0 : i32
        %dma_wait3A_1108 = arith.constant 0 : i32
        %dma_wait3A_1109 = tpu.memref_slice %arg6[%dma_wait3A_1107, %dma_wait3A_1108] : memref<10112x128xf32, #tpu.memory_space<vmem_shared>> -> memref<10112x128xf32, #tpu.memory_space<vmem_shared>>
        tpu.wait_indirect_dma semaphore(%run_scoped3A_1089 : memref<!tpu.dma_semaphore, #tpu.memory_space<semaphore_mem>>) src(%dma_wait3A_1103 : memref<128x128xf32, #tpu.memory_space<vmem>>) dst(%dma_wait3A_1109 : memref<10112x128xf32, #tpu.memory_space<vmem_shared>>)
        tpu.yield
      }) : () -> ()
      %dma_start3A_190 = arith.constant 6 : i32
      %dma_start3A_191 = arith.constant 0 : i32
      %dma_start3A_192 = arith.constant 0 : i32
      %dma_start3A_193 = arith.constant 0 : i32
      %dma_start3A_194 = tpu.memref_slice %arg9[%dma_start3A_191, %dma_start3A_192, %dma_start3A_193] : memref<2x128x128xf32, #tpu.memory_space<vmem>> -> memref<1x128x128xf32, #tpu.memory_space<vmem>>
      %dma_start3A_195 = tpu.memref_squeeze %dma_start3A_194 : memref<1x128x128xf32, #tpu.memory_space<vmem>> -> memref<128x128xf32, #tpu.memory_space<vmem>>
      %dma_start3A_196 = arith.constant 0 : i32
      %dma_start3A_197 = tpu.memref_slice %arg7[%dma_start3A_190, %dma_start3A_196] : memref<40x128xi32, #tpu.memory_space<vmem>> -> memref<1x128xi32, #tpu.memory_space<vmem>>
      %dma_start3A_198 = tpu.memref_squeeze %dma_start3A_197 : memref<1x128xi32, #tpu.memory_space<vmem>> -> memref<128xi32, #tpu.memory_space<vmem>>
      %dma_start3A_199 = arith.constant 0 : i32
      %dma_start3A_200 = arith.constant 0 : i32
      %dma_start3A_201 = tpu.memref_slice %arg2[%dma_start3A_199, %dma_start3A_200] : memref<10112x128xf32, #tpu.memory_space<hbm>> -> memref<10112x128xf32, #tpu.memory_space<hbm>>
      tpu.enqueue_indirect_dma source(%dma_start3A_201 : memref<10112x128xf32, #tpu.memory_space<hbm>>) target(%dma_start3A_195 : memref<128x128xf32, #tpu.memory_space<vmem>>) offsets(%dma_start3A_198 : memref<128xi32, #tpu.memory_space<vmem>>) semaphore(%arg10 : memref<!tpu.dma_semaphore, #tpu.memory_space<semaphore_mem>>)
      %dma_wait3A_202 = arith.constant 5 : i32
      %dma_wait3A_203 = arith.constant 1 : i32
      %dma_wait3A_204 = arith.constant 0 : i32
      %dma_wait3A_205 = arith.constant 0 : i32
      %dma_wait3A_206 = tpu.memref_slice %arg9[%dma_wait3A_203, %dma_wait3A_204, %dma_wait3A_205] : memref<2x128x128xf32, #tpu.memory_space<vmem>> -> memref<1x128x128xf32, #tpu.memory_space<vmem>>
      %dma_wait3A_207 = tpu.memref_squeeze %dma_wait3A_206 : memref<1x128x128xf32, #tpu.memory_space<vmem>> -> memref<128x128xf32, #tpu.memory_space<vmem>>
      %dma_wait3A_208 = arith.constant 0 : i32
      %dma_wait3A_209 = tpu.memref_slice %arg7[%dma_wait3A_202, %dma_wait3A_208] : memref<40x128xi32, #tpu.memory_space<vmem>> -> memref<1x128xi32, #tpu.memory_space<vmem>>
      %dma_wait3A_210 = tpu.memref_squeeze %dma_wait3A_209 : memref<1x128xi32, #tpu.memory_space<vmem>> -> memref<128xi32, #tpu.memory_space<vmem>>
      %dma_wait3A_211 = arith.constant 0 : i32
      %dma_wait3A_212 = arith.constant 0 : i32
      %dma_wait3A_213 = tpu.memref_slice %arg2[%dma_wait3A_211, %dma_wait3A_212] : memref<10112x128xf32, #tpu.memory_space<hbm>> -> memref<10112x128xf32, #tpu.memory_space<hbm>>
      tpu.wait_indirect_dma semaphore(%arg11 : memref<!tpu.dma_semaphore, #tpu.memory_space<semaphore_mem>>) src(%dma_wait3A_213 : memref<10112x128xf32, #tpu.memory_space<hbm>>) dst(%dma_wait3A_207 : memref<128x128xf32, #tpu.memory_space<vmem>>)
      %run_scoped3A_214 = arith.constant 1 : i32
      %run_scoped3A_215 = arith.constant 5 : i32
      "tpu.region"() ({
        %run_scoped3A_1089 = tpu.sem_alloc : memref<!tpu.dma_semaphore, #tpu.memory_space<semaphore_mem>>
        %dma_start3A_1090 = arith.constant 0 : i32
        %dma_start3A_1091 = arith.constant 0 : i32
        %dma_start3A_1092 = tpu.memref_slice %arg9[%run_scoped3A_214, %dma_start3A_1090, %dma_start3A_1091] : memref<2x128x128xf32, #tpu.memory_space<vmem>> -> memref<1x128x128xf32, #tpu.memory_space<vmem>>
        %dma_start3A_1093 = tpu.memref_squeeze %dma_start3A_1092 : memref<1x128x128xf32, #tpu.memory_space<vmem>> -> memref<128x128xf32, #tpu.memory_space<vmem>>
        %dma_start3A_1094 = arith.constant 0 : i32
        %dma_start3A_1095 = tpu.memref_slice %arg8[%run_scoped3A_215, %dma_start3A_1094] : memref<40x128xi32, #tpu.memory_space<vmem>> -> memref<1x128xi32, #tpu.memory_space<vmem>>
        %dma_start3A_1096 = tpu.memref_squeeze %dma_start3A_1095 : memref<1x128xi32, #tpu.memory_space<vmem>> -> memref<128xi32, #tpu.memory_space<vmem>>
        %dma_start3A_1097 = arith.constant 0 : i32
        %dma_start3A_1098 = arith.constant 0 : i32
        %dma_start3A_1099 = tpu.memref_slice %arg6[%dma_start3A_1097, %dma_start3A_1098] : memref<10112x128xf32, #tpu.memory_space<vmem_shared>> -> memref<10112x128xf32, #tpu.memory_space<vmem_shared>>
        tpu.enqueue_indirect_dma source(%dma_start3A_1093 : memref<128x128xf32, #tpu.memory_space<vmem>>) target(%dma_start3A_1099 : memref<10112x128xf32, #tpu.memory_space<vmem_shared>>) offsets(%dma_start3A_1096 : memref<128xi32, #tpu.memory_space<vmem>>) semaphore(%run_scoped3A_1089 : memref<!tpu.dma_semaphore, #tpu.memory_space<semaphore_mem>>) {add = true}
        %dma_wait3A_1100 = arith.constant 0 : i32
        %dma_wait3A_1101 = arith.constant 0 : i32
        %dma_wait3A_1102 = tpu.memref_slice %arg9[%run_scoped3A_214, %dma_wait3A_1100, %dma_wait3A_1101] : memref<2x128x128xf32, #tpu.memory_space<vmem>> -> memref<1x128x128xf32, #tpu.memory_space<vmem>>
        %dma_wait3A_1103 = tpu.memref_squeeze %dma_wait3A_1102 : memref<1x128x128xf32, #tpu.memory_space<vmem>> -> memref<128x128xf32, #tpu.memory_space<vmem>>
        %dma_wait3A_1104 = arith.constant 0 : i32
        %dma_wait3A_1105 = tpu.memref_slice %arg8[%run_scoped3A_215, %dma_wait3A_1104] : memref<40x128xi32, #tpu.memory_space<vmem>> -> memref<1x128xi32, #tpu.memory_space<vmem>>
        %dma_wait3A_1106 = tpu.memref_squeeze %dma_wait3A_1105 : memref<1x128xi32, #tpu.memory_space<vmem>> -> memref<128xi32, #tpu.memory_space<vmem>>
        %dma_wait3A_1107 = arith.constant 0 : i32
        %dma_wait3A_1108 = arith.constant 0 : i32
        %dma_wait3A_1109 = tpu.memref_slice %arg6[%dma_wait3A_1107, %dma_wait3A_1108] : memref<10112x128xf32, #tpu.memory_space<vmem_shared>> -> memref<10112x128xf32, #tpu.memory_space<vmem_shared>>
        tpu.wait_indirect_dma semaphore(%run_scoped3A_1089 : memref<!tpu.dma_semaphore, #tpu.memory_space<semaphore_mem>>) src(%dma_wait3A_1103 : memref<128x128xf32, #tpu.memory_space<vmem>>) dst(%dma_wait3A_1109 : memref<10112x128xf32, #tpu.memory_space<vmem_shared>>)
        tpu.yield
      }) : () -> ()
      %dma_start3A_216 = arith.constant 7 : i32
      %dma_start3A_217 = arith.constant 1 : i32
      %dma_start3A_218 = arith.constant 0 : i32
      %dma_start3A_219 = arith.constant 0 : i32
      %dma_start3A_220 = tpu.memref_slice %arg9[%dma_start3A_217, %dma_start3A_218, %dma_start3A_219] : memref<2x128x128xf32, #tpu.memory_space<vmem>> -> memref<1x128x128xf32, #tpu.memory_space<vmem>>
      %dma_start3A_221 = tpu.memref_squeeze %dma_start3A_220 : memref<1x128x128xf32, #tpu.memory_space<vmem>> -> memref<128x128xf32, #tpu.memory_space<vmem>>
      %dma_start3A_222 = arith.constant 0 : i32
      %dma_start3A_223 = tpu.memref_slice %arg7[%dma_start3A_216, %dma_start3A_222] : memref<40x128xi32, #tpu.memory_space<vmem>> -> memref<1x128xi32, #tpu.memory_space<vmem>>
      %dma_start3A_224 = tpu.memref_squeeze %dma_start3A_223 : memref<1x128xi32, #tpu.memory_space<vmem>> -> memref<128xi32, #tpu.memory_space<vmem>>
      %dma_start3A_225 = arith.constant 0 : i32
      %dma_start3A_226 = arith.constant 0 : i32
      %dma_start3A_227 = tpu.memref_slice %arg2[%dma_start3A_225, %dma_start3A_226] : memref<10112x128xf32, #tpu.memory_space<hbm>> -> memref<10112x128xf32, #tpu.memory_space<hbm>>
      tpu.enqueue_indirect_dma source(%dma_start3A_227 : memref<10112x128xf32, #tpu.memory_space<hbm>>) target(%dma_start3A_221 : memref<128x128xf32, #tpu.memory_space<vmem>>) offsets(%dma_start3A_224 : memref<128xi32, #tpu.memory_space<vmem>>) semaphore(%arg11 : memref<!tpu.dma_semaphore, #tpu.memory_space<semaphore_mem>>)
      %dma_wait3A_228 = arith.constant 6 : i32
      %dma_wait3A_229 = arith.constant 0 : i32
      %dma_wait3A_230 = arith.constant 0 : i32
      %dma_wait3A_231 = arith.constant 0 : i32
      %dma_wait3A_232 = tpu.memref_slice %arg9[%dma_wait3A_229, %dma_wait3A_230, %dma_wait3A_231] : memref<2x128x128xf32, #tpu.memory_space<vmem>> -> memref<1x128x128xf32, #tpu.memory_space<vmem>>
      %dma_wait3A_233 = tpu.memref_squeeze %dma_wait3A_232 : memref<1x128x128xf32, #tpu.memory_space<vmem>> -> memref<128x128xf32, #tpu.memory_space<vmem>>
      %dma_wait3A_234 = arith.constant 0 : i32
      %dma_wait3A_235 = tpu.memref_slice %arg7[%dma_wait3A_228, %dma_wait3A_234] : memref<40x128xi32, #tpu.memory_space<vmem>> -> memref<1x128xi32, #tpu.memory_space<vmem>>
      %dma_wait3A_236 = tpu.memref_squeeze %dma_wait3A_235 : memref<1x128xi32, #tpu.memory_space<vmem>> -> memref<128xi32, #tpu.memory_space<vmem>>
      %dma_wait3A_237 = arith.constant 0 : i32
      %dma_wait3A_238 = arith.constant 0 : i32
      %dma_wait3A_239 = tpu.memref_slice %arg2[%dma_wait3A_237, %dma_wait3A_238] : memref<10112x128xf32, #tpu.memory_space<hbm>> -> memref<10112x128xf32, #tpu.memory_space<hbm>>
      tpu.wait_indirect_dma semaphore(%arg10 : memref<!tpu.dma_semaphore, #tpu.memory_space<semaphore_mem>>) src(%dma_wait3A_239 : memref<10112x128xf32, #tpu.memory_space<hbm>>) dst(%dma_wait3A_233 : memref<128x128xf32, #tpu.memory_space<vmem>>)
      %run_scoped3A_240 = arith.constant 0 : i32
      %run_scoped3A_241 = arith.constant 6 : i32
      "tpu.region"() ({
        %run_scoped3A_1089 = tpu.sem_alloc : memref<!tpu.dma_semaphore, #tpu.memory_space<semaphore_mem>>
        %dma_start3A_1090 = arith.constant 0 : i32
        %dma_start3A_1091 = arith.constant 0 : i32
        %dma_start3A_1092 = tpu.memref_slice %arg9[%run_scoped3A_240, %dma_start3A_1090, %dma_start3A_1091] : memref<2x128x128xf32, #tpu.memory_space<vmem>> -> memref<1x128x128xf32, #tpu.memory_space<vmem>>
        %dma_start3A_1093 = tpu.memref_squeeze %dma_start3A_1092 : memref<1x128x128xf32, #tpu.memory_space<vmem>> -> memref<128x128xf32, #tpu.memory_space<vmem>>
        %dma_start3A_1094 = arith.constant 0 : i32
        %dma_start3A_1095 = tpu.memref_slice %arg8[%run_scoped3A_241, %dma_start3A_1094] : memref<40x128xi32, #tpu.memory_space<vmem>> -> memref<1x128xi32, #tpu.memory_space<vmem>>
        %dma_start3A_1096 = tpu.memref_squeeze %dma_start3A_1095 : memref<1x128xi32, #tpu.memory_space<vmem>> -> memref<128xi32, #tpu.memory_space<vmem>>
        %dma_start3A_1097 = arith.constant 0 : i32
        %dma_start3A_1098 = arith.constant 0 : i32
        %dma_start3A_1099 = tpu.memref_slice %arg6[%dma_start3A_1097, %dma_start3A_1098] : memref<10112x128xf32, #tpu.memory_space<vmem_shared>> -> memref<10112x128xf32, #tpu.memory_space<vmem_shared>>
        tpu.enqueue_indirect_dma source(%dma_start3A_1093 : memref<128x128xf32, #tpu.memory_space<vmem>>) target(%dma_start3A_1099 : memref<10112x128xf32, #tpu.memory_space<vmem_shared>>) offsets(%dma_start3A_1096 : memref<128xi32, #tpu.memory_space<vmem>>) semaphore(%run_scoped3A_1089 : memref<!tpu.dma_semaphore, #tpu.memory_space<semaphore_mem>>) {add = true}
        %dma_wait3A_1100 = arith.constant 0 : i32
        %dma_wait3A_1101 = arith.constant 0 : i32
        %dma_wait3A_1102 = tpu.memref_slice %arg9[%run_scoped3A_240, %dma_wait3A_1100, %dma_wait3A_1101] : memref<2x128x128xf32, #tpu.memory_space<vmem>> -> memref<1x128x128xf32, #tpu.memory_space<vmem>>
        %dma_wait3A_1103 = tpu.memref_squeeze %dma_wait3A_1102 : memref<1x128x128xf32, #tpu.memory_space<vmem>> -> memref<128x128xf32, #tpu.memory_space<vmem>>
        %dma_wait3A_1104 = arith.constant 0 : i32
        %dma_wait3A_1105 = tpu.memref_slice %arg8[%run_scoped3A_241, %dma_wait3A_1104] : memref<40x128xi32, #tpu.memory_space<vmem>> -> memref<1x128xi32, #tpu.memory_space<vmem>>
        %dma_wait3A_1106 = tpu.memref_squeeze %dma_wait3A_1105 : memref<1x128xi32, #tpu.memory_space<vmem>> -> memref<128xi32, #tpu.memory_space<vmem>>
        %dma_wait3A_1107 = arith.constant 0 : i32
        %dma_wait3A_1108 = arith.constant 0 : i32
        %dma_wait3A_1109 = tpu.memref_slice %arg6[%dma_wait3A_1107, %dma_wait3A_1108] : memref<10112x128xf32, #tpu.memory_space<vmem_shared>> -> memref<10112x128xf32, #tpu.memory_space<vmem_shared>>
        tpu.wait_indirect_dma semaphore(%run_scoped3A_1089 : memref<!tpu.dma_semaphore, #tpu.memory_space<semaphore_mem>>) src(%dma_wait3A_1103 : memref<128x128xf32, #tpu.memory_space<vmem>>) dst(%dma_wait3A_1109 : memref<10112x128xf32, #tpu.memory_space<vmem_shared>>)
        tpu.yield
      }) : () -> ()
      %dma_start3A_242 = arith.constant 8 : i32
      %dma_start3A_243 = arith.constant 0 : i32
      %dma_start3A_244 = arith.constant 0 : i32
      %dma_start3A_245 = arith.constant 0 : i32
      %dma_start3A_246 = tpu.memref_slice %arg9[%dma_start3A_243, %dma_start3A_244, %dma_start3A_245] : memref<2x128x128xf32, #tpu.memory_space<vmem>> -> memref<1x128x128xf32, #tpu.memory_space<vmem>>
      %dma_start3A_247 = tpu.memref_squeeze %dma_start3A_246 : memref<1x128x128xf32, #tpu.memory_space<vmem>> -> memref<128x128xf32, #tpu.memory_space<vmem>>
      %dma_start3A_248 = arith.constant 0 : i32
      %dma_start3A_249 = tpu.memref_slice %arg7[%dma_start3A_242, %dma_start3A_248] : memref<40x128xi32, #tpu.memory_space<vmem>> -> memref<1x128xi32, #tpu.memory_space<vmem>>
      %dma_start3A_250 = tpu.memref_squeeze %dma_start3A_249 : memref<1x128xi32, #tpu.memory_space<vmem>> -> memref<128xi32, #tpu.memory_space<vmem>>
      %dma_start3A_251 = arith.constant 0 : i32
      %dma_start3A_252 = arith.constant 0 : i32
      %dma_start3A_253 = tpu.memref_slice %arg2[%dma_start3A_251, %dma_start3A_252] : memref<10112x128xf32, #tpu.memory_space<hbm>> -> memref<10112x128xf32, #tpu.memory_space<hbm>>
      tpu.enqueue_indirect_dma source(%dma_start3A_253 : memref<10112x128xf32, #tpu.memory_space<hbm>>) target(%dma_start3A_247 : memref<128x128xf32, #tpu.memory_space<vmem>>) offsets(%dma_start3A_250 : memref<128xi32, #tpu.memory_space<vmem>>) semaphore(%arg10 : memref<!tpu.dma_semaphore, #tpu.memory_space<semaphore_mem>>)
      %dma_wait3A_254 = arith.constant 7 : i32
      %dma_wait3A_255 = arith.constant 1 : i32
      %dma_wait3A_256 = arith.constant 0 : i32
      %dma_wait3A_257 = arith.constant 0 : i32
      %dma_wait3A_258 = tpu.memref_slice %arg9[%dma_wait3A_255, %dma_wait3A_256, %dma_wait3A_257] : memref<2x128x128xf32, #tpu.memory_space<vmem>> -> memref<1x128x128xf32, #tpu.memory_space<vmem>>
      %dma_wait3A_259 = tpu.memref_squeeze %dma_wait3A_258 : memref<1x128x128xf32, #tpu.memory_space<vmem>> -> memref<128x128xf32, #tpu.memory_space<vmem>>
      %dma_wait3A_260 = arith.constant 0 : i32
      %dma_wait3A_261 = tpu.memref_slice %arg7[%dma_wait3A_254, %dma_wait3A_260] : memref<40x128xi32, #tpu.memory_space<vmem>> -> memref<1x128xi32, #tpu.memory_space<vmem>>
      %dma_wait3A_262 = tpu.memref_squeeze %dma_wait3A_261 : memref<1x128xi32, #tpu.memory_space<vmem>> -> memref<128xi32, #tpu.memory_space<vmem>>
      %dma_wait3A_263 = arith.constant 0 : i32
      %dma_wait3A_264 = arith.constant 0 : i32
      %dma_wait3A_265 = tpu.memref_slice %arg2[%dma_wait3A_263, %dma_wait3A_264] : memref<10112x128xf32, #tpu.memory_space<hbm>> -> memref<10112x128xf32, #tpu.memory_space<hbm>>
      tpu.wait_indirect_dma semaphore(%arg11 : memref<!tpu.dma_semaphore, #tpu.memory_space<semaphore_mem>>) src(%dma_wait3A_265 : memref<10112x128xf32, #tpu.memory_space<hbm>>) dst(%dma_wait3A_259 : memref<128x128xf32, #tpu.memory_space<vmem>>)
      %run_scoped3A_266 = arith.constant 1 : i32
      %run_scoped3A_267 = arith.constant 7 : i32
      "tpu.region"() ({
        %run_scoped3A_1089 = tpu.sem_alloc : memref<!tpu.dma_semaphore, #tpu.memory_space<semaphore_mem>>
        %dma_start3A_1090 = arith.constant 0 : i32
        %dma_start3A_1091 = arith.constant 0 : i32
        %dma_start3A_1092 = tpu.memref_slice %arg9[%run_scoped3A_266, %dma_start3A_1090, %dma_start3A_1091] : memref<2x128x128xf32, #tpu.memory_space<vmem>> -> memref<1x128x128xf32, #tpu.memory_space<vmem>>
        %dma_start3A_1093 = tpu.memref_squeeze %dma_start3A_1092 : memref<1x128x128xf32, #tpu.memory_space<vmem>> -> memref<128x128xf32, #tpu.memory_space<vmem>>
        %dma_start3A_1094 = arith.constant 0 : i32
        %dma_start3A_1095 = tpu.memref_slice %arg8[%run_scoped3A_267, %dma_start3A_1094] : memref<40x128xi32, #tpu.memory_space<vmem>> -> memref<1x128xi32, #tpu.memory_space<vmem>>
        %dma_start3A_1096 = tpu.memref_squeeze %dma_start3A_1095 : memref<1x128xi32, #tpu.memory_space<vmem>> -> memref<128xi32, #tpu.memory_space<vmem>>
        %dma_start3A_1097 = arith.constant 0 : i32
        %dma_start3A_1098 = arith.constant 0 : i32
        %dma_start3A_1099 = tpu.memref_slice %arg6[%dma_start3A_1097, %dma_start3A_1098] : memref<10112x128xf32, #tpu.memory_space<vmem_shared>> -> memref<10112x128xf32, #tpu.memory_space<vmem_shared>>
        tpu.enqueue_indirect_dma source(%dma_start3A_1093 : memref<128x128xf32, #tpu.memory_space<vmem>>) target(%dma_start3A_1099 : memref<10112x128xf32, #tpu.memory_space<vmem_shared>>) offsets(%dma_start3A_1096 : memref<128xi32, #tpu.memory_space<vmem>>) semaphore(%run_scoped3A_1089 : memref<!tpu.dma_semaphore, #tpu.memory_space<semaphore_mem>>) {add = true}
        %dma_wait3A_1100 = arith.constant 0 : i32
        %dma_wait3A_1101 = arith.constant 0 : i32
        %dma_wait3A_1102 = tpu.memref_slice %arg9[%run_scoped3A_266, %dma_wait3A_1100, %dma_wait3A_1101] : memref<2x128x128xf32, #tpu.memory_space<vmem>> -> memref<1x128x128xf32, #tpu.memory_space<vmem>>
        %dma_wait3A_1103 = tpu.memref_squeeze %dma_wait3A_1102 : memref<1x128x128xf32, #tpu.memory_space<vmem>> -> memref<128x128xf32, #tpu.memory_space<vmem>>
        %dma_wait3A_1104 = arith.constant 0 : i32
        %dma_wait3A_1105 = tpu.memref_slice %arg8[%run_scoped3A_267, %dma_wait3A_1104] : memref<40x128xi32, #tpu.memory_space<vmem>> -> memref<1x128xi32, #tpu.memory_space<vmem>>
        %dma_wait3A_1106 = tpu.memref_squeeze %dma_wait3A_1105 : memref<1x128xi32, #tpu.memory_space<vmem>> -> memref<128xi32, #tpu.memory_space<vmem>>
        %dma_wait3A_1107 = arith.constant 0 : i32
        %dma_wait3A_1108 = arith.constant 0 : i32
        %dma_wait3A_1109 = tpu.memref_slice %arg6[%dma_wait3A_1107, %dma_wait3A_1108] : memref<10112x128xf32, #tpu.memory_space<vmem_shared>> -> memref<10112x128xf32, #tpu.memory_space<vmem_shared>>
        tpu.wait_indirect_dma semaphore(%run_scoped3A_1089 : memref<!tpu.dma_semaphore, #tpu.memory_space<semaphore_mem>>) src(%dma_wait3A_1103 : memref<128x128xf32, #tpu.memory_space<vmem>>) dst(%dma_wait3A_1109 : memref<10112x128xf32, #tpu.memory_space<vmem_shared>>)
        tpu.yield
      }) : () -> ()
      %dma_start3A_268 = arith.constant 9 : i32
      %dma_start3A_269 = arith.constant 1 : i32
      %dma_start3A_270 = arith.constant 0 : i32
      %dma_start3A_271 = arith.constant 0 : i32
      %dma_start3A_272 = tpu.memref_slice %arg9[%dma_start3A_269, %dma_start3A_270, %dma_start3A_271] : memref<2x128x128xf32, #tpu.memory_space<vmem>> -> memref<1x128x128xf32, #tpu.memory_space<vmem>>
      %dma_start3A_273 = tpu.memref_squeeze %dma_start3A_272 : memref<1x128x128xf32, #tpu.memory_space<vmem>> -> memref<128x128xf32, #tpu.memory_space<vmem>>
      %dma_start3A_274 = arith.constant 0 : i32
      %dma_start3A_275 = tpu.memref_slice %arg7[%dma_start3A_268, %dma_start3A_274] : memref<40x128xi32, #tpu.memory_space<vmem>> -> memref<1x128xi32, #tpu.memory_space<vmem>>
      %dma_start3A_276 = tpu.memref_squeeze %dma_start3A_275 : memref<1x128xi32, #tpu.memory_space<vmem>> -> memref<128xi32, #tpu.memory_space<vmem>>
      %dma_start3A_277 = arith.constant 0 : i32
      %dma_start3A_278 = arith.constant 0 : i32
      %dma_start3A_279 = tpu.memref_slice %arg2[%dma_start3A_277, %dma_start3A_278] : memref<10112x128xf32, #tpu.memory_space<hbm>> -> memref<10112x128xf32, #tpu.memory_space<hbm>>
      tpu.enqueue_indirect_dma source(%dma_start3A_279 : memref<10112x128xf32, #tpu.memory_space<hbm>>) target(%dma_start3A_273 : memref<128x128xf32, #tpu.memory_space<vmem>>) offsets(%dma_start3A_276 : memref<128xi32, #tpu.memory_space<vmem>>) semaphore(%arg11 : memref<!tpu.dma_semaphore, #tpu.memory_space<semaphore_mem>>)
      %dma_wait3A_280 = arith.constant 8 : i32
      %dma_wait3A_281 = arith.constant 0 : i32
      %dma_wait3A_282 = arith.constant 0 : i32
      %dma_wait3A_283 = arith.constant 0 : i32
      %dma_wait3A_284 = tpu.memref_slice %arg9[%dma_wait3A_281, %dma_wait3A_282, %dma_wait3A_283] : memref<2x128x128xf32, #tpu.memory_space<vmem>> -> memref<1x128x128xf32, #tpu.memory_space<vmem>>
      %dma_wait3A_285 = tpu.memref_squeeze %dma_wait3A_284 : memref<1x128x128xf32, #tpu.memory_space<vmem>> -> memref<128x128xf32, #tpu.memory_space<vmem>>
      %dma_wait3A_286 = arith.constant 0 : i32
      %dma_wait3A_287 = tpu.memref_slice %arg7[%dma_wait3A_280, %dma_wait3A_286] : memref<40x128xi32, #tpu.memory_space<vmem>> -> memref<1x128xi32, #tpu.memory_space<vmem>>
      %dma_wait3A_288 = tpu.memref_squeeze %dma_wait3A_287 : memref<1x128xi32, #tpu.memory_space<vmem>> -> memref<128xi32, #tpu.memory_space<vmem>>
      %dma_wait3A_289 = arith.constant 0 : i32
      %dma_wait3A_290 = arith.constant 0 : i32
      %dma_wait3A_291 = tpu.memref_slice %arg2[%dma_wait3A_289, %dma_wait3A_290] : memref<10112x128xf32, #tpu.memory_space<hbm>> -> memref<10112x128xf32, #tpu.memory_space<hbm>>
      tpu.wait_indirect_dma semaphore(%arg10 : memref<!tpu.dma_semaphore, #tpu.memory_space<semaphore_mem>>) src(%dma_wait3A_291 : memref<10112x128xf32, #tpu.memory_space<hbm>>) dst(%dma_wait3A_285 : memref<128x128xf32, #tpu.memory_space<vmem>>)
      %run_scoped3A_292 = arith.constant 0 : i32
      %run_scoped3A_293 = arith.constant 8 : i32
      "tpu.region"() ({
        %run_scoped3A_1089 = tpu.sem_alloc : memref<!tpu.dma_semaphore, #tpu.memory_space<semaphore_mem>>
        %dma_start3A_1090 = arith.constant 0 : i32
        %dma_start3A_1091 = arith.constant 0 : i32
        %dma_start3A_1092 = tpu.memref_slice %arg9[%run_scoped3A_292, %dma_start3A_1090, %dma_start3A_1091] : memref<2x128x128xf32, #tpu.memory_space<vmem>> -> memref<1x128x128xf32, #tpu.memory_space<vmem>>
        %dma_start3A_1093 = tpu.memref_squeeze %dma_start3A_1092 : memref<1x128x128xf32, #tpu.memory_space<vmem>> -> memref<128x128xf32, #tpu.memory_space<vmem>>
        %dma_start3A_1094 = arith.constant 0 : i32
        %dma_start3A_1095 = tpu.memref_slice %arg8[%run_scoped3A_293, %dma_start3A_1094] : memref<40x128xi32, #tpu.memory_space<vmem>> -> memref<1x128xi32, #tpu.memory_space<vmem>>
        %dma_start3A_1096 = tpu.memref_squeeze %dma_start3A_1095 : memref<1x128xi32, #tpu.memory_space<vmem>> -> memref<128xi32, #tpu.memory_space<vmem>>
        %dma_start3A_1097 = arith.constant 0 : i32
        %dma_start3A_1098 = arith.constant 0 : i32
        %dma_start3A_1099 = tpu.memref_slice %arg6[%dma_start3A_1097, %dma_start3A_1098] : memref<10112x128xf32, #tpu.memory_space<vmem_shared>> -> memref<10112x128xf32, #tpu.memory_space<vmem_shared>>
        tpu.enqueue_indirect_dma source(%dma_start3A_1093 : memref<128x128xf32, #tpu.memory_space<vmem>>) target(%dma_start3A_1099 : memref<10112x128xf32, #tpu.memory_space<vmem_shared>>) offsets(%dma_start3A_1096 : memref<128xi32, #tpu.memory_space<vmem>>) semaphore(%run_scoped3A_1089 : memref<!tpu.dma_semaphore, #tpu.memory_space<semaphore_mem>>) {add = true}
        %dma_wait3A_1100 = arith.constant 0 : i32
        %dma_wait3A_1101 = arith.constant 0 : i32
        %dma_wait3A_1102 = tpu.memref_slice %arg9[%run_scoped3A_292, %dma_wait3A_1100, %dma_wait3A_1101] : memref<2x128x128xf32, #tpu.memory_space<vmem>> -> memref<1x128x128xf32, #tpu.memory_space<vmem>>
        %dma_wait3A_1103 = tpu.memref_squeeze %dma_wait3A_1102 : memref<1x128x128xf32, #tpu.memory_space<vmem>> -> memref<128x128xf32, #tpu.memory_space<vmem>>
        %dma_wait3A_1104 = arith.constant 0 : i32
        %dma_wait3A_1105 = tpu.memref_slice %arg8[%run_scoped3A_293, %dma_wait3A_1104] : memref<40x128xi32, #tpu.memory_space<vmem>> -> memref<1x128xi32, #tpu.memory_space<vmem>>
        %dma_wait3A_1106 = tpu.memref_squeeze %dma_wait3A_1105 : memref<1x128xi32, #tpu.memory_space<vmem>> -> memref<128xi32, #tpu.memory_space<vmem>>
        %dma_wait3A_1107 = arith.constant 0 : i32
        %dma_wait3A_1108 = arith.constant 0 : i32
        %dma_wait3A_1109 = tpu.memref_slice %arg6[%dma_wait3A_1107, %dma_wait3A_1108] : memref<10112x128xf32, #tpu.memory_space<vmem_shared>> -> memref<10112x128xf32, #tpu.memory_space<vmem_shared>>
        tpu.wait_indirect_dma semaphore(%run_scoped3A_1089 : memref<!tpu.dma_semaphore, #tpu.memory_space<semaphore_mem>>) src(%dma_wait3A_1103 : memref<128x128xf32, #tpu.memory_space<vmem>>) dst(%dma_wait3A_1109 : memref<10112x128xf32, #tpu.memory_space<vmem_shared>>)
        tpu.yield
      }) : () -> ()
      %dma_start3A_294 = arith.constant 10 : i32
      %dma_start3A_295 = arith.constant 0 : i32
      %dma_start3A_296 = arith.constant 0 : i32
      %dma_start3A_297 = arith.constant 0 : i32
      %dma_start3A_298 = tpu.memref_slice %arg9[%dma_start3A_295, %dma_start3A_296, %dma_start3A_297] : memref<2x128x128xf32, #tpu.memory_space<vmem>> -> memref<1x128x128xf32, #tpu.memory_space<vmem>>
      %dma_start3A_299 = tpu.memref_squeeze %dma_start3A_298 : memref<1x128x128xf32, #tpu.memory_space<vmem>> -> memref<128x128xf32, #tpu.memory_space<vmem>>
      %dma_start3A_300 = arith.constant 0 : i32
      %dma_start3A_301 = tpu.memref_slice %arg7[%dma_start3A_294, %dma_start3A_300] : memref<40x128xi32, #tpu.memory_space<vmem>> -> memref<1x128xi32, #tpu.memory_space<vmem>>
      %dma_start3A_302 = tpu.memref_squeeze %dma_start3A_301 : memref<1x128xi32, #tpu.memory_space<vmem>> -> memref<128xi32, #tpu.memory_space<vmem>>
      %dma_start3A_303 = arith.constant 0 : i32
      %dma_start3A_304 = arith.constant 0 : i32
      %dma_start3A_305 = tpu.memref_slice %arg2[%dma_start3A_303, %dma_start3A_304] : memref<10112x128xf32, #tpu.memory_space<hbm>> -> memref<10112x128xf32, #tpu.memory_space<hbm>>
      tpu.enqueue_indirect_dma source(%dma_start3A_305 : memref<10112x128xf32, #tpu.memory_space<hbm>>) target(%dma_start3A_299 : memref<128x128xf32, #tpu.memory_space<vmem>>) offsets(%dma_start3A_302 : memref<128xi32, #tpu.memory_space<vmem>>) semaphore(%arg10 : memref<!tpu.dma_semaphore, #tpu.memory_space<semaphore_mem>>)
      %dma_wait3A_306 = arith.constant 9 : i32
      %dma_wait3A_307 = arith.constant 1 : i32
      %dma_wait3A_308 = arith.constant 0 : i32
      %dma_wait3A_309 = arith.constant 0 : i32
      %dma_wait3A_310 = tpu.memref_slice %arg9[%dma_wait3A_307, %dma_wait3A_308, %dma_wait3A_309] : memref<2x128x128xf32, #tpu.memory_space<vmem>> -> memref<1x128x128xf32, #tpu.memory_space<vmem>>
      %dma_wait3A_311 = tpu.memref_squeeze %dma_wait3A_310 : memref<1x128x128xf32, #tpu.memory_space<vmem>> -> memref<128x128xf32, #tpu.memory_space<vmem>>
      %dma_wait3A_312 = arith.constant 0 : i32
      %dma_wait3A_313 = tpu.memref_slice %arg7[%dma_wait3A_306, %dma_wait3A_312] : memref<40x128xi32, #tpu.memory_space<vmem>> -> memref<1x128xi32, #tpu.memory_space<vmem>>
      %dma_wait3A_314 = tpu.memref_squeeze %dma_wait3A_313 : memref<1x128xi32, #tpu.memory_space<vmem>> -> memref<128xi32, #tpu.memory_space<vmem>>
      %dma_wait3A_315 = arith.constant 0 : i32
      %dma_wait3A_316 = arith.constant 0 : i32
      %dma_wait3A_317 = tpu.memref_slice %arg2[%dma_wait3A_315, %dma_wait3A_316] : memref<10112x128xf32, #tpu.memory_space<hbm>> -> memref<10112x128xf32, #tpu.memory_space<hbm>>
      tpu.wait_indirect_dma semaphore(%arg11 : memref<!tpu.dma_semaphore, #tpu.memory_space<semaphore_mem>>) src(%dma_wait3A_317 : memref<10112x128xf32, #tpu.memory_space<hbm>>) dst(%dma_wait3A_311 : memref<128x128xf32, #tpu.memory_space<vmem>>)
      %run_scoped3A_318 = arith.constant 1 : i32
      %run_scoped3A_319 = arith.constant 9 : i32
      "tpu.region"() ({
        %run_scoped3A_1089 = tpu.sem_alloc : memref<!tpu.dma_semaphore, #tpu.memory_space<semaphore_mem>>
        %dma_start3A_1090 = arith.constant 0 : i32
        %dma_start3A_1091 = arith.constant 0 : i32
        %dma_start3A_1092 = tpu.memref_slice %arg9[%run_scoped3A_318, %dma_start3A_1090, %dma_start3A_1091] : memref<2x128x128xf32, #tpu.memory_space<vmem>> -> memref<1x128x128xf32, #tpu.memory_space<vmem>>
        %dma_start3A_1093 = tpu.memref_squeeze %dma_start3A_1092 : memref<1x128x128xf32, #tpu.memory_space<vmem>> -> memref<128x128xf32, #tpu.memory_space<vmem>>
        %dma_start3A_1094 = arith.constant 0 : i32
        %dma_start3A_1095 = tpu.memref_slice %arg8[%run_scoped3A_319, %dma_start3A_1094] : memref<40x128xi32, #tpu.memory_space<vmem>> -> memref<1x128xi32, #tpu.memory_space<vmem>>
        %dma_start3A_1096 = tpu.memref_squeeze %dma_start3A_1095 : memref<1x128xi32, #tpu.memory_space<vmem>> -> memref<128xi32, #tpu.memory_space<vmem>>
        %dma_start3A_1097 = arith.constant 0 : i32
        %dma_start3A_1098 = arith.constant 0 : i32
        %dma_start3A_1099 = tpu.memref_slice %arg6[%dma_start3A_1097, %dma_start3A_1098] : memref<10112x128xf32, #tpu.memory_space<vmem_shared>> -> memref<10112x128xf32, #tpu.memory_space<vmem_shared>>
        tpu.enqueue_indirect_dma source(%dma_start3A_1093 : memref<128x128xf32, #tpu.memory_space<vmem>>) target(%dma_start3A_1099 : memref<10112x128xf32, #tpu.memory_space<vmem_shared>>) offsets(%dma_start3A_1096 : memref<128xi32, #tpu.memory_space<vmem>>) semaphore(%run_scoped3A_1089 : memref<!tpu.dma_semaphore, #tpu.memory_space<semaphore_mem>>) {add = true}
        %dma_wait3A_1100 = arith.constant 0 : i32
        %dma_wait3A_1101 = arith.constant 0 : i32
        %dma_wait3A_1102 = tpu.memref_slice %arg9[%run_scoped3A_318, %dma_wait3A_1100, %dma_wait3A_1101] : memref<2x128x128xf32, #tpu.memory_space<vmem>> -> memref<1x128x128xf32, #tpu.memory_space<vmem>>
        %dma_wait3A_1103 = tpu.memref_squeeze %dma_wait3A_1102 : memref<1x128x128xf32, #tpu.memory_space<vmem>> -> memref<128x128xf32, #tpu.memory_space<vmem>>
        %dma_wait3A_1104 = arith.constant 0 : i32
        %dma_wait3A_1105 = tpu.memref_slice %arg8[%run_scoped3A_319, %dma_wait3A_1104] : memref<40x128xi32, #tpu.memory_space<vmem>> -> memref<1x128xi32, #tpu.memory_space<vmem>>
        %dma_wait3A_1106 = tpu.memref_squeeze %dma_wait3A_1105 : memref<1x128xi32, #tpu.memory_space<vmem>> -> memref<128xi32, #tpu.memory_space<vmem>>
        %dma_wait3A_1107 = arith.constant 0 : i32
        %dma_wait3A_1108 = arith.constant 0 : i32
        %dma_wait3A_1109 = tpu.memref_slice %arg6[%dma_wait3A_1107, %dma_wait3A_1108] : memref<10112x128xf32, #tpu.memory_space<vmem_shared>> -> memref<10112x128xf32, #tpu.memory_space<vmem_shared>>
        tpu.wait_indirect_dma semaphore(%run_scoped3A_1089 : memref<!tpu.dma_semaphore, #tpu.memory_space<semaphore_mem>>) src(%dma_wait3A_1103 : memref<128x128xf32, #tpu.memory_space<vmem>>) dst(%dma_wait3A_1109 : memref<10112x128xf32, #tpu.memory_space<vmem_shared>>)
        tpu.yield
      }) : () -> ()
      %dma_start3A_320 = arith.constant 11 : i32
      %dma_start3A_321 = arith.constant 1 : i32
      %dma_start3A_322 = arith.constant 0 : i32
      %dma_start3A_323 = arith.constant 0 : i32
      %dma_start3A_324 = tpu.memref_slice %arg9[%dma_start3A_321, %dma_start3A_322, %dma_start3A_323] : memref<2x128x128xf32, #tpu.memory_space<vmem>> -> memref<1x128x128xf32, #tpu.memory_space<vmem>>
      %dma_start3A_325 = tpu.memref_squeeze %dma_start3A_324 : memref<1x128x128xf32, #tpu.memory_space<vmem>> -> memref<128x128xf32, #tpu.memory_space<vmem>>
      %dma_start3A_326 = arith.constant 0 : i32
      %dma_start3A_327 = tpu.memref_slice %arg7[%dma_start3A_320, %dma_start3A_326] : memref<40x128xi32, #tpu.memory_space<vmem>> -> memref<1x128xi32, #tpu.memory_space<vmem>>
      %dma_start3A_328 = tpu.memref_squeeze %dma_start3A_327 : memref<1x128xi32, #tpu.memory_space<vmem>> -> memref<128xi32, #tpu.memory_space<vmem>>
      %dma_start3A_329 = arith.constant 0 : i32
      %dma_start3A_330 = arith.constant 0 : i32
      %dma_start3A_331 = tpu.memref_slice %arg2[%dma_start3A_329, %dma_start3A_330] : memref<10112x128xf32, #tpu.memory_space<hbm>> -> memref<10112x128xf32, #tpu.memory_space<hbm>>
      tpu.enqueue_indirect_dma source(%dma_start3A_331 : memref<10112x128xf32, #tpu.memory_space<hbm>>) target(%dma_start3A_325 : memref<128x128xf32, #tpu.memory_space<vmem>>) offsets(%dma_start3A_328 : memref<128xi32, #tpu.memory_space<vmem>>) semaphore(%arg11 : memref<!tpu.dma_semaphore, #tpu.memory_space<semaphore_mem>>)
      %dma_wait3A_332 = arith.constant 10 : i32
      %dma_wait3A_333 = arith.constant 0 : i32
      %dma_wait3A_334 = arith.constant 0 : i32
      %dma_wait3A_335 = arith.constant 0 : i32
      %dma_wait3A_336 = tpu.memref_slice %arg9[%dma_wait3A_333, %dma_wait3A_334, %dma_wait3A_335] : memref<2x128x128xf32, #tpu.memory_space<vmem>> -> memref<1x128x128xf32, #tpu.memory_space<vmem>>
      %dma_wait3A_337 = tpu.memref_squeeze %dma_wait3A_336 : memref<1x128x128xf32, #tpu.memory_space<vmem>> -> memref<128x128xf32, #tpu.memory_space<vmem>>
      %dma_wait3A_338 = arith.constant 0 : i32
      %dma_wait3A_339 = tpu.memref_slice %arg7[%dma_wait3A_332, %dma_wait3A_338] : memref<40x128xi32, #tpu.memory_space<vmem>> -> memref<1x128xi32, #tpu.memory_space<vmem>>
      %dma_wait3A_340 = tpu.memref_squeeze %dma_wait3A_339 : memref<1x128xi32, #tpu.memory_space<vmem>> -> memref<128xi32, #tpu.memory_space<vmem>>
      %dma_wait3A_341 = arith.constant 0 : i32
      %dma_wait3A_342 = arith.constant 0 : i32
      %dma_wait3A_343 = tpu.memref_slice %arg2[%dma_wait3A_341, %dma_wait3A_342] : memref<10112x128xf32, #tpu.memory_space<hbm>> -> memref<10112x128xf32, #tpu.memory_space<hbm>>
      tpu.wait_indirect_dma semaphore(%arg10 : memref<!tpu.dma_semaphore, #tpu.memory_space<semaphore_mem>>) src(%dma_wait3A_343 : memref<10112x128xf32, #tpu.memory_space<hbm>>) dst(%dma_wait3A_337 : memref<128x128xf32, #tpu.memory_space<vmem>>)
      %run_scoped3A_344 = arith.constant 0 : i32
      %run_scoped3A_345 = arith.constant 10 : i32
      "tpu.region"() ({
        %run_scoped3A_1089 = tpu.sem_alloc : memref<!tpu.dma_semaphore, #tpu.memory_space<semaphore_mem>>
        %dma_start3A_1090 = arith.constant 0 : i32
        %dma_start3A_1091 = arith.constant 0 : i32
        %dma_start3A_1092 = tpu.memref_slice %arg9[%run_scoped3A_344, %dma_start3A_1090, %dma_start3A_1091] : memref<2x128x128xf32, #tpu.memory_space<vmem>> -> memref<1x128x128xf32, #tpu.memory_space<vmem>>
        %dma_start3A_1093 = tpu.memref_squeeze %dma_start3A_1092 : memref<1x128x128xf32, #tpu.memory_space<vmem>> -> memref<128x128xf32, #tpu.memory_space<vmem>>
        %dma_start3A_1094 = arith.constant 0 : i32
        %dma_start3A_1095 = tpu.memref_slice %arg8[%run_scoped3A_345, %dma_start3A_1094] : memref<40x128xi32, #tpu.memory_space<vmem>> -> memref<1x128xi32, #tpu.memory_space<vmem>>
        %dma_start3A_1096 = tpu.memref_squeeze %dma_start3A_1095 : memref<1x128xi32, #tpu.memory_space<vmem>> -> memref<128xi32, #tpu.memory_space<vmem>>
        %dma_start3A_1097 = arith.constant 0 : i32
        %dma_start3A_1098 = arith.constant 0 : i32
        %dma_start3A_1099 = tpu.memref_slice %arg6[%dma_start3A_1097, %dma_start3A_1098] : memref<10112x128xf32, #tpu.memory_space<vmem_shared>> -> memref<10112x128xf32, #tpu.memory_space<vmem_shared>>
        tpu.enqueue_indirect_dma source(%dma_start3A_1093 : memref<128x128xf32, #tpu.memory_space<vmem>>) target(%dma_start3A_1099 : memref<10112x128xf32, #tpu.memory_space<vmem_shared>>) offsets(%dma_start3A_1096 : memref<128xi32, #tpu.memory_space<vmem>>) semaphore(%run_scoped3A_1089 : memref<!tpu.dma_semaphore, #tpu.memory_space<semaphore_mem>>) {add = true}
        %dma_wait3A_1100 = arith.constant 0 : i32
        %dma_wait3A_1101 = arith.constant 0 : i32
        %dma_wait3A_1102 = tpu.memref_slice %arg9[%run_scoped3A_344, %dma_wait3A_1100, %dma_wait3A_1101] : memref<2x128x128xf32, #tpu.memory_space<vmem>> -> memref<1x128x128xf32, #tpu.memory_space<vmem>>
        %dma_wait3A_1103 = tpu.memref_squeeze %dma_wait3A_1102 : memref<1x128x128xf32, #tpu.memory_space<vmem>> -> memref<128x128xf32, #tpu.memory_space<vmem>>
        %dma_wait3A_1104 = arith.constant 0 : i32
        %dma_wait3A_1105 = tpu.memref_slice %arg8[%run_scoped3A_345, %dma_wait3A_1104] : memref<40x128xi32, #tpu.memory_space<vmem>> -> memref<1x128xi32, #tpu.memory_space<vmem>>
        %dma_wait3A_1106 = tpu.memref_squeeze %dma_wait3A_1105 : memref<1x128xi32, #tpu.memory_space<vmem>> -> memref<128xi32, #tpu.memory_space<vmem>>
        %dma_wait3A_1107 = arith.constant 0 : i32
        %dma_wait3A_1108 = arith.constant 0 : i32
        %dma_wait3A_1109 = tpu.memref_slice %arg6[%dma_wait3A_1107, %dma_wait3A_1108] : memref<10112x128xf32, #tpu.memory_space<vmem_shared>> -> memref<10112x128xf32, #tpu.memory_space<vmem_shared>>
        tpu.wait_indirect_dma semaphore(%run_scoped3A_1089 : memref<!tpu.dma_semaphore, #tpu.memory_space<semaphore_mem>>) src(%dma_wait3A_1103 : memref<128x128xf32, #tpu.memory_space<vmem>>) dst(%dma_wait3A_1109 : memref<10112x128xf32, #tpu.memory_space<vmem_shared>>)
        tpu.yield
      }) : () -> ()
      %dma_start3A_346 = arith.constant 12 : i32
      %dma_start3A_347 = arith.constant 0 : i32
      %dma_start3A_348 = arith.constant 0 : i32
      %dma_start3A_349 = arith.constant 0 : i32
      %dma_start3A_350 = tpu.memref_slice %arg9[%dma_start3A_347, %dma_start3A_348, %dma_start3A_349] : memref<2x128x128xf32, #tpu.memory_space<vmem>> -> memref<1x128x128xf32, #tpu.memory_space<vmem>>
      %dma_start3A_351 = tpu.memref_squeeze %dma_start3A_350 : memref<1x128x128xf32, #tpu.memory_space<vmem>> -> memref<128x128xf32, #tpu.memory_space<vmem>>
      %dma_start3A_352 = arith.constant 0 : i32
      %dma_start3A_353 = tpu.memref_slice %arg7[%dma_start3A_346, %dma_start3A_352] : memref<40x128xi32, #tpu.memory_space<vmem>> -> memref<1x128xi32, #tpu.memory_space<vmem>>
      %dma_start3A_354 = tpu.memref_squeeze %dma_start3A_353 : memref<1x128xi32, #tpu.memory_space<vmem>> -> memref<128xi32, #tpu.memory_space<vmem>>
      %dma_start3A_355 = arith.constant 0 : i32
      %dma_start3A_356 = arith.constant 0 : i32
      %dma_start3A_357 = tpu.memref_slice %arg2[%dma_start3A_355, %dma_start3A_356] : memref<10112x128xf32, #tpu.memory_space<hbm>> -> memref<10112x128xf32, #tpu.memory_space<hbm>>
      tpu.enqueue_indirect_dma source(%dma_start3A_357 : memref<10112x128xf32, #tpu.memory_space<hbm>>) target(%dma_start3A_351 : memref<128x128xf32, #tpu.memory_space<vmem>>) offsets(%dma_start3A_354 : memref<128xi32, #tpu.memory_space<vmem>>) semaphore(%arg10 : memref<!tpu.dma_semaphore, #tpu.memory_space<semaphore_mem>>)
      %dma_wait3A_358 = arith.constant 11 : i32
      %dma_wait3A_359 = arith.constant 1 : i32
      %dma_wait3A_360 = arith.constant 0 : i32
      %dma_wait3A_361 = arith.constant 0 : i32
      %dma_wait3A_362 = tpu.memref_slice %arg9[%dma_wait3A_359, %dma_wait3A_360, %dma_wait3A_361] : memref<2x128x128xf32, #tpu.memory_space<vmem>> -> memref<1x128x128xf32, #tpu.memory_space<vmem>>
      %dma_wait3A_363 = tpu.memref_squeeze %dma_wait3A_362 : memref<1x128x128xf32, #tpu.memory_space<vmem>> -> memref<128x128xf32, #tpu.memory_space<vmem>>
      %dma_wait3A_364 = arith.constant 0 : i32
      %dma_wait3A_365 = tpu.memref_slice %arg7[%dma_wait3A_358, %dma_wait3A_364] : memref<40x128xi32, #tpu.memory_space<vmem>> -> memref<1x128xi32, #tpu.memory_space<vmem>>
      %dma_wait3A_366 = tpu.memref_squeeze %dma_wait3A_365 : memref<1x128xi32, #tpu.memory_space<vmem>> -> memref<128xi32, #tpu.memory_space<vmem>>
      %dma_wait3A_367 = arith.constant 0 : i32
      %dma_wait3A_368 = arith.constant 0 : i32
      %dma_wait3A_369 = tpu.memref_slice %arg2[%dma_wait3A_367, %dma_wait3A_368] : memref<10112x128xf32, #tpu.memory_space<hbm>> -> memref<10112x128xf32, #tpu.memory_space<hbm>>
      tpu.wait_indirect_dma semaphore(%arg11 : memref<!tpu.dma_semaphore, #tpu.memory_space<semaphore_mem>>) src(%dma_wait3A_369 : memref<10112x128xf32, #tpu.memory_space<hbm>>) dst(%dma_wait3A_363 : memref<128x128xf32, #tpu.memory_space<vmem>>)
      %run_scoped3A_370 = arith.constant 1 : i32
      %run_scoped3A_371 = arith.constant 11 : i32
      "tpu.region"() ({
        %run_scoped3A_1089 = tpu.sem_alloc : memref<!tpu.dma_semaphore, #tpu.memory_space<semaphore_mem>>
        %dma_start3A_1090 = arith.constant 0 : i32
        %dma_start3A_1091 = arith.constant 0 : i32
        %dma_start3A_1092 = tpu.memref_slice %arg9[%run_scoped3A_370, %dma_start3A_1090, %dma_start3A_1091] : memref<2x128x128xf32, #tpu.memory_space<vmem>> -> memref<1x128x128xf32, #tpu.memory_space<vmem>>
        %dma_start3A_1093 = tpu.memref_squeeze %dma_start3A_1092 : memref<1x128x128xf32, #tpu.memory_space<vmem>> -> memref<128x128xf32, #tpu.memory_space<vmem>>
        %dma_start3A_1094 = arith.constant 0 : i32
        %dma_start3A_1095 = tpu.memref_slice %arg8[%run_scoped3A_371, %dma_start3A_1094] : memref<40x128xi32, #tpu.memory_space<vmem>> -> memref<1x128xi32, #tpu.memory_space<vmem>>
        %dma_start3A_1096 = tpu.memref_squeeze %dma_start3A_1095 : memref<1x128xi32, #tpu.memory_space<vmem>> -> memref<128xi32, #tpu.memory_space<vmem>>
        %dma_start3A_1097 = arith.constant 0 : i32
        %dma_start3A_1098 = arith.constant 0 : i32
        %dma_start3A_1099 = tpu.memref_slice %arg6[%dma_start3A_1097, %dma_start3A_1098] : memref<10112x128xf32, #tpu.memory_space<vmem_shared>> -> memref<10112x128xf32, #tpu.memory_space<vmem_shared>>
        tpu.enqueue_indirect_dma source(%dma_start3A_1093 : memref<128x128xf32, #tpu.memory_space<vmem>>) target(%dma_start3A_1099 : memref<10112x128xf32, #tpu.memory_space<vmem_shared>>) offsets(%dma_start3A_1096 : memref<128xi32, #tpu.memory_space<vmem>>) semaphore(%run_scoped3A_1089 : memref<!tpu.dma_semaphore, #tpu.memory_space<semaphore_mem>>) {add = true}
        %dma_wait3A_1100 = arith.constant 0 : i32
        %dma_wait3A_1101 = arith.constant 0 : i32
        %dma_wait3A_1102 = tpu.memref_slice %arg9[%run_scoped3A_370, %dma_wait3A_1100, %dma_wait3A_1101] : memref<2x128x128xf32, #tpu.memory_space<vmem>> -> memref<1x128x128xf32, #tpu.memory_space<vmem>>
        %dma_wait3A_1103 = tpu.memref_squeeze %dma_wait3A_1102 : memref<1x128x128xf32, #tpu.memory_space<vmem>> -> memref<128x128xf32, #tpu.memory_space<vmem>>
        %dma_wait3A_1104 = arith.constant 0 : i32
        %dma_wait3A_1105 = tpu.memref_slice %arg8[%run_scoped3A_371, %dma_wait3A_1104] : memref<40x128xi32, #tpu.memory_space<vmem>> -> memref<1x128xi32, #tpu.memory_space<vmem>>
        %dma_wait3A_1106 = tpu.memref_squeeze %dma_wait3A_1105 : memref<1x128xi32, #tpu.memory_space<vmem>> -> memref<128xi32, #tpu.memory_space<vmem>>
        %dma_wait3A_1107 = arith.constant 0 : i32
        %dma_wait3A_1108 = arith.constant 0 : i32
        %dma_wait3A_1109 = tpu.memref_slice %arg6[%dma_wait3A_1107, %dma_wait3A_1108] : memref<10112x128xf32, #tpu.memory_space<vmem_shared>> -> memref<10112x128xf32, #tpu.memory_space<vmem_shared>>
        tpu.wait_indirect_dma semaphore(%run_scoped3A_1089 : memref<!tpu.dma_semaphore, #tpu.memory_space<semaphore_mem>>) src(%dma_wait3A_1103 : memref<128x128xf32, #tpu.memory_space<vmem>>) dst(%dma_wait3A_1109 : memref<10112x128xf32, #tpu.memory_space<vmem_shared>>)
        tpu.yield
      }) : () -> ()
      %dma_start3A_372 = arith.constant 13 : i32
      %dma_start3A_373 = arith.constant 1 : i32
      %dma_start3A_374 = arith.constant 0 : i32
      %dma_start3A_375 = arith.constant 0 : i32
      %dma_start3A_376 = tpu.memref_slice %arg9[%dma_start3A_373, %dma_start3A_374, %dma_start3A_375] : memref<2x128x128xf32, #tpu.memory_space<vmem>> -> memref<1x128x128xf32, #tpu.memory_space<vmem>>
      %dma_start3A_377 = tpu.memref_squeeze %dma_start3A_376 : memref<1x128x128xf32, #tpu.memory_space<vmem>> -> memref<128x128xf32, #tpu.memory_space<vmem>>
      %dma_start3A_378 = arith.constant 0 : i32
      %dma_start3A_379 = tpu.memref_slice %arg7[%dma_start3A_372, %dma_start3A_378] : memref<40x128xi32, #tpu.memory_space<vmem>> -> memref<1x128xi32, #tpu.memory_space<vmem>>
      %dma_start3A_380 = tpu.memref_squeeze %dma_start3A_379 : memref<1x128xi32, #tpu.memory_space<vmem>> -> memref<128xi32, #tpu.memory_space<vmem>>
      %dma_start3A_381 = arith.constant 0 : i32
      %dma_start3A_382 = arith.constant 0 : i32
      %dma_start3A_383 = tpu.memref_slice %arg2[%dma_start3A_381, %dma_start3A_382] : memref<10112x128xf32, #tpu.memory_space<hbm>> -> memref<10112x128xf32, #tpu.memory_space<hbm>>
      tpu.enqueue_indirect_dma source(%dma_start3A_383 : memref<10112x128xf32, #tpu.memory_space<hbm>>) target(%dma_start3A_377 : memref<128x128xf32, #tpu.memory_space<vmem>>) offsets(%dma_start3A_380 : memref<128xi32, #tpu.memory_space<vmem>>) semaphore(%arg11 : memref<!tpu.dma_semaphore, #tpu.memory_space<semaphore_mem>>)
      %dma_wait3A_384 = arith.constant 12 : i32
      %dma_wait3A_385 = arith.constant 0 : i32
      %dma_wait3A_386 = arith.constant 0 : i32
      %dma_wait3A_387 = arith.constant 0 : i32
      %dma_wait3A_388 = tpu.memref_slice %arg9[%dma_wait3A_385, %dma_wait3A_386, %dma_wait3A_387] : memref<2x128x128xf32, #tpu.memory_space<vmem>> -> memref<1x128x128xf32, #tpu.memory_space<vmem>>
      %dma_wait3A_389 = tpu.memref_squeeze %dma_wait3A_388 : memref<1x128x128xf32, #tpu.memory_space<vmem>> -> memref<128x128xf32, #tpu.memory_space<vmem>>
      %dma_wait3A_390 = arith.constant 0 : i32
      %dma_wait3A_391 = tpu.memref_slice %arg7[%dma_wait3A_384, %dma_wait3A_390] : memref<40x128xi32, #tpu.memory_space<vmem>> -> memref<1x128xi32, #tpu.memory_space<vmem>>
      %dma_wait3A_392 = tpu.memref_squeeze %dma_wait3A_391 : memref<1x128xi32, #tpu.memory_space<vmem>> -> memref<128xi32, #tpu.memory_space<vmem>>
      %dma_wait3A_393 = arith.constant 0 : i32
      %dma_wait3A_394 = arith.constant 0 : i32
      %dma_wait3A_395 = tpu.memref_slice %arg2[%dma_wait3A_393, %dma_wait3A_394] : memref<10112x128xf32, #tpu.memory_space<hbm>> -> memref<10112x128xf32, #tpu.memory_space<hbm>>
      tpu.wait_indirect_dma semaphore(%arg10 : memref<!tpu.dma_semaphore, #tpu.memory_space<semaphore_mem>>) src(%dma_wait3A_395 : memref<10112x128xf32, #tpu.memory_space<hbm>>) dst(%dma_wait3A_389 : memref<128x128xf32, #tpu.memory_space<vmem>>)
      %run_scoped3A_396 = arith.constant 0 : i32
      %run_scoped3A_397 = arith.constant 12 : i32
      "tpu.region"() ({
        %run_scoped3A_1089 = tpu.sem_alloc : memref<!tpu.dma_semaphore, #tpu.memory_space<semaphore_mem>>
        %dma_start3A_1090 = arith.constant 0 : i32
        %dma_start3A_1091 = arith.constant 0 : i32
        %dma_start3A_1092 = tpu.memref_slice %arg9[%run_scoped3A_396, %dma_start3A_1090, %dma_start3A_1091] : memref<2x128x128xf32, #tpu.memory_space<vmem>> -> memref<1x128x128xf32, #tpu.memory_space<vmem>>
        %dma_start3A_1093 = tpu.memref_squeeze %dma_start3A_1092 : memref<1x128x128xf32, #tpu.memory_space<vmem>> -> memref<128x128xf32, #tpu.memory_space<vmem>>
        %dma_start3A_1094 = arith.constant 0 : i32
        %dma_start3A_1095 = tpu.memref_slice %arg8[%run_scoped3A_397, %dma_start3A_1094] : memref<40x128xi32, #tpu.memory_space<vmem>> -> memref<1x128xi32, #tpu.memory_space<vmem>>
        %dma_start3A_1096 = tpu.memref_squeeze %dma_start3A_1095 : memref<1x128xi32, #tpu.memory_space<vmem>> -> memref<128xi32, #tpu.memory_space<vmem>>
        %dma_start3A_1097 = arith.constant 0 : i32
        %dma_start3A_1098 = arith.constant 0 : i32
        %dma_start3A_1099 = tpu.memref_slice %arg6[%dma_start3A_1097, %dma_start3A_1098] : memref<10112x128xf32, #tpu.memory_space<vmem_shared>> -> memref<10112x128xf32, #tpu.memory_space<vmem_shared>>
        tpu.enqueue_indirect_dma source(%dma_start3A_1093 : memref<128x128xf32, #tpu.memory_space<vmem>>) target(%dma_start3A_1099 : memref<10112x128xf32, #tpu.memory_space<vmem_shared>>) offsets(%dma_start3A_1096 : memref<128xi32, #tpu.memory_space<vmem>>) semaphore(%run_scoped3A_1089 : memref<!tpu.dma_semaphore, #tpu.memory_space<semaphore_mem>>) {add = true}
        %dma_wait3A_1100 = arith.constant 0 : i32
        %dma_wait3A_1101 = arith.constant 0 : i32
        %dma_wait3A_1102 = tpu.memref_slice %arg9[%run_scoped3A_396, %dma_wait3A_1100, %dma_wait3A_1101] : memref<2x128x128xf32, #tpu.memory_space<vmem>> -> memref<1x128x128xf32, #tpu.memory_space<vmem>>
        %dma_wait3A_1103 = tpu.memref_squeeze %dma_wait3A_1102 : memref<1x128x128xf32, #tpu.memory_space<vmem>> -> memref<128x128xf32, #tpu.memory_space<vmem>>
        %dma_wait3A_1104 = arith.constant 0 : i32
        %dma_wait3A_1105 = tpu.memref_slice %arg8[%run_scoped3A_397, %dma_wait3A_1104] : memref<40x128xi32, #tpu.memory_space<vmem>> -> memref<1x128xi32, #tpu.memory_space<vmem>>
        %dma_wait3A_1106 = tpu.memref_squeeze %dma_wait3A_1105 : memref<1x128xi32, #tpu.memory_space<vmem>> -> memref<128xi32, #tpu.memory_space<vmem>>
        %dma_wait3A_1107 = arith.constant 0 : i32
        %dma_wait3A_1108 = arith.constant 0 : i32
        %dma_wait3A_1109 = tpu.memref_slice %arg6[%dma_wait3A_1107, %dma_wait3A_1108] : memref<10112x128xf32, #tpu.memory_space<vmem_shared>> -> memref<10112x128xf32, #tpu.memory_space<vmem_shared>>
        tpu.wait_indirect_dma semaphore(%run_scoped3A_1089 : memref<!tpu.dma_semaphore, #tpu.memory_space<semaphore_mem>>) src(%dma_wait3A_1103 : memref<128x128xf32, #tpu.memory_space<vmem>>) dst(%dma_wait3A_1109 : memref<10112x128xf32, #tpu.memory_space<vmem_shared>>)
        tpu.yield
      }) : () -> ()
      %dma_start3A_398 = arith.constant 14 : i32
      %dma_start3A_399 = arith.constant 0 : i32
      %dma_start3A_400 = arith.constant 0 : i32
      %dma_start3A_401 = arith.constant 0 : i32
      %dma_start3A_402 = tpu.memref_slice %arg9[%dma_start3A_399, %dma_start3A_400, %dma_start3A_401] : memref<2x128x128xf32, #tpu.memory_space<vmem>> -> memref<1x128x128xf32, #tpu.memory_space<vmem>>
      %dma_start3A_403 = tpu.memref_squeeze %dma_start3A_402 : memref<1x128x128xf32, #tpu.memory_space<vmem>> -> memref<128x128xf32, #tpu.memory_space<vmem>>
      %dma_start3A_404 = arith.constant 0 : i32
      %dma_start3A_405 = tpu.memref_slice %arg7[%dma_start3A_398, %dma_start3A_404] : memref<40x128xi32, #tpu.memory_space<vmem>> -> memref<1x128xi32, #tpu.memory_space<vmem>>
      %dma_start3A_406 = tpu.memref_squeeze %dma_start3A_405 : memref<1x128xi32, #tpu.memory_space<vmem>> -> memref<128xi32, #tpu.memory_space<vmem>>
      %dma_start3A_407 = arith.constant 0 : i32
      %dma_start3A_408 = arith.constant 0 : i32
      %dma_start3A_409 = tpu.memref_slice %arg2[%dma_start3A_407, %dma_start3A_408] : memref<10112x128xf32, #tpu.memory_space<hbm>> -> memref<10112x128xf32, #tpu.memory_space<hbm>>
      tpu.enqueue_indirect_dma source(%dma_start3A_409 : memref<10112x128xf32, #tpu.memory_space<hbm>>) target(%dma_start3A_403 : memref<128x128xf32, #tpu.memory_space<vmem>>) offsets(%dma_start3A_406 : memref<128xi32, #tpu.memory_space<vmem>>) semaphore(%arg10 : memref<!tpu.dma_semaphore, #tpu.memory_space<semaphore_mem>>)
      %dma_wait3A_410 = arith.constant 13 : i32
      %dma_wait3A_411 = arith.constant 1 : i32
      %dma_wait3A_412 = arith.constant 0 : i32
      %dma_wait3A_413 = arith.constant 0 : i32
      %dma_wait3A_414 = tpu.memref_slice %arg9[%dma_wait3A_411, %dma_wait3A_412, %dma_wait3A_413] : memref<2x128x128xf32, #tpu.memory_space<vmem>> -> memref<1x128x128xf32, #tpu.memory_space<vmem>>
      %dma_wait3A_415 = tpu.memref_squeeze %dma_wait3A_414 : memref<1x128x128xf32, #tpu.memory_space<vmem>> -> memref<128x128xf32, #tpu.memory_space<vmem>>
      %dma_wait3A_416 = arith.constant 0 : i32
      %dma_wait3A_417 = tpu.memref_slice %arg7[%dma_wait3A_410, %dma_wait3A_416] : memref<40x128xi32, #tpu.memory_space<vmem>> -> memref<1x128xi32, #tpu.memory_space<vmem>>
      %dma_wait3A_418 = tpu.memref_squeeze %dma_wait3A_417 : memref<1x128xi32, #tpu.memory_space<vmem>> -> memref<128xi32, #tpu.memory_space<vmem>>
      %dma_wait3A_419 = arith.constant 0 : i32
      %dma_wait3A_420 = arith.constant 0 : i32
      %dma_wait3A_421 = tpu.memref_slice %arg2[%dma_wait3A_419, %dma_wait3A_420] : memref<10112x128xf32, #tpu.memory_space<hbm>> -> memref<10112x128xf32, #tpu.memory_space<hbm>>
      tpu.wait_indirect_dma semaphore(%arg11 : memref<!tpu.dma_semaphore, #tpu.memory_space<semaphore_mem>>) src(%dma_wait3A_421 : memref<10112x128xf32, #tpu.memory_space<hbm>>) dst(%dma_wait3A_415 : memref<128x128xf32, #tpu.memory_space<vmem>>)
      %run_scoped3A_422 = arith.constant 1 : i32
      %run_scoped3A_423 = arith.constant 13 : i32
      "tpu.region"() ({
        %run_scoped3A_1089 = tpu.sem_alloc : memref<!tpu.dma_semaphore, #tpu.memory_space<semaphore_mem>>
        %dma_start3A_1090 = arith.constant 0 : i32
        %dma_start3A_1091 = arith.constant 0 : i32
        %dma_start3A_1092 = tpu.memref_slice %arg9[%run_scoped3A_422, %dma_start3A_1090, %dma_start3A_1091] : memref<2x128x128xf32, #tpu.memory_space<vmem>> -> memref<1x128x128xf32, #tpu.memory_space<vmem>>
        %dma_start3A_1093 = tpu.memref_squeeze %dma_start3A_1092 : memref<1x128x128xf32, #tpu.memory_space<vmem>> -> memref<128x128xf32, #tpu.memory_space<vmem>>
        %dma_start3A_1094 = arith.constant 0 : i32
        %dma_start3A_1095 = tpu.memref_slice %arg8[%run_scoped3A_423, %dma_start3A_1094] : memref<40x128xi32, #tpu.memory_space<vmem>> -> memref<1x128xi32, #tpu.memory_space<vmem>>
        %dma_start3A_1096 = tpu.memref_squeeze %dma_start3A_1095 : memref<1x128xi32, #tpu.memory_space<vmem>> -> memref<128xi32, #tpu.memory_space<vmem>>
        %dma_start3A_1097 = arith.constant 0 : i32
        %dma_start3A_1098 = arith.constant 0 : i32
        %dma_start3A_1099 = tpu.memref_slice %arg6[%dma_start3A_1097, %dma_start3A_1098] : memref<10112x128xf32, #tpu.memory_space<vmem_shared>> -> memref<10112x128xf32, #tpu.memory_space<vmem_shared>>
        tpu.enqueue_indirect_dma source(%dma_start3A_1093 : memref<128x128xf32, #tpu.memory_space<vmem>>) target(%dma_start3A_1099 : memref<10112x128xf32, #tpu.memory_space<vmem_shared>>) offsets(%dma_start3A_1096 : memref<128xi32, #tpu.memory_space<vmem>>) semaphore(%run_scoped3A_1089 : memref<!tpu.dma_semaphore, #tpu.memory_space<semaphore_mem>>) {add = true}
        %dma_wait3A_1100 = arith.constant 0 : i32
        %dma_wait3A_1101 = arith.constant 0 : i32
        %dma_wait3A_1102 = tpu.memref_slice %arg9[%run_scoped3A_422, %dma_wait3A_1100, %dma_wait3A_1101] : memref<2x128x128xf32, #tpu.memory_space<vmem>> -> memref<1x128x128xf32, #tpu.memory_space<vmem>>
        %dma_wait3A_1103 = tpu.memref_squeeze %dma_wait3A_1102 : memref<1x128x128xf32, #tpu.memory_space<vmem>> -> memref<128x128xf32, #tpu.memory_space<vmem>>
        %dma_wait3A_1104 = arith.constant 0 : i32
        %dma_wait3A_1105 = tpu.memref_slice %arg8[%run_scoped3A_423, %dma_wait3A_1104] : memref<40x128xi32, #tpu.memory_space<vmem>> -> memref<1x128xi32, #tpu.memory_space<vmem>>
        %dma_wait3A_1106 = tpu.memref_squeeze %dma_wait3A_1105 : memref<1x128xi32, #tpu.memory_space<vmem>> -> memref<128xi32, #tpu.memory_space<vmem>>
        %dma_wait3A_1107 = arith.constant 0 : i32
        %dma_wait3A_1108 = arith.constant 0 : i32
        %dma_wait3A_1109 = tpu.memref_slice %arg6[%dma_wait3A_1107, %dma_wait3A_1108] : memref<10112x128xf32, #tpu.memory_space<vmem_shared>> -> memref<10112x128xf32, #tpu.memory_space<vmem_shared>>
        tpu.wait_indirect_dma semaphore(%run_scoped3A_1089 : memref<!tpu.dma_semaphore, #tpu.memory_space<semaphore_mem>>) src(%dma_wait3A_1103 : memref<128x128xf32, #tpu.memory_space<vmem>>) dst(%dma_wait3A_1109 : memref<10112x128xf32, #tpu.memory_space<vmem_shared>>)
        tpu.yield
      }) : () -> ()
      %dma_start3A_424 = arith.constant 15 : i32
      %dma_start3A_425 = arith.constant 1 : i32
      %dma_start3A_426 = arith.constant 0 : i32
      %dma_start3A_427 = arith.constant 0 : i32
      %dma_start3A_428 = tpu.memref_slice %arg9[%dma_start3A_425, %dma_start3A_426, %dma_start3A_427] : memref<2x128x128xf32, #tpu.memory_space<vmem>> -> memref<1x128x128xf32, #tpu.memory_space<vmem>>
      %dma_start3A_429 = tpu.memref_squeeze %dma_start3A_428 : memref<1x128x128xf32, #tpu.memory_space<vmem>> -> memref<128x128xf32, #tpu.memory_space<vmem>>
      %dma_start3A_430 = arith.constant 0 : i32
      %dma_start3A_431 = tpu.memref_slice %arg7[%dma_start3A_424, %dma_start3A_430] : memref<40x128xi32, #tpu.memory_space<vmem>> -> memref<1x128xi32, #tpu.memory_space<vmem>>
      %dma_start3A_432 = tpu.memref_squeeze %dma_start3A_431 : memref<1x128xi32, #tpu.memory_space<vmem>> -> memref<128xi32, #tpu.memory_space<vmem>>
      %dma_start3A_433 = arith.constant 0 : i32
      %dma_start3A_434 = arith.constant 0 : i32
      %dma_start3A_435 = tpu.memref_slice %arg2[%dma_start3A_433, %dma_start3A_434] : memref<10112x128xf32, #tpu.memory_space<hbm>> -> memref<10112x128xf32, #tpu.memory_space<hbm>>
      tpu.enqueue_indirect_dma source(%dma_start3A_435 : memref<10112x128xf32, #tpu.memory_space<hbm>>) target(%dma_start3A_429 : memref<128x128xf32, #tpu.memory_space<vmem>>) offsets(%dma_start3A_432 : memref<128xi32, #tpu.memory_space<vmem>>) semaphore(%arg11 : memref<!tpu.dma_semaphore, #tpu.memory_space<semaphore_mem>>)
      %dma_wait3A_436 = arith.constant 14 : i32
      %dma_wait3A_437 = arith.constant 0 : i32
      %dma_wait3A_438 = arith.constant 0 : i32
      %dma_wait3A_439 = arith.constant 0 : i32
      %dma_wait3A_440 = tpu.memref_slice %arg9[%dma_wait3A_437, %dma_wait3A_438, %dma_wait3A_439] : memref<2x128x128xf32, #tpu.memory_space<vmem>> -> memref<1x128x128xf32, #tpu.memory_space<vmem>>
      %dma_wait3A_441 = tpu.memref_squeeze %dma_wait3A_440 : memref<1x128x128xf32, #tpu.memory_space<vmem>> -> memref<128x128xf32, #tpu.memory_space<vmem>>
      %dma_wait3A_442 = arith.constant 0 : i32
      %dma_wait3A_443 = tpu.memref_slice %arg7[%dma_wait3A_436, %dma_wait3A_442] : memref<40x128xi32, #tpu.memory_space<vmem>> -> memref<1x128xi32, #tpu.memory_space<vmem>>
      %dma_wait3A_444 = tpu.memref_squeeze %dma_wait3A_443 : memref<1x128xi32, #tpu.memory_space<vmem>> -> memref<128xi32, #tpu.memory_space<vmem>>
      %dma_wait3A_445 = arith.constant 0 : i32
      %dma_wait3A_446 = arith.constant 0 : i32
      %dma_wait3A_447 = tpu.memref_slice %arg2[%dma_wait3A_445, %dma_wait3A_446] : memref<10112x128xf32, #tpu.memory_space<hbm>> -> memref<10112x128xf32, #tpu.memory_space<hbm>>
      tpu.wait_indirect_dma semaphore(%arg10 : memref<!tpu.dma_semaphore, #tpu.memory_space<semaphore_mem>>) src(%dma_wait3A_447 : memref<10112x128xf32, #tpu.memory_space<hbm>>) dst(%dma_wait3A_441 : memref<128x128xf32, #tpu.memory_space<vmem>>)
      %run_scoped3A_448 = arith.constant 0 : i32
      %run_scoped3A_449 = arith.constant 14 : i32
      "tpu.region"() ({
        %run_scoped3A_1089 = tpu.sem_alloc : memref<!tpu.dma_semaphore, #tpu.memory_space<semaphore_mem>>
        %dma_start3A_1090 = arith.constant 0 : i32
        %dma_start3A_1091 = arith.constant 0 : i32
        %dma_start3A_1092 = tpu.memref_slice %arg9[%run_scoped3A_448, %dma_start3A_1090, %dma_start3A_1091] : memref<2x128x128xf32, #tpu.memory_space<vmem>> -> memref<1x128x128xf32, #tpu.memory_space<vmem>>
        %dma_start3A_1093 = tpu.memref_squeeze %dma_start3A_1092 : memref<1x128x128xf32, #tpu.memory_space<vmem>> -> memref<128x128xf32, #tpu.memory_space<vmem>>
        %dma_start3A_1094 = arith.constant 0 : i32
        %dma_start3A_1095 = tpu.memref_slice %arg8[%run_scoped3A_449, %dma_start3A_1094] : memref<40x128xi32, #tpu.memory_space<vmem>> -> memref<1x128xi32, #tpu.memory_space<vmem>>
        %dma_start3A_1096 = tpu.memref_squeeze %dma_start3A_1095 : memref<1x128xi32, #tpu.memory_space<vmem>> -> memref<128xi32, #tpu.memory_space<vmem>>
        %dma_start3A_1097 = arith.constant 0 : i32
        %dma_start3A_1098 = arith.constant 0 : i32
        %dma_start3A_1099 = tpu.memref_slice %arg6[%dma_start3A_1097, %dma_start3A_1098] : memref<10112x128xf32, #tpu.memory_space<vmem_shared>> -> memref<10112x128xf32, #tpu.memory_space<vmem_shared>>
        tpu.enqueue_indirect_dma source(%dma_start3A_1093 : memref<128x128xf32, #tpu.memory_space<vmem>>) target(%dma_start3A_1099 : memref<10112x128xf32, #tpu.memory_space<vmem_shared>>) offsets(%dma_start3A_1096 : memref<128xi32, #tpu.memory_space<vmem>>) semaphore(%run_scoped3A_1089 : memref<!tpu.dma_semaphore, #tpu.memory_space<semaphore_mem>>) {add = true}
        %dma_wait3A_1100 = arith.constant 0 : i32
        %dma_wait3A_1101 = arith.constant 0 : i32
        %dma_wait3A_1102 = tpu.memref_slice %arg9[%run_scoped3A_448, %dma_wait3A_1100, %dma_wait3A_1101] : memref<2x128x128xf32, #tpu.memory_space<vmem>> -> memref<1x128x128xf32, #tpu.memory_space<vmem>>
        %dma_wait3A_1103 = tpu.memref_squeeze %dma_wait3A_1102 : memref<1x128x128xf32, #tpu.memory_space<vmem>> -> memref<128x128xf32, #tpu.memory_space<vmem>>
        %dma_wait3A_1104 = arith.constant 0 : i32
        %dma_wait3A_1105 = tpu.memref_slice %arg8[%run_scoped3A_449, %dma_wait3A_1104] : memref<40x128xi32, #tpu.memory_space<vmem>> -> memref<1x128xi32, #tpu.memory_space<vmem>>
        %dma_wait3A_1106 = tpu.memref_squeeze %dma_wait3A_1105 : memref<1x128xi32, #tpu.memory_space<vmem>> -> memref<128xi32, #tpu.memory_space<vmem>>
        %dma_wait3A_1107 = arith.constant 0 : i32
        %dma_wait3A_1108 = arith.constant 0 : i32
        %dma_wait3A_1109 = tpu.memref_slice %arg6[%dma_wait3A_1107, %dma_wait3A_1108] : memref<10112x128xf32, #tpu.memory_space<vmem_shared>> -> memref<10112x128xf32, #tpu.memory_space<vmem_shared>>
        tpu.wait_indirect_dma semaphore(%run_scoped3A_1089 : memref<!tpu.dma_semaphore, #tpu.memory_space<semaphore_mem>>) src(%dma_wait3A_1103 : memref<128x128xf32, #tpu.memory_space<vmem>>) dst(%dma_wait3A_1109 : memref<10112x128xf32, #tpu.memory_space<vmem_shared>>)
        tpu.yield
      }) : () -> ()
      %dma_start3A_450 = arith.constant 16 : i32
      %dma_start3A_451 = arith.constant 0 : i32
      %dma_start3A_452 = arith.constant 0 : i32
      %dma_start3A_453 = arith.constant 0 : i32
      %dma_start3A_454 = tpu.memref_slice %arg9[%dma_start3A_451, %dma_start3A_452, %dma_start3A_453] : memref<2x128x128xf32, #tpu.memory_space<vmem>> -> memref<1x128x128xf32, #tpu.memory_space<vmem>>
      %dma_start3A_455 = tpu.memref_squeeze %dma_start3A_454 : memref<1x128x128xf32, #tpu.memory_space<vmem>> -> memref<128x128xf32, #tpu.memory_space<vmem>>
      %dma_start3A_456 = arith.constant 0 : i32
      %dma_start3A_457 = tpu.memref_slice %arg7[%dma_start3A_450, %dma_start3A_456] : memref<40x128xi32, #tpu.memory_space<vmem>> -> memref<1x128xi32, #tpu.memory_space<vmem>>
      %dma_start3A_458 = tpu.memref_squeeze %dma_start3A_457 : memref<1x128xi32, #tpu.memory_space<vmem>> -> memref<128xi32, #tpu.memory_space<vmem>>
      %dma_start3A_459 = arith.constant 0 : i32
      %dma_start3A_460 = arith.constant 0 : i32
      %dma_start3A_461 = tpu.memref_slice %arg2[%dma_start3A_459, %dma_start3A_460] : memref<10112x128xf32, #tpu.memory_space<hbm>> -> memref<10112x128xf32, #tpu.memory_space<hbm>>
      tpu.enqueue_indirect_dma source(%dma_start3A_461 : memref<10112x128xf32, #tpu.memory_space<hbm>>) target(%dma_start3A_455 : memref<128x128xf32, #tpu.memory_space<vmem>>) offsets(%dma_start3A_458 : memref<128xi32, #tpu.memory_space<vmem>>) semaphore(%arg10 : memref<!tpu.dma_semaphore, #tpu.memory_space<semaphore_mem>>)
      %dma_wait3A_462 = arith.constant 15 : i32
      %dma_wait3A_463 = arith.constant 1 : i32
      %dma_wait3A_464 = arith.constant 0 : i32
      %dma_wait3A_465 = arith.constant 0 : i32
      %dma_wait3A_466 = tpu.memref_slice %arg9[%dma_wait3A_463, %dma_wait3A_464, %dma_wait3A_465] : memref<2x128x128xf32, #tpu.memory_space<vmem>> -> memref<1x128x128xf32, #tpu.memory_space<vmem>>
      %dma_wait3A_467 = tpu.memref_squeeze %dma_wait3A_466 : memref<1x128x128xf32, #tpu.memory_space<vmem>> -> memref<128x128xf32, #tpu.memory_space<vmem>>
      %dma_wait3A_468 = arith.constant 0 : i32
      %dma_wait3A_469 = tpu.memref_slice %arg7[%dma_wait3A_462, %dma_wait3A_468] : memref<40x128xi32, #tpu.memory_space<vmem>> -> memref<1x128xi32, #tpu.memory_space<vmem>>
      %dma_wait3A_470 = tpu.memref_squeeze %dma_wait3A_469 : memref<1x128xi32, #tpu.memory_space<vmem>> -> memref<128xi32, #tpu.memory_space<vmem>>
      %dma_wait3A_471 = arith.constant 0 : i32
      %dma_wait3A_472 = arith.constant 0 : i32
      %dma_wait3A_473 = tpu.memref_slice %arg2[%dma_wait3A_471, %dma_wait3A_472] : memref<10112x128xf32, #tpu.memory_space<hbm>> -> memref<10112x128xf32, #tpu.memory_space<hbm>>
      tpu.wait_indirect_dma semaphore(%arg11 : memref<!tpu.dma_semaphore, #tpu.memory_space<semaphore_mem>>) src(%dma_wait3A_473 : memref<10112x128xf32, #tpu.memory_space<hbm>>) dst(%dma_wait3A_467 : memref<128x128xf32, #tpu.memory_space<vmem>>)
      %run_scoped3A_474 = arith.constant 1 : i32
      %run_scoped3A_475 = arith.constant 15 : i32
      "tpu.region"() ({
        %run_scoped3A_1089 = tpu.sem_alloc : memref<!tpu.dma_semaphore, #tpu.memory_space<semaphore_mem>>
        %dma_start3A_1090 = arith.constant 0 : i32
        %dma_start3A_1091 = arith.constant 0 : i32
        %dma_start3A_1092 = tpu.memref_slice %arg9[%run_scoped3A_474, %dma_start3A_1090, %dma_start3A_1091] : memref<2x128x128xf32, #tpu.memory_space<vmem>> -> memref<1x128x128xf32, #tpu.memory_space<vmem>>
        %dma_start3A_1093 = tpu.memref_squeeze %dma_start3A_1092 : memref<1x128x128xf32, #tpu.memory_space<vmem>> -> memref<128x128xf32, #tpu.memory_space<vmem>>
        %dma_start3A_1094 = arith.constant 0 : i32
        %dma_start3A_1095 = tpu.memref_slice %arg8[%run_scoped3A_475, %dma_start3A_1094] : memref<40x128xi32, #tpu.memory_space<vmem>> -> memref<1x128xi32, #tpu.memory_space<vmem>>
        %dma_start3A_1096 = tpu.memref_squeeze %dma_start3A_1095 : memref<1x128xi32, #tpu.memory_space<vmem>> -> memref<128xi32, #tpu.memory_space<vmem>>
        %dma_start3A_1097 = arith.constant 0 : i32
        %dma_start3A_1098 = arith.constant 0 : i32
        %dma_start3A_1099 = tpu.memref_slice %arg6[%dma_start3A_1097, %dma_start3A_1098] : memref<10112x128xf32, #tpu.memory_space<vmem_shared>> -> memref<10112x128xf32, #tpu.memory_space<vmem_shared>>
        tpu.enqueue_indirect_dma source(%dma_start3A_1093 : memref<128x128xf32, #tpu.memory_space<vmem>>) target(%dma_start3A_1099 : memref<10112x128xf32, #tpu.memory_space<vmem_shared>>) offsets(%dma_start3A_1096 : memref<128xi32, #tpu.memory_space<vmem>>) semaphore(%run_scoped3A_1089 : memref<!tpu.dma_semaphore, #tpu.memory_space<semaphore_mem>>) {add = true}
        %dma_wait3A_1100 = arith.constant 0 : i32
        %dma_wait3A_1101 = arith.constant 0 : i32
        %dma_wait3A_1102 = tpu.memref_slice %arg9[%run_scoped3A_474, %dma_wait3A_1100, %dma_wait3A_1101] : memref<2x128x128xf32, #tpu.memory_space<vmem>> -> memref<1x128x128xf32, #tpu.memory_space<vmem>>
        %dma_wait3A_1103 = tpu.memref_squeeze %dma_wait3A_1102 : memref<1x128x128xf32, #tpu.memory_space<vmem>> -> memref<128x128xf32, #tpu.memory_space<vmem>>
        %dma_wait3A_1104 = arith.constant 0 : i32
        %dma_wait3A_1105 = tpu.memref_slice %arg8[%run_scoped3A_475, %dma_wait3A_1104] : memref<40x128xi32, #tpu.memory_space<vmem>> -> memref<1x128xi32, #tpu.memory_space<vmem>>
        %dma_wait3A_1106 = tpu.memref_squeeze %dma_wait3A_1105 : memref<1x128xi32, #tpu.memory_space<vmem>> -> memref<128xi32, #tpu.memory_space<vmem>>
        %dma_wait3A_1107 = arith.constant 0 : i32
        %dma_wait3A_1108 = arith.constant 0 : i32
        %dma_wait3A_1109 = tpu.memref_slice %arg6[%dma_wait3A_1107, %dma_wait3A_1108] : memref<10112x128xf32, #tpu.memory_space<vmem_shared>> -> memref<10112x128xf32, #tpu.memory_space<vmem_shared>>
        tpu.wait_indirect_dma semaphore(%run_scoped3A_1089 : memref<!tpu.dma_semaphore, #tpu.memory_space<semaphore_mem>>) src(%dma_wait3A_1103 : memref<128x128xf32, #tpu.memory_space<vmem>>) dst(%dma_wait3A_1109 : memref<10112x128xf32, #tpu.memory_space<vmem_shared>>)
        tpu.yield
      }) : () -> ()
      %dma_start3A_476 = arith.constant 17 : i32
      %dma_start3A_477 = arith.constant 1 : i32
      %dma_start3A_478 = arith.constant 0 : i32
      %dma_start3A_479 = arith.constant 0 : i32
      %dma_start3A_480 = tpu.memref_slice %arg9[%dma_start3A_477, %dma_start3A_478, %dma_start3A_479] : memref<2x128x128xf32, #tpu.memory_space<vmem>> -> memref<1x128x128xf32, #tpu.memory_space<vmem>>
      %dma_start3A_481 = tpu.memref_squeeze %dma_start3A_480 : memref<1x128x128xf32, #tpu.memory_space<vmem>> -> memref<128x128xf32, #tpu.memory_space<vmem>>
      %dma_start3A_482 = arith.constant 0 : i32
      %dma_start3A_483 = tpu.memref_slice %arg7[%dma_start3A_476, %dma_start3A_482] : memref<40x128xi32, #tpu.memory_space<vmem>> -> memref<1x128xi32, #tpu.memory_space<vmem>>
      %dma_start3A_484 = tpu.memref_squeeze %dma_start3A_483 : memref<1x128xi32, #tpu.memory_space<vmem>> -> memref<128xi32, #tpu.memory_space<vmem>>
      %dma_start3A_485 = arith.constant 0 : i32
      %dma_start3A_486 = arith.constant 0 : i32
      %dma_start3A_487 = tpu.memref_slice %arg2[%dma_start3A_485, %dma_start3A_486] : memref<10112x128xf32, #tpu.memory_space<hbm>> -> memref<10112x128xf32, #tpu.memory_space<hbm>>
      tpu.enqueue_indirect_dma source(%dma_start3A_487 : memref<10112x128xf32, #tpu.memory_space<hbm>>) target(%dma_start3A_481 : memref<128x128xf32, #tpu.memory_space<vmem>>) offsets(%dma_start3A_484 : memref<128xi32, #tpu.memory_space<vmem>>) semaphore(%arg11 : memref<!tpu.dma_semaphore, #tpu.memory_space<semaphore_mem>>)
      %dma_wait3A_488 = arith.constant 16 : i32
      %dma_wait3A_489 = arith.constant 0 : i32
      %dma_wait3A_490 = arith.constant 0 : i32
      %dma_wait3A_491 = arith.constant 0 : i32
      %dma_wait3A_492 = tpu.memref_slice %arg9[%dma_wait3A_489, %dma_wait3A_490, %dma_wait3A_491] : memref<2x128x128xf32, #tpu.memory_space<vmem>> -> memref<1x128x128xf32, #tpu.memory_space<vmem>>
      %dma_wait3A_493 = tpu.memref_squeeze %dma_wait3A_492 : memref<1x128x128xf32, #tpu.memory_space<vmem>> -> memref<128x128xf32, #tpu.memory_space<vmem>>
      %dma_wait3A_494 = arith.constant 0 : i32
      %dma_wait3A_495 = tpu.memref_slice %arg7[%dma_wait3A_488, %dma_wait3A_494] : memref<40x128xi32, #tpu.memory_space<vmem>> -> memref<1x128xi32, #tpu.memory_space<vmem>>
      %dma_wait3A_496 = tpu.memref_squeeze %dma_wait3A_495 : memref<1x128xi32, #tpu.memory_space<vmem>> -> memref<128xi32, #tpu.memory_space<vmem>>
      %dma_wait3A_497 = arith.constant 0 : i32
      %dma_wait3A_498 = arith.constant 0 : i32
      %dma_wait3A_499 = tpu.memref_slice %arg2[%dma_wait3A_497, %dma_wait3A_498] : memref<10112x128xf32, #tpu.memory_space<hbm>> -> memref<10112x128xf32, #tpu.memory_space<hbm>>
      tpu.wait_indirect_dma semaphore(%arg10 : memref<!tpu.dma_semaphore, #tpu.memory_space<semaphore_mem>>) src(%dma_wait3A_499 : memref<10112x128xf32, #tpu.memory_space<hbm>>) dst(%dma_wait3A_493 : memref<128x128xf32, #tpu.memory_space<vmem>>)
      %run_scoped3A_500 = arith.constant 0 : i32
      %run_scoped3A_501 = arith.constant 16 : i32
      "tpu.region"() ({
        %run_scoped3A_1089 = tpu.sem_alloc : memref<!tpu.dma_semaphore, #tpu.memory_space<semaphore_mem>>
        %dma_start3A_1090 = arith.constant 0 : i32
        %dma_start3A_1091 = arith.constant 0 : i32
        %dma_start3A_1092 = tpu.memref_slice %arg9[%run_scoped3A_500, %dma_start3A_1090, %dma_start3A_1091] : memref<2x128x128xf32, #tpu.memory_space<vmem>> -> memref<1x128x128xf32, #tpu.memory_space<vmem>>
        %dma_start3A_1093 = tpu.memref_squeeze %dma_start3A_1092 : memref<1x128x128xf32, #tpu.memory_space<vmem>> -> memref<128x128xf32, #tpu.memory_space<vmem>>
        %dma_start3A_1094 = arith.constant 0 : i32
        %dma_start3A_1095 = tpu.memref_slice %arg8[%run_scoped3A_501, %dma_start3A_1094] : memref<40x128xi32, #tpu.memory_space<vmem>> -> memref<1x128xi32, #tpu.memory_space<vmem>>
        %dma_start3A_1096 = tpu.memref_squeeze %dma_start3A_1095 : memref<1x128xi32, #tpu.memory_space<vmem>> -> memref<128xi32, #tpu.memory_space<vmem>>
        %dma_start3A_1097 = arith.constant 0 : i32
        %dma_start3A_1098 = arith.constant 0 : i32
        %dma_start3A_1099 = tpu.memref_slice %arg6[%dma_start3A_1097, %dma_start3A_1098] : memref<10112x128xf32, #tpu.memory_space<vmem_shared>> -> memref<10112x128xf32, #tpu.memory_space<vmem_shared>>
        tpu.enqueue_indirect_dma source(%dma_start3A_1093 : memref<128x128xf32, #tpu.memory_space<vmem>>) target(%dma_start3A_1099 : memref<10112x128xf32, #tpu.memory_space<vmem_shared>>) offsets(%dma_start3A_1096 : memref<128xi32, #tpu.memory_space<vmem>>) semaphore(%run_scoped3A_1089 : memref<!tpu.dma_semaphore, #tpu.memory_space<semaphore_mem>>) {add = true}
        %dma_wait3A_1100 = arith.constant 0 : i32
        %dma_wait3A_1101 = arith.constant 0 : i32
        %dma_wait3A_1102 = tpu.memref_slice %arg9[%run_scoped3A_500, %dma_wait3A_1100, %dma_wait3A_1101] : memref<2x128x128xf32, #tpu.memory_space<vmem>> -> memref<1x128x128xf32, #tpu.memory_space<vmem>>
        %dma_wait3A_1103 = tpu.memref_squeeze %dma_wait3A_1102 : memref<1x128x128xf32, #tpu.memory_space<vmem>> -> memref<128x128xf32, #tpu.memory_space<vmem>>
        %dma_wait3A_1104 = arith.constant 0 : i32
        %dma_wait3A_1105 = tpu.memref_slice %arg8[%run_scoped3A_501, %dma_wait3A_1104] : memref<40x128xi32, #tpu.memory_space<vmem>> -> memref<1x128xi32, #tpu.memory_space<vmem>>
        %dma_wait3A_1106 = tpu.memref_squeeze %dma_wait3A_1105 : memref<1x128xi32, #tpu.memory_space<vmem>> -> memref<128xi32, #tpu.memory_space<vmem>>
        %dma_wait3A_1107 = arith.constant 0 : i32
        %dma_wait3A_1108 = arith.constant 0 : i32
        %dma_wait3A_1109 = tpu.memref_slice %arg6[%dma_wait3A_1107, %dma_wait3A_1108] : memref<10112x128xf32, #tpu.memory_space<vmem_shared>> -> memref<10112x128xf32, #tpu.memory_space<vmem_shared>>
        tpu.wait_indirect_dma semaphore(%run_scoped3A_1089 : memref<!tpu.dma_semaphore, #tpu.memory_space<semaphore_mem>>) src(%dma_wait3A_1103 : memref<128x128xf32, #tpu.memory_space<vmem>>) dst(%dma_wait3A_1109 : memref<10112x128xf32, #tpu.memory_space<vmem_shared>>)
        tpu.yield
      }) : () -> ()
      %dma_start3A_502 = arith.constant 18 : i32
      %dma_start3A_503 = arith.constant 0 : i32
      %dma_start3A_504 = arith.constant 0 : i32
      %dma_start3A_505 = arith.constant 0 : i32
      %dma_start3A_506 = tpu.memref_slice %arg9[%dma_start3A_503, %dma_start3A_504, %dma_start3A_505] : memref<2x128x128xf32, #tpu.memory_space<vmem>> -> memref<1x128x128xf32, #tpu.memory_space<vmem>>
      %dma_start3A_507 = tpu.memref_squeeze %dma_start3A_506 : memref<1x128x128xf32, #tpu.memory_space<vmem>> -> memref<128x128xf32, #tpu.memory_space<vmem>>
      %dma_start3A_508 = arith.constant 0 : i32
      %dma_start3A_509 = tpu.memref_slice %arg7[%dma_start3A_502, %dma_start3A_508] : memref<40x128xi32, #tpu.memory_space<vmem>> -> memref<1x128xi32, #tpu.memory_space<vmem>>
      %dma_start3A_510 = tpu.memref_squeeze %dma_start3A_509 : memref<1x128xi32, #tpu.memory_space<vmem>> -> memref<128xi32, #tpu.memory_space<vmem>>
      %dma_start3A_511 = arith.constant 0 : i32
      %dma_start3A_512 = arith.constant 0 : i32
      %dma_start3A_513 = tpu.memref_slice %arg2[%dma_start3A_511, %dma_start3A_512] : memref<10112x128xf32, #tpu.memory_space<hbm>> -> memref<10112x128xf32, #tpu.memory_space<hbm>>
      tpu.enqueue_indirect_dma source(%dma_start3A_513 : memref<10112x128xf32, #tpu.memory_space<hbm>>) target(%dma_start3A_507 : memref<128x128xf32, #tpu.memory_space<vmem>>) offsets(%dma_start3A_510 : memref<128xi32, #tpu.memory_space<vmem>>) semaphore(%arg10 : memref<!tpu.dma_semaphore, #tpu.memory_space<semaphore_mem>>)
      %dma_wait3A_514 = arith.constant 17 : i32
      %dma_wait3A_515 = arith.constant 1 : i32
      %dma_wait3A_516 = arith.constant 0 : i32
      %dma_wait3A_517 = arith.constant 0 : i32
      %dma_wait3A_518 = tpu.memref_slice %arg9[%dma_wait3A_515, %dma_wait3A_516, %dma_wait3A_517] : memref<2x128x128xf32, #tpu.memory_space<vmem>> -> memref<1x128x128xf32, #tpu.memory_space<vmem>>
      %dma_wait3A_519 = tpu.memref_squeeze %dma_wait3A_518 : memref<1x128x128xf32, #tpu.memory_space<vmem>> -> memref<128x128xf32, #tpu.memory_space<vmem>>
      %dma_wait3A_520 = arith.constant 0 : i32
      %dma_wait3A_521 = tpu.memref_slice %arg7[%dma_wait3A_514, %dma_wait3A_520] : memref<40x128xi32, #tpu.memory_space<vmem>> -> memref<1x128xi32, #tpu.memory_space<vmem>>
      %dma_wait3A_522 = tpu.memref_squeeze %dma_wait3A_521 : memref<1x128xi32, #tpu.memory_space<vmem>> -> memref<128xi32, #tpu.memory_space<vmem>>
      %dma_wait3A_523 = arith.constant 0 : i32
      %dma_wait3A_524 = arith.constant 0 : i32
      %dma_wait3A_525 = tpu.memref_slice %arg2[%dma_wait3A_523, %dma_wait3A_524] : memref<10112x128xf32, #tpu.memory_space<hbm>> -> memref<10112x128xf32, #tpu.memory_space<hbm>>
      tpu.wait_indirect_dma semaphore(%arg11 : memref<!tpu.dma_semaphore, #tpu.memory_space<semaphore_mem>>) src(%dma_wait3A_525 : memref<10112x128xf32, #tpu.memory_space<hbm>>) dst(%dma_wait3A_519 : memref<128x128xf32, #tpu.memory_space<vmem>>)
      %run_scoped3A_526 = arith.constant 1 : i32
      %run_scoped3A_527 = arith.constant 17 : i32
      "tpu.region"() ({
        %run_scoped3A_1089 = tpu.sem_alloc : memref<!tpu.dma_semaphore, #tpu.memory_space<semaphore_mem>>
        %dma_start3A_1090 = arith.constant 0 : i32
        %dma_start3A_1091 = arith.constant 0 : i32
        %dma_start3A_1092 = tpu.memref_slice %arg9[%run_scoped3A_526, %dma_start3A_1090, %dma_start3A_1091] : memref<2x128x128xf32, #tpu.memory_space<vmem>> -> memref<1x128x128xf32, #tpu.memory_space<vmem>>
        %dma_start3A_1093 = tpu.memref_squeeze %dma_start3A_1092 : memref<1x128x128xf32, #tpu.memory_space<vmem>> -> memref<128x128xf32, #tpu.memory_space<vmem>>
        %dma_start3A_1094 = arith.constant 0 : i32
        %dma_start3A_1095 = tpu.memref_slice %arg8[%run_scoped3A_527, %dma_start3A_1094] : memref<40x128xi32, #tpu.memory_space<vmem>> -> memref<1x128xi32, #tpu.memory_space<vmem>>
        %dma_start3A_1096 = tpu.memref_squeeze %dma_start3A_1095 : memref<1x128xi32, #tpu.memory_space<vmem>> -> memref<128xi32, #tpu.memory_space<vmem>>
        %dma_start3A_1097 = arith.constant 0 : i32
        %dma_start3A_1098 = arith.constant 0 : i32
        %dma_start3A_1099 = tpu.memref_slice %arg6[%dma_start3A_1097, %dma_start3A_1098] : memref<10112x128xf32, #tpu.memory_space<vmem_shared>> -> memref<10112x128xf32, #tpu.memory_space<vmem_shared>>
        tpu.enqueue_indirect_dma source(%dma_start3A_1093 : memref<128x128xf32, #tpu.memory_space<vmem>>) target(%dma_start3A_1099 : memref<10112x128xf32, #tpu.memory_space<vmem_shared>>) offsets(%dma_start3A_1096 : memref<128xi32, #tpu.memory_space<vmem>>) semaphore(%run_scoped3A_1089 : memref<!tpu.dma_semaphore, #tpu.memory_space<semaphore_mem>>) {add = true}
        %dma_wait3A_1100 = arith.constant 0 : i32
        %dma_wait3A_1101 = arith.constant 0 : i32
        %dma_wait3A_1102 = tpu.memref_slice %arg9[%run_scoped3A_526, %dma_wait3A_1100, %dma_wait3A_1101] : memref<2x128x128xf32, #tpu.memory_space<vmem>> -> memref<1x128x128xf32, #tpu.memory_space<vmem>>
        %dma_wait3A_1103 = tpu.memref_squeeze %dma_wait3A_1102 : memref<1x128x128xf32, #tpu.memory_space<vmem>> -> memref<128x128xf32, #tpu.memory_space<vmem>>
        %dma_wait3A_1104 = arith.constant 0 : i32
        %dma_wait3A_1105 = tpu.memref_slice %arg8[%run_scoped3A_527, %dma_wait3A_1104] : memref<40x128xi32, #tpu.memory_space<vmem>> -> memref<1x128xi32, #tpu.memory_space<vmem>>
        %dma_wait3A_1106 = tpu.memref_squeeze %dma_wait3A_1105 : memref<1x128xi32, #tpu.memory_space<vmem>> -> memref<128xi32, #tpu.memory_space<vmem>>
        %dma_wait3A_1107 = arith.constant 0 : i32
        %dma_wait3A_1108 = arith.constant 0 : i32
        %dma_wait3A_1109 = tpu.memref_slice %arg6[%dma_wait3A_1107, %dma_wait3A_1108] : memref<10112x128xf32, #tpu.memory_space<vmem_shared>> -> memref<10112x128xf32, #tpu.memory_space<vmem_shared>>
        tpu.wait_indirect_dma semaphore(%run_scoped3A_1089 : memref<!tpu.dma_semaphore, #tpu.memory_space<semaphore_mem>>) src(%dma_wait3A_1103 : memref<128x128xf32, #tpu.memory_space<vmem>>) dst(%dma_wait3A_1109 : memref<10112x128xf32, #tpu.memory_space<vmem_shared>>)
        tpu.yield
      }) : () -> ()
      %dma_start3A_528 = arith.constant 19 : i32
      %dma_start3A_529 = arith.constant 1 : i32
      %dma_start3A_530 = arith.constant 0 : i32
      %dma_start3A_531 = arith.constant 0 : i32
      %dma_start3A_532 = tpu.memref_slice %arg9[%dma_start3A_529, %dma_start3A_530, %dma_start3A_531] : memref<2x128x128xf32, #tpu.memory_space<vmem>> -> memref<1x128x128xf32, #tpu.memory_space<vmem>>
      %dma_start3A_533 = tpu.memref_squeeze %dma_start3A_532 : memref<1x128x128xf32, #tpu.memory_space<vmem>> -> memref<128x128xf32, #tpu.memory_space<vmem>>
      %dma_start3A_534 = arith.constant 0 : i32
      %dma_start3A_535 = tpu.memref_slice %arg7[%dma_start3A_528, %dma_start3A_534] : memref<40x128xi32, #tpu.memory_space<vmem>> -> memref<1x128xi32, #tpu.memory_space<vmem>>
      %dma_start3A_536 = tpu.memref_squeeze %dma_start3A_535 : memref<1x128xi32, #tpu.memory_space<vmem>> -> memref<128xi32, #tpu.memory_space<vmem>>
      %dma_start3A_537 = arith.constant 0 : i32
      %dma_start3A_538 = arith.constant 0 : i32
      %dma_start3A_539 = tpu.memref_slice %arg2[%dma_start3A_537, %dma_start3A_538] : memref<10112x128xf32, #tpu.memory_space<hbm>> -> memref<10112x128xf32, #tpu.memory_space<hbm>>
      tpu.enqueue_indirect_dma source(%dma_start3A_539 : memref<10112x128xf32, #tpu.memory_space<hbm>>) target(%dma_start3A_533 : memref<128x128xf32, #tpu.memory_space<vmem>>) offsets(%dma_start3A_536 : memref<128xi32, #tpu.memory_space<vmem>>) semaphore(%arg11 : memref<!tpu.dma_semaphore, #tpu.memory_space<semaphore_mem>>)
      %dma_wait3A_540 = arith.constant 18 : i32
      %dma_wait3A_541 = arith.constant 0 : i32
      %dma_wait3A_542 = arith.constant 0 : i32
      %dma_wait3A_543 = arith.constant 0 : i32
      %dma_wait3A_544 = tpu.memref_slice %arg9[%dma_wait3A_541, %dma_wait3A_542, %dma_wait3A_543] : memref<2x128x128xf32, #tpu.memory_space<vmem>> -> memref<1x128x128xf32, #tpu.memory_space<vmem>>
      %dma_wait3A_545 = tpu.memref_squeeze %dma_wait3A_544 : memref<1x128x128xf32, #tpu.memory_space<vmem>> -> memref<128x128xf32, #tpu.memory_space<vmem>>
      %dma_wait3A_546 = arith.constant 0 : i32
      %dma_wait3A_547 = tpu.memref_slice %arg7[%dma_wait3A_540, %dma_wait3A_546] : memref<40x128xi32, #tpu.memory_space<vmem>> -> memref<1x128xi32, #tpu.memory_space<vmem>>
      %dma_wait3A_548 = tpu.memref_squeeze %dma_wait3A_547 : memref<1x128xi32, #tpu.memory_space<vmem>> -> memref<128xi32, #tpu.memory_space<vmem>>
      %dma_wait3A_549 = arith.constant 0 : i32
      %dma_wait3A_550 = arith.constant 0 : i32
      %dma_wait3A_551 = tpu.memref_slice %arg2[%dma_wait3A_549, %dma_wait3A_550] : memref<10112x128xf32, #tpu.memory_space<hbm>> -> memref<10112x128xf32, #tpu.memory_space<hbm>>
      tpu.wait_indirect_dma semaphore(%arg10 : memref<!tpu.dma_semaphore, #tpu.memory_space<semaphore_mem>>) src(%dma_wait3A_551 : memref<10112x128xf32, #tpu.memory_space<hbm>>) dst(%dma_wait3A_545 : memref<128x128xf32, #tpu.memory_space<vmem>>)
      %run_scoped3A_552 = arith.constant 0 : i32
      %run_scoped3A_553 = arith.constant 18 : i32
      "tpu.region"() ({
        %run_scoped3A_1089 = tpu.sem_alloc : memref<!tpu.dma_semaphore, #tpu.memory_space<semaphore_mem>>
        %dma_start3A_1090 = arith.constant 0 : i32
        %dma_start3A_1091 = arith.constant 0 : i32
        %dma_start3A_1092 = tpu.memref_slice %arg9[%run_scoped3A_552, %dma_start3A_1090, %dma_start3A_1091] : memref<2x128x128xf32, #tpu.memory_space<vmem>> -> memref<1x128x128xf32, #tpu.memory_space<vmem>>
        %dma_start3A_1093 = tpu.memref_squeeze %dma_start3A_1092 : memref<1x128x128xf32, #tpu.memory_space<vmem>> -> memref<128x128xf32, #tpu.memory_space<vmem>>
        %dma_start3A_1094 = arith.constant 0 : i32
        %dma_start3A_1095 = tpu.memref_slice %arg8[%run_scoped3A_553, %dma_start3A_1094] : memref<40x128xi32, #tpu.memory_space<vmem>> -> memref<1x128xi32, #tpu.memory_space<vmem>>
        %dma_start3A_1096 = tpu.memref_squeeze %dma_start3A_1095 : memref<1x128xi32, #tpu.memory_space<vmem>> -> memref<128xi32, #tpu.memory_space<vmem>>
        %dma_start3A_1097 = arith.constant 0 : i32
        %dma_start3A_1098 = arith.constant 0 : i32
        %dma_start3A_1099 = tpu.memref_slice %arg6[%dma_start3A_1097, %dma_start3A_1098] : memref<10112x128xf32, #tpu.memory_space<vmem_shared>> -> memref<10112x128xf32, #tpu.memory_space<vmem_shared>>
        tpu.enqueue_indirect_dma source(%dma_start3A_1093 : memref<128x128xf32, #tpu.memory_space<vmem>>) target(%dma_start3A_1099 : memref<10112x128xf32, #tpu.memory_space<vmem_shared>>) offsets(%dma_start3A_1096 : memref<128xi32, #tpu.memory_space<vmem>>) semaphore(%run_scoped3A_1089 : memref<!tpu.dma_semaphore, #tpu.memory_space<semaphore_mem>>) {add = true}
        %dma_wait3A_1100 = arith.constant 0 : i32
        %dma_wait3A_1101 = arith.constant 0 : i32
        %dma_wait3A_1102 = tpu.memref_slice %arg9[%run_scoped3A_552, %dma_wait3A_1100, %dma_wait3A_1101] : memref<2x128x128xf32, #tpu.memory_space<vmem>> -> memref<1x128x128xf32, #tpu.memory_space<vmem>>
        %dma_wait3A_1103 = tpu.memref_squeeze %dma_wait3A_1102 : memref<1x128x128xf32, #tpu.memory_space<vmem>> -> memref<128x128xf32, #tpu.memory_space<vmem>>
        %dma_wait3A_1104 = arith.constant 0 : i32
        %dma_wait3A_1105 = tpu.memref_slice %arg8[%run_scoped3A_553, %dma_wait3A_1104] : memref<40x128xi32, #tpu.memory_space<vmem>> -> memref<1x128xi32, #tpu.memory_space<vmem>>
        %dma_wait3A_1106 = tpu.memref_squeeze %dma_wait3A_1105 : memref<1x128xi32, #tpu.memory_space<vmem>> -> memref<128xi32, #tpu.memory_space<vmem>>
        %dma_wait3A_1107 = arith.constant 0 : i32
        %dma_wait3A_1108 = arith.constant 0 : i32
        %dma_wait3A_1109 = tpu.memref_slice %arg6[%dma_wait3A_1107, %dma_wait3A_1108] : memref<10112x128xf32, #tpu.memory_space<vmem_shared>> -> memref<10112x128xf32, #tpu.memory_space<vmem_shared>>
        tpu.wait_indirect_dma semaphore(%run_scoped3A_1089 : memref<!tpu.dma_semaphore, #tpu.memory_space<semaphore_mem>>) src(%dma_wait3A_1103 : memref<128x128xf32, #tpu.memory_space<vmem>>) dst(%dma_wait3A_1109 : memref<10112x128xf32, #tpu.memory_space<vmem_shared>>)
        tpu.yield
      }) : () -> ()
      %dma_start3A_554 = arith.constant 20 : i32
      %dma_start3A_555 = arith.constant 0 : i32
      %dma_start3A_556 = arith.constant 0 : i32
      %dma_start3A_557 = arith.constant 0 : i32
      %dma_start3A_558 = tpu.memref_slice %arg9[%dma_start3A_555, %dma_start3A_556, %dma_start3A_557] : memref<2x128x128xf32, #tpu.memory_space<vmem>> -> memref<1x128x128xf32, #tpu.memory_space<vmem>>
      %dma_start3A_559 = tpu.memref_squeeze %dma_start3A_558 : memref<1x128x128xf32, #tpu.memory_space<vmem>> -> memref<128x128xf32, #tpu.memory_space<vmem>>
      %dma_start3A_560 = arith.constant 0 : i32
      %dma_start3A_561 = tpu.memref_slice %arg7[%dma_start3A_554, %dma_start3A_560] : memref<40x128xi32, #tpu.memory_space<vmem>> -> memref<1x128xi32, #tpu.memory_space<vmem>>
      %dma_start3A_562 = tpu.memref_squeeze %dma_start3A_561 : memref<1x128xi32, #tpu.memory_space<vmem>> -> memref<128xi32, #tpu.memory_space<vmem>>
      %dma_start3A_563 = arith.constant 0 : i32
      %dma_start3A_564 = arith.constant 0 : i32
      %dma_start3A_565 = tpu.memref_slice %arg2[%dma_start3A_563, %dma_start3A_564] : memref<10112x128xf32, #tpu.memory_space<hbm>> -> memref<10112x128xf32, #tpu.memory_space<hbm>>
      tpu.enqueue_indirect_dma source(%dma_start3A_565 : memref<10112x128xf32, #tpu.memory_space<hbm>>) target(%dma_start3A_559 : memref<128x128xf32, #tpu.memory_space<vmem>>) offsets(%dma_start3A_562 : memref<128xi32, #tpu.memory_space<vmem>>) semaphore(%arg10 : memref<!tpu.dma_semaphore, #tpu.memory_space<semaphore_mem>>)
      %dma_wait3A_566 = arith.constant 19 : i32
      %dma_wait3A_567 = arith.constant 1 : i32
      %dma_wait3A_568 = arith.constant 0 : i32
      %dma_wait3A_569 = arith.constant 0 : i32
      %dma_wait3A_570 = tpu.memref_slice %arg9[%dma_wait3A_567, %dma_wait3A_568, %dma_wait3A_569] : memref<2x128x128xf32, #tpu.memory_space<vmem>> -> memref<1x128x128xf32, #tpu.memory_space<vmem>>
      %dma_wait3A_571 = tpu.memref_squeeze %dma_wait3A_570 : memref<1x128x128xf32, #tpu.memory_space<vmem>> -> memref<128x128xf32, #tpu.memory_space<vmem>>
      %dma_wait3A_572 = arith.constant 0 : i32
      %dma_wait3A_573 = tpu.memref_slice %arg7[%dma_wait3A_566, %dma_wait3A_572] : memref<40x128xi32, #tpu.memory_space<vmem>> -> memref<1x128xi32, #tpu.memory_space<vmem>>
      %dma_wait3A_574 = tpu.memref_squeeze %dma_wait3A_573 : memref<1x128xi32, #tpu.memory_space<vmem>> -> memref<128xi32, #tpu.memory_space<vmem>>
      %dma_wait3A_575 = arith.constant 0 : i32
      %dma_wait3A_576 = arith.constant 0 : i32
      %dma_wait3A_577 = tpu.memref_slice %arg2[%dma_wait3A_575, %dma_wait3A_576] : memref<10112x128xf32, #tpu.memory_space<hbm>> -> memref<10112x128xf32, #tpu.memory_space<hbm>>
      tpu.wait_indirect_dma semaphore(%arg11 : memref<!tpu.dma_semaphore, #tpu.memory_space<semaphore_mem>>) src(%dma_wait3A_577 : memref<10112x128xf32, #tpu.memory_space<hbm>>) dst(%dma_wait3A_571 : memref<128x128xf32, #tpu.memory_space<vmem>>)
      %run_scoped3A_578 = arith.constant 1 : i32
      %run_scoped3A_579 = arith.constant 19 : i32
      "tpu.region"() ({
        %run_scoped3A_1089 = tpu.sem_alloc : memref<!tpu.dma_semaphore, #tpu.memory_space<semaphore_mem>>
        %dma_start3A_1090 = arith.constant 0 : i32
        %dma_start3A_1091 = arith.constant 0 : i32
        %dma_start3A_1092 = tpu.memref_slice %arg9[%run_scoped3A_578, %dma_start3A_1090, %dma_start3A_1091] : memref<2x128x128xf32, #tpu.memory_space<vmem>> -> memref<1x128x128xf32, #tpu.memory_space<vmem>>
        %dma_start3A_1093 = tpu.memref_squeeze %dma_start3A_1092 : memref<1x128x128xf32, #tpu.memory_space<vmem>> -> memref<128x128xf32, #tpu.memory_space<vmem>>
        %dma_start3A_1094 = arith.constant 0 : i32
        %dma_start3A_1095 = tpu.memref_slice %arg8[%run_scoped3A_579, %dma_start3A_1094] : memref<40x128xi32, #tpu.memory_space<vmem>> -> memref<1x128xi32, #tpu.memory_space<vmem>>
        %dma_start3A_1096 = tpu.memref_squeeze %dma_start3A_1095 : memref<1x128xi32, #tpu.memory_space<vmem>> -> memref<128xi32, #tpu.memory_space<vmem>>
        %dma_start3A_1097 = arith.constant 0 : i32
        %dma_start3A_1098 = arith.constant 0 : i32
        %dma_start3A_1099 = tpu.memref_slice %arg6[%dma_start3A_1097, %dma_start3A_1098] : memref<10112x128xf32, #tpu.memory_space<vmem_shared>> -> memref<10112x128xf32, #tpu.memory_space<vmem_shared>>
        tpu.enqueue_indirect_dma source(%dma_start3A_1093 : memref<128x128xf32, #tpu.memory_space<vmem>>) target(%dma_start3A_1099 : memref<10112x128xf32, #tpu.memory_space<vmem_shared>>) offsets(%dma_start3A_1096 : memref<128xi32, #tpu.memory_space<vmem>>) semaphore(%run_scoped3A_1089 : memref<!tpu.dma_semaphore, #tpu.memory_space<semaphore_mem>>) {add = true}
        %dma_wait3A_1100 = arith.constant 0 : i32
        %dma_wait3A_1101 = arith.constant 0 : i32
        %dma_wait3A_1102 = tpu.memref_slice %arg9[%run_scoped3A_578, %dma_wait3A_1100, %dma_wait3A_1101] : memref<2x128x128xf32, #tpu.memory_space<vmem>> -> memref<1x128x128xf32, #tpu.memory_space<vmem>>
        %dma_wait3A_1103 = tpu.memref_squeeze %dma_wait3A_1102 : memref<1x128x128xf32, #tpu.memory_space<vmem>> -> memref<128x128xf32, #tpu.memory_space<vmem>>
        %dma_wait3A_1104 = arith.constant 0 : i32
        %dma_wait3A_1105 = tpu.memref_slice %arg8[%run_scoped3A_579, %dma_wait3A_1104] : memref<40x128xi32, #tpu.memory_space<vmem>> -> memref<1x128xi32, #tpu.memory_space<vmem>>
        %dma_wait3A_1106 = tpu.memref_squeeze %dma_wait3A_1105 : memref<1x128xi32, #tpu.memory_space<vmem>> -> memref<128xi32, #tpu.memory_space<vmem>>
        %dma_wait3A_1107 = arith.constant 0 : i32
        %dma_wait3A_1108 = arith.constant 0 : i32
        %dma_wait3A_1109 = tpu.memref_slice %arg6[%dma_wait3A_1107, %dma_wait3A_1108] : memref<10112x128xf32, #tpu.memory_space<vmem_shared>> -> memref<10112x128xf32, #tpu.memory_space<vmem_shared>>
        tpu.wait_indirect_dma semaphore(%run_scoped3A_1089 : memref<!tpu.dma_semaphore, #tpu.memory_space<semaphore_mem>>) src(%dma_wait3A_1103 : memref<128x128xf32, #tpu.memory_space<vmem>>) dst(%dma_wait3A_1109 : memref<10112x128xf32, #tpu.memory_space<vmem_shared>>)
        tpu.yield
      }) : () -> ()
      %dma_start3A_580 = arith.constant 21 : i32
      %dma_start3A_581 = arith.constant 1 : i32
      %dma_start3A_582 = arith.constant 0 : i32
      %dma_start3A_583 = arith.constant 0 : i32
      %dma_start3A_584 = tpu.memref_slice %arg9[%dma_start3A_581, %dma_start3A_582, %dma_start3A_583] : memref<2x128x128xf32, #tpu.memory_space<vmem>> -> memref<1x128x128xf32, #tpu.memory_space<vmem>>
      %dma_start3A_585 = tpu.memref_squeeze %dma_start3A_584 : memref<1x128x128xf32, #tpu.memory_space<vmem>> -> memref<128x128xf32, #tpu.memory_space<vmem>>
      %dma_start3A_586 = arith.constant 0 : i32
      %dma_start3A_587 = tpu.memref_slice %arg7[%dma_start3A_580, %dma_start3A_586] : memref<40x128xi32, #tpu.memory_space<vmem>> -> memref<1x128xi32, #tpu.memory_space<vmem>>
      %dma_start3A_588 = tpu.memref_squeeze %dma_start3A_587 : memref<1x128xi32, #tpu.memory_space<vmem>> -> memref<128xi32, #tpu.memory_space<vmem>>
      %dma_start3A_589 = arith.constant 0 : i32
      %dma_start3A_590 = arith.constant 0 : i32
      %dma_start3A_591 = tpu.memref_slice %arg2[%dma_start3A_589, %dma_start3A_590] : memref<10112x128xf32, #tpu.memory_space<hbm>> -> memref<10112x128xf32, #tpu.memory_space<hbm>>
      tpu.enqueue_indirect_dma source(%dma_start3A_591 : memref<10112x128xf32, #tpu.memory_space<hbm>>) target(%dma_start3A_585 : memref<128x128xf32, #tpu.memory_space<vmem>>) offsets(%dma_start3A_588 : memref<128xi32, #tpu.memory_space<vmem>>) semaphore(%arg11 : memref<!tpu.dma_semaphore, #tpu.memory_space<semaphore_mem>>)
      %dma_wait3A_592 = arith.constant 20 : i32
      %dma_wait3A_593 = arith.constant 0 : i32
      %dma_wait3A_594 = arith.constant 0 : i32
      %dma_wait3A_595 = arith.constant 0 : i32
      %dma_wait3A_596 = tpu.memref_slice %arg9[%dma_wait3A_593, %dma_wait3A_594, %dma_wait3A_595] : memref<2x128x128xf32, #tpu.memory_space<vmem>> -> memref<1x128x128xf32, #tpu.memory_space<vmem>>
      %dma_wait3A_597 = tpu.memref_squeeze %dma_wait3A_596 : memref<1x128x128xf32, #tpu.memory_space<vmem>> -> memref<128x128xf32, #tpu.memory_space<vmem>>
      %dma_wait3A_598 = arith.constant 0 : i32
      %dma_wait3A_599 = tpu.memref_slice %arg7[%dma_wait3A_592, %dma_wait3A_598] : memref<40x128xi32, #tpu.memory_space<vmem>> -> memref<1x128xi32, #tpu.memory_space<vmem>>
      %dma_wait3A_600 = tpu.memref_squeeze %dma_wait3A_599 : memref<1x128xi32, #tpu.memory_space<vmem>> -> memref<128xi32, #tpu.memory_space<vmem>>
      %dma_wait3A_601 = arith.constant 0 : i32
      %dma_wait3A_602 = arith.constant 0 : i32
      %dma_wait3A_603 = tpu.memref_slice %arg2[%dma_wait3A_601, %dma_wait3A_602] : memref<10112x128xf32, #tpu.memory_space<hbm>> -> memref<10112x128xf32, #tpu.memory_space<hbm>>
      tpu.wait_indirect_dma semaphore(%arg10 : memref<!tpu.dma_semaphore, #tpu.memory_space<semaphore_mem>>) src(%dma_wait3A_603 : memref<10112x128xf32, #tpu.memory_space<hbm>>) dst(%dma_wait3A_597 : memref<128x128xf32, #tpu.memory_space<vmem>>)
      %run_scoped3A_604 = arith.constant 0 : i32
      %run_scoped3A_605 = arith.constant 20 : i32
      "tpu.region"() ({
        %run_scoped3A_1089 = tpu.sem_alloc : memref<!tpu.dma_semaphore, #tpu.memory_space<semaphore_mem>>
        %dma_start3A_1090 = arith.constant 0 : i32
        %dma_start3A_1091 = arith.constant 0 : i32
        %dma_start3A_1092 = tpu.memref_slice %arg9[%run_scoped3A_604, %dma_start3A_1090, %dma_start3A_1091] : memref<2x128x128xf32, #tpu.memory_space<vmem>> -> memref<1x128x128xf32, #tpu.memory_space<vmem>>
        %dma_start3A_1093 = tpu.memref_squeeze %dma_start3A_1092 : memref<1x128x128xf32, #tpu.memory_space<vmem>> -> memref<128x128xf32, #tpu.memory_space<vmem>>
        %dma_start3A_1094 = arith.constant 0 : i32
        %dma_start3A_1095 = tpu.memref_slice %arg8[%run_scoped3A_605, %dma_start3A_1094] : memref<40x128xi32, #tpu.memory_space<vmem>> -> memref<1x128xi32, #tpu.memory_space<vmem>>
        %dma_start3A_1096 = tpu.memref_squeeze %dma_start3A_1095 : memref<1x128xi32, #tpu.memory_space<vmem>> -> memref<128xi32, #tpu.memory_space<vmem>>
        %dma_start3A_1097 = arith.constant 0 : i32
        %dma_start3A_1098 = arith.constant 0 : i32
        %dma_start3A_1099 = tpu.memref_slice %arg6[%dma_start3A_1097, %dma_start3A_1098] : memref<10112x128xf32, #tpu.memory_space<vmem_shared>> -> memref<10112x128xf32, #tpu.memory_space<vmem_shared>>
        tpu.enqueue_indirect_dma source(%dma_start3A_1093 : memref<128x128xf32, #tpu.memory_space<vmem>>) target(%dma_start3A_1099 : memref<10112x128xf32, #tpu.memory_space<vmem_shared>>) offsets(%dma_start3A_1096 : memref<128xi32, #tpu.memory_space<vmem>>) semaphore(%run_scoped3A_1089 : memref<!tpu.dma_semaphore, #tpu.memory_space<semaphore_mem>>) {add = true}
        %dma_wait3A_1100 = arith.constant 0 : i32
        %dma_wait3A_1101 = arith.constant 0 : i32
        %dma_wait3A_1102 = tpu.memref_slice %arg9[%run_scoped3A_604, %dma_wait3A_1100, %dma_wait3A_1101] : memref<2x128x128xf32, #tpu.memory_space<vmem>> -> memref<1x128x128xf32, #tpu.memory_space<vmem>>
        %dma_wait3A_1103 = tpu.memref_squeeze %dma_wait3A_1102 : memref<1x128x128xf32, #tpu.memory_space<vmem>> -> memref<128x128xf32, #tpu.memory_space<vmem>>
        %dma_wait3A_1104 = arith.constant 0 : i32
        %dma_wait3A_1105 = tpu.memref_slice %arg8[%run_scoped3A_605, %dma_wait3A_1104] : memref<40x128xi32, #tpu.memory_space<vmem>> -> memref<1x128xi32, #tpu.memory_space<vmem>>
        %dma_wait3A_1106 = tpu.memref_squeeze %dma_wait3A_1105 : memref<1x128xi32, #tpu.memory_space<vmem>> -> memref<128xi32, #tpu.memory_space<vmem>>
        %dma_wait3A_1107 = arith.constant 0 : i32
        %dma_wait3A_1108 = arith.constant 0 : i32
        %dma_wait3A_1109 = tpu.memref_slice %arg6[%dma_wait3A_1107, %dma_wait3A_1108] : memref<10112x128xf32, #tpu.memory_space<vmem_shared>> -> memref<10112x128xf32, #tpu.memory_space<vmem_shared>>
        tpu.wait_indirect_dma semaphore(%run_scoped3A_1089 : memref<!tpu.dma_semaphore, #tpu.memory_space<semaphore_mem>>) src(%dma_wait3A_1103 : memref<128x128xf32, #tpu.memory_space<vmem>>) dst(%dma_wait3A_1109 : memref<10112x128xf32, #tpu.memory_space<vmem_shared>>)
        tpu.yield
      }) : () -> ()
      %dma_start3A_606 = arith.constant 22 : i32
      %dma_start3A_607 = arith.constant 0 : i32
      %dma_start3A_608 = arith.constant 0 : i32
      %dma_start3A_609 = arith.constant 0 : i32
      %dma_start3A_610 = tpu.memref_slice %arg9[%dma_start3A_607, %dma_start3A_608, %dma_start3A_609] : memref<2x128x128xf32, #tpu.memory_space<vmem>> -> memref<1x128x128xf32, #tpu.memory_space<vmem>>
      %dma_start3A_611 = tpu.memref_squeeze %dma_start3A_610 : memref<1x128x128xf32, #tpu.memory_space<vmem>> -> memref<128x128xf32, #tpu.memory_space<vmem>>
      %dma_start3A_612 = arith.constant 0 : i32
      %dma_start3A_613 = tpu.memref_slice %arg7[%dma_start3A_606, %dma_start3A_612] : memref<40x128xi32, #tpu.memory_space<vmem>> -> memref<1x128xi32, #tpu.memory_space<vmem>>
      %dma_start3A_614 = tpu.memref_squeeze %dma_start3A_613 : memref<1x128xi32, #tpu.memory_space<vmem>> -> memref<128xi32, #tpu.memory_space<vmem>>
      %dma_start3A_615 = arith.constant 0 : i32
      %dma_start3A_616 = arith.constant 0 : i32
      %dma_start3A_617 = tpu.memref_slice %arg2[%dma_start3A_615, %dma_start3A_616] : memref<10112x128xf32, #tpu.memory_space<hbm>> -> memref<10112x128xf32, #tpu.memory_space<hbm>>
      tpu.enqueue_indirect_dma source(%dma_start3A_617 : memref<10112x128xf32, #tpu.memory_space<hbm>>) target(%dma_start3A_611 : memref<128x128xf32, #tpu.memory_space<vmem>>) offsets(%dma_start3A_614 : memref<128xi32, #tpu.memory_space<vmem>>) semaphore(%arg10 : memref<!tpu.dma_semaphore, #tpu.memory_space<semaphore_mem>>)
      %dma_wait3A_618 = arith.constant 21 : i32
      %dma_wait3A_619 = arith.constant 1 : i32
      %dma_wait3A_620 = arith.constant 0 : i32
      %dma_wait3A_621 = arith.constant 0 : i32
      %dma_wait3A_622 = tpu.memref_slice %arg9[%dma_wait3A_619, %dma_wait3A_620, %dma_wait3A_621] : memref<2x128x128xf32, #tpu.memory_space<vmem>> -> memref<1x128x128xf32, #tpu.memory_space<vmem>>
      %dma_wait3A_623 = tpu.memref_squeeze %dma_wait3A_622 : memref<1x128x128xf32, #tpu.memory_space<vmem>> -> memref<128x128xf32, #tpu.memory_space<vmem>>
      %dma_wait3A_624 = arith.constant 0 : i32
      %dma_wait3A_625 = tpu.memref_slice %arg7[%dma_wait3A_618, %dma_wait3A_624] : memref<40x128xi32, #tpu.memory_space<vmem>> -> memref<1x128xi32, #tpu.memory_space<vmem>>
      %dma_wait3A_626 = tpu.memref_squeeze %dma_wait3A_625 : memref<1x128xi32, #tpu.memory_space<vmem>> -> memref<128xi32, #tpu.memory_space<vmem>>
      %dma_wait3A_627 = arith.constant 0 : i32
      %dma_wait3A_628 = arith.constant 0 : i32
      %dma_wait3A_629 = tpu.memref_slice %arg2[%dma_wait3A_627, %dma_wait3A_628] : memref<10112x128xf32, #tpu.memory_space<hbm>> -> memref<10112x128xf32, #tpu.memory_space<hbm>>
      tpu.wait_indirect_dma semaphore(%arg11 : memref<!tpu.dma_semaphore, #tpu.memory_space<semaphore_mem>>) src(%dma_wait3A_629 : memref<10112x128xf32, #tpu.memory_space<hbm>>) dst(%dma_wait3A_623 : memref<128x128xf32, #tpu.memory_space<vmem>>)
      %run_scoped3A_630 = arith.constant 1 : i32
      %run_scoped3A_631 = arith.constant 21 : i32
      "tpu.region"() ({
        %run_scoped3A_1089 = tpu.sem_alloc : memref<!tpu.dma_semaphore, #tpu.memory_space<semaphore_mem>>
        %dma_start3A_1090 = arith.constant 0 : i32
        %dma_start3A_1091 = arith.constant 0 : i32
        %dma_start3A_1092 = tpu.memref_slice %arg9[%run_scoped3A_630, %dma_start3A_1090, %dma_start3A_1091] : memref<2x128x128xf32, #tpu.memory_space<vmem>> -> memref<1x128x128xf32, #tpu.memory_space<vmem>>
        %dma_start3A_1093 = tpu.memref_squeeze %dma_start3A_1092 : memref<1x128x128xf32, #tpu.memory_space<vmem>> -> memref<128x128xf32, #tpu.memory_space<vmem>>
        %dma_start3A_1094 = arith.constant 0 : i32
        %dma_start3A_1095 = tpu.memref_slice %arg8[%run_scoped3A_631, %dma_start3A_1094] : memref<40x128xi32, #tpu.memory_space<vmem>> -> memref<1x128xi32, #tpu.memory_space<vmem>>
        %dma_start3A_1096 = tpu.memref_squeeze %dma_start3A_1095 : memref<1x128xi32, #tpu.memory_space<vmem>> -> memref<128xi32, #tpu.memory_space<vmem>>
        %dma_start3A_1097 = arith.constant 0 : i32
        %dma_start3A_1098 = arith.constant 0 : i32
        %dma_start3A_1099 = tpu.memref_slice %arg6[%dma_start3A_1097, %dma_start3A_1098] : memref<10112x128xf32, #tpu.memory_space<vmem_shared>> -> memref<10112x128xf32, #tpu.memory_space<vmem_shared>>
        tpu.enqueue_indirect_dma source(%dma_start3A_1093 : memref<128x128xf32, #tpu.memory_space<vmem>>) target(%dma_start3A_1099 : memref<10112x128xf32, #tpu.memory_space<vmem_shared>>) offsets(%dma_start3A_1096 : memref<128xi32, #tpu.memory_space<vmem>>) semaphore(%run_scoped3A_1089 : memref<!tpu.dma_semaphore, #tpu.memory_space<semaphore_mem>>) {add = true}
        %dma_wait3A_1100 = arith.constant 0 : i32
        %dma_wait3A_1101 = arith.constant 0 : i32
        %dma_wait3A_1102 = tpu.memref_slice %arg9[%run_scoped3A_630, %dma_wait3A_1100, %dma_wait3A_1101] : memref<2x128x128xf32, #tpu.memory_space<vmem>> -> memref<1x128x128xf32, #tpu.memory_space<vmem>>
        %dma_wait3A_1103 = tpu.memref_squeeze %dma_wait3A_1102 : memref<1x128x128xf32, #tpu.memory_space<vmem>> -> memref<128x128xf32, #tpu.memory_space<vmem>>
        %dma_wait3A_1104 = arith.constant 0 : i32
        %dma_wait3A_1105 = tpu.memref_slice %arg8[%run_scoped3A_631, %dma_wait3A_1104] : memref<40x128xi32, #tpu.memory_space<vmem>> -> memref<1x128xi32, #tpu.memory_space<vmem>>
        %dma_wait3A_1106 = tpu.memref_squeeze %dma_wait3A_1105 : memref<1x128xi32, #tpu.memory_space<vmem>> -> memref<128xi32, #tpu.memory_space<vmem>>
        %dma_wait3A_1107 = arith.constant 0 : i32
        %dma_wait3A_1108 = arith.constant 0 : i32
        %dma_wait3A_1109 = tpu.memref_slice %arg6[%dma_wait3A_1107, %dma_wait3A_1108] : memref<10112x128xf32, #tpu.memory_space<vmem_shared>> -> memref<10112x128xf32, #tpu.memory_space<vmem_shared>>
        tpu.wait_indirect_dma semaphore(%run_scoped3A_1089 : memref<!tpu.dma_semaphore, #tpu.memory_space<semaphore_mem>>) src(%dma_wait3A_1103 : memref<128x128xf32, #tpu.memory_space<vmem>>) dst(%dma_wait3A_1109 : memref<10112x128xf32, #tpu.memory_space<vmem_shared>>)
        tpu.yield
      }) : () -> ()
      %dma_start3A_632 = arith.constant 23 : i32
      %dma_start3A_633 = arith.constant 1 : i32
      %dma_start3A_634 = arith.constant 0 : i32
      %dma_start3A_635 = arith.constant 0 : i32
      %dma_start3A_636 = tpu.memref_slice %arg9[%dma_start3A_633, %dma_start3A_634, %dma_start3A_635] : memref<2x128x128xf32, #tpu.memory_space<vmem>> -> memref<1x128x128xf32, #tpu.memory_space<vmem>>
      %dma_start3A_637 = tpu.memref_squeeze %dma_start3A_636 : memref<1x128x128xf32, #tpu.memory_space<vmem>> -> memref<128x128xf32, #tpu.memory_space<vmem>>
      %dma_start3A_638 = arith.constant 0 : i32
      %dma_start3A_639 = tpu.memref_slice %arg7[%dma_start3A_632, %dma_start3A_638] : memref<40x128xi32, #tpu.memory_space<vmem>> -> memref<1x128xi32, #tpu.memory_space<vmem>>
      %dma_start3A_640 = tpu.memref_squeeze %dma_start3A_639 : memref<1x128xi32, #tpu.memory_space<vmem>> -> memref<128xi32, #tpu.memory_space<vmem>>
      %dma_start3A_641 = arith.constant 0 : i32
      %dma_start3A_642 = arith.constant 0 : i32
      %dma_start3A_643 = tpu.memref_slice %arg2[%dma_start3A_641, %dma_start3A_642] : memref<10112x128xf32, #tpu.memory_space<hbm>> -> memref<10112x128xf32, #tpu.memory_space<hbm>>
      tpu.enqueue_indirect_dma source(%dma_start3A_643 : memref<10112x128xf32, #tpu.memory_space<hbm>>) target(%dma_start3A_637 : memref<128x128xf32, #tpu.memory_space<vmem>>) offsets(%dma_start3A_640 : memref<128xi32, #tpu.memory_space<vmem>>) semaphore(%arg11 : memref<!tpu.dma_semaphore, #tpu.memory_space<semaphore_mem>>)
      %dma_wait3A_644 = arith.constant 22 : i32
      %dma_wait3A_645 = arith.constant 0 : i32
      %dma_wait3A_646 = arith.constant 0 : i32
      %dma_wait3A_647 = arith.constant 0 : i32
      %dma_wait3A_648 = tpu.memref_slice %arg9[%dma_wait3A_645, %dma_wait3A_646, %dma_wait3A_647] : memref<2x128x128xf32, #tpu.memory_space<vmem>> -> memref<1x128x128xf32, #tpu.memory_space<vmem>>
      %dma_wait3A_649 = tpu.memref_squeeze %dma_wait3A_648 : memref<1x128x128xf32, #tpu.memory_space<vmem>> -> memref<128x128xf32, #tpu.memory_space<vmem>>
      %dma_wait3A_650 = arith.constant 0 : i32
      %dma_wait3A_651 = tpu.memref_slice %arg7[%dma_wait3A_644, %dma_wait3A_650] : memref<40x128xi32, #tpu.memory_space<vmem>> -> memref<1x128xi32, #tpu.memory_space<vmem>>
      %dma_wait3A_652 = tpu.memref_squeeze %dma_wait3A_651 : memref<1x128xi32, #tpu.memory_space<vmem>> -> memref<128xi32, #tpu.memory_space<vmem>>
      %dma_wait3A_653 = arith.constant 0 : i32
      %dma_wait3A_654 = arith.constant 0 : i32
      %dma_wait3A_655 = tpu.memref_slice %arg2[%dma_wait3A_653, %dma_wait3A_654] : memref<10112x128xf32, #tpu.memory_space<hbm>> -> memref<10112x128xf32, #tpu.memory_space<hbm>>
      tpu.wait_indirect_dma semaphore(%arg10 : memref<!tpu.dma_semaphore, #tpu.memory_space<semaphore_mem>>) src(%dma_wait3A_655 : memref<10112x128xf32, #tpu.memory_space<hbm>>) dst(%dma_wait3A_649 : memref<128x128xf32, #tpu.memory_space<vmem>>)
      %run_scoped3A_656 = arith.constant 0 : i32
      %run_scoped3A_657 = arith.constant 22 : i32
      "tpu.region"() ({
        %run_scoped3A_1089 = tpu.sem_alloc : memref<!tpu.dma_semaphore, #tpu.memory_space<semaphore_mem>>
        %dma_start3A_1090 = arith.constant 0 : i32
        %dma_start3A_1091 = arith.constant 0 : i32
        %dma_start3A_1092 = tpu.memref_slice %arg9[%run_scoped3A_656, %dma_start3A_1090, %dma_start3A_1091] : memref<2x128x128xf32, #tpu.memory_space<vmem>> -> memref<1x128x128xf32, #tpu.memory_space<vmem>>
        %dma_start3A_1093 = tpu.memref_squeeze %dma_start3A_1092 : memref<1x128x128xf32, #tpu.memory_space<vmem>> -> memref<128x128xf32, #tpu.memory_space<vmem>>
        %dma_start3A_1094 = arith.constant 0 : i32
        %dma_start3A_1095 = tpu.memref_slice %arg8[%run_scoped3A_657, %dma_start3A_1094] : memref<40x128xi32, #tpu.memory_space<vmem>> -> memref<1x128xi32, #tpu.memory_space<vmem>>
        %dma_start3A_1096 = tpu.memref_squeeze %dma_start3A_1095 : memref<1x128xi32, #tpu.memory_space<vmem>> -> memref<128xi32, #tpu.memory_space<vmem>>
        %dma_start3A_1097 = arith.constant 0 : i32
        %dma_start3A_1098 = arith.constant 0 : i32
        %dma_start3A_1099 = tpu.memref_slice %arg6[%dma_start3A_1097, %dma_start3A_1098] : memref<10112x128xf32, #tpu.memory_space<vmem_shared>> -> memref<10112x128xf32, #tpu.memory_space<vmem_shared>>
        tpu.enqueue_indirect_dma source(%dma_start3A_1093 : memref<128x128xf32, #tpu.memory_space<vmem>>) target(%dma_start3A_1099 : memref<10112x128xf32, #tpu.memory_space<vmem_shared>>) offsets(%dma_start3A_1096 : memref<128xi32, #tpu.memory_space<vmem>>) semaphore(%run_scoped3A_1089 : memref<!tpu.dma_semaphore, #tpu.memory_space<semaphore_mem>>) {add = true}
        %dma_wait3A_1100 = arith.constant 0 : i32
        %dma_wait3A_1101 = arith.constant 0 : i32
        %dma_wait3A_1102 = tpu.memref_slice %arg9[%run_scoped3A_656, %dma_wait3A_1100, %dma_wait3A_1101] : memref<2x128x128xf32, #tpu.memory_space<vmem>> -> memref<1x128x128xf32, #tpu.memory_space<vmem>>
        %dma_wait3A_1103 = tpu.memref_squeeze %dma_wait3A_1102 : memref<1x128x128xf32, #tpu.memory_space<vmem>> -> memref<128x128xf32, #tpu.memory_space<vmem>>
        %dma_wait3A_1104 = arith.constant 0 : i32
        %dma_wait3A_1105 = tpu.memref_slice %arg8[%run_scoped3A_657, %dma_wait3A_1104] : memref<40x128xi32, #tpu.memory_space<vmem>> -> memref<1x128xi32, #tpu.memory_space<vmem>>
        %dma_wait3A_1106 = tpu.memref_squeeze %dma_wait3A_1105 : memref<1x128xi32, #tpu.memory_space<vmem>> -> memref<128xi32, #tpu.memory_space<vmem>>
        %dma_wait3A_1107 = arith.constant 0 : i32
        %dma_wait3A_1108 = arith.constant 0 : i32
        %dma_wait3A_1109 = tpu.memref_slice %arg6[%dma_wait3A_1107, %dma_wait3A_1108] : memref<10112x128xf32, #tpu.memory_space<vmem_shared>> -> memref<10112x128xf32, #tpu.memory_space<vmem_shared>>
        tpu.wait_indirect_dma semaphore(%run_scoped3A_1089 : memref<!tpu.dma_semaphore, #tpu.memory_space<semaphore_mem>>) src(%dma_wait3A_1103 : memref<128x128xf32, #tpu.memory_space<vmem>>) dst(%dma_wait3A_1109 : memref<10112x128xf32, #tpu.memory_space<vmem_shared>>)
        tpu.yield
      }) : () -> ()
      %dma_start3A_658 = arith.constant 24 : i32
      %dma_start3A_659 = arith.constant 0 : i32
      %dma_start3A_660 = arith.constant 0 : i32
      %dma_start3A_661 = arith.constant 0 : i32
      %dma_start3A_662 = tpu.memref_slice %arg9[%dma_start3A_659, %dma_start3A_660, %dma_start3A_661] : memref<2x128x128xf32, #tpu.memory_space<vmem>> -> memref<1x128x128xf32, #tpu.memory_space<vmem>>
      %dma_start3A_663 = tpu.memref_squeeze %dma_start3A_662 : memref<1x128x128xf32, #tpu.memory_space<vmem>> -> memref<128x128xf32, #tpu.memory_space<vmem>>
      %dma_start3A_664 = arith.constant 0 : i32
      %dma_start3A_665 = tpu.memref_slice %arg7[%dma_start3A_658, %dma_start3A_664] : memref<40x128xi32, #tpu.memory_space<vmem>> -> memref<1x128xi32, #tpu.memory_space<vmem>>
      %dma_start3A_666 = tpu.memref_squeeze %dma_start3A_665 : memref<1x128xi32, #tpu.memory_space<vmem>> -> memref<128xi32, #tpu.memory_space<vmem>>
      %dma_start3A_667 = arith.constant 0 : i32
      %dma_start3A_668 = arith.constant 0 : i32
      %dma_start3A_669 = tpu.memref_slice %arg2[%dma_start3A_667, %dma_start3A_668] : memref<10112x128xf32, #tpu.memory_space<hbm>> -> memref<10112x128xf32, #tpu.memory_space<hbm>>
      tpu.enqueue_indirect_dma source(%dma_start3A_669 : memref<10112x128xf32, #tpu.memory_space<hbm>>) target(%dma_start3A_663 : memref<128x128xf32, #tpu.memory_space<vmem>>) offsets(%dma_start3A_666 : memref<128xi32, #tpu.memory_space<vmem>>) semaphore(%arg10 : memref<!tpu.dma_semaphore, #tpu.memory_space<semaphore_mem>>)
      %dma_wait3A_670 = arith.constant 23 : i32
      %dma_wait3A_671 = arith.constant 1 : i32
      %dma_wait3A_672 = arith.constant 0 : i32
      %dma_wait3A_673 = arith.constant 0 : i32
      %dma_wait3A_674 = tpu.memref_slice %arg9[%dma_wait3A_671, %dma_wait3A_672, %dma_wait3A_673] : memref<2x128x128xf32, #tpu.memory_space<vmem>> -> memref<1x128x128xf32, #tpu.memory_space<vmem>>
      %dma_wait3A_675 = tpu.memref_squeeze %dma_wait3A_674 : memref<1x128x128xf32, #tpu.memory_space<vmem>> -> memref<128x128xf32, #tpu.memory_space<vmem>>
      %dma_wait3A_676 = arith.constant 0 : i32
      %dma_wait3A_677 = tpu.memref_slice %arg7[%dma_wait3A_670, %dma_wait3A_676] : memref<40x128xi32, #tpu.memory_space<vmem>> -> memref<1x128xi32, #tpu.memory_space<vmem>>
      %dma_wait3A_678 = tpu.memref_squeeze %dma_wait3A_677 : memref<1x128xi32, #tpu.memory_space<vmem>> -> memref<128xi32, #tpu.memory_space<vmem>>
      %dma_wait3A_679 = arith.constant 0 : i32
      %dma_wait3A_680 = arith.constant 0 : i32
      %dma_wait3A_681 = tpu.memref_slice %arg2[%dma_wait3A_679, %dma_wait3A_680] : memref<10112x128xf32, #tpu.memory_space<hbm>> -> memref<10112x128xf32, #tpu.memory_space<hbm>>
      tpu.wait_indirect_dma semaphore(%arg11 : memref<!tpu.dma_semaphore, #tpu.memory_space<semaphore_mem>>) src(%dma_wait3A_681 : memref<10112x128xf32, #tpu.memory_space<hbm>>) dst(%dma_wait3A_675 : memref<128x128xf32, #tpu.memory_space<vmem>>)
      %run_scoped3A_682 = arith.constant 1 : i32
      %run_scoped3A_683 = arith.constant 23 : i32
      "tpu.region"() ({
        %run_scoped3A_1089 = tpu.sem_alloc : memref<!tpu.dma_semaphore, #tpu.memory_space<semaphore_mem>>
        %dma_start3A_1090 = arith.constant 0 : i32
        %dma_start3A_1091 = arith.constant 0 : i32
        %dma_start3A_1092 = tpu.memref_slice %arg9[%run_scoped3A_682, %dma_start3A_1090, %dma_start3A_1091] : memref<2x128x128xf32, #tpu.memory_space<vmem>> -> memref<1x128x128xf32, #tpu.memory_space<vmem>>
        %dma_start3A_1093 = tpu.memref_squeeze %dma_start3A_1092 : memref<1x128x128xf32, #tpu.memory_space<vmem>> -> memref<128x128xf32, #tpu.memory_space<vmem>>
        %dma_start3A_1094 = arith.constant 0 : i32
        %dma_start3A_1095 = tpu.memref_slice %arg8[%run_scoped3A_683, %dma_start3A_1094] : memref<40x128xi32, #tpu.memory_space<vmem>> -> memref<1x128xi32, #tpu.memory_space<vmem>>
        %dma_start3A_1096 = tpu.memref_squeeze %dma_start3A_1095 : memref<1x128xi32, #tpu.memory_space<vmem>> -> memref<128xi32, #tpu.memory_space<vmem>>
        %dma_start3A_1097 = arith.constant 0 : i32
        %dma_start3A_1098 = arith.constant 0 : i32
        %dma_start3A_1099 = tpu.memref_slice %arg6[%dma_start3A_1097, %dma_start3A_1098] : memref<10112x128xf32, #tpu.memory_space<vmem_shared>> -> memref<10112x128xf32, #tpu.memory_space<vmem_shared>>
        tpu.enqueue_indirect_dma source(%dma_start3A_1093 : memref<128x128xf32, #tpu.memory_space<vmem>>) target(%dma_start3A_1099 : memref<10112x128xf32, #tpu.memory_space<vmem_shared>>) offsets(%dma_start3A_1096 : memref<128xi32, #tpu.memory_space<vmem>>) semaphore(%run_scoped3A_1089 : memref<!tpu.dma_semaphore, #tpu.memory_space<semaphore_mem>>) {add = true}
        %dma_wait3A_1100 = arith.constant 0 : i32
        %dma_wait3A_1101 = arith.constant 0 : i32
        %dma_wait3A_1102 = tpu.memref_slice %arg9[%run_scoped3A_682, %dma_wait3A_1100, %dma_wait3A_1101] : memref<2x128x128xf32, #tpu.memory_space<vmem>> -> memref<1x128x128xf32, #tpu.memory_space<vmem>>
        %dma_wait3A_1103 = tpu.memref_squeeze %dma_wait3A_1102 : memref<1x128x128xf32, #tpu.memory_space<vmem>> -> memref<128x128xf32, #tpu.memory_space<vmem>>
        %dma_wait3A_1104 = arith.constant 0 : i32
        %dma_wait3A_1105 = tpu.memref_slice %arg8[%run_scoped3A_683, %dma_wait3A_1104] : memref<40x128xi32, #tpu.memory_space<vmem>> -> memref<1x128xi32, #tpu.memory_space<vmem>>
        %dma_wait3A_1106 = tpu.memref_squeeze %dma_wait3A_1105 : memref<1x128xi32, #tpu.memory_space<vmem>> -> memref<128xi32, #tpu.memory_space<vmem>>
        %dma_wait3A_1107 = arith.constant 0 : i32
        %dma_wait3A_1108 = arith.constant 0 : i32
        %dma_wait3A_1109 = tpu.memref_slice %arg6[%dma_wait3A_1107, %dma_wait3A_1108] : memref<10112x128xf32, #tpu.memory_space<vmem_shared>> -> memref<10112x128xf32, #tpu.memory_space<vmem_shared>>
        tpu.wait_indirect_dma semaphore(%run_scoped3A_1089 : memref<!tpu.dma_semaphore, #tpu.memory_space<semaphore_mem>>) src(%dma_wait3A_1103 : memref<128x128xf32, #tpu.memory_space<vmem>>) dst(%dma_wait3A_1109 : memref<10112x128xf32, #tpu.memory_space<vmem_shared>>)
        tpu.yield
      }) : () -> ()
      %dma_start3A_684 = arith.constant 25 : i32
      %dma_start3A_685 = arith.constant 1 : i32
      %dma_start3A_686 = arith.constant 0 : i32
      %dma_start3A_687 = arith.constant 0 : i32
      %dma_start3A_688 = tpu.memref_slice %arg9[%dma_start3A_685, %dma_start3A_686, %dma_start3A_687] : memref<2x128x128xf32, #tpu.memory_space<vmem>> -> memref<1x128x128xf32, #tpu.memory_space<vmem>>
      %dma_start3A_689 = tpu.memref_squeeze %dma_start3A_688 : memref<1x128x128xf32, #tpu.memory_space<vmem>> -> memref<128x128xf32, #tpu.memory_space<vmem>>
      %dma_start3A_690 = arith.constant 0 : i32
      %dma_start3A_691 = tpu.memref_slice %arg7[%dma_start3A_684, %dma_start3A_690] : memref<40x128xi32, #tpu.memory_space<vmem>> -> memref<1x128xi32, #tpu.memory_space<vmem>>
      %dma_start3A_692 = tpu.memref_squeeze %dma_start3A_691 : memref<1x128xi32, #tpu.memory_space<vmem>> -> memref<128xi32, #tpu.memory_space<vmem>>
      %dma_start3A_693 = arith.constant 0 : i32
      %dma_start3A_694 = arith.constant 0 : i32
      %dma_start3A_695 = tpu.memref_slice %arg2[%dma_start3A_693, %dma_start3A_694] : memref<10112x128xf32, #tpu.memory_space<hbm>> -> memref<10112x128xf32, #tpu.memory_space<hbm>>
      tpu.enqueue_indirect_dma source(%dma_start3A_695 : memref<10112x128xf32, #tpu.memory_space<hbm>>) target(%dma_start3A_689 : memref<128x128xf32, #tpu.memory_space<vmem>>) offsets(%dma_start3A_692 : memref<128xi32, #tpu.memory_space<vmem>>) semaphore(%arg11 : memref<!tpu.dma_semaphore, #tpu.memory_space<semaphore_mem>>)
      %dma_wait3A_696 = arith.constant 24 : i32
      %dma_wait3A_697 = arith.constant 0 : i32
      %dma_wait3A_698 = arith.constant 0 : i32
      %dma_wait3A_699 = arith.constant 0 : i32
      %dma_wait3A_700 = tpu.memref_slice %arg9[%dma_wait3A_697, %dma_wait3A_698, %dma_wait3A_699] : memref<2x128x128xf32, #tpu.memory_space<vmem>> -> memref<1x128x128xf32, #tpu.memory_space<vmem>>
      %dma_wait3A_701 = tpu.memref_squeeze %dma_wait3A_700 : memref<1x128x128xf32, #tpu.memory_space<vmem>> -> memref<128x128xf32, #tpu.memory_space<vmem>>
      %dma_wait3A_702 = arith.constant 0 : i32
      %dma_wait3A_703 = tpu.memref_slice %arg7[%dma_wait3A_696, %dma_wait3A_702] : memref<40x128xi32, #tpu.memory_space<vmem>> -> memref<1x128xi32, #tpu.memory_space<vmem>>
      %dma_wait3A_704 = tpu.memref_squeeze %dma_wait3A_703 : memref<1x128xi32, #tpu.memory_space<vmem>> -> memref<128xi32, #tpu.memory_space<vmem>>
      %dma_wait3A_705 = arith.constant 0 : i32
      %dma_wait3A_706 = arith.constant 0 : i32
      %dma_wait3A_707 = tpu.memref_slice %arg2[%dma_wait3A_705, %dma_wait3A_706] : memref<10112x128xf32, #tpu.memory_space<hbm>> -> memref<10112x128xf32, #tpu.memory_space<hbm>>
      tpu.wait_indirect_dma semaphore(%arg10 : memref<!tpu.dma_semaphore, #tpu.memory_space<semaphore_mem>>) src(%dma_wait3A_707 : memref<10112x128xf32, #tpu.memory_space<hbm>>) dst(%dma_wait3A_701 : memref<128x128xf32, #tpu.memory_space<vmem>>)
      %run_scoped3A_708 = arith.constant 0 : i32
      %run_scoped3A_709 = arith.constant 24 : i32
      "tpu.region"() ({
        %run_scoped3A_1089 = tpu.sem_alloc : memref<!tpu.dma_semaphore, #tpu.memory_space<semaphore_mem>>
        %dma_start3A_1090 = arith.constant 0 : i32
        %dma_start3A_1091 = arith.constant 0 : i32
        %dma_start3A_1092 = tpu.memref_slice %arg9[%run_scoped3A_708, %dma_start3A_1090, %dma_start3A_1091] : memref<2x128x128xf32, #tpu.memory_space<vmem>> -> memref<1x128x128xf32, #tpu.memory_space<vmem>>
        %dma_start3A_1093 = tpu.memref_squeeze %dma_start3A_1092 : memref<1x128x128xf32, #tpu.memory_space<vmem>> -> memref<128x128xf32, #tpu.memory_space<vmem>>
        %dma_start3A_1094 = arith.constant 0 : i32
        %dma_start3A_1095 = tpu.memref_slice %arg8[%run_scoped3A_709, %dma_start3A_1094] : memref<40x128xi32, #tpu.memory_space<vmem>> -> memref<1x128xi32, #tpu.memory_space<vmem>>
        %dma_start3A_1096 = tpu.memref_squeeze %dma_start3A_1095 : memref<1x128xi32, #tpu.memory_space<vmem>> -> memref<128xi32, #tpu.memory_space<vmem>>
        %dma_start3A_1097 = arith.constant 0 : i32
        %dma_start3A_1098 = arith.constant 0 : i32
        %dma_start3A_1099 = tpu.memref_slice %arg6[%dma_start3A_1097, %dma_start3A_1098] : memref<10112x128xf32, #tpu.memory_space<vmem_shared>> -> memref<10112x128xf32, #tpu.memory_space<vmem_shared>>
        tpu.enqueue_indirect_dma source(%dma_start3A_1093 : memref<128x128xf32, #tpu.memory_space<vmem>>) target(%dma_start3A_1099 : memref<10112x128xf32, #tpu.memory_space<vmem_shared>>) offsets(%dma_start3A_1096 : memref<128xi32, #tpu.memory_space<vmem>>) semaphore(%run_scoped3A_1089 : memref<!tpu.dma_semaphore, #tpu.memory_space<semaphore_mem>>) {add = true}
        %dma_wait3A_1100 = arith.constant 0 : i32
        %dma_wait3A_1101 = arith.constant 0 : i32
        %dma_wait3A_1102 = tpu.memref_slice %arg9[%run_scoped3A_708, %dma_wait3A_1100, %dma_wait3A_1101] : memref<2x128x128xf32, #tpu.memory_space<vmem>> -> memref<1x128x128xf32, #tpu.memory_space<vmem>>
        %dma_wait3A_1103 = tpu.memref_squeeze %dma_wait3A_1102 : memref<1x128x128xf32, #tpu.memory_space<vmem>> -> memref<128x128xf32, #tpu.memory_space<vmem>>
        %dma_wait3A_1104 = arith.constant 0 : i32
        %dma_wait3A_1105 = tpu.memref_slice %arg8[%run_scoped3A_709, %dma_wait3A_1104] : memref<40x128xi32, #tpu.memory_space<vmem>> -> memref<1x128xi32, #tpu.memory_space<vmem>>
        %dma_wait3A_1106 = tpu.memref_squeeze %dma_wait3A_1105 : memref<1x128xi32, #tpu.memory_space<vmem>> -> memref<128xi32, #tpu.memory_space<vmem>>
        %dma_wait3A_1107 = arith.constant 0 : i32
        %dma_wait3A_1108 = arith.constant 0 : i32
        %dma_wait3A_1109 = tpu.memref_slice %arg6[%dma_wait3A_1107, %dma_wait3A_1108] : memref<10112x128xf32, #tpu.memory_space<vmem_shared>> -> memref<10112x128xf32, #tpu.memory_space<vmem_shared>>
        tpu.wait_indirect_dma semaphore(%run_scoped3A_1089 : memref<!tpu.dma_semaphore, #tpu.memory_space<semaphore_mem>>) src(%dma_wait3A_1103 : memref<128x128xf32, #tpu.memory_space<vmem>>) dst(%dma_wait3A_1109 : memref<10112x128xf32, #tpu.memory_space<vmem_shared>>)
        tpu.yield
      }) : () -> ()
      %dma_start3A_710 = arith.constant 26 : i32
      %dma_start3A_711 = arith.constant 0 : i32
      %dma_start3A_712 = arith.constant 0 : i32
      %dma_start3A_713 = arith.constant 0 : i32
      %dma_start3A_714 = tpu.memref_slice %arg9[%dma_start3A_711, %dma_start3A_712, %dma_start3A_713] : memref<2x128x128xf32, #tpu.memory_space<vmem>> -> memref<1x128x128xf32, #tpu.memory_space<vmem>>
      %dma_start3A_715 = tpu.memref_squeeze %dma_start3A_714 : memref<1x128x128xf32, #tpu.memory_space<vmem>> -> memref<128x128xf32, #tpu.memory_space<vmem>>
      %dma_start3A_716 = arith.constant 0 : i32
      %dma_start3A_717 = tpu.memref_slice %arg7[%dma_start3A_710, %dma_start3A_716] : memref<40x128xi32, #tpu.memory_space<vmem>> -> memref<1x128xi32, #tpu.memory_space<vmem>>
      %dma_start3A_718 = tpu.memref_squeeze %dma_start3A_717 : memref<1x128xi32, #tpu.memory_space<vmem>> -> memref<128xi32, #tpu.memory_space<vmem>>
      %dma_start3A_719 = arith.constant 0 : i32
      %dma_start3A_720 = arith.constant 0 : i32
      %dma_start3A_721 = tpu.memref_slice %arg2[%dma_start3A_719, %dma_start3A_720] : memref<10112x128xf32, #tpu.memory_space<hbm>> -> memref<10112x128xf32, #tpu.memory_space<hbm>>
      tpu.enqueue_indirect_dma source(%dma_start3A_721 : memref<10112x128xf32, #tpu.memory_space<hbm>>) target(%dma_start3A_715 : memref<128x128xf32, #tpu.memory_space<vmem>>) offsets(%dma_start3A_718 : memref<128xi32, #tpu.memory_space<vmem>>) semaphore(%arg10 : memref<!tpu.dma_semaphore, #tpu.memory_space<semaphore_mem>>)
      %dma_wait3A_722 = arith.constant 25 : i32
      %dma_wait3A_723 = arith.constant 1 : i32
      %dma_wait3A_724 = arith.constant 0 : i32
      %dma_wait3A_725 = arith.constant 0 : i32
      %dma_wait3A_726 = tpu.memref_slice %arg9[%dma_wait3A_723, %dma_wait3A_724, %dma_wait3A_725] : memref<2x128x128xf32, #tpu.memory_space<vmem>> -> memref<1x128x128xf32, #tpu.memory_space<vmem>>
      %dma_wait3A_727 = tpu.memref_squeeze %dma_wait3A_726 : memref<1x128x128xf32, #tpu.memory_space<vmem>> -> memref<128x128xf32, #tpu.memory_space<vmem>>
      %dma_wait3A_728 = arith.constant 0 : i32
      %dma_wait3A_729 = tpu.memref_slice %arg7[%dma_wait3A_722, %dma_wait3A_728] : memref<40x128xi32, #tpu.memory_space<vmem>> -> memref<1x128xi32, #tpu.memory_space<vmem>>
      %dma_wait3A_730 = tpu.memref_squeeze %dma_wait3A_729 : memref<1x128xi32, #tpu.memory_space<vmem>> -> memref<128xi32, #tpu.memory_space<vmem>>
      %dma_wait3A_731 = arith.constant 0 : i32
      %dma_wait3A_732 = arith.constant 0 : i32
      %dma_wait3A_733 = tpu.memref_slice %arg2[%dma_wait3A_731, %dma_wait3A_732] : memref<10112x128xf32, #tpu.memory_space<hbm>> -> memref<10112x128xf32, #tpu.memory_space<hbm>>
      tpu.wait_indirect_dma semaphore(%arg11 : memref<!tpu.dma_semaphore, #tpu.memory_space<semaphore_mem>>) src(%dma_wait3A_733 : memref<10112x128xf32, #tpu.memory_space<hbm>>) dst(%dma_wait3A_727 : memref<128x128xf32, #tpu.memory_space<vmem>>)
      %run_scoped3A_734 = arith.constant 1 : i32
      %run_scoped3A_735 = arith.constant 25 : i32
      "tpu.region"() ({
        %run_scoped3A_1089 = tpu.sem_alloc : memref<!tpu.dma_semaphore, #tpu.memory_space<semaphore_mem>>
        %dma_start3A_1090 = arith.constant 0 : i32
        %dma_start3A_1091 = arith.constant 0 : i32
        %dma_start3A_1092 = tpu.memref_slice %arg9[%run_scoped3A_734, %dma_start3A_1090, %dma_start3A_1091] : memref<2x128x128xf32, #tpu.memory_space<vmem>> -> memref<1x128x128xf32, #tpu.memory_space<vmem>>
        %dma_start3A_1093 = tpu.memref_squeeze %dma_start3A_1092 : memref<1x128x128xf32, #tpu.memory_space<vmem>> -> memref<128x128xf32, #tpu.memory_space<vmem>>
        %dma_start3A_1094 = arith.constant 0 : i32
        %dma_start3A_1095 = tpu.memref_slice %arg8[%run_scoped3A_735, %dma_start3A_1094] : memref<40x128xi32, #tpu.memory_space<vmem>> -> memref<1x128xi32, #tpu.memory_space<vmem>>
        %dma_start3A_1096 = tpu.memref_squeeze %dma_start3A_1095 : memref<1x128xi32, #tpu.memory_space<vmem>> -> memref<128xi32, #tpu.memory_space<vmem>>
        %dma_start3A_1097 = arith.constant 0 : i32
        %dma_start3A_1098 = arith.constant 0 : i32
        %dma_start3A_1099 = tpu.memref_slice %arg6[%dma_start3A_1097, %dma_start3A_1098] : memref<10112x128xf32, #tpu.memory_space<vmem_shared>> -> memref<10112x128xf32, #tpu.memory_space<vmem_shared>>
        tpu.enqueue_indirect_dma source(%dma_start3A_1093 : memref<128x128xf32, #tpu.memory_space<vmem>>) target(%dma_start3A_1099 : memref<10112x128xf32, #tpu.memory_space<vmem_shared>>) offsets(%dma_start3A_1096 : memref<128xi32, #tpu.memory_space<vmem>>) semaphore(%run_scoped3A_1089 : memref<!tpu.dma_semaphore, #tpu.memory_space<semaphore_mem>>) {add = true}
        %dma_wait3A_1100 = arith.constant 0 : i32
        %dma_wait3A_1101 = arith.constant 0 : i32
        %dma_wait3A_1102 = tpu.memref_slice %arg9[%run_scoped3A_734, %dma_wait3A_1100, %dma_wait3A_1101] : memref<2x128x128xf32, #tpu.memory_space<vmem>> -> memref<1x128x128xf32, #tpu.memory_space<vmem>>
        %dma_wait3A_1103 = tpu.memref_squeeze %dma_wait3A_1102 : memref<1x128x128xf32, #tpu.memory_space<vmem>> -> memref<128x128xf32, #tpu.memory_space<vmem>>
        %dma_wait3A_1104 = arith.constant 0 : i32
        %dma_wait3A_1105 = tpu.memref_slice %arg8[%run_scoped3A_735, %dma_wait3A_1104] : memref<40x128xi32, #tpu.memory_space<vmem>> -> memref<1x128xi32, #tpu.memory_space<vmem>>
        %dma_wait3A_1106 = tpu.memref_squeeze %dma_wait3A_1105 : memref<1x128xi32, #tpu.memory_space<vmem>> -> memref<128xi32, #tpu.memory_space<vmem>>
        %dma_wait3A_1107 = arith.constant 0 : i32
        %dma_wait3A_1108 = arith.constant 0 : i32
        %dma_wait3A_1109 = tpu.memref_slice %arg6[%dma_wait3A_1107, %dma_wait3A_1108] : memref<10112x128xf32, #tpu.memory_space<vmem_shared>> -> memref<10112x128xf32, #tpu.memory_space<vmem_shared>>
        tpu.wait_indirect_dma semaphore(%run_scoped3A_1089 : memref<!tpu.dma_semaphore, #tpu.memory_space<semaphore_mem>>) src(%dma_wait3A_1103 : memref<128x128xf32, #tpu.memory_space<vmem>>) dst(%dma_wait3A_1109 : memref<10112x128xf32, #tpu.memory_space<vmem_shared>>)
        tpu.yield
      }) : () -> ()
      %dma_start3A_736 = arith.constant 27 : i32
      %dma_start3A_737 = arith.constant 1 : i32
      %dma_start3A_738 = arith.constant 0 : i32
      %dma_start3A_739 = arith.constant 0 : i32
      %dma_start3A_740 = tpu.memref_slice %arg9[%dma_start3A_737, %dma_start3A_738, %dma_start3A_739] : memref<2x128x128xf32, #tpu.memory_space<vmem>> -> memref<1x128x128xf32, #tpu.memory_space<vmem>>
      %dma_start3A_741 = tpu.memref_squeeze %dma_start3A_740 : memref<1x128x128xf32, #tpu.memory_space<vmem>> -> memref<128x128xf32, #tpu.memory_space<vmem>>
      %dma_start3A_742 = arith.constant 0 : i32
      %dma_start3A_743 = tpu.memref_slice %arg7[%dma_start3A_736, %dma_start3A_742] : memref<40x128xi32, #tpu.memory_space<vmem>> -> memref<1x128xi32, #tpu.memory_space<vmem>>
      %dma_start3A_744 = tpu.memref_squeeze %dma_start3A_743 : memref<1x128xi32, #tpu.memory_space<vmem>> -> memref<128xi32, #tpu.memory_space<vmem>>
      %dma_start3A_745 = arith.constant 0 : i32
      %dma_start3A_746 = arith.constant 0 : i32
      %dma_start3A_747 = tpu.memref_slice %arg2[%dma_start3A_745, %dma_start3A_746] : memref<10112x128xf32, #tpu.memory_space<hbm>> -> memref<10112x128xf32, #tpu.memory_space<hbm>>
      tpu.enqueue_indirect_dma source(%dma_start3A_747 : memref<10112x128xf32, #tpu.memory_space<hbm>>) target(%dma_start3A_741 : memref<128x128xf32, #tpu.memory_space<vmem>>) offsets(%dma_start3A_744 : memref<128xi32, #tpu.memory_space<vmem>>) semaphore(%arg11 : memref<!tpu.dma_semaphore, #tpu.memory_space<semaphore_mem>>)
      %dma_wait3A_748 = arith.constant 26 : i32
      %dma_wait3A_749 = arith.constant 0 : i32
      %dma_wait3A_750 = arith.constant 0 : i32
      %dma_wait3A_751 = arith.constant 0 : i32
      %dma_wait3A_752 = tpu.memref_slice %arg9[%dma_wait3A_749, %dma_wait3A_750, %dma_wait3A_751] : memref<2x128x128xf32, #tpu.memory_space<vmem>> -> memref<1x128x128xf32, #tpu.memory_space<vmem>>
      %dma_wait3A_753 = tpu.memref_squeeze %dma_wait3A_752 : memref<1x128x128xf32, #tpu.memory_space<vmem>> -> memref<128x128xf32, #tpu.memory_space<vmem>>
      %dma_wait3A_754 = arith.constant 0 : i32
      %dma_wait3A_755 = tpu.memref_slice %arg7[%dma_wait3A_748, %dma_wait3A_754] : memref<40x128xi32, #tpu.memory_space<vmem>> -> memref<1x128xi32, #tpu.memory_space<vmem>>
      %dma_wait3A_756 = tpu.memref_squeeze %dma_wait3A_755 : memref<1x128xi32, #tpu.memory_space<vmem>> -> memref<128xi32, #tpu.memory_space<vmem>>
      %dma_wait3A_757 = arith.constant 0 : i32
      %dma_wait3A_758 = arith.constant 0 : i32
      %dma_wait3A_759 = tpu.memref_slice %arg2[%dma_wait3A_757, %dma_wait3A_758] : memref<10112x128xf32, #tpu.memory_space<hbm>> -> memref<10112x128xf32, #tpu.memory_space<hbm>>
      tpu.wait_indirect_dma semaphore(%arg10 : memref<!tpu.dma_semaphore, #tpu.memory_space<semaphore_mem>>) src(%dma_wait3A_759 : memref<10112x128xf32, #tpu.memory_space<hbm>>) dst(%dma_wait3A_753 : memref<128x128xf32, #tpu.memory_space<vmem>>)
      %run_scoped3A_760 = arith.constant 0 : i32
      %run_scoped3A_761 = arith.constant 26 : i32
      "tpu.region"() ({
        %run_scoped3A_1089 = tpu.sem_alloc : memref<!tpu.dma_semaphore, #tpu.memory_space<semaphore_mem>>
        %dma_start3A_1090 = arith.constant 0 : i32
        %dma_start3A_1091 = arith.constant 0 : i32
        %dma_start3A_1092 = tpu.memref_slice %arg9[%run_scoped3A_760, %dma_start3A_1090, %dma_start3A_1091] : memref<2x128x128xf32, #tpu.memory_space<vmem>> -> memref<1x128x128xf32, #tpu.memory_space<vmem>>
        %dma_start3A_1093 = tpu.memref_squeeze %dma_start3A_1092 : memref<1x128x128xf32, #tpu.memory_space<vmem>> -> memref<128x128xf32, #tpu.memory_space<vmem>>
        %dma_start3A_1094 = arith.constant 0 : i32
        %dma_start3A_1095 = tpu.memref_slice %arg8[%run_scoped3A_761, %dma_start3A_1094] : memref<40x128xi32, #tpu.memory_space<vmem>> -> memref<1x128xi32, #tpu.memory_space<vmem>>
        %dma_start3A_1096 = tpu.memref_squeeze %dma_start3A_1095 : memref<1x128xi32, #tpu.memory_space<vmem>> -> memref<128xi32, #tpu.memory_space<vmem>>
        %dma_start3A_1097 = arith.constant 0 : i32
        %dma_start3A_1098 = arith.constant 0 : i32
        %dma_start3A_1099 = tpu.memref_slice %arg6[%dma_start3A_1097, %dma_start3A_1098] : memref<10112x128xf32, #tpu.memory_space<vmem_shared>> -> memref<10112x128xf32, #tpu.memory_space<vmem_shared>>
        tpu.enqueue_indirect_dma source(%dma_start3A_1093 : memref<128x128xf32, #tpu.memory_space<vmem>>) target(%dma_start3A_1099 : memref<10112x128xf32, #tpu.memory_space<vmem_shared>>) offsets(%dma_start3A_1096 : memref<128xi32, #tpu.memory_space<vmem>>) semaphore(%run_scoped3A_1089 : memref<!tpu.dma_semaphore, #tpu.memory_space<semaphore_mem>>) {add = true}
        %dma_wait3A_1100 = arith.constant 0 : i32
        %dma_wait3A_1101 = arith.constant 0 : i32
        %dma_wait3A_1102 = tpu.memref_slice %arg9[%run_scoped3A_760, %dma_wait3A_1100, %dma_wait3A_1101] : memref<2x128x128xf32, #tpu.memory_space<vmem>> -> memref<1x128x128xf32, #tpu.memory_space<vmem>>
        %dma_wait3A_1103 = tpu.memref_squeeze %dma_wait3A_1102 : memref<1x128x128xf32, #tpu.memory_space<vmem>> -> memref<128x128xf32, #tpu.memory_space<vmem>>
        %dma_wait3A_1104 = arith.constant 0 : i32
        %dma_wait3A_1105 = tpu.memref_slice %arg8[%run_scoped3A_761, %dma_wait3A_1104] : memref<40x128xi32, #tpu.memory_space<vmem>> -> memref<1x128xi32, #tpu.memory_space<vmem>>
        %dma_wait3A_1106 = tpu.memref_squeeze %dma_wait3A_1105 : memref<1x128xi32, #tpu.memory_space<vmem>> -> memref<128xi32, #tpu.memory_space<vmem>>
        %dma_wait3A_1107 = arith.constant 0 : i32
        %dma_wait3A_1108 = arith.constant 0 : i32
        %dma_wait3A_1109 = tpu.memref_slice %arg6[%dma_wait3A_1107, %dma_wait3A_1108] : memref<10112x128xf32, #tpu.memory_space<vmem_shared>> -> memref<10112x128xf32, #tpu.memory_space<vmem_shared>>
        tpu.wait_indirect_dma semaphore(%run_scoped3A_1089 : memref<!tpu.dma_semaphore, #tpu.memory_space<semaphore_mem>>) src(%dma_wait3A_1103 : memref<128x128xf32, #tpu.memory_space<vmem>>) dst(%dma_wait3A_1109 : memref<10112x128xf32, #tpu.memory_space<vmem_shared>>)
        tpu.yield
      }) : () -> ()
      %dma_start3A_762 = arith.constant 28 : i32
      %dma_start3A_763 = arith.constant 0 : i32
      %dma_start3A_764 = arith.constant 0 : i32
      %dma_start3A_765 = arith.constant 0 : i32
      %dma_start3A_766 = tpu.memref_slice %arg9[%dma_start3A_763, %dma_start3A_764, %dma_start3A_765] : memref<2x128x128xf32, #tpu.memory_space<vmem>> -> memref<1x128x128xf32, #tpu.memory_space<vmem>>
      %dma_start3A_767 = tpu.memref_squeeze %dma_start3A_766 : memref<1x128x128xf32, #tpu.memory_space<vmem>> -> memref<128x128xf32, #tpu.memory_space<vmem>>
      %dma_start3A_768 = arith.constant 0 : i32
      %dma_start3A_769 = tpu.memref_slice %arg7[%dma_start3A_762, %dma_start3A_768] : memref<40x128xi32, #tpu.memory_space<vmem>> -> memref<1x128xi32, #tpu.memory_space<vmem>>
      %dma_start3A_770 = tpu.memref_squeeze %dma_start3A_769 : memref<1x128xi32, #tpu.memory_space<vmem>> -> memref<128xi32, #tpu.memory_space<vmem>>
      %dma_start3A_771 = arith.constant 0 : i32
      %dma_start3A_772 = arith.constant 0 : i32
      %dma_start3A_773 = tpu.memref_slice %arg2[%dma_start3A_771, %dma_start3A_772] : memref<10112x128xf32, #tpu.memory_space<hbm>> -> memref<10112x128xf32, #tpu.memory_space<hbm>>
      tpu.enqueue_indirect_dma source(%dma_start3A_773 : memref<10112x128xf32, #tpu.memory_space<hbm>>) target(%dma_start3A_767 : memref<128x128xf32, #tpu.memory_space<vmem>>) offsets(%dma_start3A_770 : memref<128xi32, #tpu.memory_space<vmem>>) semaphore(%arg10 : memref<!tpu.dma_semaphore, #tpu.memory_space<semaphore_mem>>)
      %dma_wait3A_774 = arith.constant 27 : i32
      %dma_wait3A_775 = arith.constant 1 : i32
      %dma_wait3A_776 = arith.constant 0 : i32
      %dma_wait3A_777 = arith.constant 0 : i32
      %dma_wait3A_778 = tpu.memref_slice %arg9[%dma_wait3A_775, %dma_wait3A_776, %dma_wait3A_777] : memref<2x128x128xf32, #tpu.memory_space<vmem>> -> memref<1x128x128xf32, #tpu.memory_space<vmem>>
      %dma_wait3A_779 = tpu.memref_squeeze %dma_wait3A_778 : memref<1x128x128xf32, #tpu.memory_space<vmem>> -> memref<128x128xf32, #tpu.memory_space<vmem>>
      %dma_wait3A_780 = arith.constant 0 : i32
      %dma_wait3A_781 = tpu.memref_slice %arg7[%dma_wait3A_774, %dma_wait3A_780] : memref<40x128xi32, #tpu.memory_space<vmem>> -> memref<1x128xi32, #tpu.memory_space<vmem>>
      %dma_wait3A_782 = tpu.memref_squeeze %dma_wait3A_781 : memref<1x128xi32, #tpu.memory_space<vmem>> -> memref<128xi32, #tpu.memory_space<vmem>>
      %dma_wait3A_783 = arith.constant 0 : i32
      %dma_wait3A_784 = arith.constant 0 : i32
      %dma_wait3A_785 = tpu.memref_slice %arg2[%dma_wait3A_783, %dma_wait3A_784] : memref<10112x128xf32, #tpu.memory_space<hbm>> -> memref<10112x128xf32, #tpu.memory_space<hbm>>
      tpu.wait_indirect_dma semaphore(%arg11 : memref<!tpu.dma_semaphore, #tpu.memory_space<semaphore_mem>>) src(%dma_wait3A_785 : memref<10112x128xf32, #tpu.memory_space<hbm>>) dst(%dma_wait3A_779 : memref<128x128xf32, #tpu.memory_space<vmem>>)
      %run_scoped3A_786 = arith.constant 1 : i32
      %run_scoped3A_787 = arith.constant 27 : i32
      "tpu.region"() ({
        %run_scoped3A_1089 = tpu.sem_alloc : memref<!tpu.dma_semaphore, #tpu.memory_space<semaphore_mem>>
        %dma_start3A_1090 = arith.constant 0 : i32
        %dma_start3A_1091 = arith.constant 0 : i32
        %dma_start3A_1092 = tpu.memref_slice %arg9[%run_scoped3A_786, %dma_start3A_1090, %dma_start3A_1091] : memref<2x128x128xf32, #tpu.memory_space<vmem>> -> memref<1x128x128xf32, #tpu.memory_space<vmem>>
        %dma_start3A_1093 = tpu.memref_squeeze %dma_start3A_1092 : memref<1x128x128xf32, #tpu.memory_space<vmem>> -> memref<128x128xf32, #tpu.memory_space<vmem>>
        %dma_start3A_1094 = arith.constant 0 : i32
        %dma_start3A_1095 = tpu.memref_slice %arg8[%run_scoped3A_787, %dma_start3A_1094] : memref<40x128xi32, #tpu.memory_space<vmem>> -> memref<1x128xi32, #tpu.memory_space<vmem>>
        %dma_start3A_1096 = tpu.memref_squeeze %dma_start3A_1095 : memref<1x128xi32, #tpu.memory_space<vmem>> -> memref<128xi32, #tpu.memory_space<vmem>>
        %dma_start3A_1097 = arith.constant 0 : i32
        %dma_start3A_1098 = arith.constant 0 : i32
        %dma_start3A_1099 = tpu.memref_slice %arg6[%dma_start3A_1097, %dma_start3A_1098] : memref<10112x128xf32, #tpu.memory_space<vmem_shared>> -> memref<10112x128xf32, #tpu.memory_space<vmem_shared>>
        tpu.enqueue_indirect_dma source(%dma_start3A_1093 : memref<128x128xf32, #tpu.memory_space<vmem>>) target(%dma_start3A_1099 : memref<10112x128xf32, #tpu.memory_space<vmem_shared>>) offsets(%dma_start3A_1096 : memref<128xi32, #tpu.memory_space<vmem>>) semaphore(%run_scoped3A_1089 : memref<!tpu.dma_semaphore, #tpu.memory_space<semaphore_mem>>) {add = true}
        %dma_wait3A_1100 = arith.constant 0 : i32
        %dma_wait3A_1101 = arith.constant 0 : i32
        %dma_wait3A_1102 = tpu.memref_slice %arg9[%run_scoped3A_786, %dma_wait3A_1100, %dma_wait3A_1101] : memref<2x128x128xf32, #tpu.memory_space<vmem>> -> memref<1x128x128xf32, #tpu.memory_space<vmem>>
        %dma_wait3A_1103 = tpu.memref_squeeze %dma_wait3A_1102 : memref<1x128x128xf32, #tpu.memory_space<vmem>> -> memref<128x128xf32, #tpu.memory_space<vmem>>
        %dma_wait3A_1104 = arith.constant 0 : i32
        %dma_wait3A_1105 = tpu.memref_slice %arg8[%run_scoped3A_787, %dma_wait3A_1104] : memref<40x128xi32, #tpu.memory_space<vmem>> -> memref<1x128xi32, #tpu.memory_space<vmem>>
        %dma_wait3A_1106 = tpu.memref_squeeze %dma_wait3A_1105 : memref<1x128xi32, #tpu.memory_space<vmem>> -> memref<128xi32, #tpu.memory_space<vmem>>
        %dma_wait3A_1107 = arith.constant 0 : i32
        %dma_wait3A_1108 = arith.constant 0 : i32
        %dma_wait3A_1109 = tpu.memref_slice %arg6[%dma_wait3A_1107, %dma_wait3A_1108] : memref<10112x128xf32, #tpu.memory_space<vmem_shared>> -> memref<10112x128xf32, #tpu.memory_space<vmem_shared>>
        tpu.wait_indirect_dma semaphore(%run_scoped3A_1089 : memref<!tpu.dma_semaphore, #tpu.memory_space<semaphore_mem>>) src(%dma_wait3A_1103 : memref<128x128xf32, #tpu.memory_space<vmem>>) dst(%dma_wait3A_1109 : memref<10112x128xf32, #tpu.memory_space<vmem_shared>>)
        tpu.yield
      }) : () -> ()
      %dma_start3A_788 = arith.constant 29 : i32
      %dma_start3A_789 = arith.constant 1 : i32
      %dma_start3A_790 = arith.constant 0 : i32
      %dma_start3A_791 = arith.constant 0 : i32
      %dma_start3A_792 = tpu.memref_slice %arg9[%dma_start3A_789, %dma_start3A_790, %dma_start3A_791] : memref<2x128x128xf32, #tpu.memory_space<vmem>> -> memref<1x128x128xf32, #tpu.memory_space<vmem>>
      %dma_start3A_793 = tpu.memref_squeeze %dma_start3A_792 : memref<1x128x128xf32, #tpu.memory_space<vmem>> -> memref<128x128xf32, #tpu.memory_space<vmem>>
      %dma_start3A_794 = arith.constant 0 : i32
      %dma_start3A_795 = tpu.memref_slice %arg7[%dma_start3A_788, %dma_start3A_794] : memref<40x128xi32, #tpu.memory_space<vmem>> -> memref<1x128xi32, #tpu.memory_space<vmem>>
      %dma_start3A_796 = tpu.memref_squeeze %dma_start3A_795 : memref<1x128xi32, #tpu.memory_space<vmem>> -> memref<128xi32, #tpu.memory_space<vmem>>
      %dma_start3A_797 = arith.constant 0 : i32
      %dma_start3A_798 = arith.constant 0 : i32
      %dma_start3A_799 = tpu.memref_slice %arg2[%dma_start3A_797, %dma_start3A_798] : memref<10112x128xf32, #tpu.memory_space<hbm>> -> memref<10112x128xf32, #tpu.memory_space<hbm>>
      tpu.enqueue_indirect_dma source(%dma_start3A_799 : memref<10112x128xf32, #tpu.memory_space<hbm>>) target(%dma_start3A_793 : memref<128x128xf32, #tpu.memory_space<vmem>>) offsets(%dma_start3A_796 : memref<128xi32, #tpu.memory_space<vmem>>) semaphore(%arg11 : memref<!tpu.dma_semaphore, #tpu.memory_space<semaphore_mem>>)
      %dma_wait3A_800 = arith.constant 28 : i32
      %dma_wait3A_801 = arith.constant 0 : i32
      %dma_wait3A_802 = arith.constant 0 : i32
      %dma_wait3A_803 = arith.constant 0 : i32
      %dma_wait3A_804 = tpu.memref_slice %arg9[%dma_wait3A_801, %dma_wait3A_802, %dma_wait3A_803] : memref<2x128x128xf32, #tpu.memory_space<vmem>> -> memref<1x128x128xf32, #tpu.memory_space<vmem>>
      %dma_wait3A_805 = tpu.memref_squeeze %dma_wait3A_804 : memref<1x128x128xf32, #tpu.memory_space<vmem>> -> memref<128x128xf32, #tpu.memory_space<vmem>>
      %dma_wait3A_806 = arith.constant 0 : i32
      %dma_wait3A_807 = tpu.memref_slice %arg7[%dma_wait3A_800, %dma_wait3A_806] : memref<40x128xi32, #tpu.memory_space<vmem>> -> memref<1x128xi32, #tpu.memory_space<vmem>>
      %dma_wait3A_808 = tpu.memref_squeeze %dma_wait3A_807 : memref<1x128xi32, #tpu.memory_space<vmem>> -> memref<128xi32, #tpu.memory_space<vmem>>
      %dma_wait3A_809 = arith.constant 0 : i32
      %dma_wait3A_810 = arith.constant 0 : i32
      %dma_wait3A_811 = tpu.memref_slice %arg2[%dma_wait3A_809, %dma_wait3A_810] : memref<10112x128xf32, #tpu.memory_space<hbm>> -> memref<10112x128xf32, #tpu.memory_space<hbm>>
      tpu.wait_indirect_dma semaphore(%arg10 : memref<!tpu.dma_semaphore, #tpu.memory_space<semaphore_mem>>) src(%dma_wait3A_811 : memref<10112x128xf32, #tpu.memory_space<hbm>>) dst(%dma_wait3A_805 : memref<128x128xf32, #tpu.memory_space<vmem>>)
      %run_scoped3A_812 = arith.constant 0 : i32
      %run_scoped3A_813 = arith.constant 28 : i32
      "tpu.region"() ({
        %run_scoped3A_1089 = tpu.sem_alloc : memref<!tpu.dma_semaphore, #tpu.memory_space<semaphore_mem>>
        %dma_start3A_1090 = arith.constant 0 : i32
        %dma_start3A_1091 = arith.constant 0 : i32
        %dma_start3A_1092 = tpu.memref_slice %arg9[%run_scoped3A_812, %dma_start3A_1090, %dma_start3A_1091] : memref<2x128x128xf32, #tpu.memory_space<vmem>> -> memref<1x128x128xf32, #tpu.memory_space<vmem>>
        %dma_start3A_1093 = tpu.memref_squeeze %dma_start3A_1092 : memref<1x128x128xf32, #tpu.memory_space<vmem>> -> memref<128x128xf32, #tpu.memory_space<vmem>>
        %dma_start3A_1094 = arith.constant 0 : i32
        %dma_start3A_1095 = tpu.memref_slice %arg8[%run_scoped3A_813, %dma_start3A_1094] : memref<40x128xi32, #tpu.memory_space<vmem>> -> memref<1x128xi32, #tpu.memory_space<vmem>>
        %dma_start3A_1096 = tpu.memref_squeeze %dma_start3A_1095 : memref<1x128xi32, #tpu.memory_space<vmem>> -> memref<128xi32, #tpu.memory_space<vmem>>
        %dma_start3A_1097 = arith.constant 0 : i32
        %dma_start3A_1098 = arith.constant 0 : i32
        %dma_start3A_1099 = tpu.memref_slice %arg6[%dma_start3A_1097, %dma_start3A_1098] : memref<10112x128xf32, #tpu.memory_space<vmem_shared>> -> memref<10112x128xf32, #tpu.memory_space<vmem_shared>>
        tpu.enqueue_indirect_dma source(%dma_start3A_1093 : memref<128x128xf32, #tpu.memory_space<vmem>>) target(%dma_start3A_1099 : memref<10112x128xf32, #tpu.memory_space<vmem_shared>>) offsets(%dma_start3A_1096 : memref<128xi32, #tpu.memory_space<vmem>>) semaphore(%run_scoped3A_1089 : memref<!tpu.dma_semaphore, #tpu.memory_space<semaphore_mem>>) {add = true}
        %dma_wait3A_1100 = arith.constant 0 : i32
        %dma_wait3A_1101 = arith.constant 0 : i32
        %dma_wait3A_1102 = tpu.memref_slice %arg9[%run_scoped3A_812, %dma_wait3A_1100, %dma_wait3A_1101] : memref<2x128x128xf32, #tpu.memory_space<vmem>> -> memref<1x128x128xf32, #tpu.memory_space<vmem>>
        %dma_wait3A_1103 = tpu.memref_squeeze %dma_wait3A_1102 : memref<1x128x128xf32, #tpu.memory_space<vmem>> -> memref<128x128xf32, #tpu.memory_space<vmem>>
        %dma_wait3A_1104 = arith.constant 0 : i32
        %dma_wait3A_1105 = tpu.memref_slice %arg8[%run_scoped3A_813, %dma_wait3A_1104] : memref<40x128xi32, #tpu.memory_space<vmem>> -> memref<1x128xi32, #tpu.memory_space<vmem>>
        %dma_wait3A_1106 = tpu.memref_squeeze %dma_wait3A_1105 : memref<1x128xi32, #tpu.memory_space<vmem>> -> memref<128xi32, #tpu.memory_space<vmem>>
        %dma_wait3A_1107 = arith.constant 0 : i32
        %dma_wait3A_1108 = arith.constant 0 : i32
        %dma_wait3A_1109 = tpu.memref_slice %arg6[%dma_wait3A_1107, %dma_wait3A_1108] : memref<10112x128xf32, #tpu.memory_space<vmem_shared>> -> memref<10112x128xf32, #tpu.memory_space<vmem_shared>>
        tpu.wait_indirect_dma semaphore(%run_scoped3A_1089 : memref<!tpu.dma_semaphore, #tpu.memory_space<semaphore_mem>>) src(%dma_wait3A_1103 : memref<128x128xf32, #tpu.memory_space<vmem>>) dst(%dma_wait3A_1109 : memref<10112x128xf32, #tpu.memory_space<vmem_shared>>)
        tpu.yield
      }) : () -> ()
      %dma_start3A_814 = arith.constant 30 : i32
      %dma_start3A_815 = arith.constant 0 : i32
      %dma_start3A_816 = arith.constant 0 : i32
      %dma_start3A_817 = arith.constant 0 : i32
      %dma_start3A_818 = tpu.memref_slice %arg9[%dma_start3A_815, %dma_start3A_816, %dma_start3A_817] : memref<2x128x128xf32, #tpu.memory_space<vmem>> -> memref<1x128x128xf32, #tpu.memory_space<vmem>>
      %dma_start3A_819 = tpu.memref_squeeze %dma_start3A_818 : memref<1x128x128xf32, #tpu.memory_space<vmem>> -> memref<128x128xf32, #tpu.memory_space<vmem>>
      %dma_start3A_820 = arith.constant 0 : i32
      %dma_start3A_821 = tpu.memref_slice %arg7[%dma_start3A_814, %dma_start3A_820] : memref<40x128xi32, #tpu.memory_space<vmem>> -> memref<1x128xi32, #tpu.memory_space<vmem>>
      %dma_start3A_822 = tpu.memref_squeeze %dma_start3A_821 : memref<1x128xi32, #tpu.memory_space<vmem>> -> memref<128xi32, #tpu.memory_space<vmem>>
      %dma_start3A_823 = arith.constant 0 : i32
      %dma_start3A_824 = arith.constant 0 : i32
      %dma_start3A_825 = tpu.memref_slice %arg2[%dma_start3A_823, %dma_start3A_824] : memref<10112x128xf32, #tpu.memory_space<hbm>> -> memref<10112x128xf32, #tpu.memory_space<hbm>>
      tpu.enqueue_indirect_dma source(%dma_start3A_825 : memref<10112x128xf32, #tpu.memory_space<hbm>>) target(%dma_start3A_819 : memref<128x128xf32, #tpu.memory_space<vmem>>) offsets(%dma_start3A_822 : memref<128xi32, #tpu.memory_space<vmem>>) semaphore(%arg10 : memref<!tpu.dma_semaphore, #tpu.memory_space<semaphore_mem>>)
      %dma_wait3A_826 = arith.constant 29 : i32
      %dma_wait3A_827 = arith.constant 1 : i32
      %dma_wait3A_828 = arith.constant 0 : i32
      %dma_wait3A_829 = arith.constant 0 : i32
      %dma_wait3A_830 = tpu.memref_slice %arg9[%dma_wait3A_827, %dma_wait3A_828, %dma_wait3A_829] : memref<2x128x128xf32, #tpu.memory_space<vmem>> -> memref<1x128x128xf32, #tpu.memory_space<vmem>>
      %dma_wait3A_831 = tpu.memref_squeeze %dma_wait3A_830 : memref<1x128x128xf32, #tpu.memory_space<vmem>> -> memref<128x128xf32, #tpu.memory_space<vmem>>
      %dma_wait3A_832 = arith.constant 0 : i32
      %dma_wait3A_833 = tpu.memref_slice %arg7[%dma_wait3A_826, %dma_wait3A_832] : memref<40x128xi32, #tpu.memory_space<vmem>> -> memref<1x128xi32, #tpu.memory_space<vmem>>
      %dma_wait3A_834 = tpu.memref_squeeze %dma_wait3A_833 : memref<1x128xi32, #tpu.memory_space<vmem>> -> memref<128xi32, #tpu.memory_space<vmem>>
      %dma_wait3A_835 = arith.constant 0 : i32
      %dma_wait3A_836 = arith.constant 0 : i32
      %dma_wait3A_837 = tpu.memref_slice %arg2[%dma_wait3A_835, %dma_wait3A_836] : memref<10112x128xf32, #tpu.memory_space<hbm>> -> memref<10112x128xf32, #tpu.memory_space<hbm>>
      tpu.wait_indirect_dma semaphore(%arg11 : memref<!tpu.dma_semaphore, #tpu.memory_space<semaphore_mem>>) src(%dma_wait3A_837 : memref<10112x128xf32, #tpu.memory_space<hbm>>) dst(%dma_wait3A_831 : memref<128x128xf32, #tpu.memory_space<vmem>>)
      %run_scoped3A_838 = arith.constant 1 : i32
      %run_scoped3A_839 = arith.constant 29 : i32
      "tpu.region"() ({
        %run_scoped3A_1089 = tpu.sem_alloc : memref<!tpu.dma_semaphore, #tpu.memory_space<semaphore_mem>>
        %dma_start3A_1090 = arith.constant 0 : i32
        %dma_start3A_1091 = arith.constant 0 : i32
        %dma_start3A_1092 = tpu.memref_slice %arg9[%run_scoped3A_838, %dma_start3A_1090, %dma_start3A_1091] : memref<2x128x128xf32, #tpu.memory_space<vmem>> -> memref<1x128x128xf32, #tpu.memory_space<vmem>>
        %dma_start3A_1093 = tpu.memref_squeeze %dma_start3A_1092 : memref<1x128x128xf32, #tpu.memory_space<vmem>> -> memref<128x128xf32, #tpu.memory_space<vmem>>
        %dma_start3A_1094 = arith.constant 0 : i32
        %dma_start3A_1095 = tpu.memref_slice %arg8[%run_scoped3A_839, %dma_start3A_1094] : memref<40x128xi32, #tpu.memory_space<vmem>> -> memref<1x128xi32, #tpu.memory_space<vmem>>
        %dma_start3A_1096 = tpu.memref_squeeze %dma_start3A_1095 : memref<1x128xi32, #tpu.memory_space<vmem>> -> memref<128xi32, #tpu.memory_space<vmem>>
        %dma_start3A_1097 = arith.constant 0 : i32
        %dma_start3A_1098 = arith.constant 0 : i32
        %dma_start3A_1099 = tpu.memref_slice %arg6[%dma_start3A_1097, %dma_start3A_1098] : memref<10112x128xf32, #tpu.memory_space<vmem_shared>> -> memref<10112x128xf32, #tpu.memory_space<vmem_shared>>
        tpu.enqueue_indirect_dma source(%dma_start3A_1093 : memref<128x128xf32, #tpu.memory_space<vmem>>) target(%dma_start3A_1099 : memref<10112x128xf32, #tpu.memory_space<vmem_shared>>) offsets(%dma_start3A_1096 : memref<128xi32, #tpu.memory_space<vmem>>) semaphore(%run_scoped3A_1089 : memref<!tpu.dma_semaphore, #tpu.memory_space<semaphore_mem>>) {add = true}
        %dma_wait3A_1100 = arith.constant 0 : i32
        %dma_wait3A_1101 = arith.constant 0 : i32
        %dma_wait3A_1102 = tpu.memref_slice %arg9[%run_scoped3A_838, %dma_wait3A_1100, %dma_wait3A_1101] : memref<2x128x128xf32, #tpu.memory_space<vmem>> -> memref<1x128x128xf32, #tpu.memory_space<vmem>>
        %dma_wait3A_1103 = tpu.memref_squeeze %dma_wait3A_1102 : memref<1x128x128xf32, #tpu.memory_space<vmem>> -> memref<128x128xf32, #tpu.memory_space<vmem>>
        %dma_wait3A_1104 = arith.constant 0 : i32
        %dma_wait3A_1105 = tpu.memref_slice %arg8[%run_scoped3A_839, %dma_wait3A_1104] : memref<40x128xi32, #tpu.memory_space<vmem>> -> memref<1x128xi32, #tpu.memory_space<vmem>>
        %dma_wait3A_1106 = tpu.memref_squeeze %dma_wait3A_1105 : memref<1x128xi32, #tpu.memory_space<vmem>> -> memref<128xi32, #tpu.memory_space<vmem>>
        %dma_wait3A_1107 = arith.constant 0 : i32
        %dma_wait3A_1108 = arith.constant 0 : i32
        %dma_wait3A_1109 = tpu.memref_slice %arg6[%dma_wait3A_1107, %dma_wait3A_1108] : memref<10112x128xf32, #tpu.memory_space<vmem_shared>> -> memref<10112x128xf32, #tpu.memory_space<vmem_shared>>
        tpu.wait_indirect_dma semaphore(%run_scoped3A_1089 : memref<!tpu.dma_semaphore, #tpu.memory_space<semaphore_mem>>) src(%dma_wait3A_1103 : memref<128x128xf32, #tpu.memory_space<vmem>>) dst(%dma_wait3A_1109 : memref<10112x128xf32, #tpu.memory_space<vmem_shared>>)
        tpu.yield
      }) : () -> ()
      %dma_start3A_840 = arith.constant 31 : i32
      %dma_start3A_841 = arith.constant 1 : i32
      %dma_start3A_842 = arith.constant 0 : i32
      %dma_start3A_843 = arith.constant 0 : i32
      %dma_start3A_844 = tpu.memref_slice %arg9[%dma_start3A_841, %dma_start3A_842, %dma_start3A_843] : memref<2x128x128xf32, #tpu.memory_space<vmem>> -> memref<1x128x128xf32, #tpu.memory_space<vmem>>
      %dma_start3A_845 = tpu.memref_squeeze %dma_start3A_844 : memref<1x128x128xf32, #tpu.memory_space<vmem>> -> memref<128x128xf32, #tpu.memory_space<vmem>>
      %dma_start3A_846 = arith.constant 0 : i32
      %dma_start3A_847 = tpu.memref_slice %arg7[%dma_start3A_840, %dma_start3A_846] : memref<40x128xi32, #tpu.memory_space<vmem>> -> memref<1x128xi32, #tpu.memory_space<vmem>>
      %dma_start3A_848 = tpu.memref_squeeze %dma_start3A_847 : memref<1x128xi32, #tpu.memory_space<vmem>> -> memref<128xi32, #tpu.memory_space<vmem>>
      %dma_start3A_849 = arith.constant 0 : i32
      %dma_start3A_850 = arith.constant 0 : i32
      %dma_start3A_851 = tpu.memref_slice %arg2[%dma_start3A_849, %dma_start3A_850] : memref<10112x128xf32, #tpu.memory_space<hbm>> -> memref<10112x128xf32, #tpu.memory_space<hbm>>
      tpu.enqueue_indirect_dma source(%dma_start3A_851 : memref<10112x128xf32, #tpu.memory_space<hbm>>) target(%dma_start3A_845 : memref<128x128xf32, #tpu.memory_space<vmem>>) offsets(%dma_start3A_848 : memref<128xi32, #tpu.memory_space<vmem>>) semaphore(%arg11 : memref<!tpu.dma_semaphore, #tpu.memory_space<semaphore_mem>>)
      %dma_wait3A_852 = arith.constant 30 : i32
      %dma_wait3A_853 = arith.constant 0 : i32
      %dma_wait3A_854 = arith.constant 0 : i32
      %dma_wait3A_855 = arith.constant 0 : i32
      %dma_wait3A_856 = tpu.memref_slice %arg9[%dma_wait3A_853, %dma_wait3A_854, %dma_wait3A_855] : memref<2x128x128xf32, #tpu.memory_space<vmem>> -> memref<1x128x128xf32, #tpu.memory_space<vmem>>
      %dma_wait3A_857 = tpu.memref_squeeze %dma_wait3A_856 : memref<1x128x128xf32, #tpu.memory_space<vmem>> -> memref<128x128xf32, #tpu.memory_space<vmem>>
      %dma_wait3A_858 = arith.constant 0 : i32
      %dma_wait3A_859 = tpu.memref_slice %arg7[%dma_wait3A_852, %dma_wait3A_858] : memref<40x128xi32, #tpu.memory_space<vmem>> -> memref<1x128xi32, #tpu.memory_space<vmem>>
      %dma_wait3A_860 = tpu.memref_squeeze %dma_wait3A_859 : memref<1x128xi32, #tpu.memory_space<vmem>> -> memref<128xi32, #tpu.memory_space<vmem>>
      %dma_wait3A_861 = arith.constant 0 : i32
      %dma_wait3A_862 = arith.constant 0 : i32
      %dma_wait3A_863 = tpu.memref_slice %arg2[%dma_wait3A_861, %dma_wait3A_862] : memref<10112x128xf32, #tpu.memory_space<hbm>> -> memref<10112x128xf32, #tpu.memory_space<hbm>>
      tpu.wait_indirect_dma semaphore(%arg10 : memref<!tpu.dma_semaphore, #tpu.memory_space<semaphore_mem>>) src(%dma_wait3A_863 : memref<10112x128xf32, #tpu.memory_space<hbm>>) dst(%dma_wait3A_857 : memref<128x128xf32, #tpu.memory_space<vmem>>)
      %run_scoped3A_864 = arith.constant 0 : i32
      %run_scoped3A_865 = arith.constant 30 : i32
      "tpu.region"() ({
        %run_scoped3A_1089 = tpu.sem_alloc : memref<!tpu.dma_semaphore, #tpu.memory_space<semaphore_mem>>
        %dma_start3A_1090 = arith.constant 0 : i32
        %dma_start3A_1091 = arith.constant 0 : i32
        %dma_start3A_1092 = tpu.memref_slice %arg9[%run_scoped3A_864, %dma_start3A_1090, %dma_start3A_1091] : memref<2x128x128xf32, #tpu.memory_space<vmem>> -> memref<1x128x128xf32, #tpu.memory_space<vmem>>
        %dma_start3A_1093 = tpu.memref_squeeze %dma_start3A_1092 : memref<1x128x128xf32, #tpu.memory_space<vmem>> -> memref<128x128xf32, #tpu.memory_space<vmem>>
        %dma_start3A_1094 = arith.constant 0 : i32
        %dma_start3A_1095 = tpu.memref_slice %arg8[%run_scoped3A_865, %dma_start3A_1094] : memref<40x128xi32, #tpu.memory_space<vmem>> -> memref<1x128xi32, #tpu.memory_space<vmem>>
        %dma_start3A_1096 = tpu.memref_squeeze %dma_start3A_1095 : memref<1x128xi32, #tpu.memory_space<vmem>> -> memref<128xi32, #tpu.memory_space<vmem>>
        %dma_start3A_1097 = arith.constant 0 : i32
        %dma_start3A_1098 = arith.constant 0 : i32
        %dma_start3A_1099 = tpu.memref_slice %arg6[%dma_start3A_1097, %dma_start3A_1098] : memref<10112x128xf32, #tpu.memory_space<vmem_shared>> -> memref<10112x128xf32, #tpu.memory_space<vmem_shared>>
        tpu.enqueue_indirect_dma source(%dma_start3A_1093 : memref<128x128xf32, #tpu.memory_space<vmem>>) target(%dma_start3A_1099 : memref<10112x128xf32, #tpu.memory_space<vmem_shared>>) offsets(%dma_start3A_1096 : memref<128xi32, #tpu.memory_space<vmem>>) semaphore(%run_scoped3A_1089 : memref<!tpu.dma_semaphore, #tpu.memory_space<semaphore_mem>>) {add = true}
        %dma_wait3A_1100 = arith.constant 0 : i32
        %dma_wait3A_1101 = arith.constant 0 : i32
        %dma_wait3A_1102 = tpu.memref_slice %arg9[%run_scoped3A_864, %dma_wait3A_1100, %dma_wait3A_1101] : memref<2x128x128xf32, #tpu.memory_space<vmem>> -> memref<1x128x128xf32, #tpu.memory_space<vmem>>
        %dma_wait3A_1103 = tpu.memref_squeeze %dma_wait3A_1102 : memref<1x128x128xf32, #tpu.memory_space<vmem>> -> memref<128x128xf32, #tpu.memory_space<vmem>>
        %dma_wait3A_1104 = arith.constant 0 : i32
        %dma_wait3A_1105 = tpu.memref_slice %arg8[%run_scoped3A_865, %dma_wait3A_1104] : memref<40x128xi32, #tpu.memory_space<vmem>> -> memref<1x128xi32, #tpu.memory_space<vmem>>
        %dma_wait3A_1106 = tpu.memref_squeeze %dma_wait3A_1105 : memref<1x128xi32, #tpu.memory_space<vmem>> -> memref<128xi32, #tpu.memory_space<vmem>>
        %dma_wait3A_1107 = arith.constant 0 : i32
        %dma_wait3A_1108 = arith.constant 0 : i32
        %dma_wait3A_1109 = tpu.memref_slice %arg6[%dma_wait3A_1107, %dma_wait3A_1108] : memref<10112x128xf32, #tpu.memory_space<vmem_shared>> -> memref<10112x128xf32, #tpu.memory_space<vmem_shared>>
        tpu.wait_indirect_dma semaphore(%run_scoped3A_1089 : memref<!tpu.dma_semaphore, #tpu.memory_space<semaphore_mem>>) src(%dma_wait3A_1103 : memref<128x128xf32, #tpu.memory_space<vmem>>) dst(%dma_wait3A_1109 : memref<10112x128xf32, #tpu.memory_space<vmem_shared>>)
        tpu.yield
      }) : () -> ()
      %dma_start3A_866 = arith.constant 32 : i32
      %dma_start3A_867 = arith.constant 0 : i32
      %dma_start3A_868 = arith.constant 0 : i32
      %dma_start3A_869 = arith.constant 0 : i32
      %dma_start3A_870 = tpu.memref_slice %arg9[%dma_start3A_867, %dma_start3A_868, %dma_start3A_869] : memref<2x128x128xf32, #tpu.memory_space<vmem>> -> memref<1x128x128xf32, #tpu.memory_space<vmem>>
      %dma_start3A_871 = tpu.memref_squeeze %dma_start3A_870 : memref<1x128x128xf32, #tpu.memory_space<vmem>> -> memref<128x128xf32, #tpu.memory_space<vmem>>
      %dma_start3A_872 = arith.constant 0 : i32
      %dma_start3A_873 = tpu.memref_slice %arg7[%dma_start3A_866, %dma_start3A_872] : memref<40x128xi32, #tpu.memory_space<vmem>> -> memref<1x128xi32, #tpu.memory_space<vmem>>
      %dma_start3A_874 = tpu.memref_squeeze %dma_start3A_873 : memref<1x128xi32, #tpu.memory_space<vmem>> -> memref<128xi32, #tpu.memory_space<vmem>>
      %dma_start3A_875 = arith.constant 0 : i32
      %dma_start3A_876 = arith.constant 0 : i32
      %dma_start3A_877 = tpu.memref_slice %arg2[%dma_start3A_875, %dma_start3A_876] : memref<10112x128xf32, #tpu.memory_space<hbm>> -> memref<10112x128xf32, #tpu.memory_space<hbm>>
      tpu.enqueue_indirect_dma source(%dma_start3A_877 : memref<10112x128xf32, #tpu.memory_space<hbm>>) target(%dma_start3A_871 : memref<128x128xf32, #tpu.memory_space<vmem>>) offsets(%dma_start3A_874 : memref<128xi32, #tpu.memory_space<vmem>>) semaphore(%arg10 : memref<!tpu.dma_semaphore, #tpu.memory_space<semaphore_mem>>)
      %dma_wait3A_878 = arith.constant 31 : i32
      %dma_wait3A_879 = arith.constant 1 : i32
      %dma_wait3A_880 = arith.constant 0 : i32
      %dma_wait3A_881 = arith.constant 0 : i32
      %dma_wait3A_882 = tpu.memref_slice %arg9[%dma_wait3A_879, %dma_wait3A_880, %dma_wait3A_881] : memref<2x128x128xf32, #tpu.memory_space<vmem>> -> memref<1x128x128xf32, #tpu.memory_space<vmem>>
      %dma_wait3A_883 = tpu.memref_squeeze %dma_wait3A_882 : memref<1x128x128xf32, #tpu.memory_space<vmem>> -> memref<128x128xf32, #tpu.memory_space<vmem>>
      %dma_wait3A_884 = arith.constant 0 : i32
      %dma_wait3A_885 = tpu.memref_slice %arg7[%dma_wait3A_878, %dma_wait3A_884] : memref<40x128xi32, #tpu.memory_space<vmem>> -> memref<1x128xi32, #tpu.memory_space<vmem>>
      %dma_wait3A_886 = tpu.memref_squeeze %dma_wait3A_885 : memref<1x128xi32, #tpu.memory_space<vmem>> -> memref<128xi32, #tpu.memory_space<vmem>>
      %dma_wait3A_887 = arith.constant 0 : i32
      %dma_wait3A_888 = arith.constant 0 : i32
      %dma_wait3A_889 = tpu.memref_slice %arg2[%dma_wait3A_887, %dma_wait3A_888] : memref<10112x128xf32, #tpu.memory_space<hbm>> -> memref<10112x128xf32, #tpu.memory_space<hbm>>
      tpu.wait_indirect_dma semaphore(%arg11 : memref<!tpu.dma_semaphore, #tpu.memory_space<semaphore_mem>>) src(%dma_wait3A_889 : memref<10112x128xf32, #tpu.memory_space<hbm>>) dst(%dma_wait3A_883 : memref<128x128xf32, #tpu.memory_space<vmem>>)
      %run_scoped3A_890 = arith.constant 1 : i32
      %run_scoped3A_891 = arith.constant 31 : i32
      "tpu.region"() ({
        %run_scoped3A_1089 = tpu.sem_alloc : memref<!tpu.dma_semaphore, #tpu.memory_space<semaphore_mem>>
        %dma_start3A_1090 = arith.constant 0 : i32
        %dma_start3A_1091 = arith.constant 0 : i32
        %dma_start3A_1092 = tpu.memref_slice %arg9[%run_scoped3A_890, %dma_start3A_1090, %dma_start3A_1091] : memref<2x128x128xf32, #tpu.memory_space<vmem>> -> memref<1x128x128xf32, #tpu.memory_space<vmem>>
        %dma_start3A_1093 = tpu.memref_squeeze %dma_start3A_1092 : memref<1x128x128xf32, #tpu.memory_space<vmem>> -> memref<128x128xf32, #tpu.memory_space<vmem>>
        %dma_start3A_1094 = arith.constant 0 : i32
        %dma_start3A_1095 = tpu.memref_slice %arg8[%run_scoped3A_891, %dma_start3A_1094] : memref<40x128xi32, #tpu.memory_space<vmem>> -> memref<1x128xi32, #tpu.memory_space<vmem>>
        %dma_start3A_1096 = tpu.memref_squeeze %dma_start3A_1095 : memref<1x128xi32, #tpu.memory_space<vmem>> -> memref<128xi32, #tpu.memory_space<vmem>>
        %dma_start3A_1097 = arith.constant 0 : i32
        %dma_start3A_1098 = arith.constant 0 : i32
        %dma_start3A_1099 = tpu.memref_slice %arg6[%dma_start3A_1097, %dma_start3A_1098] : memref<10112x128xf32, #tpu.memory_space<vmem_shared>> -> memref<10112x128xf32, #tpu.memory_space<vmem_shared>>
        tpu.enqueue_indirect_dma source(%dma_start3A_1093 : memref<128x128xf32, #tpu.memory_space<vmem>>) target(%dma_start3A_1099 : memref<10112x128xf32, #tpu.memory_space<vmem_shared>>) offsets(%dma_start3A_1096 : memref<128xi32, #tpu.memory_space<vmem>>) semaphore(%run_scoped3A_1089 : memref<!tpu.dma_semaphore, #tpu.memory_space<semaphore_mem>>) {add = true}
        %dma_wait3A_1100 = arith.constant 0 : i32
        %dma_wait3A_1101 = arith.constant 0 : i32
        %dma_wait3A_1102 = tpu.memref_slice %arg9[%run_scoped3A_890, %dma_wait3A_1100, %dma_wait3A_1101] : memref<2x128x128xf32, #tpu.memory_space<vmem>> -> memref<1x128x128xf32, #tpu.memory_space<vmem>>
        %dma_wait3A_1103 = tpu.memref_squeeze %dma_wait3A_1102 : memref<1x128x128xf32, #tpu.memory_space<vmem>> -> memref<128x128xf32, #tpu.memory_space<vmem>>
        %dma_wait3A_1104 = arith.constant 0 : i32
        %dma_wait3A_1105 = tpu.memref_slice %arg8[%run_scoped3A_891, %dma_wait3A_1104] : memref<40x128xi32, #tpu.memory_space<vmem>> -> memref<1x128xi32, #tpu.memory_space<vmem>>
        %dma_wait3A_1106 = tpu.memref_squeeze %dma_wait3A_1105 : memref<1x128xi32, #tpu.memory_space<vmem>> -> memref<128xi32, #tpu.memory_space<vmem>>
        %dma_wait3A_1107 = arith.constant 0 : i32
        %dma_wait3A_1108 = arith.constant 0 : i32
        %dma_wait3A_1109 = tpu.memref_slice %arg6[%dma_wait3A_1107, %dma_wait3A_1108] : memref<10112x128xf32, #tpu.memory_space<vmem_shared>> -> memref<10112x128xf32, #tpu.memory_space<vmem_shared>>
        tpu.wait_indirect_dma semaphore(%run_scoped3A_1089 : memref<!tpu.dma_semaphore, #tpu.memory_space<semaphore_mem>>) src(%dma_wait3A_1103 : memref<128x128xf32, #tpu.memory_space<vmem>>) dst(%dma_wait3A_1109 : memref<10112x128xf32, #tpu.memory_space<vmem_shared>>)
        tpu.yield
      }) : () -> ()
      %dma_start3A_892 = arith.constant 33 : i32
      %dma_start3A_893 = arith.constant 1 : i32
      %dma_start3A_894 = arith.constant 0 : i32
      %dma_start3A_895 = arith.constant 0 : i32
      %dma_start3A_896 = tpu.memref_slice %arg9[%dma_start3A_893, %dma_start3A_894, %dma_start3A_895] : memref<2x128x128xf32, #tpu.memory_space<vmem>> -> memref<1x128x128xf32, #tpu.memory_space<vmem>>
      %dma_start3A_897 = tpu.memref_squeeze %dma_start3A_896 : memref<1x128x128xf32, #tpu.memory_space<vmem>> -> memref<128x128xf32, #tpu.memory_space<vmem>>
      %dma_start3A_898 = arith.constant 0 : i32
      %dma_start3A_899 = tpu.memref_slice %arg7[%dma_start3A_892, %dma_start3A_898] : memref<40x128xi32, #tpu.memory_space<vmem>> -> memref<1x128xi32, #tpu.memory_space<vmem>>
      %dma_start3A_900 = tpu.memref_squeeze %dma_start3A_899 : memref<1x128xi32, #tpu.memory_space<vmem>> -> memref<128xi32, #tpu.memory_space<vmem>>
      %dma_start3A_901 = arith.constant 0 : i32
      %dma_start3A_902 = arith.constant 0 : i32
      %dma_start3A_903 = tpu.memref_slice %arg2[%dma_start3A_901, %dma_start3A_902] : memref<10112x128xf32, #tpu.memory_space<hbm>> -> memref<10112x128xf32, #tpu.memory_space<hbm>>
      tpu.enqueue_indirect_dma source(%dma_start3A_903 : memref<10112x128xf32, #tpu.memory_space<hbm>>) target(%dma_start3A_897 : memref<128x128xf32, #tpu.memory_space<vmem>>) offsets(%dma_start3A_900 : memref<128xi32, #tpu.memory_space<vmem>>) semaphore(%arg11 : memref<!tpu.dma_semaphore, #tpu.memory_space<semaphore_mem>>)
      %dma_wait3A_904 = arith.constant 32 : i32
      %dma_wait3A_905 = arith.constant 0 : i32
      %dma_wait3A_906 = arith.constant 0 : i32
      %dma_wait3A_907 = arith.constant 0 : i32
      %dma_wait3A_908 = tpu.memref_slice %arg9[%dma_wait3A_905, %dma_wait3A_906, %dma_wait3A_907] : memref<2x128x128xf32, #tpu.memory_space<vmem>> -> memref<1x128x128xf32, #tpu.memory_space<vmem>>
      %dma_wait3A_909 = tpu.memref_squeeze %dma_wait3A_908 : memref<1x128x128xf32, #tpu.memory_space<vmem>> -> memref<128x128xf32, #tpu.memory_space<vmem>>
      %dma_wait3A_910 = arith.constant 0 : i32
      %dma_wait3A_911 = tpu.memref_slice %arg7[%dma_wait3A_904, %dma_wait3A_910] : memref<40x128xi32, #tpu.memory_space<vmem>> -> memref<1x128xi32, #tpu.memory_space<vmem>>
      %dma_wait3A_912 = tpu.memref_squeeze %dma_wait3A_911 : memref<1x128xi32, #tpu.memory_space<vmem>> -> memref<128xi32, #tpu.memory_space<vmem>>
      %dma_wait3A_913 = arith.constant 0 : i32
      %dma_wait3A_914 = arith.constant 0 : i32
      %dma_wait3A_915 = tpu.memref_slice %arg2[%dma_wait3A_913, %dma_wait3A_914] : memref<10112x128xf32, #tpu.memory_space<hbm>> -> memref<10112x128xf32, #tpu.memory_space<hbm>>
      tpu.wait_indirect_dma semaphore(%arg10 : memref<!tpu.dma_semaphore, #tpu.memory_space<semaphore_mem>>) src(%dma_wait3A_915 : memref<10112x128xf32, #tpu.memory_space<hbm>>) dst(%dma_wait3A_909 : memref<128x128xf32, #tpu.memory_space<vmem>>)
      %run_scoped3A_916 = arith.constant 0 : i32
      %run_scoped3A_917 = arith.constant 32 : i32
      "tpu.region"() ({
        %run_scoped3A_1089 = tpu.sem_alloc : memref<!tpu.dma_semaphore, #tpu.memory_space<semaphore_mem>>
        %dma_start3A_1090 = arith.constant 0 : i32
        %dma_start3A_1091 = arith.constant 0 : i32
        %dma_start3A_1092 = tpu.memref_slice %arg9[%run_scoped3A_916, %dma_start3A_1090, %dma_start3A_1091] : memref<2x128x128xf32, #tpu.memory_space<vmem>> -> memref<1x128x128xf32, #tpu.memory_space<vmem>>
        %dma_start3A_1093 = tpu.memref_squeeze %dma_start3A_1092 : memref<1x128x128xf32, #tpu.memory_space<vmem>> -> memref<128x128xf32, #tpu.memory_space<vmem>>
        %dma_start3A_1094 = arith.constant 0 : i32
        %dma_start3A_1095 = tpu.memref_slice %arg8[%run_scoped3A_917, %dma_start3A_1094] : memref<40x128xi32, #tpu.memory_space<vmem>> -> memref<1x128xi32, #tpu.memory_space<vmem>>
        %dma_start3A_1096 = tpu.memref_squeeze %dma_start3A_1095 : memref<1x128xi32, #tpu.memory_space<vmem>> -> memref<128xi32, #tpu.memory_space<vmem>>
        %dma_start3A_1097 = arith.constant 0 : i32
        %dma_start3A_1098 = arith.constant 0 : i32
        %dma_start3A_1099 = tpu.memref_slice %arg6[%dma_start3A_1097, %dma_start3A_1098] : memref<10112x128xf32, #tpu.memory_space<vmem_shared>> -> memref<10112x128xf32, #tpu.memory_space<vmem_shared>>
        tpu.enqueue_indirect_dma source(%dma_start3A_1093 : memref<128x128xf32, #tpu.memory_space<vmem>>) target(%dma_start3A_1099 : memref<10112x128xf32, #tpu.memory_space<vmem_shared>>) offsets(%dma_start3A_1096 : memref<128xi32, #tpu.memory_space<vmem>>) semaphore(%run_scoped3A_1089 : memref<!tpu.dma_semaphore, #tpu.memory_space<semaphore_mem>>) {add = true}
        %dma_wait3A_1100 = arith.constant 0 : i32
        %dma_wait3A_1101 = arith.constant 0 : i32
        %dma_wait3A_1102 = tpu.memref_slice %arg9[%run_scoped3A_916, %dma_wait3A_1100, %dma_wait3A_1101] : memref<2x128x128xf32, #tpu.memory_space<vmem>> -> memref<1x128x128xf32, #tpu.memory_space<vmem>>
        %dma_wait3A_1103 = tpu.memref_squeeze %dma_wait3A_1102 : memref<1x128x128xf32, #tpu.memory_space<vmem>> -> memref<128x128xf32, #tpu.memory_space<vmem>>
        %dma_wait3A_1104 = arith.constant 0 : i32
        %dma_wait3A_1105 = tpu.memref_slice %arg8[%run_scoped3A_917, %dma_wait3A_1104] : memref<40x128xi32, #tpu.memory_space<vmem>> -> memref<1x128xi32, #tpu.memory_space<vmem>>
        %dma_wait3A_1106 = tpu.memref_squeeze %dma_wait3A_1105 : memref<1x128xi32, #tpu.memory_space<vmem>> -> memref<128xi32, #tpu.memory_space<vmem>>
        %dma_wait3A_1107 = arith.constant 0 : i32
        %dma_wait3A_1108 = arith.constant 0 : i32
        %dma_wait3A_1109 = tpu.memref_slice %arg6[%dma_wait3A_1107, %dma_wait3A_1108] : memref<10112x128xf32, #tpu.memory_space<vmem_shared>> -> memref<10112x128xf32, #tpu.memory_space<vmem_shared>>
        tpu.wait_indirect_dma semaphore(%run_scoped3A_1089 : memref<!tpu.dma_semaphore, #tpu.memory_space<semaphore_mem>>) src(%dma_wait3A_1103 : memref<128x128xf32, #tpu.memory_space<vmem>>) dst(%dma_wait3A_1109 : memref<10112x128xf32, #tpu.memory_space<vmem_shared>>)
        tpu.yield
      }) : () -> ()
      %dma_start3A_918 = arith.constant 34 : i32
      %dma_start3A_919 = arith.constant 0 : i32
      %dma_start3A_920 = arith.constant 0 : i32
      %dma_start3A_921 = arith.constant 0 : i32
      %dma_start3A_922 = tpu.memref_slice %arg9[%dma_start3A_919, %dma_start3A_920, %dma_start3A_921] : memref<2x128x128xf32, #tpu.memory_space<vmem>> -> memref<1x128x128xf32, #tpu.memory_space<vmem>>
      %dma_start3A_923 = tpu.memref_squeeze %dma_start3A_922 : memref<1x128x128xf32, #tpu.memory_space<vmem>> -> memref<128x128xf32, #tpu.memory_space<vmem>>
      %dma_start3A_924 = arith.constant 0 : i32
      %dma_start3A_925 = tpu.memref_slice %arg7[%dma_start3A_918, %dma_start3A_924] : memref<40x128xi32, #tpu.memory_space<vmem>> -> memref<1x128xi32, #tpu.memory_space<vmem>>
      %dma_start3A_926 = tpu.memref_squeeze %dma_start3A_925 : memref<1x128xi32, #tpu.memory_space<vmem>> -> memref<128xi32, #tpu.memory_space<vmem>>
      %dma_start3A_927 = arith.constant 0 : i32
      %dma_start3A_928 = arith.constant 0 : i32
      %dma_start3A_929 = tpu.memref_slice %arg2[%dma_start3A_927, %dma_start3A_928] : memref<10112x128xf32, #tpu.memory_space<hbm>> -> memref<10112x128xf32, #tpu.memory_space<hbm>>
      tpu.enqueue_indirect_dma source(%dma_start3A_929 : memref<10112x128xf32, #tpu.memory_space<hbm>>) target(%dma_start3A_923 : memref<128x128xf32, #tpu.memory_space<vmem>>) offsets(%dma_start3A_926 : memref<128xi32, #tpu.memory_space<vmem>>) semaphore(%arg10 : memref<!tpu.dma_semaphore, #tpu.memory_space<semaphore_mem>>)
      %dma_wait3A_930 = arith.constant 33 : i32
      %dma_wait3A_931 = arith.constant 1 : i32
      %dma_wait3A_932 = arith.constant 0 : i32
      %dma_wait3A_933 = arith.constant 0 : i32
      %dma_wait3A_934 = tpu.memref_slice %arg9[%dma_wait3A_931, %dma_wait3A_932, %dma_wait3A_933] : memref<2x128x128xf32, #tpu.memory_space<vmem>> -> memref<1x128x128xf32, #tpu.memory_space<vmem>>
      %dma_wait3A_935 = tpu.memref_squeeze %dma_wait3A_934 : memref<1x128x128xf32, #tpu.memory_space<vmem>> -> memref<128x128xf32, #tpu.memory_space<vmem>>
      %dma_wait3A_936 = arith.constant 0 : i32
      %dma_wait3A_937 = tpu.memref_slice %arg7[%dma_wait3A_930, %dma_wait3A_936] : memref<40x128xi32, #tpu.memory_space<vmem>> -> memref<1x128xi32, #tpu.memory_space<vmem>>
      %dma_wait3A_938 = tpu.memref_squeeze %dma_wait3A_937 : memref<1x128xi32, #tpu.memory_space<vmem>> -> memref<128xi32, #tpu.memory_space<vmem>>
      %dma_wait3A_939 = arith.constant 0 : i32
      %dma_wait3A_940 = arith.constant 0 : i32
      %dma_wait3A_941 = tpu.memref_slice %arg2[%dma_wait3A_939, %dma_wait3A_940] : memref<10112x128xf32, #tpu.memory_space<hbm>> -> memref<10112x128xf32, #tpu.memory_space<hbm>>
      tpu.wait_indirect_dma semaphore(%arg11 : memref<!tpu.dma_semaphore, #tpu.memory_space<semaphore_mem>>) src(%dma_wait3A_941 : memref<10112x128xf32, #tpu.memory_space<hbm>>) dst(%dma_wait3A_935 : memref<128x128xf32, #tpu.memory_space<vmem>>)
      %run_scoped3A_942 = arith.constant 1 : i32
      %run_scoped3A_943 = arith.constant 33 : i32
      "tpu.region"() ({
        %run_scoped3A_1089 = tpu.sem_alloc : memref<!tpu.dma_semaphore, #tpu.memory_space<semaphore_mem>>
        %dma_start3A_1090 = arith.constant 0 : i32
        %dma_start3A_1091 = arith.constant 0 : i32
        %dma_start3A_1092 = tpu.memref_slice %arg9[%run_scoped3A_942, %dma_start3A_1090, %dma_start3A_1091] : memref<2x128x128xf32, #tpu.memory_space<vmem>> -> memref<1x128x128xf32, #tpu.memory_space<vmem>>
        %dma_start3A_1093 = tpu.memref_squeeze %dma_start3A_1092 : memref<1x128x128xf32, #tpu.memory_space<vmem>> -> memref<128x128xf32, #tpu.memory_space<vmem>>
        %dma_start3A_1094 = arith.constant 0 : i32
        %dma_start3A_1095 = tpu.memref_slice %arg8[%run_scoped3A_943, %dma_start3A_1094] : memref<40x128xi32, #tpu.memory_space<vmem>> -> memref<1x128xi32, #tpu.memory_space<vmem>>
        %dma_start3A_1096 = tpu.memref_squeeze %dma_start3A_1095 : memref<1x128xi32, #tpu.memory_space<vmem>> -> memref<128xi32, #tpu.memory_space<vmem>>
        %dma_start3A_1097 = arith.constant 0 : i32
        %dma_start3A_1098 = arith.constant 0 : i32
        %dma_start3A_1099 = tpu.memref_slice %arg6[%dma_start3A_1097, %dma_start3A_1098] : memref<10112x128xf32, #tpu.memory_space<vmem_shared>> -> memref<10112x128xf32, #tpu.memory_space<vmem_shared>>
        tpu.enqueue_indirect_dma source(%dma_start3A_1093 : memref<128x128xf32, #tpu.memory_space<vmem>>) target(%dma_start3A_1099 : memref<10112x128xf32, #tpu.memory_space<vmem_shared>>) offsets(%dma_start3A_1096 : memref<128xi32, #tpu.memory_space<vmem>>) semaphore(%run_scoped3A_1089 : memref<!tpu.dma_semaphore, #tpu.memory_space<semaphore_mem>>) {add = true}
        %dma_wait3A_1100 = arith.constant 0 : i32
        %dma_wait3A_1101 = arith.constant 0 : i32
        %dma_wait3A_1102 = tpu.memref_slice %arg9[%run_scoped3A_942, %dma_wait3A_1100, %dma_wait3A_1101] : memref<2x128x128xf32, #tpu.memory_space<vmem>> -> memref<1x128x128xf32, #tpu.memory_space<vmem>>
        %dma_wait3A_1103 = tpu.memref_squeeze %dma_wait3A_1102 : memref<1x128x128xf32, #tpu.memory_space<vmem>> -> memref<128x128xf32, #tpu.memory_space<vmem>>
        %dma_wait3A_1104 = arith.constant 0 : i32
        %dma_wait3A_1105 = tpu.memref_slice %arg8[%run_scoped3A_943, %dma_wait3A_1104] : memref<40x128xi32, #tpu.memory_space<vmem>> -> memref<1x128xi32, #tpu.memory_space<vmem>>
        %dma_wait3A_1106 = tpu.memref_squeeze %dma_wait3A_1105 : memref<1x128xi32, #tpu.memory_space<vmem>> -> memref<128xi32, #tpu.memory_space<vmem>>
        %dma_wait3A_1107 = arith.constant 0 : i32
        %dma_wait3A_1108 = arith.constant 0 : i32
        %dma_wait3A_1109 = tpu.memref_slice %arg6[%dma_wait3A_1107, %dma_wait3A_1108] : memref<10112x128xf32, #tpu.memory_space<vmem_shared>> -> memref<10112x128xf32, #tpu.memory_space<vmem_shared>>
        tpu.wait_indirect_dma semaphore(%run_scoped3A_1089 : memref<!tpu.dma_semaphore, #tpu.memory_space<semaphore_mem>>) src(%dma_wait3A_1103 : memref<128x128xf32, #tpu.memory_space<vmem>>) dst(%dma_wait3A_1109 : memref<10112x128xf32, #tpu.memory_space<vmem_shared>>)
        tpu.yield
      }) : () -> ()
      %dma_start3A_944 = arith.constant 35 : i32
      %dma_start3A_945 = arith.constant 1 : i32
      %dma_start3A_946 = arith.constant 0 : i32
      %dma_start3A_947 = arith.constant 0 : i32
      %dma_start3A_948 = tpu.memref_slice %arg9[%dma_start3A_945, %dma_start3A_946, %dma_start3A_947] : memref<2x128x128xf32, #tpu.memory_space<vmem>> -> memref<1x128x128xf32, #tpu.memory_space<vmem>>
      %dma_start3A_949 = tpu.memref_squeeze %dma_start3A_948 : memref<1x128x128xf32, #tpu.memory_space<vmem>> -> memref<128x128xf32, #tpu.memory_space<vmem>>
      %dma_start3A_950 = arith.constant 0 : i32
      %dma_start3A_951 = tpu.memref_slice %arg7[%dma_start3A_944, %dma_start3A_950] : memref<40x128xi32, #tpu.memory_space<vmem>> -> memref<1x128xi32, #tpu.memory_space<vmem>>
      %dma_start3A_952 = tpu.memref_squeeze %dma_start3A_951 : memref<1x128xi32, #tpu.memory_space<vmem>> -> memref<128xi32, #tpu.memory_space<vmem>>
      %dma_start3A_953 = arith.constant 0 : i32
      %dma_start3A_954 = arith.constant 0 : i32
      %dma_start3A_955 = tpu.memref_slice %arg2[%dma_start3A_953, %dma_start3A_954] : memref<10112x128xf32, #tpu.memory_space<hbm>> -> memref<10112x128xf32, #tpu.memory_space<hbm>>
      tpu.enqueue_indirect_dma source(%dma_start3A_955 : memref<10112x128xf32, #tpu.memory_space<hbm>>) target(%dma_start3A_949 : memref<128x128xf32, #tpu.memory_space<vmem>>) offsets(%dma_start3A_952 : memref<128xi32, #tpu.memory_space<vmem>>) semaphore(%arg11 : memref<!tpu.dma_semaphore, #tpu.memory_space<semaphore_mem>>)
      %dma_wait3A_956 = arith.constant 34 : i32
      %dma_wait3A_957 = arith.constant 0 : i32
      %dma_wait3A_958 = arith.constant 0 : i32
      %dma_wait3A_959 = arith.constant 0 : i32
      %dma_wait3A_960 = tpu.memref_slice %arg9[%dma_wait3A_957, %dma_wait3A_958, %dma_wait3A_959] : memref<2x128x128xf32, #tpu.memory_space<vmem>> -> memref<1x128x128xf32, #tpu.memory_space<vmem>>
      %dma_wait3A_961 = tpu.memref_squeeze %dma_wait3A_960 : memref<1x128x128xf32, #tpu.memory_space<vmem>> -> memref<128x128xf32, #tpu.memory_space<vmem>>
      %dma_wait3A_962 = arith.constant 0 : i32
      %dma_wait3A_963 = tpu.memref_slice %arg7[%dma_wait3A_956, %dma_wait3A_962] : memref<40x128xi32, #tpu.memory_space<vmem>> -> memref<1x128xi32, #tpu.memory_space<vmem>>
      %dma_wait3A_964 = tpu.memref_squeeze %dma_wait3A_963 : memref<1x128xi32, #tpu.memory_space<vmem>> -> memref<128xi32, #tpu.memory_space<vmem>>
      %dma_wait3A_965 = arith.constant 0 : i32
      %dma_wait3A_966 = arith.constant 0 : i32
      %dma_wait3A_967 = tpu.memref_slice %arg2[%dma_wait3A_965, %dma_wait3A_966] : memref<10112x128xf32, #tpu.memory_space<hbm>> -> memref<10112x128xf32, #tpu.memory_space<hbm>>
      tpu.wait_indirect_dma semaphore(%arg10 : memref<!tpu.dma_semaphore, #tpu.memory_space<semaphore_mem>>) src(%dma_wait3A_967 : memref<10112x128xf32, #tpu.memory_space<hbm>>) dst(%dma_wait3A_961 : memref<128x128xf32, #tpu.memory_space<vmem>>)
      %run_scoped3A_968 = arith.constant 0 : i32
      %run_scoped3A_969 = arith.constant 34 : i32
      "tpu.region"() ({
        %run_scoped3A_1089 = tpu.sem_alloc : memref<!tpu.dma_semaphore, #tpu.memory_space<semaphore_mem>>
        %dma_start3A_1090 = arith.constant 0 : i32
        %dma_start3A_1091 = arith.constant 0 : i32
        %dma_start3A_1092 = tpu.memref_slice %arg9[%run_scoped3A_968, %dma_start3A_1090, %dma_start3A_1091] : memref<2x128x128xf32, #tpu.memory_space<vmem>> -> memref<1x128x128xf32, #tpu.memory_space<vmem>>
        %dma_start3A_1093 = tpu.memref_squeeze %dma_start3A_1092 : memref<1x128x128xf32, #tpu.memory_space<vmem>> -> memref<128x128xf32, #tpu.memory_space<vmem>>
        %dma_start3A_1094 = arith.constant 0 : i32
        %dma_start3A_1095 = tpu.memref_slice %arg8[%run_scoped3A_969, %dma_start3A_1094] : memref<40x128xi32, #tpu.memory_space<vmem>> -> memref<1x128xi32, #tpu.memory_space<vmem>>
        %dma_start3A_1096 = tpu.memref_squeeze %dma_start3A_1095 : memref<1x128xi32, #tpu.memory_space<vmem>> -> memref<128xi32, #tpu.memory_space<vmem>>
        %dma_start3A_1097 = arith.constant 0 : i32
        %dma_start3A_1098 = arith.constant 0 : i32
        %dma_start3A_1099 = tpu.memref_slice %arg6[%dma_start3A_1097, %dma_start3A_1098] : memref<10112x128xf32, #tpu.memory_space<vmem_shared>> -> memref<10112x128xf32, #tpu.memory_space<vmem_shared>>
        tpu.enqueue_indirect_dma source(%dma_start3A_1093 : memref<128x128xf32, #tpu.memory_space<vmem>>) target(%dma_start3A_1099 : memref<10112x128xf32, #tpu.memory_space<vmem_shared>>) offsets(%dma_start3A_1096 : memref<128xi32, #tpu.memory_space<vmem>>) semaphore(%run_scoped3A_1089 : memref<!tpu.dma_semaphore, #tpu.memory_space<semaphore_mem>>) {add = true}
        %dma_wait3A_1100 = arith.constant 0 : i32
        %dma_wait3A_1101 = arith.constant 0 : i32
        %dma_wait3A_1102 = tpu.memref_slice %arg9[%run_scoped3A_968, %dma_wait3A_1100, %dma_wait3A_1101] : memref<2x128x128xf32, #tpu.memory_space<vmem>> -> memref<1x128x128xf32, #tpu.memory_space<vmem>>
        %dma_wait3A_1103 = tpu.memref_squeeze %dma_wait3A_1102 : memref<1x128x128xf32, #tpu.memory_space<vmem>> -> memref<128x128xf32, #tpu.memory_space<vmem>>
        %dma_wait3A_1104 = arith.constant 0 : i32
        %dma_wait3A_1105 = tpu.memref_slice %arg8[%run_scoped3A_969, %dma_wait3A_1104] : memref<40x128xi32, #tpu.memory_space<vmem>> -> memref<1x128xi32, #tpu.memory_space<vmem>>
        %dma_wait3A_1106 = tpu.memref_squeeze %dma_wait3A_1105 : memref<1x128xi32, #tpu.memory_space<vmem>> -> memref<128xi32, #tpu.memory_space<vmem>>
        %dma_wait3A_1107 = arith.constant 0 : i32
        %dma_wait3A_1108 = arith.constant 0 : i32
        %dma_wait3A_1109 = tpu.memref_slice %arg6[%dma_wait3A_1107, %dma_wait3A_1108] : memref<10112x128xf32, #tpu.memory_space<vmem_shared>> -> memref<10112x128xf32, #tpu.memory_space<vmem_shared>>
        tpu.wait_indirect_dma semaphore(%run_scoped3A_1089 : memref<!tpu.dma_semaphore, #tpu.memory_space<semaphore_mem>>) src(%dma_wait3A_1103 : memref<128x128xf32, #tpu.memory_space<vmem>>) dst(%dma_wait3A_1109 : memref<10112x128xf32, #tpu.memory_space<vmem_shared>>)
        tpu.yield
      }) : () -> ()
      %dma_start3A_970 = arith.constant 36 : i32
      %dma_start3A_971 = arith.constant 0 : i32
      %dma_start3A_972 = arith.constant 0 : i32
      %dma_start3A_973 = arith.constant 0 : i32
      %dma_start3A_974 = tpu.memref_slice %arg9[%dma_start3A_971, %dma_start3A_972, %dma_start3A_973] : memref<2x128x128xf32, #tpu.memory_space<vmem>> -> memref<1x128x128xf32, #tpu.memory_space<vmem>>
      %dma_start3A_975 = tpu.memref_squeeze %dma_start3A_974 : memref<1x128x128xf32, #tpu.memory_space<vmem>> -> memref<128x128xf32, #tpu.memory_space<vmem>>
      %dma_start3A_976 = arith.constant 0 : i32
      %dma_start3A_977 = tpu.memref_slice %arg7[%dma_start3A_970, %dma_start3A_976] : memref<40x128xi32, #tpu.memory_space<vmem>> -> memref<1x128xi32, #tpu.memory_space<vmem>>
      %dma_start3A_978 = tpu.memref_squeeze %dma_start3A_977 : memref<1x128xi32, #tpu.memory_space<vmem>> -> memref<128xi32, #tpu.memory_space<vmem>>
      %dma_start3A_979 = arith.constant 0 : i32
      %dma_start3A_980 = arith.constant 0 : i32
      %dma_start3A_981 = tpu.memref_slice %arg2[%dma_start3A_979, %dma_start3A_980] : memref<10112x128xf32, #tpu.memory_space<hbm>> -> memref<10112x128xf32, #tpu.memory_space<hbm>>
      tpu.enqueue_indirect_dma source(%dma_start3A_981 : memref<10112x128xf32, #tpu.memory_space<hbm>>) target(%dma_start3A_975 : memref<128x128xf32, #tpu.memory_space<vmem>>) offsets(%dma_start3A_978 : memref<128xi32, #tpu.memory_space<vmem>>) semaphore(%arg10 : memref<!tpu.dma_semaphore, #tpu.memory_space<semaphore_mem>>)
      %dma_wait3A_982 = arith.constant 35 : i32
      %dma_wait3A_983 = arith.constant 1 : i32
      %dma_wait3A_984 = arith.constant 0 : i32
      %dma_wait3A_985 = arith.constant 0 : i32
      %dma_wait3A_986 = tpu.memref_slice %arg9[%dma_wait3A_983, %dma_wait3A_984, %dma_wait3A_985] : memref<2x128x128xf32, #tpu.memory_space<vmem>> -> memref<1x128x128xf32, #tpu.memory_space<vmem>>
      %dma_wait3A_987 = tpu.memref_squeeze %dma_wait3A_986 : memref<1x128x128xf32, #tpu.memory_space<vmem>> -> memref<128x128xf32, #tpu.memory_space<vmem>>
      %dma_wait3A_988 = arith.constant 0 : i32
      %dma_wait3A_989 = tpu.memref_slice %arg7[%dma_wait3A_982, %dma_wait3A_988] : memref<40x128xi32, #tpu.memory_space<vmem>> -> memref<1x128xi32, #tpu.memory_space<vmem>>
      %dma_wait3A_990 = tpu.memref_squeeze %dma_wait3A_989 : memref<1x128xi32, #tpu.memory_space<vmem>> -> memref<128xi32, #tpu.memory_space<vmem>>
      %dma_wait3A_991 = arith.constant 0 : i32
      %dma_wait3A_992 = arith.constant 0 : i32
      %dma_wait3A_993 = tpu.memref_slice %arg2[%dma_wait3A_991, %dma_wait3A_992] : memref<10112x128xf32, #tpu.memory_space<hbm>> -> memref<10112x128xf32, #tpu.memory_space<hbm>>
      tpu.wait_indirect_dma semaphore(%arg11 : memref<!tpu.dma_semaphore, #tpu.memory_space<semaphore_mem>>) src(%dma_wait3A_993 : memref<10112x128xf32, #tpu.memory_space<hbm>>) dst(%dma_wait3A_987 : memref<128x128xf32, #tpu.memory_space<vmem>>)
      %run_scoped3A_994 = arith.constant 1 : i32
      %run_scoped3A_995 = arith.constant 35 : i32
      "tpu.region"() ({
        %run_scoped3A_1089 = tpu.sem_alloc : memref<!tpu.dma_semaphore, #tpu.memory_space<semaphore_mem>>
        %dma_start3A_1090 = arith.constant 0 : i32
        %dma_start3A_1091 = arith.constant 0 : i32
        %dma_start3A_1092 = tpu.memref_slice %arg9[%run_scoped3A_994, %dma_start3A_1090, %dma_start3A_1091] : memref<2x128x128xf32, #tpu.memory_space<vmem>> -> memref<1x128x128xf32, #tpu.memory_space<vmem>>
        %dma_start3A_1093 = tpu.memref_squeeze %dma_start3A_1092 : memref<1x128x128xf32, #tpu.memory_space<vmem>> -> memref<128x128xf32, #tpu.memory_space<vmem>>
        %dma_start3A_1094 = arith.constant 0 : i32
        %dma_start3A_1095 = tpu.memref_slice %arg8[%run_scoped3A_995, %dma_start3A_1094] : memref<40x128xi32, #tpu.memory_space<vmem>> -> memref<1x128xi32, #tpu.memory_space<vmem>>
        %dma_start3A_1096 = tpu.memref_squeeze %dma_start3A_1095 : memref<1x128xi32, #tpu.memory_space<vmem>> -> memref<128xi32, #tpu.memory_space<vmem>>
        %dma_start3A_1097 = arith.constant 0 : i32
        %dma_start3A_1098 = arith.constant 0 : i32
        %dma_start3A_1099 = tpu.memref_slice %arg6[%dma_start3A_1097, %dma_start3A_1098] : memref<10112x128xf32, #tpu.memory_space<vmem_shared>> -> memref<10112x128xf32, #tpu.memory_space<vmem_shared>>
        tpu.enqueue_indirect_dma source(%dma_start3A_1093 : memref<128x128xf32, #tpu.memory_space<vmem>>) target(%dma_start3A_1099 : memref<10112x128xf32, #tpu.memory_space<vmem_shared>>) offsets(%dma_start3A_1096 : memref<128xi32, #tpu.memory_space<vmem>>) semaphore(%run_scoped3A_1089 : memref<!tpu.dma_semaphore, #tpu.memory_space<semaphore_mem>>) {add = true}
        %dma_wait3A_1100 = arith.constant 0 : i32
        %dma_wait3A_1101 = arith.constant 0 : i32
        %dma_wait3A_1102 = tpu.memref_slice %arg9[%run_scoped3A_994, %dma_wait3A_1100, %dma_wait3A_1101] : memref<2x128x128xf32, #tpu.memory_space<vmem>> -> memref<1x128x128xf32, #tpu.memory_space<vmem>>
        %dma_wait3A_1103 = tpu.memref_squeeze %dma_wait3A_1102 : memref<1x128x128xf32, #tpu.memory_space<vmem>> -> memref<128x128xf32, #tpu.memory_space<vmem>>
        %dma_wait3A_1104 = arith.constant 0 : i32
        %dma_wait3A_1105 = tpu.memref_slice %arg8[%run_scoped3A_995, %dma_wait3A_1104] : memref<40x128xi32, #tpu.memory_space<vmem>> -> memref<1x128xi32, #tpu.memory_space<vmem>>
        %dma_wait3A_1106 = tpu.memref_squeeze %dma_wait3A_1105 : memref<1x128xi32, #tpu.memory_space<vmem>> -> memref<128xi32, #tpu.memory_space<vmem>>
        %dma_wait3A_1107 = arith.constant 0 : i32
        %dma_wait3A_1108 = arith.constant 0 : i32
        %dma_wait3A_1109 = tpu.memref_slice %arg6[%dma_wait3A_1107, %dma_wait3A_1108] : memref<10112x128xf32, #tpu.memory_space<vmem_shared>> -> memref<10112x128xf32, #tpu.memory_space<vmem_shared>>
        tpu.wait_indirect_dma semaphore(%run_scoped3A_1089 : memref<!tpu.dma_semaphore, #tpu.memory_space<semaphore_mem>>) src(%dma_wait3A_1103 : memref<128x128xf32, #tpu.memory_space<vmem>>) dst(%dma_wait3A_1109 : memref<10112x128xf32, #tpu.memory_space<vmem_shared>>)
        tpu.yield
      }) : () -> ()
      %dma_start3A_996 = arith.constant 37 : i32
      %dma_start3A_997 = arith.constant 1 : i32
      %dma_start3A_998 = arith.constant 0 : i32
      %dma_start3A_999 = arith.constant 0 : i32
      %dma_start3A_1000 = tpu.memref_slice %arg9[%dma_start3A_997, %dma_start3A_998, %dma_start3A_999] : memref<2x128x128xf32, #tpu.memory_space<vmem>> -> memref<1x128x128xf32, #tpu.memory_space<vmem>>
      %dma_start3A_1001 = tpu.memref_squeeze %dma_start3A_1000 : memref<1x128x128xf32, #tpu.memory_space<vmem>> -> memref<128x128xf32, #tpu.memory_space<vmem>>
      %dma_start3A_1002 = arith.constant 0 : i32
      %dma_start3A_1003 = tpu.memref_slice %arg7[%dma_start3A_996, %dma_start3A_1002] : memref<40x128xi32, #tpu.memory_space<vmem>> -> memref<1x128xi32, #tpu.memory_space<vmem>>
      %dma_start3A_1004 = tpu.memref_squeeze %dma_start3A_1003 : memref<1x128xi32, #tpu.memory_space<vmem>> -> memref<128xi32, #tpu.memory_space<vmem>>
      %dma_start3A_1005 = arith.constant 0 : i32
      %dma_start3A_1006 = arith.constant 0 : i32
      %dma_start3A_1007 = tpu.memref_slice %arg2[%dma_start3A_1005, %dma_start3A_1006] : memref<10112x128xf32, #tpu.memory_space<hbm>> -> memref<10112x128xf32, #tpu.memory_space<hbm>>
      tpu.enqueue_indirect_dma source(%dma_start3A_1007 : memref<10112x128xf32, #tpu.memory_space<hbm>>) target(%dma_start3A_1001 : memref<128x128xf32, #tpu.memory_space<vmem>>) offsets(%dma_start3A_1004 : memref<128xi32, #tpu.memory_space<vmem>>) semaphore(%arg11 : memref<!tpu.dma_semaphore, #tpu.memory_space<semaphore_mem>>)
      %dma_wait3A_1008 = arith.constant 36 : i32
      %dma_wait3A_1009 = arith.constant 0 : i32
      %dma_wait3A_1010 = arith.constant 0 : i32
      %dma_wait3A_1011 = arith.constant 0 : i32
      %dma_wait3A_1012 = tpu.memref_slice %arg9[%dma_wait3A_1009, %dma_wait3A_1010, %dma_wait3A_1011] : memref<2x128x128xf32, #tpu.memory_space<vmem>> -> memref<1x128x128xf32, #tpu.memory_space<vmem>>
      %dma_wait3A_1013 = tpu.memref_squeeze %dma_wait3A_1012 : memref<1x128x128xf32, #tpu.memory_space<vmem>> -> memref<128x128xf32, #tpu.memory_space<vmem>>
      %dma_wait3A_1014 = arith.constant 0 : i32
      %dma_wait3A_1015 = tpu.memref_slice %arg7[%dma_wait3A_1008, %dma_wait3A_1014] : memref<40x128xi32, #tpu.memory_space<vmem>> -> memref<1x128xi32, #tpu.memory_space<vmem>>
      %dma_wait3A_1016 = tpu.memref_squeeze %dma_wait3A_1015 : memref<1x128xi32, #tpu.memory_space<vmem>> -> memref<128xi32, #tpu.memory_space<vmem>>
      %dma_wait3A_1017 = arith.constant 0 : i32
      %dma_wait3A_1018 = arith.constant 0 : i32
      %dma_wait3A_1019 = tpu.memref_slice %arg2[%dma_wait3A_1017, %dma_wait3A_1018] : memref<10112x128xf32, #tpu.memory_space<hbm>> -> memref<10112x128xf32, #tpu.memory_space<hbm>>
      tpu.wait_indirect_dma semaphore(%arg10 : memref<!tpu.dma_semaphore, #tpu.memory_space<semaphore_mem>>) src(%dma_wait3A_1019 : memref<10112x128xf32, #tpu.memory_space<hbm>>) dst(%dma_wait3A_1013 : memref<128x128xf32, #tpu.memory_space<vmem>>)
      %run_scoped3A_1020 = arith.constant 0 : i32
      %run_scoped3A_1021 = arith.constant 36 : i32
      "tpu.region"() ({
        %run_scoped3A_1089 = tpu.sem_alloc : memref<!tpu.dma_semaphore, #tpu.memory_space<semaphore_mem>>
        %dma_start3A_1090 = arith.constant 0 : i32
        %dma_start3A_1091 = arith.constant 0 : i32
        %dma_start3A_1092 = tpu.memref_slice %arg9[%run_scoped3A_1020, %dma_start3A_1090, %dma_start3A_1091] : memref<2x128x128xf32, #tpu.memory_space<vmem>> -> memref<1x128x128xf32, #tpu.memory_space<vmem>>
        %dma_start3A_1093 = tpu.memref_squeeze %dma_start3A_1092 : memref<1x128x128xf32, #tpu.memory_space<vmem>> -> memref<128x128xf32, #tpu.memory_space<vmem>>
        %dma_start3A_1094 = arith.constant 0 : i32
        %dma_start3A_1095 = tpu.memref_slice %arg8[%run_scoped3A_1021, %dma_start3A_1094] : memref<40x128xi32, #tpu.memory_space<vmem>> -> memref<1x128xi32, #tpu.memory_space<vmem>>
        %dma_start3A_1096 = tpu.memref_squeeze %dma_start3A_1095 : memref<1x128xi32, #tpu.memory_space<vmem>> -> memref<128xi32, #tpu.memory_space<vmem>>
        %dma_start3A_1097 = arith.constant 0 : i32
        %dma_start3A_1098 = arith.constant 0 : i32
        %dma_start3A_1099 = tpu.memref_slice %arg6[%dma_start3A_1097, %dma_start3A_1098] : memref<10112x128xf32, #tpu.memory_space<vmem_shared>> -> memref<10112x128xf32, #tpu.memory_space<vmem_shared>>
        tpu.enqueue_indirect_dma source(%dma_start3A_1093 : memref<128x128xf32, #tpu.memory_space<vmem>>) target(%dma_start3A_1099 : memref<10112x128xf32, #tpu.memory_space<vmem_shared>>) offsets(%dma_start3A_1096 : memref<128xi32, #tpu.memory_space<vmem>>) semaphore(%run_scoped3A_1089 : memref<!tpu.dma_semaphore, #tpu.memory_space<semaphore_mem>>) {add = true}
        %dma_wait3A_1100 = arith.constant 0 : i32
        %dma_wait3A_1101 = arith.constant 0 : i32
        %dma_wait3A_1102 = tpu.memref_slice %arg9[%run_scoped3A_1020, %dma_wait3A_1100, %dma_wait3A_1101] : memref<2x128x128xf32, #tpu.memory_space<vmem>> -> memref<1x128x128xf32, #tpu.memory_space<vmem>>
        %dma_wait3A_1103 = tpu.memref_squeeze %dma_wait3A_1102 : memref<1x128x128xf32, #tpu.memory_space<vmem>> -> memref<128x128xf32, #tpu.memory_space<vmem>>
        %dma_wait3A_1104 = arith.constant 0 : i32
        %dma_wait3A_1105 = tpu.memref_slice %arg8[%run_scoped3A_1021, %dma_wait3A_1104] : memref<40x128xi32, #tpu.memory_space<vmem>> -> memref<1x128xi32, #tpu.memory_space<vmem>>
        %dma_wait3A_1106 = tpu.memref_squeeze %dma_wait3A_1105 : memref<1x128xi32, #tpu.memory_space<vmem>> -> memref<128xi32, #tpu.memory_space<vmem>>
        %dma_wait3A_1107 = arith.constant 0 : i32
        %dma_wait3A_1108 = arith.constant 0 : i32
        %dma_wait3A_1109 = tpu.memref_slice %arg6[%dma_wait3A_1107, %dma_wait3A_1108] : memref<10112x128xf32, #tpu.memory_space<vmem_shared>> -> memref<10112x128xf32, #tpu.memory_space<vmem_shared>>
        tpu.wait_indirect_dma semaphore(%run_scoped3A_1089 : memref<!tpu.dma_semaphore, #tpu.memory_space<semaphore_mem>>) src(%dma_wait3A_1103 : memref<128x128xf32, #tpu.memory_space<vmem>>) dst(%dma_wait3A_1109 : memref<10112x128xf32, #tpu.memory_space<vmem_shared>>)
        tpu.yield
      }) : () -> ()
      %dma_start3A_1022 = arith.constant 38 : i32
      %dma_start3A_1023 = arith.constant 0 : i32
      %dma_start3A_1024 = arith.constant 0 : i32
      %dma_start3A_1025 = arith.constant 0 : i32
      %dma_start3A_1026 = tpu.memref_slice %arg9[%dma_start3A_1023, %dma_start3A_1024, %dma_start3A_1025] : memref<2x128x128xf32, #tpu.memory_space<vmem>> -> memref<1x128x128xf32, #tpu.memory_space<vmem>>
      %dma_start3A_1027 = tpu.memref_squeeze %dma_start3A_1026 : memref<1x128x128xf32, #tpu.memory_space<vmem>> -> memref<128x128xf32, #tpu.memory_space<vmem>>
      %dma_start3A_1028 = arith.constant 0 : i32
      %dma_start3A_1029 = tpu.memref_slice %arg7[%dma_start3A_1022, %dma_start3A_1028] : memref<40x128xi32, #tpu.memory_space<vmem>> -> memref<1x128xi32, #tpu.memory_space<vmem>>
      %dma_start3A_1030 = tpu.memref_squeeze %dma_start3A_1029 : memref<1x128xi32, #tpu.memory_space<vmem>> -> memref<128xi32, #tpu.memory_space<vmem>>
      %dma_start3A_1031 = arith.constant 0 : i32
      %dma_start3A_1032 = arith.constant 0 : i32
      %dma_start3A_1033 = tpu.memref_slice %arg2[%dma_start3A_1031, %dma_start3A_1032] : memref<10112x128xf32, #tpu.memory_space<hbm>> -> memref<10112x128xf32, #tpu.memory_space<hbm>>
      tpu.enqueue_indirect_dma source(%dma_start3A_1033 : memref<10112x128xf32, #tpu.memory_space<hbm>>) target(%dma_start3A_1027 : memref<128x128xf32, #tpu.memory_space<vmem>>) offsets(%dma_start3A_1030 : memref<128xi32, #tpu.memory_space<vmem>>) semaphore(%arg10 : memref<!tpu.dma_semaphore, #tpu.memory_space<semaphore_mem>>)
      %dma_wait3A_1034 = arith.constant 37 : i32
      %dma_wait3A_1035 = arith.constant 1 : i32
      %dma_wait3A_1036 = arith.constant 0 : i32
      %dma_wait3A_1037 = arith.constant 0 : i32
      %dma_wait3A_1038 = tpu.memref_slice %arg9[%dma_wait3A_1035, %dma_wait3A_1036, %dma_wait3A_1037] : memref<2x128x128xf32, #tpu.memory_space<vmem>> -> memref<1x128x128xf32, #tpu.memory_space<vmem>>
      %dma_wait3A_1039 = tpu.memref_squeeze %dma_wait3A_1038 : memref<1x128x128xf32, #tpu.memory_space<vmem>> -> memref<128x128xf32, #tpu.memory_space<vmem>>
      %dma_wait3A_1040 = arith.constant 0 : i32
      %dma_wait3A_1041 = tpu.memref_slice %arg7[%dma_wait3A_1034, %dma_wait3A_1040] : memref<40x128xi32, #tpu.memory_space<vmem>> -> memref<1x128xi32, #tpu.memory_space<vmem>>
      %dma_wait3A_1042 = tpu.memref_squeeze %dma_wait3A_1041 : memref<1x128xi32, #tpu.memory_space<vmem>> -> memref<128xi32, #tpu.memory_space<vmem>>
      %dma_wait3A_1043 = arith.constant 0 : i32
      %dma_wait3A_1044 = arith.constant 0 : i32
      %dma_wait3A_1045 = tpu.memref_slice %arg2[%dma_wait3A_1043, %dma_wait3A_1044] : memref<10112x128xf32, #tpu.memory_space<hbm>> -> memref<10112x128xf32, #tpu.memory_space<hbm>>
      tpu.wait_indirect_dma semaphore(%arg11 : memref<!tpu.dma_semaphore, #tpu.memory_space<semaphore_mem>>) src(%dma_wait3A_1045 : memref<10112x128xf32, #tpu.memory_space<hbm>>) dst(%dma_wait3A_1039 : memref<128x128xf32, #tpu.memory_space<vmem>>)
      %run_scoped3A_1046 = arith.constant 1 : i32
      %run_scoped3A_1047 = arith.constant 37 : i32
      "tpu.region"() ({
        %run_scoped3A_1089 = tpu.sem_alloc : memref<!tpu.dma_semaphore, #tpu.memory_space<semaphore_mem>>
        %dma_start3A_1090 = arith.constant 0 : i32
        %dma_start3A_1091 = arith.constant 0 : i32
        %dma_start3A_1092 = tpu.memref_slice %arg9[%run_scoped3A_1046, %dma_start3A_1090, %dma_start3A_1091] : memref<2x128x128xf32, #tpu.memory_space<vmem>> -> memref<1x128x128xf32, #tpu.memory_space<vmem>>
        %dma_start3A_1093 = tpu.memref_squeeze %dma_start3A_1092 : memref<1x128x128xf32, #tpu.memory_space<vmem>> -> memref<128x128xf32, #tpu.memory_space<vmem>>
        %dma_start3A_1094 = arith.constant 0 : i32
        %dma_start3A_1095 = tpu.memref_slice %arg8[%run_scoped3A_1047, %dma_start3A_1094] : memref<40x128xi32, #tpu.memory_space<vmem>> -> memref<1x128xi32, #tpu.memory_space<vmem>>
        %dma_start3A_1096 = tpu.memref_squeeze %dma_start3A_1095 : memref<1x128xi32, #tpu.memory_space<vmem>> -> memref<128xi32, #tpu.memory_space<vmem>>
        %dma_start3A_1097 = arith.constant 0 : i32
        %dma_start3A_1098 = arith.constant 0 : i32
        %dma_start3A_1099 = tpu.memref_slice %arg6[%dma_start3A_1097, %dma_start3A_1098] : memref<10112x128xf32, #tpu.memory_space<vmem_shared>> -> memref<10112x128xf32, #tpu.memory_space<vmem_shared>>
        tpu.enqueue_indirect_dma source(%dma_start3A_1093 : memref<128x128xf32, #tpu.memory_space<vmem>>) target(%dma_start3A_1099 : memref<10112x128xf32, #tpu.memory_space<vmem_shared>>) offsets(%dma_start3A_1096 : memref<128xi32, #tpu.memory_space<vmem>>) semaphore(%run_scoped3A_1089 : memref<!tpu.dma_semaphore, #tpu.memory_space<semaphore_mem>>) {add = true}
        %dma_wait3A_1100 = arith.constant 0 : i32
        %dma_wait3A_1101 = arith.constant 0 : i32
        %dma_wait3A_1102 = tpu.memref_slice %arg9[%run_scoped3A_1046, %dma_wait3A_1100, %dma_wait3A_1101] : memref<2x128x128xf32, #tpu.memory_space<vmem>> -> memref<1x128x128xf32, #tpu.memory_space<vmem>>
        %dma_wait3A_1103 = tpu.memref_squeeze %dma_wait3A_1102 : memref<1x128x128xf32, #tpu.memory_space<vmem>> -> memref<128x128xf32, #tpu.memory_space<vmem>>
        %dma_wait3A_1104 = arith.constant 0 : i32
        %dma_wait3A_1105 = tpu.memref_slice %arg8[%run_scoped3A_1047, %dma_wait3A_1104] : memref<40x128xi32, #tpu.memory_space<vmem>> -> memref<1x128xi32, #tpu.memory_space<vmem>>
        %dma_wait3A_1106 = tpu.memref_squeeze %dma_wait3A_1105 : memref<1x128xi32, #tpu.memory_space<vmem>> -> memref<128xi32, #tpu.memory_space<vmem>>
        %dma_wait3A_1107 = arith.constant 0 : i32
        %dma_wait3A_1108 = arith.constant 0 : i32
        %dma_wait3A_1109 = tpu.memref_slice %arg6[%dma_wait3A_1107, %dma_wait3A_1108] : memref<10112x128xf32, #tpu.memory_space<vmem_shared>> -> memref<10112x128xf32, #tpu.memory_space<vmem_shared>>
        tpu.wait_indirect_dma semaphore(%run_scoped3A_1089 : memref<!tpu.dma_semaphore, #tpu.memory_space<semaphore_mem>>) src(%dma_wait3A_1103 : memref<128x128xf32, #tpu.memory_space<vmem>>) dst(%dma_wait3A_1109 : memref<10112x128xf32, #tpu.memory_space<vmem_shared>>)
        tpu.yield
      }) : () -> ()
      %dma_start3A_1048 = arith.constant 39 : i32
      %dma_start3A_1049 = arith.constant 1 : i32
      %dma_start3A_1050 = arith.constant 0 : i32
      %dma_start3A_1051 = arith.constant 0 : i32
      %dma_start3A_1052 = tpu.memref_slice %arg9[%dma_start3A_1049, %dma_start3A_1050, %dma_start3A_1051] : memref<2x128x128xf32, #tpu.memory_space<vmem>> -> memref<1x128x128xf32, #tpu.memory_space<vmem>>
      %dma_start3A_1053 = tpu.memref_squeeze %dma_start3A_1052 : memref<1x128x128xf32, #tpu.memory_space<vmem>> -> memref<128x128xf32, #tpu.memory_space<vmem>>
      %dma_start3A_1054 = arith.constant 0 : i32
      %dma_start3A_1055 = tpu.memref_slice %arg7[%dma_start3A_1048, %dma_start3A_1054] : memref<40x128xi32, #tpu.memory_space<vmem>> -> memref<1x128xi32, #tpu.memory_space<vmem>>
      %dma_start3A_1056 = tpu.memref_squeeze %dma_start3A_1055 : memref<1x128xi32, #tpu.memory_space<vmem>> -> memref<128xi32, #tpu.memory_space<vmem>>
      %dma_start3A_1057 = arith.constant 0 : i32
      %dma_start3A_1058 = arith.constant 0 : i32
      %dma_start3A_1059 = tpu.memref_slice %arg2[%dma_start3A_1057, %dma_start3A_1058] : memref<10112x128xf32, #tpu.memory_space<hbm>> -> memref<10112x128xf32, #tpu.memory_space<hbm>>
      tpu.enqueue_indirect_dma source(%dma_start3A_1059 : memref<10112x128xf32, #tpu.memory_space<hbm>>) target(%dma_start3A_1053 : memref<128x128xf32, #tpu.memory_space<vmem>>) offsets(%dma_start3A_1056 : memref<128xi32, #tpu.memory_space<vmem>>) semaphore(%arg11 : memref<!tpu.dma_semaphore, #tpu.memory_space<semaphore_mem>>)
      %dma_wait3A_1060 = arith.constant 38 : i32
      %dma_wait3A_1061 = arith.constant 0 : i32
      %dma_wait3A_1062 = arith.constant 0 : i32
      %dma_wait3A_1063 = arith.constant 0 : i32
      %dma_wait3A_1064 = tpu.memref_slice %arg9[%dma_wait3A_1061, %dma_wait3A_1062, %dma_wait3A_1063] : memref<2x128x128xf32, #tpu.memory_space<vmem>> -> memref<1x128x128xf32, #tpu.memory_space<vmem>>
      %dma_wait3A_1065 = tpu.memref_squeeze %dma_wait3A_1064 : memref<1x128x128xf32, #tpu.memory_space<vmem>> -> memref<128x128xf32, #tpu.memory_space<vmem>>
      %dma_wait3A_1066 = arith.constant 0 : i32
      %dma_wait3A_1067 = tpu.memref_slice %arg7[%dma_wait3A_1060, %dma_wait3A_1066] : memref<40x128xi32, #tpu.memory_space<vmem>> -> memref<1x128xi32, #tpu.memory_space<vmem>>
      %dma_wait3A_1068 = tpu.memref_squeeze %dma_wait3A_1067 : memref<1x128xi32, #tpu.memory_space<vmem>> -> memref<128xi32, #tpu.memory_space<vmem>>
      %dma_wait3A_1069 = arith.constant 0 : i32
      %dma_wait3A_1070 = arith.constant 0 : i32
      %dma_wait3A_1071 = tpu.memref_slice %arg2[%dma_wait3A_1069, %dma_wait3A_1070] : memref<10112x128xf32, #tpu.memory_space<hbm>> -> memref<10112x128xf32, #tpu.memory_space<hbm>>
      tpu.wait_indirect_dma semaphore(%arg10 : memref<!tpu.dma_semaphore, #tpu.memory_space<semaphore_mem>>) src(%dma_wait3A_1071 : memref<10112x128xf32, #tpu.memory_space<hbm>>) dst(%dma_wait3A_1065 : memref<128x128xf32, #tpu.memory_space<vmem>>)
      %run_scoped3A_1072 = arith.constant 0 : i32
      %run_scoped3A_1073 = arith.constant 38 : i32
      "tpu.region"() ({
        %run_scoped3A_1089 = tpu.sem_alloc : memref<!tpu.dma_semaphore, #tpu.memory_space<semaphore_mem>>
        %dma_start3A_1090 = arith.constant 0 : i32
        %dma_start3A_1091 = arith.constant 0 : i32
        %dma_start3A_1092 = tpu.memref_slice %arg9[%run_scoped3A_1072, %dma_start3A_1090, %dma_start3A_1091] : memref<2x128x128xf32, #tpu.memory_space<vmem>> -> memref<1x128x128xf32, #tpu.memory_space<vmem>>
        %dma_start3A_1093 = tpu.memref_squeeze %dma_start3A_1092 : memref<1x128x128xf32, #tpu.memory_space<vmem>> -> memref<128x128xf32, #tpu.memory_space<vmem>>
        %dma_start3A_1094 = arith.constant 0 : i32
        %dma_start3A_1095 = tpu.memref_slice %arg8[%run_scoped3A_1073, %dma_start3A_1094] : memref<40x128xi32, #tpu.memory_space<vmem>> -> memref<1x128xi32, #tpu.memory_space<vmem>>
        %dma_start3A_1096 = tpu.memref_squeeze %dma_start3A_1095 : memref<1x128xi32, #tpu.memory_space<vmem>> -> memref<128xi32, #tpu.memory_space<vmem>>
        %dma_start3A_1097 = arith.constant 0 : i32
        %dma_start3A_1098 = arith.constant 0 : i32
        %dma_start3A_1099 = tpu.memref_slice %arg6[%dma_start3A_1097, %dma_start3A_1098] : memref<10112x128xf32, #tpu.memory_space<vmem_shared>> -> memref<10112x128xf32, #tpu.memory_space<vmem_shared>>
        tpu.enqueue_indirect_dma source(%dma_start3A_1093 : memref<128x128xf32, #tpu.memory_space<vmem>>) target(%dma_start3A_1099 : memref<10112x128xf32, #tpu.memory_space<vmem_shared>>) offsets(%dma_start3A_1096 : memref<128xi32, #tpu.memory_space<vmem>>) semaphore(%run_scoped3A_1089 : memref<!tpu.dma_semaphore, #tpu.memory_space<semaphore_mem>>) {add = true}
        %dma_wait3A_1100 = arith.constant 0 : i32
        %dma_wait3A_1101 = arith.constant 0 : i32
        %dma_wait3A_1102 = tpu.memref_slice %arg9[%run_scoped3A_1072, %dma_wait3A_1100, %dma_wait3A_1101] : memref<2x128x128xf32, #tpu.memory_space<vmem>> -> memref<1x128x128xf32, #tpu.memory_space<vmem>>
        %dma_wait3A_1103 = tpu.memref_squeeze %dma_wait3A_1102 : memref<1x128x128xf32, #tpu.memory_space<vmem>> -> memref<128x128xf32, #tpu.memory_space<vmem>>
        %dma_wait3A_1104 = arith.constant 0 : i32
        %dma_wait3A_1105 = tpu.memref_slice %arg8[%run_scoped3A_1073, %dma_wait3A_1104] : memref<40x128xi32, #tpu.memory_space<vmem>> -> memref<1x128xi32, #tpu.memory_space<vmem>>
        %dma_wait3A_1106 = tpu.memref_squeeze %dma_wait3A_1105 : memref<1x128xi32, #tpu.memory_space<vmem>> -> memref<128xi32, #tpu.memory_space<vmem>>
        %dma_wait3A_1107 = arith.constant 0 : i32
        %dma_wait3A_1108 = arith.constant 0 : i32
        %dma_wait3A_1109 = tpu.memref_slice %arg6[%dma_wait3A_1107, %dma_wait3A_1108] : memref<10112x128xf32, #tpu.memory_space<vmem_shared>> -> memref<10112x128xf32, #tpu.memory_space<vmem_shared>>
        tpu.wait_indirect_dma semaphore(%run_scoped3A_1089 : memref<!tpu.dma_semaphore, #tpu.memory_space<semaphore_mem>>) src(%dma_wait3A_1103 : memref<128x128xf32, #tpu.memory_space<vmem>>) dst(%dma_wait3A_1109 : memref<10112x128xf32, #tpu.memory_space<vmem_shared>>)
        tpu.yield
      }) : () -> ()
      %dma_wait3A_1074 = arith.constant 39 : i32
      %dma_wait3A_1075 = arith.constant 1 : i32
      %dma_wait3A_1076 = arith.constant 0 : i32
      %dma_wait3A_1077 = arith.constant 0 : i32
      %dma_wait3A_1078 = tpu.memref_slice %arg9[%dma_wait3A_1075, %dma_wait3A_1076, %dma_wait3A_1077] : memref<2x128x128xf32, #tpu.memory_space<vmem>> -> memref<1x128x128xf32, #tpu.memory_space<vmem>>
      %dma_wait3A_1079 = tpu.memref_squeeze %dma_wait3A_1078 : memref<1x128x128xf32, #tpu.memory_space<vmem>> -> memref<128x128xf32, #tpu.memory_space<vmem>>
      %dma_wait3A_1080 = arith.constant 0 : i32
      %dma_wait3A_1081 = tpu.memref_slice %arg7[%dma_wait3A_1074, %dma_wait3A_1080] : memref<40x128xi32, #tpu.memory_space<vmem>> -> memref<1x128xi32, #tpu.memory_space<vmem>>
      %dma_wait3A_1082 = tpu.memref_squeeze %dma_wait3A_1081 : memref<1x128xi32, #tpu.memory_space<vmem>> -> memref<128xi32, #tpu.memory_space<vmem>>
      %dma_wait3A_1083 = arith.constant 0 : i32
      %dma_wait3A_1084 = arith.constant 0 : i32
      %dma_wait3A_1085 = tpu.memref_slice %arg2[%dma_wait3A_1083, %dma_wait3A_1084] : memref<10112x128xf32, #tpu.memory_space<hbm>> -> memref<10112x128xf32, #tpu.memory_space<hbm>>
      tpu.wait_indirect_dma semaphore(%arg11 : memref<!tpu.dma_semaphore, #tpu.memory_space<semaphore_mem>>) src(%dma_wait3A_1085 : memref<10112x128xf32, #tpu.memory_space<hbm>>) dst(%dma_wait3A_1079 : memref<128x128xf32, #tpu.memory_space<vmem>>)
      %run_scoped3A_1086 = arith.constant 1 : i32
      %run_scoped3A_1087 = arith.constant 39 : i32
      "tpu.region"() ({
        %run_scoped3A_1089 = tpu.sem_alloc : memref<!tpu.dma_semaphore, #tpu.memory_space<semaphore_mem>>
        %dma_start3A_1090 = arith.constant 0 : i32
        %dma_start3A_1091 = arith.constant 0 : i32
        %dma_start3A_1092 = tpu.memref_slice %arg9[%run_scoped3A_1086, %dma_start3A_1090, %dma_start3A_1091] : memref<2x128x128xf32, #tpu.memory_space<vmem>> -> memref<1x128x128xf32, #tpu.memory_space<vmem>>
        %dma_start3A_1093 = tpu.memref_squeeze %dma_start3A_1092 : memref<1x128x128xf32, #tpu.memory_space<vmem>> -> memref<128x128xf32, #tpu.memory_space<vmem>>
        %dma_start3A_1094 = arith.constant 0 : i32
        %dma_start3A_1095 = tpu.memref_slice %arg8[%run_scoped3A_1087, %dma_start3A_1094] : memref<40x128xi32, #tpu.memory_space<vmem>> -> memref<1x128xi32, #tpu.memory_space<vmem>>
        %dma_start3A_1096 = tpu.memref_squeeze %dma_start3A_1095 : memref<1x128xi32, #tpu.memory_space<vmem>> -> memref<128xi32, #tpu.memory_space<vmem>>
        %dma_start3A_1097 = arith.constant 0 : i32
        %dma_start3A_1098 = arith.constant 0 : i32
        %dma_start3A_1099 = tpu.memref_slice %arg6[%dma_start3A_1097, %dma_start3A_1098] : memref<10112x128xf32, #tpu.memory_space<vmem_shared>> -> memref<10112x128xf32, #tpu.memory_space<vmem_shared>>
        tpu.enqueue_indirect_dma source(%dma_start3A_1093 : memref<128x128xf32, #tpu.memory_space<vmem>>) target(%dma_start3A_1099 : memref<10112x128xf32, #tpu.memory_space<vmem_shared>>) offsets(%dma_start3A_1096 : memref<128xi32, #tpu.memory_space<vmem>>) semaphore(%run_scoped3A_1089 : memref<!tpu.dma_semaphore, #tpu.memory_space<semaphore_mem>>) {add = true}
        %dma_wait3A_1100 = arith.constant 0 : i32
        %dma_wait3A_1101 = arith.constant 0 : i32
        %dma_wait3A_1102 = tpu.memref_slice %arg9[%run_scoped3A_1086, %dma_wait3A_1100, %dma_wait3A_1101] : memref<2x128x128xf32, #tpu.memory_space<vmem>> -> memref<1x128x128xf32, #tpu.memory_space<vmem>>
        %dma_wait3A_1103 = tpu.memref_squeeze %dma_wait3A_1102 : memref<1x128x128xf32, #tpu.memory_space<vmem>> -> memref<128x128xf32, #tpu.memory_space<vmem>>
        %dma_wait3A_1104 = arith.constant 0 : i32
        %dma_wait3A_1105 = tpu.memref_slice %arg8[%run_scoped3A_1087, %dma_wait3A_1104] : memref<40x128xi32, #tpu.memory_space<vmem>> -> memref<1x128xi32, #tpu.memory_space<vmem>>
        %dma_wait3A_1106 = tpu.memref_squeeze %dma_wait3A_1105 : memref<1x128xi32, #tpu.memory_space<vmem>> -> memref<128xi32, #tpu.memory_space<vmem>>
        %dma_wait3A_1107 = arith.constant 0 : i32
        %dma_wait3A_1108 = arith.constant 0 : i32
        %dma_wait3A_1109 = tpu.memref_slice %arg6[%dma_wait3A_1107, %dma_wait3A_1108] : memref<10112x128xf32, #tpu.memory_space<vmem_shared>> -> memref<10112x128xf32, #tpu.memory_space<vmem_shared>>
        tpu.wait_indirect_dma semaphore(%run_scoped3A_1089 : memref<!tpu.dma_semaphore, #tpu.memory_space<semaphore_mem>>) src(%dma_wait3A_1103 : memref<128x128xf32, #tpu.memory_space<vmem>>) dst(%dma_wait3A_1109 : memref<10112x128xf32, #tpu.memory_space<vmem_shared>>)
        tpu.yield
      }) : () -> ()
      %scan3A_1088 = arith.constant 0 : i32
      scf.yield %scan3A_1088 : i32
    }
    %scan3A_37 = arith.constant 2 : i32
    %barrier3A_38 = arith.constant 0 : index
    tpu.barrier barrier_id(%barrier3A_38)
    %mul3A_39 = arith.constant 632 : i32
    %mul3A_40 = arith.muli %arg1, %mul3A_39 : i32
    %mul3A_41 = arith.constant 632 : i32
    %mul3A_42 = arith.muli %arg1, %mul3A_41 : i32
    "tpu.region"() ({
      %run_scoped3A_43 = tpu.sem_alloc : memref<!tpu.dma_semaphore, #tpu.memory_space<semaphore_mem>>
      %dma_start3A = arith.constant 0 : i32
      %dma_start3A_44 = tpu.memref_slice %arg5[%arg0, %mul3A_42, %dma_start3A] : memref<2x10112x128xf32, #tpu.memory_space<hbm>> -> memref<1x632x128xf32, #tpu.memory_space<hbm>>
      %dma_start3A_45 = tpu.memref_squeeze %dma_start3A_44 : memref<1x632x128xf32, #tpu.memory_space<hbm>> -> memref<632x128xf32, #tpu.memory_space<hbm>>
      %dma_start3A_46 = arith.constant 0 : i32
      %dma_start3A_47 = tpu.memref_slice %arg6[%mul3A_40, %dma_start3A_46] : memref<10112x128xf32, #tpu.memory_space<vmem_shared>> -> memref<632x128xf32, #tpu.memory_space<vmem_shared>>
      tpu.enqueue_dma source(%dma_start3A_47 : memref<632x128xf32, #tpu.memory_space<vmem_shared>>) target(%dma_start3A_45 : memref<632x128xf32, #tpu.memory_space<hbm>>) target_semaphore(%run_scoped3A_43 : memref<!tpu.dma_semaphore, #tpu.memory_space<semaphore_mem>>)
      %dma_wait3A = arith.constant 0 : i32
      %dma_wait3A_48 = tpu.memref_slice %arg5[%arg0, %mul3A_42, %dma_wait3A] : memref<2x10112x128xf32, #tpu.memory_space<hbm>> -> memref<1x632x128xf32, #tpu.memory_space<hbm>>
      %dma_wait3A_49 = tpu.memref_squeeze %dma_wait3A_48 : memref<1x632x128xf32, #tpu.memory_space<hbm>> -> memref<632x128xf32, #tpu.memory_space<hbm>>
      %dma_wait3A_50 = arith.constant 0 : i32
      %dma_wait3A_51 = tpu.memref_slice %arg6[%mul3A_40, %dma_wait3A_50] : memref<10112x128xf32, #tpu.memory_space<vmem_shared>> -> memref<632x128xf32, #tpu.memory_space<vmem_shared>>
      tpu.wait_dma2 semaphore(%run_scoped3A_43 : memref<!tpu.dma_semaphore, #tpu.memory_space<semaphore_mem>>) src(%dma_wait3A_51 : memref<632x128xf32, #tpu.memory_space<vmem_shared>>) dst(%dma_wait3A_49 : memref<632x128xf32, #tpu.memory_space<hbm>>)
      tpu.yield
    }) : () -> ()
    return
  }
}

module attributes {stable_mosaic.version = 14 : i64} {
  func.func @_prep_body(%arg0: memref<2x1x10240xf32, #tpu.memory_space<vmem>>, %arg1: memref<10000x128xf32, #tpu.memory_space<vmem>>, %arg2: memref<128x128xf32, #tpu.memory_space<vmem>>, %arg3: memref<10112x128xf32, #tpu.memory_space<vmem>>) attributes {dimension_semantics = [], scalar_prefetch = 0 : i64, scratch_operands = 0 : i64, tpu.core_type = #tpu.core_type<tc>} {
    %get3A = arith.constant 0 : index
    %get3A_0 = arith.constant 0 : index
    %get3A_1 = vector.load %arg1[%get3A, %get3A_0] : memref<10000x128xf32, #tpu.memory_space<vmem>>, vector<10000x128xf32>
    %get3A_2 = arith.constant 0 : index
    %get3A_3 = arith.constant 0 : index
    %get3A_4 = vector.load %arg2[%get3A_2, %get3A_3] : memref<128x128xf32, #tpu.memory_space<vmem>>, vector<128x128xf32>
    %dot_general3A = arith.constant dense<0.000000e+00> : vector<10000x128xf32>
    %dot_general3A_5 = tpu.matmul %get3A_1, %get3A_4, %dot_general3A {dimension_numbers = #tpu.dot_dimension_numbers<[1], [0], [0], [1], [0, 0, 1, 1], [], []>, transpose_lhs_hint = false} : vector<10000x128xf32>, vector<128x128xf32>, vector<10000x128xf32> -> vector<10000x128xf32>
    %get3A_6 = arith.constant 0 : index
    %get3A_7 = arith.constant 0 : index
    %get3A_8 = arith.constant 0 : index
    %get3A_9 = vector.load %arg0[%get3A_6, %get3A_7, %get3A_8] : memref<2x1x10240xf32, #tpu.memory_space<vmem>>, vector<1x1x10240xf32>
    %get3A_10 = vector.shape_cast %get3A_9 : vector<1x1x10240xf32> to vector<10240xf32>
    %get3A_11 = arith.constant 1 : index
    %get3A_12 = arith.constant 0 : index
    %get3A_13 = arith.constant 0 : index
    %get3A_14 = vector.load %arg0[%get3A_11, %get3A_12, %get3A_13] : memref<2x1x10240xf32, #tpu.memory_space<vmem>>, vector<1x1x10240xf32>
    %get3A_15 = vector.shape_cast %get3A_14 : vector<1x1x10240xf32> to vector<10240xf32>
    %add3A = arith.addf %get3A_10, %get3A_15 : vector<10240xf32>
    %slice3A = vector.extract_strided_slice %add3A {offsets = [0], sizes = [10000], strides = [1]} : vector<10240xf32> to vector<10000xf32>
    %max3A = arith.constant 1.000000e+00 : f32
    %max3A_16 = vector.broadcast %max3A : f32 to vector<10000xf32>
    %max3A_17 = arith.maximumf %slice3A, %max3A_16 : vector<10000xf32>
    %rsqrt3A = math.rsqrt %max3A_17 : vector<10000xf32>
    %broadcast_in_dim3A = vector.shape_cast %rsqrt3A : vector<10000xf32> to vector<10000x1xf32>
    %mul3A = vector.broadcast %broadcast_in_dim3A : vector<10000x1xf32> to vector<10000x128xf32>
    %mul3A_18 = arith.mulf %dot_general3A_5, %mul3A : vector<10000x128xf32>
    %swap3A = arith.constant 0 : index
    %swap3A_19 = arith.constant 0 : index
    %swap3A_20 = vector.load %arg3[%swap3A, %swap3A_19] : memref<10112x128xf32, #tpu.memory_space<vmem>>, vector<10000x128xf32>
    tpu.vector_store %arg3[%swap3A, %swap3A_19], %mul3A_18 {strides = array<i32>} : memref<10112x128xf32, #tpu.memory_space<vmem>>, vector<10000x128xf32>,
    %broadcast_in_dim3A_21 = arith.constant 0.000000e+00 : f32
    %broadcast_in_dim3A_22 = vector.broadcast %broadcast_in_dim3A_21 : f32 to vector<112x128xf32>
    %swap3A_23 = arith.constant 10000 : index
    %swap3A_24 = arith.constant 0 : index
    %swap3A_25 = vector.load %arg3[%swap3A_23, %swap3A_24] : memref<10112x128xf32, #tpu.memory_space<vmem>>, vector<112x128xf32>
    tpu.vector_store %arg3[%swap3A_23, %swap3A_24], %broadcast_in_dim3A_22 {strides = array<i32>} : memref<10112x128xf32, #tpu.memory_space<vmem>>, vector<112x128xf32>,
    return
  }
}

module attributes {stable_mosaic.version = 14 : i64} {
  func.func @_final_body(%arg0: memref<2x10112x128xf32, #tpu.memory_space<vmem>>, %arg1: memref<2x1x10240xf32, #tpu.memory_space<vmem>>, %arg2: memref<1x128xf32, #tpu.memory_space<vmem>>, %arg3: memref<10000x128xf32, #tpu.memory_space<vmem>>) attributes {dimension_semantics = [], scalar_prefetch = 0 : i64, scratch_operands = 0 : i64, tpu.core_type = #tpu.core_type<tc>} {
    %get3A = arith.constant 0 : index
    %get3A_0 = arith.constant 0 : index
    %get3A_1 = arith.constant 0 : index
    %get3A_2 = vector.load %arg0[%get3A, %get3A_0, %get3A_1] : memref<2x10112x128xf32, #tpu.memory_space<vmem>>, vector<1x10000x128xf32>
    %get3A_3 = vector.shape_cast %get3A_2 : vector<1x10000x128xf32> to vector<10000x128xf32>
    %get3A_4 = arith.constant 1 : index
    %get3A_5 = arith.constant 0 : index
    %get3A_6 = arith.constant 0 : index
    %get3A_7 = vector.load %arg0[%get3A_4, %get3A_5, %get3A_6] : memref<2x10112x128xf32, #tpu.memory_space<vmem>>, vector<1x10000x128xf32>
    %get3A_8 = vector.shape_cast %get3A_7 : vector<1x10000x128xf32> to vector<10000x128xf32>
    %add3A = arith.addf %get3A_3, %get3A_8 : vector<10000x128xf32>
    %get3A_9 = arith.constant 0 : index
    %get3A_10 = arith.constant 0 : index
    %get3A_11 = arith.constant 0 : index
    %get3A_12 = vector.load %arg1[%get3A_9, %get3A_10, %get3A_11] : memref<2x1x10240xf32, #tpu.memory_space<vmem>>, vector<1x1x10240xf32>
    %get3A_13 = vector.shape_cast %get3A_12 : vector<1x1x10240xf32> to vector<10240xf32>
    %get3A_14 = arith.constant 1 : index
    %get3A_15 = arith.constant 0 : index
    %get3A_16 = arith.constant 0 : index
    %get3A_17 = vector.load %arg1[%get3A_14, %get3A_15, %get3A_16] : memref<2x1x10240xf32, #tpu.memory_space<vmem>>, vector<1x1x10240xf32>
    %get3A_18 = vector.shape_cast %get3A_17 : vector<1x1x10240xf32> to vector<10240xf32>
    %add3A_19 = arith.addf %get3A_13, %get3A_18 : vector<10240xf32>
    %slice3A = vector.extract_strided_slice %add3A_19 {offsets = [0], sizes = [10000], strides = [1]} : vector<10240xf32> to vector<10000xf32>
    %max3A = arith.constant 1.000000e+00 : f32
    %max3A_20 = vector.broadcast %max3A : f32 to vector<10000xf32>
    %max3A_21 = arith.maximumf %slice3A, %max3A_20 : vector<10000xf32>
    %rsqrt3A = math.rsqrt %max3A_21 : vector<10000xf32>
    %broadcast_in_dim3A = vector.shape_cast %rsqrt3A : vector<10000xf32> to vector<10000x1xf32>
    %mul3A = vector.broadcast %broadcast_in_dim3A : vector<10000x1xf32> to vector<10000x128xf32>
    %mul3A_22 = arith.mulf %add3A, %mul3A : vector<10000x128xf32>
    %get3A_23 = arith.constant 0 : index
    %get3A_24 = arith.constant 0 : index
    %get3A_25 = vector.load %arg2[%get3A_23, %get3A_24] : memref<1x128xf32, #tpu.memory_space<vmem>>, vector<1x128xf32>
    %get3A_26 = vector.shape_cast %get3A_25 : vector<1x128xf32> to vector<128xf32>
    %broadcast_in_dim3A_27 = vector.shape_cast %get3A_26 : vector<128xf32> to vector<1x128xf32>
    %add3A_28 = vector.broadcast %broadcast_in_dim3A_27 : vector<1x128xf32> to vector<10000x128xf32>
    %add3A_29 = arith.addf %mul3A_22, %add3A_28 : vector<10000x128xf32>
    %swap3A = arith.constant 0 : index
    %swap3A_30 = arith.constant 0 : index
    %swap3A_31 = vector.load %arg3[%swap3A, %swap3A_30] : memref<10000x128xf32, #tpu.memory_space<vmem>>, vector<10000x128xf32>
    tpu.vector_store %arg3[%swap3A, %swap3A_30], %add3A_29 {strides = array<i32>} : memref<10000x128xf32, #tpu.memory_space<vmem>>, vector<10000x128xf32>,
    return
  }
}

</mosaic_0001>

<sc_bundles>
// kernel: kernel.6.cloned.1.call-start
scs
__scs_entry_jumppad:
0x0: {  	(pc) =	sbr.rel $0x88, $3  }
0x1: {  	(tag) =	ssettag $0x0;
	lr =	simm.s32 $0x1  }
0x2: {  	[smem:$0x3F9D] =	sst lr;
	_ =	strace $0xD0000000  }
0x3: {  	_ = 	snop  }
0x4: {  	_ = 	snop  }
0x5: {  	_ = 	snop  }
0x6: {  	_ = 	snop  }
0x7: {  	_ = 	snop  }
__scs_overlays_trampoline_lowered:
0x8: {  	[smem:$0x3FAC] =	sst s0  }
0x9: {  	[smem:$0x3FAD] =	sst s1  }
0xa: {  	[smem:$0x3FAE] =	sst s2  }
0xb: {  	[smem:$0x3FAF] =	sst s3  }
0xc: {  	[smem:$0x3FB0] =	sst s4  }
0xd: {  	[smem:$0x3FB1] =	sst s5  }
0xe: {  	[smem:$0x3FB2] =	sst s6  }
0xf: {  	[smem:$0x3FB3] =	sst s7  }
0x10: {  	[smem:$0x3FB4] =	sst s8  }
0x11: {  	[smem:$0x3FB5] =	sst s9;
	s0 =	simm.s32 @!p0 $0x0  }
0x12: {  	s1 =	sld [smem:$0x3F9B];
	s0 =	simm.s32 @p0 $0x1  }
0x13: {  	[smem:$0x3FB6] =	sst s0;
	s0 =	simm.s32 @!p1 $0x0  }
0x14: {  	s2 =	sld [smem:$0x3F9A];
	s0 =	simm.s32 @p1 $0x1  }
0x15: {  	[smem:$0x3FB7] =	sst s0;
	s0 =	simm.s32 @!p2 $0x0  }
0x16: {  	s3 =	sld [smem:$0x3FDB];
	s0 =	simm.s32 @p2 $0x1  }
0x17: {  	s4 =	simm.s32 $0x1BF5;
	[smem:$0x3FB9] =	sst s0  }
0x18: {  	s0 =	sld [smem:$0x3F9C];
	_ =	swait.ge [sflag:s4], $0x0  }
0x19: {  	s7 =	sld [smem:$0x3F9D]  }
0x1a: {  	s8 =	sadd.s32 $0xFFFFE003, lr  }
0x1b: {  	s9 =	sadd.s32 $0xFFFFFEF7, lr;
	s5 =	simm.s32 $0xFFFFFFFF;
	p2 =	slt.u32 s8, $0xFFFFF086  }
0x1c: {  	p1 =	slt.u32 s9, $0xF7A;
	s5 =	simm.s32 @!p2 $0x0  }
0x1d: {  	s5 =	simm.s32 @p1 $0x1;
	p0 =	seq.s32 s7, s2  }
0x1e: {  	s7 =	smul.u32 @!p0 $0xF7A, s2;
	p2 =	seq.s32 @!p0 s5, $0x0  }
0x1f: {  	s9 =	smul.u32 $0xF7A, s1;
	s8 =	simm.s32 @!p0 $0x1BF5;
	p2 =	por !p2, p0  }
0x20: {  	[sflag:s8] =	ssyncset.s32 @!p0 $0xFFFFF086;
	s6 =	sadd.s32 @!p0 s3, s7;
	s7 =	simm.s32 @!p0 $0x108  }
0x21: {  	s3 =	sadd.s32 s3, s9;
	s6 =	sadd.s32 @!p0 $0x88, s6;
	s7 =	simm.s32 @p2 $0x1082  }
0x22: {  	[simem:s7], [sflag:s8] =	dma.local @!p0 [hbm:s6], $0xF7A  }
0x23: {  	s9 =	sor.u32 $0xD0000000, s2;
	s6 =	simm.s32 $0x108;
	_ =	swait.ge @!p0 [sflag:s8], $0x0  }
0x24: {  	s3 =	sadd.s32 $0x88, s3;
	s6 =	simm.s32 @!p1 $0x1082;
	[sflag:s4] =	ssyncset.s32 $0xFFFFF086  }
0x25: {  	[simem:s6], [sflag:s4] =	dma.local [hbm:s3], $0xF7A  }
0x26: {  	[smem:$0x3F9D] =	sst s1;
	(tag) =	ssettag s2;
	_ =	strace s9  }
0x27: {  	s1 =	sld [smem:$0x3FAD]  }
0x28: {  	s2 =	sld [smem:$0x3FAE]  }
0x29: {  	s4 =	sld [smem:$0x3FB0]  }
0x2a: {  	p0 =	seq.s32 s5, $0x0;
	s5 =	sld [smem:$0x3FB1]  }
0x2b: {  	s6 =	sld [smem:$0x3FB2]  }
0x2c: {  	s7 =	sld [smem:$0x3FB3]  }
0x2d: {  	s3 =	simm.s32 $0x108;
	s8 =	sld [smem:$0x3FB4]  }
0x2e: {  	s3 =	simm.s32 @!p0 $0x1082;
	s9 =	sld [smem:$0x3FB5]  }
0x2f: {  	lr =	sadd.s32 s0, s3;
	s0 =	sld [smem:$0x3FAC]  }
0x30: {  	s3 =	sld [smem:$0x3FAF]  }
0x31: {  	[smem:$0x3FB8] =	sst s10  }
0x32: {  	s10 =	sld [smem:$0x3FB6];
	_ =	sdelay $0x3  }
0x33: {  	p0 =	seq.s32 s10, $0x1;
	s10 =	sld [smem:$0x3FB8];
	_ =	sdelay $0x3  }
0x34: {  	[smem:$0x3FB8] =	sst s10  }
0x35: {  	s10 =	sld [smem:$0x3FB7];
	_ =	sdelay $0x3  }
0x36: {  	p1 =	seq.s32 s10, $0x1;
	s10 =	sld [smem:$0x3FB8];
	_ =	sdelay $0x3  }
0x37: {  	[smem:$0x3FB8] =	sst s10  }
0x38: {  	s10 =	sld [smem:$0x3FB9]  }
0x39: {  	_ = 	snop;
	(pc) =	sbr.ind lr, $3  }
0x3a: {  	_ = 	snop  }
0x3b: {  	_ = 	snop  }
0x3c: {  	p2 =	seq.s32 s10, $0x1;
	s10 =	sld [smem:$0x3FB8]  }
0x3d: {  	_ =	shalt  }
0x3e: {  	_ =	shalt  }
0x3f: {  	_ =	shalt  }
0x40: {  	_ =	shalt  }
0x41: {  	_ =	shalt  }
0x42: {  	_ =	shalt  }
0x43: {  	_ =	shalt  }
0x44: {  	_ =	shalt  }
0x45: {  	_ =	shalt  }
0x46: {  	_ =	shalt  }
0x47: {  	_ =	shalt  }
0x48: {  	_ =	shalt  }
0x49: {  	_ =	shalt  }
0x4a: {  	_ =	shalt  }
0x4b: {  	_ =	shalt  }
0x4c: {  	_ =	shalt  }
0x4d: {  	_ =	shalt  }
0x4e: {  	_ =	shalt  }
0x4f: {  	_ =	shalt  }
0x50: {  	_ =	shalt  }
0x51: {  	_ =	shalt  }
0x52: {  	_ =	shalt  }
0x53: {  	_ =	shalt  }
0x54: {  	_ =	shalt  }
0x55: {  	_ =	shalt  }
0x56: {  	_ =	shalt  }
0x57: {  	_ =	shalt  }
0x58: {  	_ =	shalt  }
0x59: {  	_ =	shalt  }
0x5a: {  	_ =	shalt  }
0x5b: {  	_ =	shalt  }
0x5c: {  	_ =	shalt  }
0x5d: {  	_ =	shalt  }
0x5e: {  	_ =	shalt  }
0x5f: {  	_ =	shalt  }
0x60: {  	_ =	shalt  }
0x61: {  	_ =	shalt  }
0x62: {  	_ =	shalt  }
0x63: {  	_ =	shalt  }
0x64: {  	_ =	shalt  }
0x65: {  	_ =	shalt  }
0x66: {  	_ =	shalt  }
0x67: {  	_ =	shalt  }
0x68: {  	_ =	shalt  }
0x69: {  	_ =	shalt  }
0x6a: {  	_ =	shalt  }
0x6b: {  	_ =	shalt  }
0x6c: {  	_ =	shalt  }
0x6d: {  	_ =	shalt  }
0x6e: {  	_ =	shalt  }
0x6f: {  	_ =	shalt  }
0x70: {  	_ =	shalt  }
0x71: {  	_ =	shalt  }
0x72: {  	_ =	shalt  }
0x73: {  	_ =	shalt  }
0x74: {  	_ =	shalt  }
0x75: {  	_ =	shalt  }
0x76: {  	_ =	shalt  }
0x77: {  	_ =	shalt  }
0x78: {  	_ =	shalt  }
0x79: {  	_ =	shalt  }
0x7a: {  	_ =	shalt  }
0x7b: {  	_ =	shalt  }
0x7c: {  	_ =	shalt  }
0x7d: {  	_ =	shalt  }
0x7e: {  	_ =	shalt  }
0x7f: {  	_ =	shalt  }
0x80: {  	_ =	shalt  }
0x81: {  	_ =	shalt  }
0x82: {  	_ =	shalt  }
0x83: {  	_ =	shalt  }
0x84: {  	_ =	shalt  }
0x85: {  	_ =	shalt  }
0x86: {  	_ =	shalt  }
0x87: {  	_ =	shalt  }
.Lfunc_end0:
.L_simem_size_0:
called_computation_lowered:
.L_overlay_start_0:
0x88: {  	s2 =	sld [smem:$0x3FD9]  }
0x89: {  	s3 =	sld [smem:$0x3FFE];
	_ =	sdelay $0x1  }
0x8a: {  	s1 =	srdreg.scid  }
0x8b: {  	s0 =	sand.u32 $0x1, s1  }
0x8c: {  	s17 =	sshll.u32 s0, $0xA;
	s2 =	sadd.s32 s3, s2  }
0x8d: {  	s2 =	sadd.s32 s2, s17  }
0x8e: {  	[smem:$0x3FC4] =	sst s2  }
0x8f: {  	_ = 	snop  }
0x90: {  	s2 =	sld [smem:$0x3FD0];
	(tm) =	ssettm $0x1  }
0x91: {  	s18 =	sld [smem:$0x3FFB];
	_ =	sdelay $0x3  }
0x92: {  	_ =	strace s18  }
0x93: {  	s3 =	sld [smem:$0x3FFC];
	_ =	sdelay $0x3  }
0x94: {  	_ =	strace s3  }
0x95: {  	s3 =	sld [smem:$0x3FFD];
	_ =	sdelay $0x3  }
0x96: {  	_ =	strace s3  }
0x97: {  	_ =	strace $0x8FFFFFFF  }
0x98: {  	s19 =	sld [smem:$0x3FDB];
	_ =	sdelay $0x1  }
0x99: {  	s4 =	simm.s32 $_scs_section_size  }
0x9a: {  	s5 =	simm.s32 $_size__tile_overlayer_lowered;
	s6 =	simm.s32 $_tile_overlayer_lowered  }
0x9b: {  	s22 =	simm.s32 $0x1BFF;
	s21 =	sshll.u32 s6, $0x1;
	s3 =	sadd.s32 s4, s19  }
0x9c: {  	s7 =	simm.s32 $0x0;
	s20 =	sshll.u32 s5, $0x1;
	s5 =	sadd.s32 s21, s3  }
0x9d: {  	[timem:s7], [sflag:s22] =	dma.local [hbm:s5], s20  }
0x9e: {  	_ =	swait.ge [sflag:s22], s20  }
0x9f: {  	s4 =	ssub.s32 $0x0, s20;
	[sflag:s22] =	ssyncset.done $0x0  }
0xa0: {  	[sflag:s22] =	ssyncadd.s32 s4;
	_ =	sdelay $0x1  }
0xa1: {  	s23 =	simm.s32 $0x1B8B  }
0xa2: {  	_ =	swait.ge [sflag:s23], $0x1  }
0xa3: {  	[sflag:s23] =	ssyncset.done $0x0  }
0xa4: {  	s25 =	simm.s32 $0x1B8E;
	s24 =	sld [smem:$0x3FFE];
	[sflag:s23] =	ssyncadd.s32 $0xFFFFFFFF  }
0xa5: {  	s26 =	simm.s32 $execute0_lowered;
	[smem:$0x3FD2] =	sst s25  }
0xa6: {  	s5 =	sshll.u32 s26, $0x1;
	_ =	strace $0x80000046;
	[dreg:$0x1] =	wrdreg $0xFFFFFFFF  }
0xa7: {  	s28 =	simm.s32 $_size_execute0_lowered;
	s3 =	sadd.s32 s3, s5;
	[dreg:$0x0] =	wrdreg $0x0  }
0xa8: {  	s5 =	sshll.u32 s28, $0x1;
	[dreg:$0x2] =	wrdreg s3  }
0xa9: {  	[dreg:$0x3] =	wrdreg s5  }
0xaa: {  	[dreg:$0x4] =	wrdreg $0xC0  }
0xab: {  	_ =	task [dreg:s7], $0x5FFFF  }
0xac: {  	[dreg:$0x1] =	wrdreg $0xFFFFFFFF  }
0xad: {  	[dreg:$0x0] =	wrdreg $0x60  }
0xae: {  	[dreg:$0x2] =	wrdreg s24  }
0xaf: {  	[dreg:$0x3] =	wrdreg s2  }
0xb0: {  	[dreg:$0x4] =	wrdreg $0x0  }
0xb1: {  	[dreg:$0x5] =	wrdreg $0x9  }
0xb2: {  	_ =	task.clear_ibuf [dreg:s7], $0x6FFFF;
	_ =	strace $0x90000046  }
0xb3: {  	s29 =	simm.s32 $0x9;
	_ =	strace $0x80000048  }
0xb4: {  	_ =	swait.ge [sflag:s29], $0x1  }
0xb5: {  	[sflag:s29] =	ssyncadd.s32 $0xFFFFFFFF  }
0xb6: {  	_ =	strace $0x90000048  }
0xb7: {  	_ =	sfence  }
0xb8: {  	s30 =	sld [smem:$0x0];
	_ =	sdelay $0x2  }
0xb9: {  	s31 =	sshll.u32 s1, $0xD;
	s1 =	sshrl.u32 s1, $0x2  }
0xba: {  	s3 =	sand.u32 $0x4000, s31;
	s1 =	sadd.s32 s1, s30  }
0xbb: {  	s0 =	sor.u32 s3, s0;
	s1 =	sshll.u32 s1, $0x11  }
0xbc: {  	s0 =	sor.u32 s1, s0  }
0xbd: {  	s0 =	sadd.s32 $0x8F2B, s0  }
0xbe: {  	[sflag:s0] =	ssyncadd.remote.s32 $0x1  }
0xbf: {  	_ =	sfence.sel $0xFFFF  }
0xc0: {  	[dreg:$0x0] =	wrdreg $0xFFFFFFFF;
	(pc) =	sbr.abs _section_cstart, $3  }
0xc1: {  	[dreg:$0x1] =	wrdreg $0xFFFFFFFF  }
0xc2: {  	_ =	task.clear_ibuf [dreg:s7], $0x2FFFF;
	_ =	strace $0x9FFFFFFF  }
0xc3: {  	(tm) =	ssettm $0x7FFFFFFF  }
tec
execute0_lowered:
.L_overlay_start_1:
0x0: {  	(tag) =	ssettag $0x1  }
0x1: {  	s4 =	rddreg [dreg:$0x0]  }
0x2: {  	s5 =	rddreg [dreg:$0x1]  }
0x3: {  	s0 =	srdreg.scid;
	s7 =	rddreg [dreg:$0x2];
	s2 =	simm.s32 $0x0  }
0x4: {  	s12 =	simm.s32 $0xA000;
	s13 =	simm.s32 $0x2800;
	s14 =	simm.s32 $0x5000  }
0x5: {  	s15 =	simm.s32 $0x80;
	s16 =	simm.s32 $0x400;
	s17 =	simm.s32 $0xCA80  }
0x6: {  	s18 =	simm.s32 $0xC800;
	s3 =	sand.u32 $0x1, s0;
	s0 =	stileid.u32  }
0x7: {  	s19 =	simm.s32 $0x0;
	[smem:$0x7FF] =	sst s2;
	s8 =	smul.u32 $0x280, s0  }
0x8: {  	s1 =	sshll.u32 s3, $0x4;
	s9 =	smul.u32 $0x2800, s3;
	s3 =	ssub.s32 $0x2, s3  }
0x9: {  	s25 =	sshrl.u32 s0, $0x3;
	s28 =	smul.u32 $0x5000, s0;
	s1 =	sor.u32 s0, s1  }
0xa: {  	s29 =	sshll.u32 s0, $0x7;
	s26 =	sshrl.u32 s3, $0x1;
	s6 =	smul.u32 $0x500, s1  }
0xb: {  	s1 =	rddreg [dreg:$0x3];
	_ =	strace $0x80000047;
	s8 =	sadd.s32 s8, s9  }
0xc: {  	s9 =	smul.u32 $0x50000, s25;
	s11 =	ssub.s32 s3, s26;
	s8 =	sshrl.u32 s8, $0x3  }
0xd: {  	s31 =	sshrl.u32 s28, $0x2;
	s10 =	sadd.s32 s6, s4;
	s8 =	sadd.s32 s8, s4  }
0xe: {  	s4 =	sadd.s32 s5, s6;
	s30 =	sshrl.u32 s9, $0x2;
	s5 =	sand.u32 $0x380, s29  }
0xf: {  	s9 =	smax.u32 s11, $0x1;
	s11 =	simm.s32 $0x1;
	s6 =	sadd.s32 s30, s7  }
0x10: {  	s3 =	sadd.s32 $0x1A00, s10;
	s10 =	simm.s32 $0x7800;
	s5 =	sadd.s32 s5, s6  }
0x11: {  	v0 =	vimm.f32 $0.0e+00;
	s6 =	sadd.s32 s31, s7;
	s7 =	sadd.s32 $0xBA00, s8;
	s8 =	sadd.s32 $0xC400, s8  }
.LBB2_1:
0x12: {  	[tilespmem:s10], [sflag:$0x1] =	stream.linear.gather [hbm4b:s3+s2], $0x2800, $0x38;
	[tilespmem:$0xCD00] =	vst v63  }
0x13: {  	_ =	swait.ge [sflag:s11], $0x2800  }
0x14: {  	[sflag:s11] =	ssyncset.done $0x0  }
0x15: {  	[sflag:s11] =	ssyncadd.s32 $0xFFFFD800  }
0x16: {  	[tilespmem:s12], [sflag:$0x1] =	stream.linear.gather [hbm4b:s4+s2], $0x2800, $0x38;
	[tilespmem:$0xCD00] =	vst v63  }
0x17: {  	_ =	swait.ge [sflag:s11], $0x2800  }
0x18: {  	[sflag:s11] =	ssyncset.done $0x0  }
0x19: {  	s20 =	simm.s32 $0x0;
	[sflag:s11] =	ssyncadd.s32 $0xFFFFD800  }
.LBB2_2:
0x1a: {  	p0 =	sne.s32 s20, $0x9FC0  }
.Ltmp0:
0x1b: {  	_ = 	snop;
	(pc) =	sbr.rel @p0 .LBB2_2-.Ltmp0, $4  }
0x1c: {  	_ = 	snop  }
0x1d: {  	s21 =	sshra.s32 s20, $0x2  }
0x1e: {  	[tilespmem:s21+$0x2800] =	vst v0  }
0x1f: {  	s20 =	sadd.s32 $0x40, s20;
	[tilespmem:s21+$0x5000] =	vst v0  }
0x20: {  	s21 =	simm.s32 $0x0;
	s20 =	simm.s32 $0x40  }
.LBB2_4:
0x21: {  	p0 =	sne.s32 s20, $0x9FC0;
	v1 =	vld [tilespmem:s21+$0x7800];
	_ =	sdelay $0x4  }
0x22: {  	(xrf1) =	vunique.msk.u32 $0xffff, v1;
	_ =	sdelay $0xd  }
0x23: {  	_, v2, vm0 =	vpop (xrf1);
	_ =	sdelay $0x3  }
0x24: {  	v2 =	vcvt.s32.f32 v2;
	_ =	sdelay $0x1  }
0x25: {  	[tilespmem:v1+s13+$0x0] =	vst.idx.add.f32.msk vm0, v2  }
0x26: {  	v1 =	vld [tilespmem:s21+$0xA000];
	_ =	sdelay $0x4  }
0x27: {  	(xrf1) =	vunique.msk.u32 $0xffff, v1;
	_ =	sdelay $0xd  }
0x28: {  	_, v2, vm0 =	vpop (xrf1);
	_ =	sdelay $0x1  }
.Ltmp1:
0x29: {  	(pc) =	sbr.rel @p0 .LBB2_4-.Ltmp1, $3  }
0x2a: {  	_ = 	snop  }
0x2b: {  	v2 =	vcvt.s32.f32 v2;
	_ =	sdelay $0x1  }
0x2c: {  	s21 =	sshra.s32 s20, $0x2;
	s20 =	sadd.s32 $0x40, s20;
	[tilespmem:v1+s14+$0x0] =	vst.idx.add.f32.msk vm0, v2  }
0x2d: {  	v1 =	vld [tilespmem:s21+$0x7800];
	_ =	sdelay $0x4  }
0x2e: {  	(xrf1) =	vunique.msk.u32 $0xffff, v1;
	_ =	sdelay $0xd  }
0x2f: {  	_, v2, vm0 =	vpop (xrf1);
	_ =	sdelay $0x3  }
0x30: {  	v2 =	vcvt.s32.f32 v2;
	_ =	sdelay $0x1  }
0x31: {  	[tilespmem:v1+s13+$0x0] =	vst.idx.add.f32.msk vm0, v2  }
0x32: {  	v1 =	vld [tilespmem:s21+$0xA000];
	_ =	sdelay $0x4  }
0x33: {  	(xrf1) =	vunique.msk.u32 $0xffff, v1;
	_ =	sdelay $0xd  }
0x34: {  	_, v2, vm0 =	vpop (xrf1);
	_ =	sdelay $0x3  }
0x35: {  	v2 =	vcvt.s32.f32 v2;
	_ =	sdelay $0x1  }
0x36: {  	s20 =	simm.s32 $0x1;
	[tilespmem:v1+s14+$0x0] =	vst.idx.add.f32.msk vm0, v2  }
0x37: {  	[spmem:s5] =	stream.strided.scatter [tilespmem:s13], [sflag:$0x1], $0x2800, s16, s15, $0x38;
	[tilespmem:$0xCD00] =	vst v63  }
0x38: {  	_ =	swait.ge [sflag:s20], $0x2800  }
0x39: {  	[sflag:s20] =	ssyncset.done $0x0  }
0x3a: {  	[sflag:s20] =	ssyncadd.s32 $0xFFFFD800  }
0x3b: {  	[bflag:$0x0] =	sbarrier.arrive $0xFFFF  }
0x3c: {  	[tilespmem:s17], [sflag:$0x1] =	stream.strided.gather [spmem:s6], $0x280, s16, s15, $0x38;
	[tilespmem:$0xCD00] =	vst v63  }
0x3d: {  	_ =	swait.ge [sflag:s20], $0x280  }
0x3e: {  	[sflag:s20] =	ssyncset.done $0x0  }
0x3f: {  	[sflag:s20] =	ssyncadd.s32 $0xFFFFFD80  }
.LBB2_6:
0x40: {  	s21 =	sshrl.u32 s20, $0x3  }
0x41: {  	s21 =	smul.u32 $0x50000, s21;
	_ =	sdelay $0x1  }
0x42: {  	s22 =	sshll.u32 s20, $0x7;
	s21 =	sshra.s32 s21, $0x2  }
0x43: {  	s22 =	sand.u32 $0x380, s22;
	s21 =	sadd.s32 s21, s6  }
0x44: {  	s21 =	sadd.s32 s22, s21  }
0x45: {  	[tilespmem:s18], [sflag:$0x1] =	stream.strided.gather [spmem:s21], $0x280, s16, s15, $0x38;
	[tilespmem:$0xCD00] =	vst v63  }
0x46: {  	_ =	swait.ge [sflag:s11], $0x280  }
0x47: {  	[sflag:s11] =	ssyncset.done $0x0  }
0x48: {  	s21 =	simm.s32 $0x0;
	[sflag:s11] =	ssyncadd.s32 $0xFFFFFD80  }
0x49: {  	s22 =	simm.s32 $0x40;
	v1 =	vld [tilespmem:s21+$0xC800]  }
.LBB2_7:
0x4a: {  	p0 =	sne.s32 s22, $0x9C0;
	v2 =	vld [tilespmem:s21+$0xCA80];
	_ =	sdelay $0x2  }
.Ltmp2:
0x4b: {  	(pc) =	sbr.rel @p0 .LBB2_7-.Ltmp2, $4  }
0x4c: {  	_ = 	snop  }
0x4d: {  	v2 =	vadd.f32 v1, v2  }
0x4e: {  	s23 =	sshra.s32 s22, $0x2  }
0x4f: {  	s22 =	sadd.s32 $0x40, s22;
	v1 =	vld [tilespmem:s23+$0xC800];
	[tilespmem:s21+$0xCA80] =	vst v2;
	s21 =	smov.u32 s23  }
0x50: {  	v2 =	vld [tilespmem:s21+$0xCA80]  }
0x51: {  	s20 =	sadd.s32 $0x1, s20  }
0x52: {  	p0 =	sne.s32 s20, $0x10  }
.Ltmp3:
0x53: {  	_ = 	snop;
	(pc) =	sbr.rel @p0 .LBB2_6-.Ltmp3, $3  }
0x54: {  	_ = 	snop  }
0x55: {  	v1 =	vadd.f32 v1, v2;
	_ =	sdelay $0x1  }
0x56: {  	[tilespmem:s21+$0xCA80] =	vst v1  }
0x57: {  	[hbm4b:s7+s2] =	stream.linear.scatter [tilespmem:s17], [sflag:$0x1], $0x280, $0x38;
	[tilespmem:$0xCD00] =	vst v63  }
0x58: {  	s20 =	simm.s32 $0x1  }
0x59: {  	_ =	swait.ge [sflag:s20], $0x280  }
0x5a: {  	[sflag:s20] =	ssyncset.done $0x0  }
0x5b: {  	[sflag:s20] =	ssyncadd.s32 $0xFFFFFD80  }
0x5c: {  	[bflag:$0x0] =	sbarrier.arrive $0xFFFF  }
0x5d: {  	[spmem:s5] =	stream.strided.scatter [tilespmem:s14], [sflag:$0x1], $0x2800, s16, s15, $0x38;
	[tilespmem:$0xCD00] =	vst v63  }
0x5e: {  	_ =	swait.ge [sflag:s20], $0x2800  }
0x5f: {  	[sflag:s20] =	ssyncset.done $0x0  }
0x60: {  	[sflag:s20] =	ssyncadd.s32 $0xFFFFD800  }
0x61: {  	[bflag:$0x0] =	sbarrier.arrive $0xFFFF  }
0x62: {  	[tilespmem:s17], [sflag:$0x1] =	stream.strided.gather [spmem:s6], $0x280, s16, s15, $0x38;
	[tilespmem:$0xCD00] =	vst v63  }
0x63: {  	_ =	swait.ge [sflag:s20], $0x280  }
0x64: {  	[sflag:s20] =	ssyncset.done $0x0  }
0x65: {  	[sflag:s20] =	ssyncadd.s32 $0xFFFFFD80  }
.LBB2_10:
0x66: {  	s21 =	sshrl.u32 s20, $0x3  }
0x67: {  	s21 =	smul.u32 $0x50000, s21;
	_ =	sdelay $0x1  }
0x68: {  	s22 =	sshll.u32 s20, $0x7;
	s21 =	sshra.s32 s21, $0x2  }
0x69: {  	s22 =	sand.u32 $0x380, s22;
	s21 =	sadd.s32 s21, s6  }
0x6a: {  	s21 =	sadd.s32 s22, s21  }
0x6b: {  	[tilespmem:s18], [sflag:$0x1] =	stream.strided.gather [spmem:s21], $0x280, s16, s15, $0x38;
	[tilespmem:$0xCD00] =	vst v63  }
0x6c: {  	_ =	swait.ge [sflag:s11], $0x280  }
0x6d: {  	[sflag:s11] =	ssyncset.done $0x0  }
0x6e: {  	s21 =	simm.s32 $0x0;
	[sflag:s11] =	ssyncadd.s32 $0xFFFFFD80  }
0x6f: {  	s22 =	simm.s32 $0x40;
	v1 =	vld [tilespmem:s21+$0xC800]  }
.LBB2_11:
0x70: {  	p0 =	sne.s32 s22, $0x9C0;
	v2 =	vld [tilespmem:s21+$0xCA80];
	_ =	sdelay $0x2  }
.Ltmp4:
0x71: {  	(pc) =	sbr.rel @p0 .LBB2_11-.Ltmp4, $4  }
0x72: {  	_ = 	snop  }
0x73: {  	v2 =	vadd.f32 v1, v2  }
0x74: {  	s23 =	sshra.s32 s22, $0x2  }
0x75: {  	s22 =	sadd.s32 $0x40, s22;
	v1 =	vld [tilespmem:s23+$0xC800];
	[tilespmem:s21+$0xCA80] =	vst v2;
	s21 =	smov.u32 s23  }
0x76: {  	v2 =	vld [tilespmem:s21+$0xCA80]  }
0x77: {  	s20 =	sadd.s32 $0x1, s20  }
0x78: {  	p0 =	sne.s32 s20, $0x10  }
.Ltmp5:
0x79: {  	_ = 	snop;
	(pc) =	sbr.rel @p0 .LBB2_10-.Ltmp5, $3  }
0x7a: {  	_ = 	snop  }
0x7b: {  	v1 =	vadd.f32 v1, v2;
	_ =	sdelay $0x1  }
0x7c: {  	[tilespmem:s21+$0xCA80] =	vst v1  }
0x7d: {  	[hbm4b:s8+s2] =	stream.linear.scatter [tilespmem:s17], [sflag:$0x1], $0x280, $0x38;
	[tilespmem:$0xCD00] =	vst v63  }
0x7e: {  	s19 =	sadd.s32 $0x1, s19  }
0x7f: {  	p0 =	sne.s32 s19, s9  }
.Ltmp6:
0x80: {  	_ =	swait.ge [sflag:s11], $0x280;
	(pc) =	sbr.rel @p0 .LBB2_1-.Ltmp6, $3  }
0x81: {  	[sflag:s11] =	ssyncset.done $0x0  }
0x82: {  	[sflag:s11] =	ssyncadd.s32 $0xFFFFFD80  }
0x83: {  	[bflag:$0x0] =	sbarrier.arrive $0xFFFF;
	_ =	sdelay $0x1  }
0x84: {  	_ =	sfence.sel $0x180000  }
0x85: {  	[bflag:$0x0] =	sbarrier.arrive $0xFFFF  }
0x86: {  	p0 =	sne.s32 s0, $0x0;
	_ =	strace $0x90000047  }
0x87: {  	s0 =	sadd.s32 @!p0 $0x100000, s1;
	[bflag:$0x2] =	sbarrier.arrive $0xFFFF  }
0x88: {  	[sflag:s0] =	ssyncadd.tile.s32 @!p0 $0x1;
	_ =	shalt  }
.Lfunc_end2:
_tile_overlayer_lowered:
.L_overlay_start_2:
0x89: {  	(tag) =	ssettag $0x2  }
0x8a: {  	s0 =	rddreg [dreg:$0x0];
	s2 =	stileid.u32  }
0x8b: {  	s1 =	rddreg [dreg:$0x1];
	p0 =	sne.s32 s2, $0x0  }
0x8c: {  	s3 =	rddreg [dreg:$0x2];
	[bflag:$0x3] =	sbarrier.arrive $0xFFFF;
	s2 =	simm.s32 @!p0 $0x1C01  }
0x8d: {  	[timem:s3], [sflag:s2] =	dma.local @!p0 [hbm:s0], s1  }
0x8e: {  	s0 =	simm.s32 @!p0 $0x1  }
0x8f: {  	_ =	swait.ge @!p0 [sflag:s0], s1  }
0x90: {  	s1 =	ssub.s32 @!p0 $0x0, s1;
	[sflag:s0] =	ssyncset.done @!p0 $0x0  }
0x91: {  	[sflag:s0] =	ssyncadd.s32 @!p0 s1  }
0x92: {  	[bflag:$0x3] =	sbarrier.arrive $0xFFFF  }
0x93: {  	_ =	shalt  }

// kernel: kernel.9.cloned.1.call-start
scs
__scs_entry_jumppad:
0x0: {  	(pc) =	sbr.rel $0x88, $3  }
0x1: {  	(tag) =	ssettag $0x0;
	lr =	simm.s32 $0x1  }
0x2: {  	[smem:$0x3F9D] =	sst lr;
	_ =	strace $0xD0000000  }
0x3: {  	_ = 	snop  }
0x4: {  	_ = 	snop  }
0x5: {  	_ = 	snop  }
0x6: {  	_ = 	snop  }
0x7: {  	_ = 	snop  }
__scs_overlays_trampoline_lowered:
0x8: {  	[smem:$0x3FAC] =	sst s0  }
0x9: {  	[smem:$0x3FAD] =	sst s1  }
0xa: {  	[smem:$0x3FAE] =	sst s2  }
0xb: {  	[smem:$0x3FAF] =	sst s3  }
0xc: {  	[smem:$0x3FB0] =	sst s4  }
0xd: {  	[smem:$0x3FB1] =	sst s5  }
0xe: {  	[smem:$0x3FB2] =	sst s6  }
0xf: {  	[smem:$0x3FB3] =	sst s7  }
0x10: {  	[smem:$0x3FB4] =	sst s8  }
0x11: {  	[smem:$0x3FB5] =	sst s9;
	s0 =	simm.s32 @!p0 $0x0  }
0x12: {  	s1 =	sld [smem:$0x3F9B];
	s0 =	simm.s32 @p0 $0x1  }
0x13: {  	[smem:$0x3FB6] =	sst s0;
	s0 =	simm.s32 @!p1 $0x0  }
0x14: {  	s2 =	sld [smem:$0x3F9A];
	s0 =	simm.s32 @p1 $0x1  }
0x15: {  	[smem:$0x3FB7] =	sst s0;
	s0 =	simm.s32 @!p2 $0x0  }
0x16: {  	s3 =	sld [smem:$0x3FDB];
	s0 =	simm.s32 @p2 $0x1  }
0x17: {  	s4 =	simm.s32 $0x1BF5;
	[smem:$0x3FB9] =	sst s0  }
0x18: {  	s0 =	sld [smem:$0x3F9C];
	_ =	swait.ge [sflag:s4], $0x0  }
0x19: {  	s7 =	sld [smem:$0x3F9D]  }
0x1a: {  	s8 =	sadd.s32 $0xFFFFE003, lr  }
0x1b: {  	s9 =	sadd.s32 $0xFFFFFEF7, lr;
	s5 =	simm.s32 $0xFFFFFFFF;
	p2 =	slt.u32 s8, $0xFFFFF086  }
0x1c: {  	p1 =	slt.u32 s9, $0xF7A;
	s5 =	simm.s32 @!p2 $0x0  }
0x1d: {  	s5 =	simm.s32 @p1 $0x1;
	p0 =	seq.s32 s7, s2  }
0x1e: {  	s7 =	smul.u32 @!p0 $0xF7A, s2;
	p2 =	seq.s32 @!p0 s5, $0x0  }
0x1f: {  	s9 =	smul.u32 $0xF7A, s1;
	s8 =	simm.s32 @!p0 $0x1BF5;
	p2 =	por !p2, p0  }
0x20: {  	[sflag:s8] =	ssyncset.s32 @!p0 $0xFFFFF086;
	s6 =	sadd.s32 @!p0 s3, s7;
	s7 =	simm.s32 @!p0 $0x108  }
0x21: {  	s3 =	sadd.s32 s3, s9;
	s6 =	sadd.s32 @!p0 $0x88, s6;
	s7 =	simm.s32 @p2 $0x1082  }
0x22: {  	[simem:s7], [sflag:s8] =	dma.local @!p0 [hbm:s6], $0xF7A  }
0x23: {  	s9 =	sor.u32 $0xD0000000, s2;
	s6 =	simm.s32 $0x108;
	_ =	swait.ge @!p0 [sflag:s8], $0x0  }
0x24: {  	s3 =	sadd.s32 $0x88, s3;
	s6 =	simm.s32 @!p1 $0x1082;
	[sflag:s4] =	ssyncset.s32 $0xFFFFF086  }
0x25: {  	[simem:s6], [sflag:s4] =	dma.local [hbm:s3], $0xF7A  }
0x26: {  	[smem:$0x3F9D] =	sst s1;
	(tag) =	ssettag s2;
	_ =	strace s9  }
0x27: {  	s1 =	sld [smem:$0x3FAD]  }
0x28: {  	s2 =	sld [smem:$0x3FAE]  }
0x29: {  	s4 =	sld [smem:$0x3FB0]  }
0x2a: {  	p0 =	seq.s32 s5, $0x0;
	s5 =	sld [smem:$0x3FB1]  }
0x2b: {  	s6 =	sld [smem:$0x3FB2]  }
0x2c: {  	s7 =	sld [smem:$0x3FB3]  }
0x2d: {  	s3 =	simm.s32 $0x108;
	s8 =	sld [smem:$0x3FB4]  }
0x2e: {  	s3 =	simm.s32 @!p0 $0x1082;
	s9 =	sld [smem:$0x3FB5]  }
0x2f: {  	lr =	sadd.s32 s0, s3;
	s0 =	sld [smem:$0x3FAC]  }
0x30: {  	s3 =	sld [smem:$0x3FAF]  }
0x31: {  	[smem:$0x3FB8] =	sst s10  }
0x32: {  	s10 =	sld [smem:$0x3FB6];
	_ =	sdelay $0x3  }
0x33: {  	p0 =	seq.s32 s10, $0x1;
	s10 =	sld [smem:$0x3FB8];
	_ =	sdelay $0x3  }
0x34: {  	[smem:$0x3FB8] =	sst s10  }
0x35: {  	s10 =	sld [smem:$0x3FB7];
	_ =	sdelay $0x3  }
0x36: {  	p1 =	seq.s32 s10, $0x1;
	s10 =	sld [smem:$0x3FB8];
	_ =	sdelay $0x3  }
0x37: {  	[smem:$0x3FB8] =	sst s10  }
0x38: {  	s10 =	sld [smem:$0x3FB9]  }
0x39: {  	_ = 	snop;
	(pc) =	sbr.ind lr, $3  }
0x3a: {  	_ = 	snop  }
0x3b: {  	_ = 	snop  }
0x3c: {  	p2 =	seq.s32 s10, $0x1;
	s10 =	sld [smem:$0x3FB8]  }
0x3d: {  	_ =	shalt  }
0x3e: {  	_ =	shalt  }
0x3f: {  	_ =	shalt  }
0x40: {  	_ =	shalt  }
0x41: {  	_ =	shalt  }
0x42: {  	_ =	shalt  }
0x43: {  	_ =	shalt  }
0x44: {  	_ =	shalt  }
0x45: {  	_ =	shalt  }
0x46: {  	_ =	shalt  }
0x47: {  	_ =	shalt  }
0x48: {  	_ =	shalt  }
0x49: {  	_ =	shalt  }
0x4a: {  	_ =	shalt  }
0x4b: {  	_ =	shalt  }
0x4c: {  	_ =	shalt  }
0x4d: {  	_ =	shalt  }
0x4e: {  	_ =	shalt  }
0x4f: {  	_ =	shalt  }
0x50: {  	_ =	shalt  }
0x51: {  	_ =	shalt  }
0x52: {  	_ =	shalt  }
0x53: {  	_ =	shalt  }
0x54: {  	_ =	shalt  }
0x55: {  	_ =	shalt  }
0x56: {  	_ =	shalt  }
0x57: {  	_ =	shalt  }
0x58: {  	_ =	shalt  }
0x59: {  	_ =	shalt  }
0x5a: {  	_ =	shalt  }
0x5b: {  	_ =	shalt  }
0x5c: {  	_ =	shalt  }
0x5d: {  	_ =	shalt  }
0x5e: {  	_ =	shalt  }
0x5f: {  	_ =	shalt  }
0x60: {  	_ =	shalt  }
0x61: {  	_ =	shalt  }
0x62: {  	_ =	shalt  }
0x63: {  	_ =	shalt  }
0x64: {  	_ =	shalt  }
0x65: {  	_ =	shalt  }
0x66: {  	_ =	shalt  }
0x67: {  	_ =	shalt  }
0x68: {  	_ =	shalt  }
0x69: {  	_ =	shalt  }
0x6a: {  	_ =	shalt  }
0x6b: {  	_ =	shalt  }
0x6c: {  	_ =	shalt  }
0x6d: {  	_ =	shalt  }
0x6e: {  	_ =	shalt  }
0x6f: {  	_ =	shalt  }
0x70: {  	_ =	shalt  }
0x71: {  	_ =	shalt  }
0x72: {  	_ =	shalt  }
0x73: {  	_ =	shalt  }
0x74: {  	_ =	shalt  }
0x75: {  	_ =	shalt  }
0x76: {  	_ =	shalt  }
0x77: {  	_ =	shalt  }
0x78: {  	_ =	shalt  }
0x79: {  	_ =	shalt  }
0x7a: {  	_ =	shalt  }
0x7b: {  	_ =	shalt  }
0x7c: {  	_ =	shalt  }
0x7d: {  	_ =	shalt  }
0x7e: {  	_ =	shalt  }
0x7f: {  	_ =	shalt  }
0x80: {  	_ =	shalt  }
0x81: {  	_ =	shalt  }
0x82: {  	_ =	shalt  }
0x83: {  	_ =	shalt  }
0x84: {  	_ =	shalt  }
0x85: {  	_ =	shalt  }
0x86: {  	_ =	shalt  }
0x87: {  	_ =	shalt  }
.Lfunc_end0:
.L_simem_size_0:
called_computation.1_lowered:
.L_overlay_start_0:
0x88: {  	s2 =	sld [smem:$0x3FD9]  }
0x89: {  	s3 =	sld [smem:$0x3FFE];
	_ =	sdelay $0x1  }
0x8a: {  	s1 =	srdreg.scid  }
0x8b: {  	s0 =	sand.u32 $0x1, s1  }
0x8c: {  	s17 =	sshll.u32 s0, $0xA;
	s2 =	sadd.s32 s3, s2  }
0x8d: {  	s2 =	sadd.s32 s2, s17  }
0x8e: {  	[smem:$0x3FC4] =	sst s2  }
0x8f: {  	_ = 	snop  }
0x90: {  	s2 =	sld [smem:$0x3FD0];
	(tm) =	ssettm $0x1  }
0x91: {  	s18 =	sld [smem:$0x3FFB];
	_ =	sdelay $0x3  }
0x92: {  	_ =	strace s18  }
0x93: {  	s3 =	sld [smem:$0x3FFC];
	_ =	sdelay $0x3  }
0x94: {  	_ =	strace s3  }
0x95: {  	s3 =	sld [smem:$0x3FFD];
	_ =	sdelay $0x3  }
0x96: {  	_ =	strace s3  }
0x97: {  	_ =	strace $0x8FFFFFFF  }
0x98: {  	s19 =	sld [smem:$0x3FDB];
	_ =	sdelay $0x1  }
0x99: {  	s4 =	simm.s32 $_scs_section_size  }
0x9a: {  	s5 =	simm.s32 $_size__tile_overlayer_lowered;
	s6 =	simm.s32 $_tile_overlayer_lowered  }
0x9b: {  	s22 =	simm.s32 $0x1BFF;
	s21 =	sshll.u32 s6, $0x1;
	s3 =	sadd.s32 s4, s19  }
0x9c: {  	s7 =	simm.s32 $0x0;
	s20 =	sshll.u32 s5, $0x1;
	s5 =	sadd.s32 s21, s3  }
0x9d: {  	[timem:s7], [sflag:s22] =	dma.local [hbm:s5], s20  }
0x9e: {  	_ =	swait.ge [sflag:s22], s20  }
0x9f: {  	s4 =	ssub.s32 $0x0, s20;
	[sflag:s22] =	ssyncset.done $0x0  }
0xa0: {  	[sflag:s22] =	ssyncadd.s32 s4;
	_ =	sdelay $0x1  }
0xa1: {  	s23 =	simm.s32 $0x1B8B  }
0xa2: {  	_ =	swait.ge [sflag:s23], $0x1  }
0xa3: {  	[sflag:s23] =	ssyncset.done $0x0  }
0xa4: {  	s25 =	simm.s32 $0x1B8E;
	s24 =	sld [smem:$0x3FFE];
	[sflag:s23] =	ssyncadd.s32 $0xFFFFFFFF  }
0xa5: {  	s26 =	simm.s32 $execute0_lowered;
	[smem:$0x3FD2] =	sst s25  }
0xa6: {  	s5 =	sshll.u32 s26, $0x1;
	_ =	strace $0x80000049;
	[dreg:$0x1] =	wrdreg $0xFFFFFFFF  }
0xa7: {  	s28 =	simm.s32 $_size_execute0_lowered;
	s3 =	sadd.s32 s3, s5;
	[dreg:$0x0] =	wrdreg $0x0  }
0xa8: {  	s5 =	sshll.u32 s28, $0x1;
	[dreg:$0x2] =	wrdreg s3  }
0xa9: {  	[dreg:$0x3] =	wrdreg s5  }
0xaa: {  	[dreg:$0x4] =	wrdreg $0xC0  }
0xab: {  	_ =	task [dreg:s7], $0x5FFFF  }
0xac: {  	[dreg:$0x1] =	wrdreg $0xFFFFFFFF  }
0xad: {  	[dreg:$0x0] =	wrdreg $0x60  }
0xae: {  	[dreg:$0x2] =	wrdreg s24  }
0xaf: {  	[dreg:$0x3] =	wrdreg s2  }
0xb0: {  	[dreg:$0x4] =	wrdreg $0x0  }
0xb1: {  	[dreg:$0x5] =	wrdreg $0x9  }
0xb2: {  	_ =	task.clear_ibuf [dreg:s7], $0x6FFFF;
	_ =	strace $0x90000049  }
0xb3: {  	s29 =	simm.s32 $0x9;
	_ =	strace $0x8000004B  }
0xb4: {  	_ =	swait.ge [sflag:s29], $0x1  }
0xb5: {  	[sflag:s29] =	ssyncadd.s32 $0xFFFFFFFF  }
0xb6: {  	_ =	strace $0x9000004B  }
0xb7: {  	_ =	sfence  }
0xb8: {  	s30 =	sld [smem:$0x0];
	_ =	sdelay $0x2  }
0xb9: {  	s31 =	sshll.u32 s1, $0xD;
	s1 =	sshrl.u32 s1, $0x2  }
0xba: {  	s3 =	sand.u32 $0x4000, s31;
	s1 =	sadd.s32 s1, s30  }
0xbb: {  	s0 =	sor.u32 s3, s0;
	s1 =	sshll.u32 s1, $0x11  }
0xbc: {  	s0 =	sor.u32 s1, s0  }
0xbd: {  	s0 =	sadd.s32 $0x8F2B, s0  }
0xbe: {  	[sflag:s0] =	ssyncadd.remote.s32 $0x1  }
0xbf: {  	_ =	sfence.sel $0xFFFF  }
0xc0: {  	[dreg:$0x0] =	wrdreg $0xFFFFFFFF;
	(pc) =	sbr.abs _section_cstart, $3  }
0xc1: {  	[dreg:$0x1] =	wrdreg $0xFFFFFFFF  }
0xc2: {  	_ =	task.clear_ibuf [dreg:s7], $0x2FFFF;
	_ =	strace $0x9FFFFFFF  }
0xc3: {  	(tm) =	ssettm $0x7FFFFFFF  }
tec
execute0_lowered:
.L_overlay_start_1:
0x0: {  	(tag) =	ssettag $0x1  }
0x1: {  	s0 =	rddreg [dreg:$0x0]  }
0x2: {  	s1 =	srdreg.scid;
	s3 =	rddreg [dreg:$0x2]  }
0x3: {  	s9 =	stileid.u32;
	s4 =	simm.s32 $0x0;
	s15 =	simm.s32 $0x16400  }
0x4: {  	s16 =	simm.s32 $0x3;
	s17 =	simm.s32 $0x13C00;
	s18 =	simm.s32 $0x15000  }
0x5: {  	s19 =	simm.s32 $0x80;
	s21 =	simm.s32 $0x1A400;
	s22 =	simm.s32 $0x1  }
0x6: {  	s29 =	simm.s32 $0x15F80;
	s10 =	simm.s32 $0x16080;
	s11 =	simm.s32 $0x14D80  }
0x7: {  	s13 =	simm.s32 $0x16100;
	s14 =	simm.s32 $0x14E00;
	s20 =	simm.s32 $0x14F00  }
0x8: {  	s23 =	simm.s32 $0x16280;
	s28 =	simm.s32 $0x16380;
	s5 =	smul.u32 $0x13C00, s9  }
0x9: {  	s1 =	sand.u32 $0x1, s1;
	[smem:$0x7FF] =	sst s4;
	s7 =	smul.u32 $0x4F000, s9  }
0xa: {  	s6 =	sadd.s32 $0x1A00, s0;
	s2 =	smul.u32 $0x13C000, s1;
	_ =	strace $0x8000004A  }
0xb: {  	s24 =	ssub.s32 $0x2, s1;
	s1 =	sshll.u32 s1, $0x4;
	s7 =	sshrl.u32 s7, $0x2  }
0xc: {  	s8 =	sshrl.u32 s24, $0x1;
	s1 =	sor.u32 s9, s1;
	s9 =	simm.s32 $0x14D00  }
0xd: {  	s2 =	sadd.s32 s5, s2;
	s5 =	sadd.s32 $0xCE00, s0;
	s7 =	sadd.s32 s7, s3  }
0xe: {  	s12 =	smul.u32 $0x50, s1;
	s25 =	sadd.s32 $0x4000, s7;
	[dreg:$0x4] =	wrdreg s7  }
0xf: {  	s1 =	simm.s32 $0x0;
	s26 =	sadd.s32 $0x8000, s7;
	[dreg:$0x5] =	wrdreg s25  }
0x10: {  	s2 =	sshrl.u32 s2, $0x3;
	s30 =	sadd.s32 $0xC000, s7;
	[dreg:$0x6] =	wrdreg s26  }
0x11: {  	s7 =	sadd.s32 $0x10000, s7;
	s0 =	sadd.s32 s2, s0;
	[dreg:$0x7] =	wrdreg s30  }
0x12: {  	s2 =	ssub.s32 s24, s8;
	[dreg:$0x8] =	wrdreg s7;
	s24 =	simm.s32 $0x2  }
0x13: {  	s8 =	simm.s32 $0x16000;
	s7 =	simm.s32 $0x16180;
	s0 =	sadd.s32 $0x34600, s0  }
0x14: {  	s25 =	simm.s32 $0x14F80;
	s31 =	smax.u32 s2, $0x1;
	[dreg:$0x9] =	wrdreg s0  }
0x15: {  	v0 =	vimm.f32 $0.0e+00;
	s26 =	simm.s32 $0x16300;
	s2 =	simm.s32 $0x14E80;
	[dreg:$0xa] =	wrdreg s31  }
.LBB2_1:
0x16: {  	[dreg:$0xb] =	wrdreg s1;
	s30 =	simm.s32 $0x0;
	s31 =	simm.s32 $0x200  }
.LBB2_2:
0x17: {  	p0 =	sne.s32 s31, $0xFE00;
	[tilespmem:s30+$0x16470] =	vst v0  }
0x18: {  	[tilespmem:s30+$0x16400] =	vst v0  }
0x19: {  	[tilespmem:s30+$0x16410] =	vst v0  }
.Ltmp0:
0x1a: {  	[tilespmem:s30+$0x16420] =	vst v0;
	(pc) =	sbr.rel @p0 .LBB2_2-.Ltmp0, $4  }
0x1b: {  	[tilespmem:s30+$0x16430] =	vst v0  }
0x1c: {  	[tilespmem:s30+$0x16440] =	vst v0  }
0x1d: {  	[tilespmem:s30+$0x16450] =	vst v0  }
0x1e: {  	[tilespmem:s30+$0x16460] =	vst v0;
	s30 =	sshra.s32 s31, $0x2;
	s31 =	sadd.s32 $0x200, s31  }
0x1f: {  	[tilespmem:s30+$0x16470] =	vst v0  }
0x20: {  	[tilespmem:s30+$0x16400] =	vst v0  }
0x21: {  	[tilespmem:s30+$0x16410] =	vst v0  }
0x22: {  	[tilespmem:s30+$0x16420] =	vst v0  }
0x23: {  	[tilespmem:s30+$0x16430] =	vst v0  }
0x24: {  	[tilespmem:s30+$0x16440] =	vst v0  }
0x25: {  	[tilespmem:s30+$0x16450] =	vst v0  }
0x26: {  	[tilespmem:s30+$0x16460] =	vst v0;
	s0 =	rddreg [dreg:$0x4]  }
0x27: {  	[spmem:s0] =	stream.linear.scatter [tilespmem:s15], [sflag:$0x3], $0x4000, $0x38;
	[tilespmem:$0x1E400] =	vst v63  }
0x28: {  	_ =	swait.ge [sflag:s16], $0x4000  }
0x29: {  	[sflag:s16] =	ssyncset.done $0x0  }
0x2a: {  	s1 =	rddreg [dreg:$0x5];
	[sflag:s16] =	ssyncadd.s32 $0xFFFFC000  }
0x2b: {  	[spmem:s1] =	stream.linear.scatter [tilespmem:s15], [sflag:$0x3], $0x4000, $0x38;
	[tilespmem:$0x1E400] =	vst v63  }
0x2c: {  	_ =	swait.ge [sflag:s16], $0x4000  }
0x2d: {  	[sflag:s16] =	ssyncset.done $0x0  }
0x2e: {  	s31 =	rddreg [dreg:$0x6];
	[sflag:s16] =	ssyncadd.s32 $0xFFFFC000  }
0x2f: {  	[spmem:s31] =	stream.linear.scatter [tilespmem:s15], [sflag:$0x3], $0x4000, $0x38;
	[tilespmem:$0x1E400] =	vst v63  }
0x30: {  	_ =	swait.ge [sflag:s16], $0x4000  }
0x31: {  	[sflag:s16] =	ssyncset.done $0x0  }
0x32: {  	s1 =	rddreg [dreg:$0x7];
	[sflag:s16] =	ssyncadd.s32 $0xFFFFC000  }
0x33: {  	[spmem:s1] =	stream.linear.scatter [tilespmem:s15], [sflag:$0x3], $0x4000, $0x38;
	[tilespmem:$0x1E400] =	vst v63  }
0x34: {  	_ =	swait.ge [sflag:s16], $0x4000  }
0x35: {  	[sflag:s16] =	ssyncset.done $0x0  }
0x36: {  	s31 =	rddreg [dreg:$0x8];
	[sflag:s16] =	ssyncadd.s32 $0xFFFFC000  }
0x37: {  	[spmem:s31] =	stream.linear.scatter [tilespmem:s15], [sflag:$0x3], $0x3C00, $0x38;
	[tilespmem:$0x1E400] =	vst v63  }
0x38: {  	_ =	swait.ge [sflag:s16], $0x3C00  }
0x39: {  	[sflag:s16] =	ssyncset.done $0x0  }
0x3a: {  	s30 =	simm.s32 $0x0;
	p0 =	por $0x1, $0x1;
	[sflag:s16] =	ssyncadd.s32 $0xFFFFC400  }
0x3b: {  	s0 =	simm.s32 $0x16200;
	s1 =	simm.s32 $0x14C80;
	[bflag:$0x0] =	sbarrier.arrive $0xFFFF  }
.LBB2_4:
0x3c: {  	s30 =	sadd.s32 s12, s30  }
0x3d: {  	s30 =	sshll.u32 s30, $0x4  }
0x3e: {  	s31 =	sadd.s32 s6, s30  }
0x3f: {  	[tilespmem:s17], [sflag:$0x3] =	stream.linear.gather [hbm4b:s31+s4], $0x1400, $0x38;
	[tilespmem:$0x1E400] =	vst v63  }
0x40: {  	_ =	swait.ge [sflag:s16], $0x1400  }
0x41: {  	[sflag:s16] =	ssyncset.done $0x0  }
0x42: {  	[sflag:s16] =	ssyncadd.s32 $0xFFFFEC00  }
0x43: {  	s31 =	rddreg [dreg:$0x1]  }
0x44: {  	s30 =	sadd.s32 s31, s30  }
0x45: {  	[tilespmem:s18], [sflag:$0x3] =	stream.linear.gather [hbm4b:s30+s4], $0x1400, $0x38;
	[tilespmem:$0x1E400] =	vst v63  }
0x46: {  	_ =	swait.ge [sflag:s16], $0x1400  }
0x47: {  	[sflag:s16] =	ssyncset.done $0x0  }
0x48: {  	[sflag:s16] =	ssyncadd.s32 $0xFFFFEC00  }
0x49: {  	[tilespmem:s15], [sflag:$0x1] =	stream.indirect.gather [hbm4b:s5+s19], $0x80, s17, s19, $0xb8;
	[tilespmem:$0x1E400] =	vst v63  }
0x4a: {  	s30 =	simm.s32 $0x13C80  }
0x4b: {  	[tilespmem:s21], [sflag:$0x2] =	stream.indirect.gather [hbm4b:s5+s19], $0x80, s30, s19, $0xb8;
	[tilespmem:$0x1E400] =	vst v63  }
0x4c: {  	_ =	swait.ge [sflag:s22], $0x4000  }
0x4d: {  	[sflag:s22] =	ssyncset.done $0x0  }
0x4e: {  	[sflag:s22] =	ssyncadd.s32 $0xFFFFC000  }
0x4f: {  	[spmem:s3] =	stream.indirect.scatter.add.f32 [tilespmem:s15], [sflag:$0x3], $0x80, s18, s19, $0xb8;
	[tilespmem:$0x1E400] =	vst v63  }
0x50: {  	_ =	swait.ge [sflag:s16], $0x4000  }
0x51: {  	[sflag:s16] =	ssyncset.done $0x0  }
0x52: {  	s30 =	simm.s32 $0x13D00;
	[sflag:s16] =	ssyncadd.s32 $0xFFFFC000  }
0x53: {  	[tilespmem:s15], [sflag:$0x1] =	stream.indirect.gather [hbm4b:s5+s19], $0x80, s30, s19, $0xb8;
	[tilespmem:$0x1E400] =	vst v63  }
0x54: {  	_ =	swait.ge [sflag:s24], $0x4000  }
0x55: {  	[sflag:s24] =	ssyncset.done $0x0  }
0x56: {  	s30 =	simm.s32 $0x15080;
	[sflag:s24] =	ssyncadd.s32 $0xFFFFC000  }
0x57: {  	[spmem:s3] =	stream.indirect.scatter.add.f32 [tilespmem:s21], [sflag:$0x3], $0x80, s30, s19, $0xb8;
	[tilespmem:$0x1E400] =	vst v63  }
0x58: {  	_ =	swait.ge [sflag:s16], $0x4000  }
0x59: {  	[sflag:s16] =	ssyncset.done $0x0  }
0x5a: {  	s30 =	simm.s32 $0x13D80;
	[sflag:s16] =	ssyncadd.s32 $0xFFFFC000  }
0x5b: {  	[tilespmem:s21], [sflag:$0x2] =	stream.indirect.gather [hbm4b:s5+s19], $0x80, s30, s19, $0xb8;
	[tilespmem:$0x1E400] =	vst v63  }
0x5c: {  	_ =	swait.ge [sflag:s22], $0x4000  }
0x5d: {  	[sflag:s22] =	ssyncset.done $0x0  }
0x5e: {  	s30 =	simm.s32 $0x15100;
	[sflag:s22] =	ssyncadd.s32 $0xFFFFC000  }
0x5f: {  	[spmem:s3] =	stream.indirect.scatter.add.f32 [tilespmem:s15], [sflag:$0x3], $0x80, s30, s19, $0xb8;
	[tilespmem:$0x1E400] =	vst v63  }
0x60: {  	_ =	swait.ge [sflag:s16], $0x4000  }
0x61: {  	[sflag:s16] =	ssyncset.done $0x0  }
0x62: {  	s30 =	simm.s32 $0x13E00;
	[sflag:s16] =	ssyncadd.s32 $0xFFFFC000  }
0x63: {  	[tilespmem:s15], [sflag:$0x1] =	stream.indirect.gather [hbm4b:s5+s19], $0x80, s30, s19, $0xb8;
	[tilespmem:$0x1E400] =	vst v63  }
0x64: {  	_ =	swait.ge [sflag:s24], $0x4000  }
0x65: {  	[sflag:s24] =	ssyncset.done $0x0  }
0x66: {  	s30 =	simm.s32 $0x15180;
	[sflag:s24] =	ssyncadd.s32 $0xFFFFC000  }
0x67: {  	[spmem:s3] =	stream.indirect.scatter.add.f32 [tilespmem:s21], [sflag:$0x3], $0x80, s30, s19, $0xb8;
	[tilespmem:$0x1E400] =	vst v63  }
0x68: {  	_ =	swait.ge [sflag:s16], $0x4000  }
0x69: {  	[sflag:s16] =	ssyncset.done $0x0  }
0x6a: {  	s30 =	simm.s32 $0x13E80;
	[sflag:s16] =	ssyncadd.s32 $0xFFFFC000  }
0x6b: {  	[tilespmem:s21], [sflag:$0x2] =	stream.indirect.gather [hbm4b:s5+s19], $0x80, s30, s19, $0xb8;
	[tilespmem:$0x1E400] =	vst v63  }
0x6c: {  	_ =	swait.ge [sflag:s22], $0x4000  }
0x6d: {  	[sflag:s22] =	ssyncset.done $0x0  }
0x6e: {  	s30 =	simm.s32 $0x15200;
	[sflag:s22] =	ssyncadd.s32 $0xFFFFC000  }
0x6f: {  	[spmem:s3] =	stream.indirect.scatter.add.f32 [tilespmem:s15], [sflag:$0x3], $0x80, s30, s19, $0xb8;
	[tilespmem:$0x1E400] =	vst v63  }
0x70: {  	_ =	swait.ge [sflag:s16], $0x4000  }
0x71: {  	[sflag:s16] =	ssyncset.done $0x0  }
0x72: {  	s30 =	simm.s32 $0x13F00;
	[sflag:s16] =	ssyncadd.s32 $0xFFFFC000  }
0x73: {  	[tilespmem:s15], [sflag:$0x1] =	stream.indirect.gather [hbm4b:s5+s19], $0x80, s30, s19, $0xb8;
	[tilespmem:$0x1E400] =	vst v63  }
0x74: {  	_ =	swait.ge [sflag:s24], $0x4000  }
0x75: {  	[sflag:s24] =	ssyncset.done $0x0  }
0x76: {  	s30 =	simm.s32 $0x15280;
	[sflag:s24] =	ssyncadd.s32 $0xFFFFC000  }
0x77: {  	[spmem:s3] =	stream.indirect.scatter.add.f32 [tilespmem:s21], [sflag:$0x3], $0x80, s30, s19, $0xb8;
	[tilespmem:$0x1E400] =	vst v63  }
0x78: {  	_ =	swait.ge [sflag:s16], $0x4000  }
0x79: {  	[sflag:s16] =	ssyncset.done $0x0  }
0x7a: {  	s30 =	simm.s32 $0x13F80;
	[sflag:s16] =	ssyncadd.s32 $0xFFFFC000  }
0x7b: {  	[tilespmem:s21], [sflag:$0x2] =	stream.indirect.gather [hbm4b:s5+s19], $0x80, s30, s19, $0xb8;
	[tilespmem:$0x1E400] =	vst v63  }
0x7c: {  	_ =	swait.ge [sflag:s22], $0x4000  }
0x7d: {  	[sflag:s22] =	ssyncset.done $0x0  }
0x7e: {  	s30 =	simm.s32 $0x15300;
	[sflag:s22] =	ssyncadd.s32 $0xFFFFC000  }
0x7f: {  	[spmem:s3] =	stream.indirect.scatter.add.f32 [tilespmem:s15], [sflag:$0x3], $0x80, s30, s19, $0xb8;
	[tilespmem:$0x1E400] =	vst v63  }
0x80: {  	_ =	swait.ge [sflag:s16], $0x4000  }
0x81: {  	[sflag:s16] =	ssyncset.done $0x0  }
0x82: {  	s30 =	simm.s32 $0x14000;
	[sflag:s16] =	ssyncadd.s32 $0xFFFFC000  }
0x83: {  	[tilespmem:s15], [sflag:$0x1] =	stream.indirect.gather [hbm4b:s5+s19], $0x80, s30, s19, $0xb8;
	[tilespmem:$0x1E400] =	vst v63  }
0x84: {  	_ =	swait.ge [sflag:s24], $0x4000  }
0x85: {  	[sflag:s24] =	ssyncset.done $0x0  }
0x86: {  	s30 =	simm.s32 $0x15380;
	[sflag:s24] =	ssyncadd.s32 $0xFFFFC000  }
0x87: {  	[spmem:s3] =	stream.indirect.scatter.add.f32 [tilespmem:s21], [sflag:$0x3], $0x80, s30, s19, $0xb8;
	[tilespmem:$0x1E400] =	vst v63  }
0x88: {  	_ =	swait.ge [sflag:s16], $0x4000  }
0x89: {  	[sflag:s16] =	ssyncset.done $0x0  }
0x8a: {  	s30 =	simm.s32 $0x14080;
	[sflag:s16] =	ssyncadd.s32 $0xFFFFC000  }
0x8b: {  	[tilespmem:s21], [sflag:$0x2] =	stream.indirect.gather [hbm4b:s5+s19], $0x80, s30, s19, $0xb8;
	[tilespmem:$0x1E400] =	vst v63  }
0x8c: {  	_ =	swait.ge [sflag:s22], $0x4000  }
0x8d: {  	[sflag:s22] =	ssyncset.done $0x0  }
0x8e: {  	s30 =	simm.s32 $0x15400;
	[sflag:s22] =	ssyncadd.s32 $0xFFFFC000  }
0x8f: {  	[spmem:s3] =	stream.indirect.scatter.add.f32 [tilespmem:s15], [sflag:$0x3], $0x80, s30, s19, $0xb8;
	[tilespmem:$0x1E400] =	vst v63  }
0x90: {  	_ =	swait.ge [sflag:s16], $0x4000  }
0x91: {  	[sflag:s16] =	ssyncset.done $0x0  }
0x92: {  	s30 =	simm.s32 $0x14100;
	[sflag:s16] =	ssyncadd.s32 $0xFFFFC000  }
0x93: {  	[tilespmem:s15], [sflag:$0x1] =	stream.indirect.gather [hbm4b:s5+s19], $0x80, s30, s19, $0xb8;
	[tilespmem:$0x1E400] =	vst v63  }
0x94: {  	_ =	swait.ge [sflag:s24], $0x4000  }
0x95: {  	[sflag:s24] =	ssyncset.done $0x0  }
0x96: {  	s30 =	simm.s32 $0x15480;
	[sflag:s24] =	ssyncadd.s32 $0xFFFFC000  }
0x97: {  	[spmem:s3] =	stream.indirect.scatter.add.f32 [tilespmem:s21], [sflag:$0x3], $0x80, s30, s19, $0xb8;
	[tilespmem:$0x1E400] =	vst v63  }
0x98: {  	_ =	swait.ge [sflag:s16], $0x4000  }
0x99: {  	[sflag:s16] =	ssyncset.done $0x0  }
0x9a: {  	s30 =	simm.s32 $0x14180;
	[sflag:s16] =	ssyncadd.s32 $0xFFFFC000  }
0x9b: {  	[tilespmem:s21], [sflag:$0x2] =	stream.indirect.gather [hbm4b:s5+s19], $0x80, s30, s19, $0xb8;
	[tilespmem:$0x1E400] =	vst v63  }
0x9c: {  	_ =	swait.ge [sflag:s22], $0x4000  }
0x9d: {  	[sflag:s22] =	ssyncset.done $0x0  }
0x9e: {  	s30 =	simm.s32 $0x15500;
	[sflag:s22] =	ssyncadd.s32 $0xFFFFC000  }
0x9f: {  	[spmem:s3] =	stream.indirect.scatter.add.f32 [tilespmem:s15], [sflag:$0x3], $0x80, s30, s19, $0xb8;
	[tilespmem:$0x1E400] =	vst v63  }
0xa0: {  	_ =	swait.ge [sflag:s16], $0x4000  }
0xa1: {  	[sflag:s16] =	ssyncset.done $0x0  }
0xa2: {  	s30 =	simm.s32 $0x14200;
	[sflag:s16] =	ssyncadd.s32 $0xFFFFC000  }
0xa3: {  	[tilespmem:s15], [sflag:$0x1] =	stream.indirect.gather [hbm4b:s5+s19], $0x80, s30, s19, $0xb8;
	[tilespmem:$0x1E400] =	vst v63  }
0xa4: {  	_ =	swait.ge [sflag:s24], $0x4000  }
0xa5: {  	[sflag:s24] =	ssyncset.done $0x0  }
0xa6: {  	s30 =	simm.s32 $0x15580;
	[sflag:s24] =	ssyncadd.s32 $0xFFFFC000  }
0xa7: {  	[spmem:s3] =	stream.indirect.scatter.add.f32 [tilespmem:s21], [sflag:$0x3], $0x80, s30, s19, $0xb8;
	[tilespmem:$0x1E400] =	vst v63  }
0xa8: {  	_ =	swait.ge [sflag:s16], $0x4000  }
0xa9: {  	[sflag:s16] =	ssyncset.done $0x0  }
0xaa: {  	s30 =	simm.s32 $0x14280;
	[sflag:s16] =	ssyncadd.s32 $0xFFFFC000  }
0xab: {  	[tilespmem:s21], [sflag:$0x2] =	stream.indirect.gather [hbm4b:s5+s19], $0x80, s30, s19, $0xb8;
	[tilespmem:$0x1E400] =	vst v63  }
0xac: {  	_ =	swait.ge [sflag:s22], $0x4000  }
0xad: {  	[sflag:s22] =	ssyncset.done $0x0  }
0xae: {  	s30 =	simm.s32 $0x15600;
	[sflag:s22] =	ssyncadd.s32 $0xFFFFC000  }
0xaf: {  	[spmem:s3] =	stream.indirect.scatter.add.f32 [tilespmem:s15], [sflag:$0x3], $0x80, s30, s19, $0xb8;
	[tilespmem:$0x1E400] =	vst v63  }
0xb0: {  	_ =	swait.ge [sflag:s16], $0x4000  }
0xb1: {  	[sflag:s16] =	ssyncset.done $0x0  }
0xb2: {  	s30 =	simm.s32 $0x14300;
	[sflag:s16] =	ssyncadd.s32 $0xFFFFC000  }
0xb3: {  	[tilespmem:s15], [sflag:$0x1] =	stream.indirect.gather [hbm4b:s5+s19], $0x80, s30, s19, $0xb8;
	[tilespmem:$0x1E400] =	vst v63  }
0xb4: {  	_ =	swait.ge [sflag:s24], $0x4000  }
0xb5: {  	[sflag:s24] =	ssyncset.done $0x0  }
0xb6: {  	s30 =	simm.s32 $0x15680;
	[sflag:s24] =	ssyncadd.s32 $0xFFFFC000  }
0xb7: {  	[spmem:s3] =	stream.indirect.scatter.add.f32 [tilespmem:s21], [sflag:$0x3], $0x80, s30, s19, $0xb8;
	[tilespmem:$0x1E400] =	vst v63  }
0xb8: {  	_ =	swait.ge [sflag:s16], $0x4000  }
0xb9: {  	[sflag:s16] =	ssyncset.done $0x0  }
0xba: {  	s30 =	simm.s32 $0x14380;
	[sflag:s16] =	ssyncadd.s32 $0xFFFFC000  }
0xbb: {  	[tilespmem:s21], [sflag:$0x2] =	stream.indirect.gather [hbm4b:s5+s19], $0x80, s30, s19, $0xb8;
	[tilespmem:$0x1E400] =	vst v63  }
0xbc: {  	_ =	swait.ge [sflag:s22], $0x4000  }
0xbd: {  	[sflag:s22] =	ssyncset.done $0x0  }
0xbe: {  	s30 =	simm.s32 $0x15700;
	[sflag:s22] =	ssyncadd.s32 $0xFFFFC000  }
0xbf: {  	[spmem:s3] =	stream.indirect.scatter.add.f32 [tilespmem:s15], [sflag:$0x3], $0x80, s30, s19, $0xb8;
	[tilespmem:$0x1E400] =	vst v63  }
0xc0: {  	_ =	swait.ge [sflag:s16], $0x4000  }
0xc1: {  	[sflag:s16] =	ssyncset.done $0x0  }
0xc2: {  	s30 =	simm.s32 $0x14400;
	[sflag:s16] =	ssyncadd.s32 $0xFFFFC000  }
0xc3: {  	[tilespmem:s15], [sflag:$0x1] =	stream.indirect.gather [hbm4b:s5+s19], $0x80, s30, s19, $0xb8;
	[tilespmem:$0x1E400] =	vst v63  }
0xc4: {  	_ =	swait.ge [sflag:s24], $0x4000  }
0xc5: {  	[sflag:s24] =	ssyncset.done $0x0  }
0xc6: {  	s30 =	simm.s32 $0x15780;
	[sflag:s24] =	ssyncadd.s32 $0xFFFFC000  }
0xc7: {  	[spmem:s3] =	stream.indirect.scatter.add.f32 [tilespmem:s21], [sflag:$0x3], $0x80, s30, s19, $0xb8;
	[tilespmem:$0x1E400] =	vst v63  }
0xc8: {  	_ =	swait.ge [sflag:s16], $0x4000  }
0xc9: {  	[sflag:s16] =	ssyncset.done $0x0  }
0xca: {  	s30 =	simm.s32 $0x14480;
	[sflag:s16] =	ssyncadd.s32 $0xFFFFC000  }
0xcb: {  	[tilespmem:s21], [sflag:$0x2] =	stream.indirect.gather [hbm4b:s5+s19], $0x80, s30, s19, $0xb8;
	[tilespmem:$0x1E400] =	vst v63  }
0xcc: {  	_ =	swait.ge [sflag:s22], $0x4000  }
0xcd: {  	[sflag:s22] =	ssyncset.done $0x0  }
0xce: {  	s30 =	simm.s32 $0x15800;
	[sflag:s22] =	ssyncadd.s32 $0xFFFFC000  }
0xcf: {  	[spmem:s3] =	stream.indirect.scatter.add.f32 [tilespmem:s15], [sflag:$0x3], $0x80, s30, s19, $0xb8;
	[tilespmem:$0x1E400] =	vst v63  }
0xd0: {  	_ =	swait.ge [sflag:s16], $0x4000  }
0xd1: {  	[sflag:s16] =	ssyncset.done $0x0  }
0xd2: {  	s30 =	simm.s32 $0x14500;
	[sflag:s16] =	ssyncadd.s32 $0xFFFFC000  }
0xd3: {  	[tilespmem:s15], [sflag:$0x1] =	stream.indirect.gather [hbm4b:s5+s19], $0x80, s30, s19, $0xb8;
	[tilespmem:$0x1E400] =	vst v63  }
0xd4: {  	_ =	swait.ge [sflag:s24], $0x4000  }
0xd5: {  	[sflag:s24] =	ssyncset.done $0x0  }
0xd6: {  	s30 =	simm.s32 $0x15880;
	[sflag:s24] =	ssyncadd.s32 $0xFFFFC000  }
0xd7: {  	[spmem:s3] =	stream.indirect.scatter.add.f32 [tilespmem:s21], [sflag:$0x3], $0x80, s30, s19, $0xb8;
	[tilespmem:$0x1E400] =	vst v63  }
0xd8: {  	_ =	swait.ge [sflag:s16], $0x4000  }
0xd9: {  	[sflag:s16] =	ssyncset.done $0x0  }
0xda: {  	s30 =	simm.s32 $0x14580;
	[sflag:s16] =	ssyncadd.s32 $0xFFFFC000  }
0xdb: {  	[tilespmem:s21], [sflag:$0x2] =	stream.indirect.gather [hbm4b:s5+s19], $0x80, s30, s19, $0xb8;
	[tilespmem:$0x1E400] =	vst v63  }
0xdc: {  	_ =	swait.ge [sflag:s22], $0x4000  }
0xdd: {  	[sflag:s22] =	ssyncset.done $0x0  }
0xde: {  	s30 =	simm.s32 $0x15900;
	[sflag:s22] =	ssyncadd.s32 $0xFFFFC000  }
0xdf: {  	[spmem:s3] =	stream.indirect.scatter.add.f32 [tilespmem:s15], [sflag:$0x3], $0x80, s30, s19, $0xb8;
	[tilespmem:$0x1E400] =	vst v63  }
0xe0: {  	_ =	swait.ge [sflag:s16], $0x4000  }
0xe1: {  	[sflag:s16] =	ssyncset.done $0x0  }
0xe2: {  	s30 =	simm.s32 $0x14600;
	[sflag:s16] =	ssyncadd.s32 $0xFFFFC000  }
0xe3: {  	[tilespmem:s15], [sflag:$0x1] =	stream.indirect.gather [hbm4b:s5+s19], $0x80, s30, s19, $0xb8;
	[tilespmem:$0x1E400] =	vst v63  }
0xe4: {  	_ =	swait.ge [sflag:s24], $0x4000  }
0xe5: {  	[sflag:s24] =	ssyncset.done $0x0  }
0xe6: {  	s30 =	simm.s32 $0x15980;
	[sflag:s24] =	ssyncadd.s32 $0xFFFFC000  }
0xe7: {  	[spmem:s3] =	stream.indirect.scatter.add.f32 [tilespmem:s21], [sflag:$0x3], $0x80, s30, s19, $0xb8;
	[tilespmem:$0x1E400] =	vst v63  }
0xe8: {  	_ =	swait.ge [sflag:s16], $0x4000  }
0xe9: {  	[sflag:s16] =	ssyncset.done $0x0  }
0xea: {  	s30 =	simm.s32 $0x14680;
	[sflag:s16] =	ssyncadd.s32 $0xFFFFC000  }
0xeb: {  	[tilespmem:s21], [sflag:$0x2] =	stream.indirect.gather [hbm4b:s5+s19], $0x80, s30, s19, $0xb8;
	[tilespmem:$0x1E400] =	vst v63  }
0xec: {  	_ =	swait.ge [sflag:s22], $0x4000  }
0xed: {  	[sflag:s22] =	ssyncset.done $0x0  }
0xee: {  	s30 =	simm.s32 $0x15A00;
	[sflag:s22] =	ssyncadd.s32 $0xFFFFC000  }
0xef: {  	[spmem:s3] =	stream.indirect.scatter.add.f32 [tilespmem:s15], [sflag:$0x3], $0x80, s30, s19, $0xb8;
	[tilespmem:$0x1E400] =	vst v63  }
0xf0: {  	_ =	swait.ge [sflag:s16], $0x4000  }
0xf1: {  	[sflag:s16] =	ssyncset.done $0x0  }
0xf2: {  	s30 =	simm.s32 $0x14700;
	[sflag:s16] =	ssyncadd.s32 $0xFFFFC000  }
0xf3: {  	[tilespmem:s15], [sflag:$0x1] =	stream.indirect.gather [hbm4b:s5+s19], $0x80, s30, s19, $0xb8;
	[tilespmem:$0x1E400] =	vst v63  }
0xf4: {  	_ =	swait.ge [sflag:s24], $0x4000  }
0xf5: {  	[sflag:s24] =	ssyncset.done $0x0  }
0xf6: {  	s30 =	simm.s32 $0x15A80;
	[sflag:s24] =	ssyncadd.s32 $0xFFFFC000  }
0xf7: {  	[spmem:s3] =	stream.indirect.scatter.add.f32 [tilespmem:s21], [sflag:$0x3], $0x80, s30, s19, $0xb8;
	[tilespmem:$0x1E400] =	vst v63  }
0xf8: {  	_ =	swait.ge [sflag:s16], $0x4000  }
0xf9: {  	[sflag:s16] =	ssyncset.done $0x0  }
0xfa: {  	s30 =	simm.s32 $0x14780;
	[sflag:s16] =	ssyncadd.s32 $0xFFFFC000  }
0xfb: {  	[tilespmem:s21], [sflag:$0x2] =	stream.indirect.gather [hbm4b:s5+s19], $0x80, s30, s19, $0xb8;
	[tilespmem:$0x1E400] =	vst v63  }
0xfc: {  	_ =	swait.ge [sflag:s22], $0x4000  }
0xfd: {  	[sflag:s22] =	ssyncset.done $0x0  }
0xfe: {  	s30 =	simm.s32 $0x15B00;
	[sflag:s22] =	ssyncadd.s32 $0xFFFFC000  }
0xff: {  	[spmem:s3] =	stream.indirect.scatter.add.f32 [tilespmem:s15], [sflag:$0x3], $0x80, s30, s19, $0xb8;
	[tilespmem:$0x1E400] =	vst v63  }
0x100: {  	_ =	swait.ge [sflag:s16], $0x4000  }
0x101: {  	[sflag:s16] =	ssyncset.done $0x0  }
0x102: {  	s30 =	simm.s32 $0x14800;
	[sflag:s16] =	ssyncadd.s32 $0xFFFFC000  }
0x103: {  	[tilespmem:s15], [sflag:$0x1] =	stream.indirect.gather [hbm4b:s5+s19], $0x80, s30, s19, $0xb8;
	[tilespmem:$0x1E400] =	vst v63  }
0x104: {  	_ =	swait.ge [sflag:s24], $0x4000  }
0x105: {  	[sflag:s24] =	ssyncset.done $0x0  }
0x106: {  	s30 =	simm.s32 $0x15B80;
	[sflag:s24] =	ssyncadd.s32 $0xFFFFC000  }
0x107: {  	[spmem:s3] =	stream.indirect.scatter.add.f32 [tilespmem:s21], [sflag:$0x3], $0x80, s30, s19, $0xb8;
	[tilespmem:$0x1E400] =	vst v63  }
0x108: {  	_ =	swait.ge [sflag:s16], $0x4000  }
0x109: {  	[sflag:s16] =	ssyncset.done $0x0  }
0x10a: {  	s30 =	simm.s32 $0x14880;
	[sflag:s16] =	ssyncadd.s32 $0xFFFFC000  }
0x10b: {  	[tilespmem:s21], [sflag:$0x2] =	stream.indirect.gather [hbm4b:s5+s19], $0x80, s30, s19, $0xb8;
	[tilespmem:$0x1E400] =	vst v63  }
0x10c: {  	_ =	swait.ge [sflag:s22], $0x4000  }
0x10d: {  	[sflag:s22] =	ssyncset.done $0x0  }
0x10e: {  	s30 =	simm.s32 $0x15C00;
	[sflag:s22] =	ssyncadd.s32 $0xFFFFC000  }
0x10f: {  	[spmem:s3] =	stream.indirect.scatter.add.f32 [tilespmem:s15], [sflag:$0x3], $0x80, s30, s19, $0xb8;
	[tilespmem:$0x1E400] =	vst v63  }
0x110: {  	_ =	swait.ge [sflag:s16], $0x4000  }
0x111: {  	[sflag:s16] =	ssyncset.done $0x0  }
0x112: {  	s30 =	simm.s32 $0x14900;
	[sflag:s16] =	ssyncadd.s32 $0xFFFFC000  }
0x113: {  	[tilespmem:s15], [sflag:$0x1] =	stream.indirect.gather [hbm4b:s5+s19], $0x80, s30, s19, $0xb8;
	[tilespmem:$0x1E400] =	vst v63  }
0x114: {  	_ =	swait.ge [sflag:s24], $0x4000  }
0x115: {  	[sflag:s24] =	ssyncset.done $0x0  }
0x116: {  	s30 =	simm.s32 $0x15C80;
	[sflag:s24] =	ssyncadd.s32 $0xFFFFC000  }
0x117: {  	[spmem:s3] =	stream.indirect.scatter.add.f32 [tilespmem:s21], [sflag:$0x3], $0x80, s30, s19, $0xb8;
	[tilespmem:$0x1E400] =	vst v63  }
0x118: {  	_ =	swait.ge [sflag:s16], $0x4000  }
0x119: {  	[sflag:s16] =	ssyncset.done $0x0  }
0x11a: {  	s30 =	simm.s32 $0x14980;
	[sflag:s16] =	ssyncadd.s32 $0xFFFFC000  }
0x11b: {  	[tilespmem:s21], [sflag:$0x2] =	stream.indirect.gather [hbm4b:s5+s19], $0x80, s30, s19, $0xb8;
	[tilespmem:$0x1E400] =	vst v63  }
0x11c: {  	_ =	swait.ge [sflag:s22], $0x4000  }
0x11d: {  	[sflag:s22] =	ssyncset.done $0x0  }
0x11e: {  	s30 =	simm.s32 $0x15D00;
	[sflag:s22] =	ssyncadd.s32 $0xFFFFC000  }
0x11f: {  	[spmem:s3] =	stream.indirect.scatter.add.f32 [tilespmem:s15], [sflag:$0x3], $0x80, s30, s19, $0xb8;
	[tilespmem:$0x1E400] =	vst v63  }
0x120: {  	_ =	swait.ge [sflag:s16], $0x4000  }
0x121: {  	[sflag:s16] =	ssyncset.done $0x0  }
0x122: {  	s30 =	simm.s32 $0x14A00;
	[sflag:s16] =	ssyncadd.s32 $0xFFFFC000  }
0x123: {  	[tilespmem:s15], [sflag:$0x1] =	stream.indirect.gather [hbm4b:s5+s19], $0x80, s30, s19, $0xb8;
	[tilespmem:$0x1E400] =	vst v63  }
0x124: {  	_ =	swait.ge [sflag:s24], $0x4000  }
0x125: {  	[sflag:s24] =	ssyncset.done $0x0  }
0x126: {  	s30 =	simm.s32 $0x15D80;
	[sflag:s24] =	ssyncadd.s32 $0xFFFFC000  }
0x127: {  	[spmem:s3] =	stream.indirect.scatter.add.f32 [tilespmem:s21], [sflag:$0x3], $0x80, s30, s19, $0xb8;
	[tilespmem:$0x1E400] =	vst v63  }
0x128: {  	_ =	swait.ge [sflag:s16], $0x4000  }
0x129: {  	[sflag:s16] =	ssyncset.done $0x0  }
0x12a: {  	s30 =	simm.s32 $0x14A80;
	[sflag:s16] =	ssyncadd.s32 $0xFFFFC000  }
0x12b: {  	[tilespmem:s21], [sflag:$0x2] =	stream.indirect.gather [hbm4b:s5+s19], $0x80, s30, s19, $0xb8;
	[tilespmem:$0x1E400] =	vst v63  }
0x12c: {  	_ =	swait.ge [sflag:s22], $0x4000  }
0x12d: {  	[sflag:s22] =	ssyncset.done $0x0  }
0x12e: {  	s30 =	simm.s32 $0x15E00;
	[sflag:s22] =	ssyncadd.s32 $0xFFFFC000  }
0x12f: {  	[spmem:s3] =	stream.indirect.scatter.add.f32 [tilespmem:s15], [sflag:$0x3], $0x80, s30, s19, $0xb8;
	[tilespmem:$0x1E400] =	vst v63  }
0x130: {  	_ =	swait.ge [sflag:s16], $0x4000  }
0x131: {  	[sflag:s16] =	ssyncset.done $0x0  }
0x132: {  	s30 =	simm.s32 $0x14B00;
	[sflag:s16] =	ssyncadd.s32 $0xFFFFC000  }
0x133: {  	[tilespmem:s15], [sflag:$0x1] =	stream.indirect.gather [hbm4b:s5+s19], $0x80, s30, s19, $0xb8;
	[tilespmem:$0x1E400] =	vst v63  }
0x134: {  	_ =	swait.ge [sflag:s24], $0x4000  }
0x135: {  	[sflag:s24] =	ssyncset.done $0x0  }
0x136: {  	s30 =	simm.s32 $0x15E80;
	[sflag:s24] =	ssyncadd.s32 $0xFFFFC000  }
0x137: {  	[spmem:s3] =	stream.indirect.scatter.add.f32 [tilespmem:s21], [sflag:$0x3], $0x80, s30, s19, $0xb8;
	[tilespmem:$0x1E400] =	vst v63  }
0x138: {  	_ =	swait.ge [sflag:s16], $0x4000  }
0x139: {  	[sflag:s16] =	ssyncset.done $0x0  }
0x13a: {  	s30 =	simm.s32 $0x14B80;
	[sflag:s16] =	ssyncadd.s32 $0xFFFFC000  }
0x13b: {  	[tilespmem:s21], [sflag:$0x2] =	stream.indirect.gather [hbm4b:s5+s19], $0x80, s30, s19, $0xb8;
	[tilespmem:$0x1E400] =	vst v63  }
0x13c: {  	_ =	swait.ge [sflag:s22], $0x4000  }
0x13d: {  	[sflag:s22] =	ssyncset.done $0x0  }
0x13e: {  	s30 =	simm.s32 $0x15F00;
	[sflag:s22] =	ssyncadd.s32 $0xFFFFC000  }
0x13f: {  	[spmem:s3] =	stream.indirect.scatter.add.f32 [tilespmem:s15], [sflag:$0x3], $0x80, s30, s19, $0xb8;
	[tilespmem:$0x1E400] =	vst v63  }
0x140: {  	_ =	swait.ge [sflag:s16], $0x4000  }
0x141: {  	[sflag:s16] =	ssyncset.done $0x0  }
0x142: {  	s30 =	simm.s32 $0x14C00;
	[sflag:s16] =	ssyncadd.s32 $0xFFFFC000  }
0x143: {  	[tilespmem:s15], [sflag:$0x1] =	stream.indirect.gather [hbm4b:s5+s19], $0x80, s30, s19, $0xb8;
	[tilespmem:$0x1E400] =	vst v63  }
0x144: {  	_ =	swait.ge [sflag:s24], $0x4000  }
0x145: {  	[sflag:s24] =	ssyncset.done $0x0  }
0x146: {  	[sflag:s24] =	ssyncadd.s32 $0xFFFFC000  }
0x147: {  	[spmem:s3] =	stream.indirect.scatter.add.f32 [tilespmem:s21], [sflag:$0x3], $0x80, s29, s19, $0xb8;
	[tilespmem:$0x1E400] =	vst v63  }
0x148: {  	_ =	swait.ge [sflag:s16], $0x4000  }
0x149: {  	[sflag:s16] =	ssyncset.done $0x0  }
0x14a: {  	[sflag:s16] =	ssyncadd.s32 $0xFFFFC000  }
0x14b: {  	[tilespmem:s21], [sflag:$0x2] =	stream.indirect.gather [hbm4b:s5+s19], $0x80, s1, s19, $0xb8;
	[tilespmem:$0x1E400] =	vst v63  }
0x14c: {  	_ =	swait.ge [sflag:s22], $0x4000  }
0x14d: {  	[sflag:s22] =	ssyncset.done $0x0  }
0x14e: {  	[sflag:s22] =	ssyncadd.s32 $0xFFFFC000  }
0x14f: {  	[spmem:s3] =	stream.indirect.scatter.add.f32 [tilespmem:s15], [sflag:$0x3], $0x80, s8, s19, $0xb8;
	[tilespmem:$0x1E400] =	vst v63  }
0x150: {  	_ =	swait.ge [sflag:s16], $0x4000  }
0x151: {  	[sflag:s16] =	ssyncset.done $0x0  }
0x152: {  	[sflag:s16] =	ssyncadd.s32 $0xFFFFC000  }
0x153: {  	[tilespmem:s15], [sflag:$0x1] =	stream.indirect.gather [hbm4b:s5+s19], $0x80, s9, s19, $0xb8;
	[tilespmem:$0x1E400] =	vst v63  }
0x154: {  	_ =	swait.ge [sflag:s24], $0x4000  }
0x155: {  	[sflag:s24] =	ssyncset.done $0x0  }
0x156: {  	[sflag:s24] =	ssyncadd.s32 $0xFFFFC000  }
0x157: {  	[spmem:s3] =	stream.indirect.scatter.add.f32 [tilespmem:s21], [sflag:$0x3], $0x80, s10, s19, $0xb8;
	[tilespmem:$0x1E400] =	vst v63  }
0x158: {  	_ =	swait.ge [sflag:s16], $0x4000  }
0x159: {  	[sflag:s16] =	ssyncset.done $0x0  }
0x15a: {  	[sflag:s16] =	ssyncadd.s32 $0xFFFFC000  }
0x15b: {  	[tilespmem:s21], [sflag:$0x2] =	stream.indirect.gather [hbm4b:s5+s19], $0x80, s11, s19, $0xb8;
	[tilespmem:$0x1E400] =	vst v63  }
0x15c: {  	_ =	swait.ge [sflag:s22], $0x4000  }
0x15d: {  	[sflag:s22] =	ssyncset.done $0x0  }
0x15e: {  	[sflag:s22] =	ssyncadd.s32 $0xFFFFC000  }
0x15f: {  	[spmem:s3] =	stream.indirect.scatter.add.f32 [tilespmem:s15], [sflag:$0x3], $0x80, s13, s19, $0xb8;
	[tilespmem:$0x1E400] =	vst v63  }
0x160: {  	_ =	swait.ge [sflag:s16], $0x4000  }
0x161: {  	[sflag:s16] =	ssyncset.done $0x0  }
0x162: {  	[sflag:s16] =	ssyncadd.s32 $0xFFFFC000  }
0x163: {  	[tilespmem:s15], [sflag:$0x1] =	stream.indirect.gather [hbm4b:s5+s19], $0x80, s14, s19, $0xb8;
	[tilespmem:$0x1E400] =	vst v63  }
0x164: {  	_ =	swait.ge [sflag:s24], $0x4000  }
0x165: {  	[sflag:s24] =	ssyncset.done $0x0  }
0x166: {  	[sflag:s24] =	ssyncadd.s32 $0xFFFFC000  }
0x167: {  	[spmem:s3] =	stream.indirect.scatter.add.f32 [tilespmem:s21], [sflag:$0x3], $0x80, s7, s19, $0xb8;
	[tilespmem:$0x1E400] =	vst v63  }
0x168: {  	_ =	swait.ge [sflag:s16], $0x4000  }
0x169: {  	[sflag:s16] =	ssyncset.done $0x0  }
0x16a: {  	[sflag:s16] =	ssyncadd.s32 $0xFFFFC000  }
0x16b: {  	[tilespmem:s21], [sflag:$0x2] =	stream.indirect.gather [hbm4b:s5+s19], $0x80, s2, s19, $0xb8;
	[tilespmem:$0x1E400] =	vst v63  }
0x16c: {  	_ =	swait.ge [sflag:s22], $0x4000  }
0x16d: {  	[sflag:s22] =	ssyncset.done $0x0  }
0x16e: {  	[sflag:s22] =	ssyncadd.s32 $0xFFFFC000  }
0x16f: {  	[spmem:s3] =	stream.indirect.scatter.add.f32 [tilespmem:s15], [sflag:$0x3], $0x80, s0, s19, $0xb8;
	[tilespmem:$0x1E400] =	vst v63  }
0x170: {  	_ =	swait.ge [sflag:s16], $0x4000  }
0x171: {  	[sflag:s16] =	ssyncset.done $0x0  }
0x172: {  	[sflag:s16] =	ssyncadd.s32 $0xFFFFC000  }
0x173: {  	[tilespmem:s15], [sflag:$0x1] =	stream.indirect.gather [hbm4b:s5+s19], $0x80, s20, s19, $0xb8;
	[tilespmem:$0x1E400] =	vst v63  }
0x174: {  	_ =	swait.ge [sflag:s24], $0x4000  }
0x175: {  	[sflag:s24] =	ssyncset.done $0x0  }
0x176: {  	[sflag:s24] =	ssyncadd.s32 $0xFFFFC000  }
0x177: {  	[spmem:s3] =	stream.indirect.scatter.add.f32 [tilespmem:s21], [sflag:$0x3], $0x80, s23, s19, $0xb8;
	[tilespmem:$0x1E400] =	vst v63  }
0x178: {  	_ =	swait.ge [sflag:s16], $0x4000  }
0x179: {  	[sflag:s16] =	ssyncset.done $0x0  }
0x17a: {  	[sflag:s16] =	ssyncadd.s32 $0xFFFFC000  }
0x17b: {  	[tilespmem:s21], [sflag:$0x2] =	stream.indirect.gather [hbm4b:s5+s19], $0x80, s25, s19, $0xb8;
	[tilespmem:$0x1E400] =	vst v63  }
0x17c: {  	_ =	swait.ge [sflag:s22], $0x4000  }
0x17d: {  	[sflag:s22] =	ssyncset.done $0x0  }
0x17e: {  	[sflag:s22] =	ssyncadd.s32 $0xFFFFC000  }
0x17f: {  	[spmem:s3] =	stream.indirect.scatter.add.f32 [tilespmem:s15], [sflag:$0x3], $0x80, s26, s19, $0xb8;
	[tilespmem:$0x1E400] =	vst v63  }
0x180: {  	_ =	swait.ge [sflag:s16], $0x4000  }
0x181: {  	[sflag:s16] =	ssyncset.done $0x0  }
0x182: {  	[sflag:s16] =	ssyncadd.s32 $0xFFFFC000  }
0x183: {  	_ =	swait.ge [sflag:s24], $0x4000  }
0x184: {  	p1 =	por p0, p0;
	[sflag:s24] =	ssyncset.done $0x0  }
.Ltmp1:
0x185: {  	[sflag:s24] =	ssyncadd.s32 $0xFFFFC000;
	(pc) =	sbr.rel @p1 .LBB2_4-.Ltmp1, $4  }
0x186: {  	[spmem:s3] =	stream.indirect.scatter.add.f32 [tilespmem:s21], [sflag:$0x3], $0x80, s28, s19, $0xb8;
	[tilespmem:$0x1E400] =	vst v63  }
0x187: {  	_ =	swait.ge [sflag:s16], $0x4000  }
0x188: {  	[sflag:s16] =	ssyncset.done $0x0  }
0x189: {  	p0 =	por $0x0, $0x0;
	s30 =	simm.s32 $0x28;
	[sflag:s16] =	ssyncadd.s32 $0xFFFFC000  }
0x18a: {  	s30 =	stileid.u32;
	[bflag:$0x0] =	sbarrier.arrive $0xFFFF  }
0x18b: {  	s30 =	sshll.u32 s30, $0x6;
	s0 =	rddreg [dreg:$0x4]  }
0x18c: {  	s1 =	rddreg [dreg:$0x9];
	s30 =	sor.u32 $0x1C03, s30;
	s31 =	sshrl.u32 s0, $0x3  }
0x18d: {  	[hbm:s1], [sflag:s30] =	dma.local [spmem:s31], $0x2780  }
0x18e: {  	_ =	swait.ge [sflag:s16], $0x2780  }
0x18f: {  	s1 =	rddreg [dreg:$0xb]  }
0x190: {  	s31 =	rddreg [dreg:$0xa];
	s1 =	sadd.s32 $0x1, s1  }
0x191: {  	p0 =	sne.s32 s1, s31  }
.Ltmp2:
0x192: {  	_ = 	snop;
	(pc) =	sbr.rel @p0 .LBB2_1-.Ltmp2, $3  }
0x193: {  	_ =	sdelay $0x1  }
0x194: {  	[sflag:s16] =	ssyncset.done $0x0  }
0x195: {  	[sflag:s16] =	ssyncadd.s32 $0xFFFFD880  }
0x196: {  	_ =	sfence.sel $0x180000  }
0x197: {  	[bflag:$0x0] =	sbarrier.arrive $0xFFFF  }
0x198: {  	_ =	strace $0x9000004A  }
0x199: {  	s0 =	stileid.u32;
	[bflag:$0x2] =	sbarrier.arrive $0xFFFF  }
0x19a: {  	p0 =	sne.s32 s0, $0x0;
	s0 =	rddreg [dreg:$0x3]  }
0x19b: {  	s0 =	sadd.s32 @!p0 $0x100000, s0  }
0x19c: {  	[sflag:s0] =	ssyncadd.tile.s32 @!p0 $0x1;
	_ =	shalt  }
.Lfunc_end2:
_tile_overlayer_lowered:
.L_overlay_start_2:
0x19d: {  	(tag) =	ssettag $0x2  }
0x19e: {  	s0 =	rddreg [dreg:$0x0];
	s2 =	stileid.u32  }
0x19f: {  	s1 =	rddreg [dreg:$0x1];
	p0 =	sne.s32 s2, $0x0  }
0x1a0: {  	s3 =	rddreg [dreg:$0x2];
	[bflag:$0x3] =	sbarrier.arrive $0xFFFF;
	s2 =	simm.s32 @!p0 $0x1C03  }
0x1a1: {  	[timem:s3], [sflag:s2] =	dma.local @!p0 [hbm:s0], s1  }
0x1a2: {  	s0 =	simm.s32 @!p0 $0x3  }
0x1a3: {  	_ =	swait.ge @!p0 [sflag:s0], s1  }
0x1a4: {  	s1 =	ssub.s32 @!p0 $0x0, s1;
	[sflag:s0] =	ssyncset.done @!p0 $0x0  }
0x1a5: {  	[sflag:s0] =	ssyncadd.s32 @!p0 s1  }
0x1a6: {  	[bflag:$0x3] =	sbarrier.arrive $0xFFFF  }
0x1a7: {  	_ =	shalt  }

</sc_bundles>
